<compile_context>
chip_gen: v7x
topology: tpu7x:2x2x1
jax: 0.10.2.dev20260603
libtpu: 0.0.44.dev20260713+nightly
codegen_flags: <defaults>
</compile_context>

<pallas_src>
import jax
import jax.numpy as jnp
from jax import lax
from jax.experimental import pallas as pl
from jax.experimental.pallas import tpu as pltpu
from jax.experimental.pallas import tpu_sc as plsc

N = 10000
D = 128
E = 320000
NC = 2
NS = 16
NW = NC * NS
ACC_N = 10240
MROWS = E // 128
NBLK = 5
SLICE = ACC_N // NS


def _mesh():
    return plsc.VectorSubcoreMesh(core_axis_name="c", subcore_axis_name="s")


def _bounds(wid):
    lo = wid * 80
    hi = MROWS
    return lo, hi


def _deg_body(ei_hbm, out_hbm, colbuf, ones_v, zeros_v, dsem, isem, deg_sh):
    c = lax.axis_index("c")
    s = lax.axis_index("s")
    wid = s * NC + c
    lo, hi = _bounds(wid)

    def fill_zero(i, _):
        zeros_v[pl.ds(i * 16, 16)] = jnp.zeros((16,), jnp.float32)
        return 0
    lax.fori_loop(0, SLICE // 16, fill_zero, 0)

    def fill_one(i, _):
        ones_v[pl.ds(i * 16, 16)] = jnp.ones((16,), jnp.float32)
        return 0
    lax.fori_loop(0, 8, fill_one, 0)

    pltpu.sync_copy(zeros_v, deg_sh.at[pl.ds(s * SLICE, SLICE)])
    plsc.subcore_barrier()

    def chunk(t, _):
        v0 = lo + t * 16
        conds = [v0 + j < hi for j in range(16)]
        offs = [jnp.minimum(v0 + j, MROWS - 1) * 128 for j in range(16)]
        lds = [pltpu.make_async_copy(
                   ei_hbm.at[1, pl.ds(offs[j], 128)],
                   colbuf.at[j], isem)
               for j in range(16)]
        sds = [pltpu.make_async_copy(ones_v, deg_sh.at[colbuf.at[j]], dsem)
               for j in range(16)]
        for j in range(16):
            pl.when(conds[j])(lambda j=j: lds[j].start())
        for j in range(16):
            pl.when(conds[j])(lambda j=j: lds[j].wait())
        for j in range(16):
            pl.when(conds[j])(lambda j=j: sds[j].start(add=True))
        for j in range(16):
            pl.when(conds[j])(lambda j=j: sds[j].wait())
        return 0
    lax.fori_loop(0, NBLK, chunk, 0)

    plsc.subcore_barrier()
    pltpu.sync_copy(deg_sh.at[pl.ds(s * SLICE, SLICE)],
                    out_hbm.at[c, pl.ds(s * SLICE, SLICE)])


def _deg(ei):
    fn = pl.kernel(
        _deg_body,
        out_type=jax.ShapeDtypeStruct((NC, ACC_N), jnp.float32),
        mesh=_mesh(),
        scratch_types=[
            pltpu.VMEM((16, 128), jnp.int32),
            pltpu.VMEM((128,), jnp.float32),
            pltpu.VMEM((SLICE,), jnp.float32),
            pltpu.SemaphoreType.DMA,
            pltpu.SemaphoreType.DMA,
            pltpu.VMEM_SHARED((ACC_N,), jnp.float32),
        ],
    )
    return fn(ei)


def _matmul_body(x_ref, w_ref, xw_ref):
    xw_ref[...] = jnp.dot(x_ref[...], w_ref[...],
                          preferred_element_type=jnp.float32)


def _matmul(x, W):
    blk = 1280
    return pl.pallas_call(
        _matmul_body,
        grid=(ACC_N // blk,),
        in_specs=[
            pl.BlockSpec((blk, D), lambda i: (i, 0)),
            pl.BlockSpec((D, D), lambda i: (0, 0)),
        ],
        out_specs=pl.BlockSpec((blk, D), lambda i: (i, 0)),
        out_shape=jax.ShapeDtypeStruct((ACC_N, D), jnp.float32),
    )(x, W)


def _scale_body(xw_ref, degp_ref, y_ref, dinv_ref):
    deg = degp_ref[0] + degp_ref[1] + 1.0
    dinv = lax.rsqrt(deg)
    y_ref[...] = xw_ref[...] * dinv[:, None]
    dinv_ref[...] = dinv[:, None]


def _scale2(xw, degp):
    blk = 2560
    return pl.pallas_call(
        _scale_body,
        grid=(ACC_N // blk,),
        in_specs=[
            pl.BlockSpec((blk, D), lambda i: (i, 0)),
            pl.BlockSpec((NC, blk), lambda i: (0, i)),
        ],
        out_specs=[
            pl.BlockSpec((blk, D), lambda i: (i, 0)),
            pl.BlockSpec((blk, 1), lambda i: (i, 0)),
        ],
        out_shape=[
            jax.ShapeDtypeStruct((ACC_N, D), jnp.float32),
            jax.ShapeDtypeStruct((ACC_N, 1), jnp.float32),
        ],
    )(xw, degp)


NBUF = 2
LOOK = 1


def _scatter_body(y_hbm, ei_hbm, out_hbm,
                  ribuf, isem, buf0, buf1,
                  gs0, gs1, ss0, ss1, acc_sh):
    c = lax.axis_index("c")
    s = lax.axis_index("s")
    wid = s * NC + c
    lo, hi = _bounds(wid)
    bufs = (buf0, buf1)
    gsems = (gs0, gs1)
    ssems = (ss0, ss1)

    def fill_zero(t, _):
        buf0[t // 8, pl.ds((t % 8) * 16, 16)] = jnp.zeros((16,), jnp.float32)
        return 0
    lax.fori_loop(0, 128 * 8, fill_zero, 0)
    for r in range(SLICE // 128):
        pltpu.sync_copy(buf0, acc_sh.at[pl.ds(s * SLICE + r * 128, 128)])
    plsc.subcore_barrier()

    def block(t, _):
        v0 = lo + t * 16
        conds = [v0 + j < hi for j in range(16)]
        offs = [jnp.minimum(v0 + j, MROWS - 1) * 128 for j in range(16)]
        lds = [pltpu.make_async_copy(
                   ei_hbm.at[:, pl.ds(offs[j], 128)],
                   ribuf.at[pl.ds(2 * j, 2)], isem)
               for j in range(16)]
        gd = [pltpu.make_async_copy(y_hbm.at[ribuf.at[2 * j]],
                                    bufs[j % NBUF], gsems[j % NBUF])
              for j in range(16)]
        sd = [pltpu.make_async_copy(bufs[j % NBUF],
                                    acc_sh.at[ribuf.at[2 * j + 1]],
                                    ssems[j % NBUF])
              for j in range(16)]
        for j in range(16):
            pl.when(conds[j])(lambda j=j: lds[j].start())
        for j in range(16):
            pl.when(conds[j])(lambda j=j: lds[j].wait())
        for j in range(LOOK):
            pl.when(conds[j])(lambda j=j: gd[j].start())
        for j in range(16):
            def _issue(j=j):
                gd[j].wait()
                sd[j].start(add=True)
            pl.when(conds[j])(_issue)
            jn = j + LOOK
            if jn < 16:
                if jn >= NBUF:
                    pl.when(conds[jn - NBUF])(
                        lambda jn=jn: sd[jn - NBUF].wait())
                pl.when(conds[jn])(lambda jn=jn: gd[jn].start())
        for j in range(16 - NBUF, 16):
            pl.when(conds[j])(lambda j=j: sd[j].wait())
        return 0
    lax.fori_loop(0, NBLK, block, 0)

    plsc.subcore_barrier()
    pltpu.sync_copy(acc_sh.at[pl.ds(s * SLICE, SLICE)],
                    out_hbm.at[c, pl.ds(s * SLICE, SLICE)])


def _scatter(y, ei):
    fn = pl.kernel(
        _scatter_body,
        out_type=jax.ShapeDtypeStruct((NC, ACC_N, D), jnp.float32),
        mesh=_mesh(),
        scratch_types=[
            pltpu.VMEM((32, 128), jnp.int32),
            pltpu.SemaphoreType.DMA,
            pltpu.VMEM((128, D), jnp.float32),
            pltpu.VMEM((128, D), jnp.float32),
            pltpu.SemaphoreType.DMA,
            pltpu.SemaphoreType.DMA,
            pltpu.SemaphoreType.DMA,
            pltpu.SemaphoreType.DMA,
            pltpu.VMEM_SHARED((ACC_N, D), jnp.float32),
        ],
    )
    return fn(y, ei)


def _base_body(x_ref, y_ref, dinv_ref, b_ref, o_ref):
    o_ref[...] = x_ref[...] + dinv_ref[...] * y_ref[...] + b_ref[...]


def _base(x, y, dinv, b):
    return pl.pallas_call(
        _base_body,
        grid=(1,),
        in_specs=[
            pl.BlockSpec((N, D), lambda i: (0, 0)),
            pl.BlockSpec((N, D), lambda i: (0, 0)),
            pl.BlockSpec((N, 1), lambda i: (0, 0)),
            pl.BlockSpec((1, D), lambda i: (0, 0)),
        ],
        out_specs=pl.BlockSpec((N, D), lambda i: (0, 0)),
        out_shape=jax.ShapeDtypeStruct((N, D), jnp.float32),
    )(x, y, dinv, b.reshape(1, D))


def _final_body(base_ref, a0_ref, a1_ref, dinv_ref, g_ref, be_ref, o_ref):
    h = base_ref[...] + dinv_ref[...] * (a0_ref[0] + a1_ref[0])
    mean = jnp.mean(h, axis=0, keepdims=True)
    var = jnp.mean((h - mean) ** 2, axis=0, keepdims=True)
    o_ref[...] = (h - mean) * lax.rsqrt(var + 1e-5) * g_ref[...] + be_ref[...]


def _final2(base, acc, dinv, gamma, beta):
    return pl.pallas_call(
        _final_body,
        grid=(1,),
        in_specs=[
            pl.BlockSpec((N, D), lambda i: (0, 0)),
            pl.BlockSpec((1, N, D), lambda i: (0, 0, 0)),
            pl.BlockSpec((1, N, D), lambda i: (1, 0, 0)),
            pl.BlockSpec((N, 1), lambda i: (0, 0)),
            pl.BlockSpec((1, D), lambda i: (0, 0)),
            pl.BlockSpec((1, D), lambda i: (0, 0)),
        ],
        out_specs=pl.BlockSpec((N, D), lambda i: (0, 0)),
        out_shape=jax.ShapeDtypeStruct((N, D), jnp.float32),
    )(base, acc, acc, dinv, gamma.reshape(1, D), beta.reshape(1, D))


def kernel(x, edge_index, edge_attr, W, b, gamma, beta):
    del edge_attr
    ei = edge_index.astype(jnp.int32)

    xw = _matmul(x, W)
    degp = _deg(ei)
    y, dinv = _scale2(xw, degp)
    acc = _scatter(y, ei)
    base = _base(x, y, dinv, b)
    return _final2(base, acc, dinv, gamma, beta)

# --- scband reference (transcript-rebuilt; emitter-appended) ---
"""Pipeline reference for scband-local-model-18786186952965 (READ-ONLY COPY).

The authoritative reference and input builder live on the scoring server;
editing this copy changes nothing except your own understanding.
"""

import jax, jax.numpy as jnp
import numpy as np

N_NODES = 10000
N_EDGES = 320000
DIM_H = 128
D_EDGE = 16


def setup_inputs(seed: int = 0) -> dict:
    key = jax.random.key(seed)
    k1, k2, k3, k4 = jax.random.split(key, 4)
    x = jax.random.normal(k1, (N_NODES, DIM_H), dtype=jnp.float32)
    edge_index = jax.random.randint(k2, (2, N_EDGES), 0, N_NODES, dtype=jnp.int64)
    edge_attr = jax.random.normal(k3, (N_EDGES, D_EDGE), dtype=jnp.float32)
    # GCNConv parameters (Linear(dim_h, dim_h, bias=False) + separate bias)
    W = jax.random.normal(k4, (DIM_H, DIM_H), dtype=jnp.float32) * (1.0 / np.sqrt(DIM_H))
    b = jnp.zeros((DIM_H,), dtype=jnp.float32)
    # BatchNorm1d affine params (default init)
    gamma = jnp.ones((DIM_H,), dtype=jnp.float32)
    beta = jnp.zeros((DIM_H,), dtype=jnp.float32)
    return {"x": x, "edge_index": edge_index, "edge_attr": edge_attr,
            "W": W, "b": b, "gamma": gamma, "beta": beta}


def _gcn_conv(x, edge_index, W, b):
    # PyG GCNConv: x' = D^{-1/2} (A + I) D^{-1/2} (x W) + b
    N = x.shape[0]
    row = edge_index[0]
    col = edge_index[1]
    loop = jnp.arange(N, dtype=edge_index.dtype)
    row = jnp.concatenate([row, loop])
    col = jnp.concatenate([col, loop])
    ew = jnp.ones(row.shape[0], dtype=x.dtype)
    deg = jnp.zeros((N,), dtype=x.dtype).at[col].add(ew)
    dinv = jnp.where(deg > 0, jax.lax.rsqrt(jnp.maximum(deg, 1e-12)), 0.0)
    norm = dinv[row] * ew * dinv[col]
    xw = x @ W
    msg = xw[row] * norm[:, None]
    out = jnp.zeros((N, xw.shape[1]), dtype=x.dtype).at[col].add(msg)
    return out + b


def _batch_norm_train(h, gamma, beta, eps=1e-5):
    mean = jnp.mean(h, axis=0)
    var = jnp.mean((h - mean) ** 2, axis=0)  # biased, as used for normalization in training
    return (h - mean) * jax.lax.rsqrt(var + eps) * gamma + beta


def reference(x, edge_index, edge_attr, W, b, gamma, beta):
    # LocalModel with local_gnn_type='GCN':
    # h_local = GCNConv(h, edge_index); dropout(p=0); residual add; BatchNorm1d
    h_in1 = x
    h_local = _gcn_conv(x, edge_index, W, b)
    # dropout p=0.0 -> identity
    h_local = h_in1 + h_local
    h_local = _batch_norm_train(h_local, gamma, beta)
    return h_local

if __name__ == "__main__":
    import jax
    _d = setup_inputs()
    print(jax.jit(kernel)(*tuple(_d.values())))

</pallas_src>

<mosaic_0001>
#map = affine_map<(d0, d1) -> (0, 0)>
#map1 = affine_map<(d0, d1) -> (0, 0, 0)>
module attributes {stable_mosaic.version = 14 : i64} {
  func.func @_scatter_body(%arg0: i32, %arg1: i32, %arg2: memref<10240x128xf32, #tpu.memory_space<hbm>>, %arg3: memref<2x320000xi32, #tpu.memory_space<hbm>>, %arg4: memref<2x10240x128xf32, #tpu.memory_space<hbm>>, %arg5: memref<32x128xi32, #tpu.memory_space<vmem>>, %arg6: memref<!tpu.dma_semaphore, #tpu.memory_space<semaphore_mem>>, %arg7: memref<128x128xf32, #tpu.memory_space<vmem>>, %arg8: memref<128x128xf32, #tpu.memory_space<vmem>>, %arg9: memref<!tpu.dma_semaphore, #tpu.memory_space<semaphore_mem>>, %arg10: memref<!tpu.dma_semaphore, #tpu.memory_space<semaphore_mem>>, %arg11: memref<!tpu.dma_semaphore, #tpu.memory_space<semaphore_mem>>, %arg12: memref<!tpu.dma_semaphore, #tpu.memory_space<semaphore_mem>>, %arg13: memref<10240x128xf32, #tpu.memory_space<vmem_shared>>) attributes {dimension_semantics = [#tpu.dimension_semantics<core_parallel>, #tpu.dimension_semantics<subcore_parallel>], iteration_bounds = array<i64: 2, 16>, scalar_prefetch = 0 : i64, scratch_operands = 9 : i64, tpu.core_type = #tpu.core_type<sc_vector_subcore>, window_params = [{transform_indices = #map}, {transform_indices = #map}, {transform_indices = #map1}]} {
    %mul3A = arith.constant 2 : i32
    %mul3A_0 = arith.muli %arg1, %mul3A : i32
    %add3A = arith.addi %mul3A_0, %arg0 : i32
    %mul3A_1 = arith.constant 80 : i32
    %mul3A_2 = arith.muli %add3A, %mul3A_1 : i32
    %scan3A = arith.constant 0 : i32
    %scan3A_3 = arith.constant 0 : i32
    %scan3A_4 = arith.constant 1024 : i32
    %scan3A_5 = arith.addi %scan3A_3, %scan3A_4 : i32
    %scan3A_6 = arith.constant 1 : i32
    %scan3A_7 = scf.for %scan3A_41 = %scan3A_3 to %scan3A_5 step %scan3A_6 iter_args(%scan3A_42 = %scan3A) -> (i32)  : i32 {
      %broadcast_in_dim3A = arith.constant 0.000000e+00 : f32
      %broadcast_in_dim3A_43 = vector.broadcast %broadcast_in_dim3A : f32 to vector<16xf32>
      %jit3A = arith.constant 8 : i32
      %div3A = arith.divsi %scan3A_41, %jit3A : i32
      %sign3A = arith.constant 0 : i32
      %sign3A_44 = arith.cmpi sgt, %scan3A_41, %sign3A : i32
      %sign3A_45 = arith.extui %sign3A_44 : i1 to i32
      %sign3A_46 = arith.constant 0 : i32
      %sign3A_47 = arith.cmpi slt, %scan3A_41, %sign3A_46 : i32
      %sign3A_48 = arith.extui %sign3A_47 : i1 to i32
      %sign3A_49 = arith.subi %sign3A_45, %sign3A_48 : i32
      %sign3A_50 = arith.constant 0 : i32
      %sign3A_51 = arith.cmpi sgt, %jit3A, %sign3A_50 : i32
      %sign3A_52 = arith.extui %sign3A_51 : i1 to i32
      %sign3A_53 = arith.constant 0 : i32
      %sign3A_54 = arith.cmpi slt, %jit3A, %sign3A_53 : i32
      %sign3A_55 = arith.extui %sign3A_54 : i1 to i32
      %sign3A_56 = arith.subi %sign3A_52, %sign3A_55 : i32
      %ne3A = arith.cmpi ne, %sign3A_49, %sign3A_56 : i32
      %rem3A = arith.remsi %scan3A_41, %jit3A : i32
      %ne3A_57 = arith.constant 0 : i32
      %ne3A_58 = arith.cmpi ne, %rem3A, %ne3A_57 : i32
      %and3A = arith.andi %ne3A, %ne3A_58 : i1
      %sub3A = arith.constant 1 : i32
      %sub3A_59 = arith.subi %div3A, %sub3A : i32
      %select_n3A = arith.select %and3A, %sub3A_59, %div3A : i32
      %jit3A_60 = arith.constant 8 : i32
      %eq3A = arith.constant 0 : i32
      %eq3A_61 = arith.cmpi eq, %jit3A_60, %eq3A : i32
      %jit3A_62 = arith.constant 1 : i32
      %select_n3A_63 = arith.select %eq3A_61, %jit3A_62, %jit3A_60 : i32
      %rem3A_64 = arith.remsi %scan3A_41, %select_n3A_63 : i32
      %ne3A_65 = arith.constant 0 : i32
      %ne3A_66 = arith.cmpi ne, %rem3A_64, %ne3A_65 : i32
      %lt3A = arith.constant 0 : i32
      %lt3A_67 = arith.cmpi slt, %rem3A_64, %lt3A : i32
      %lt3A_68 = arith.constant 0 : i32
      %lt3A_69 = arith.cmpi slt, %select_n3A_63, %lt3A_68 : i32
      %ne3A_70 = arith.xori %lt3A_67, %lt3A_69 : i1
      %and3A_71 = arith.andi %ne3A_70, %ne3A_66 : i1
      %add3A_72 = arith.addi %rem3A_64, %select_n3A_63 : i32
      %select_n3A_73 = arith.select %and3A_71, %add3A_72, %rem3A_64 : i32
      %mul3A_74 = arith.constant 16 : i32
      %mul3A_75 = arith.muli %select_n3A_73, %mul3A_74 : i32
      %swap3A = arith.index_cast %select_n3A : i32 to index
      %swap3A_76 = arith.index_cast %mul3A_75 : i32 to index
      %swap3A_77 = tpu.vector_load %arg7[%swap3A, %swap3A_76] {strides = array<i32>} : memref<128x128xf32, #tpu.memory_space<vmem>>, vector<1x16xf32>,
      %swap3A_78 = vector.shape_cast %swap3A_77 : vector<1x16xf32> to vector<16xf32>
      %swap3A_79 = vector.shape_cast %broadcast_in_dim3A_43 : vector<16xf32> to vector<1x16xf32>
      tpu.vector_store %arg7[%swap3A, %swap3A_76], %swap3A_79 {strides = array<i32>} : memref<128x128xf32, #tpu.memory_space<vmem>>, vector<1x16xf32>,
      %scan3A_80 = arith.constant 0 : i32
      scf.yield %scan3A_80 : i32
    }
    %scan3A_8 = arith.constant 1024 : i32
    %mul3A_9 = arith.constant 640 : i32
    %mul3A_10 = arith.muli %arg1, %mul3A_9 : i32
    %add3A_11 = arith.constant 0 : i32
    %add3A_12 = arith.addi %mul3A_10, %add3A_11 : i32
    "tpu.region"() ({
      %run_scoped3A = tpu.sem_alloc : memref<!tpu.dma_semaphore, #tpu.memory_space<semaphore_mem>>
      %dma_start3A = arith.constant 0 : i32
      %dma_start3A_41 = tpu.memref_slice %arg13[%add3A_12, %dma_start3A] : memref<10240x128xf32, #tpu.memory_space<vmem_shared>> -> memref<128x128xf32, #tpu.memory_space<vmem_shared>>
      %dma_start3A_42 = arith.constant 0 : i32
      %dma_start3A_43 = tpu.memref_slice %arg13[%add3A_12, %dma_start3A_42] : memref<10240x128xf32, #tpu.memory_space<vmem_shared>> -> memref<128x128xf32, #tpu.memory_space<vmem_shared>>
      tpu.enqueue_dma source(%arg7 : memref<128x128xf32, #tpu.memory_space<vmem>>) target(%dma_start3A_43 : memref<128x128xf32, #tpu.memory_space<vmem_shared>>) target_semaphore(%run_scoped3A : memref<!tpu.dma_semaphore, #tpu.memory_space<semaphore_mem>>)
      %dma_wait3A = arith.constant 0 : i32
      %dma_wait3A_44 = tpu.memref_slice %arg13[%add3A_12, %dma_wait3A] : memref<10240x128xf32, #tpu.memory_space<vmem_shared>> -> memref<128x128xf32, #tpu.memory_space<vmem_shared>>
      %dma_wait3A_45 = arith.constant 0 : i32
      %dma_wait3A_46 = tpu.memref_slice %arg13[%add3A_12, %dma_wait3A_45] : memref<10240x128xf32, #tpu.memory_space<vmem_shared>> -> memref<128x128xf32, #tpu.memory_space<vmem_shared>>
      tpu.wait_dma2 semaphore(%run_scoped3A : memref<!tpu.dma_semaphore, #tpu.memory_space<semaphore_mem>>) src(%arg7 : memref<128x128xf32, #tpu.memory_space<vmem>>) dst(%dma_wait3A_46 : memref<128x128xf32, #tpu.memory_space<vmem_shared>>)
      tpu.yield
    }) : () -> ()
    %mul3A_13 = arith.constant 640 : i32
    %mul3A_14 = arith.muli %arg1, %mul3A_13 : i32
    %add3A_15 = arith.constant 128 : i32
    %add3A_16 = arith.addi %mul3A_14, %add3A_15 : i32
    "tpu.region"() ({
      %run_scoped3A = tpu.sem_alloc : memref<!tpu.dma_semaphore, #tpu.memory_space<semaphore_mem>>
      %dma_start3A = arith.constant 0 : i32
      %dma_start3A_41 = tpu.memref_slice %arg13[%add3A_16, %dma_start3A] : memref<10240x128xf32, #tpu.memory_space<vmem_shared>> -> memref<128x128xf32, #tpu.memory_space<vmem_shared>>
      %dma_start3A_42 = arith.constant 0 : i32
      %dma_start3A_43 = tpu.memref_slice %arg13[%add3A_16, %dma_start3A_42] : memref<10240x128xf32, #tpu.memory_space<vmem_shared>> -> memref<128x128xf32, #tpu.memory_space<vmem_shared>>
      tpu.enqueue_dma source(%arg7 : memref<128x128xf32, #tpu.memory_space<vmem>>) target(%dma_start3A_43 : memref<128x128xf32, #tpu.memory_space<vmem_shared>>) target_semaphore(%run_scoped3A : memref<!tpu.dma_semaphore, #tpu.memory_space<semaphore_mem>>)
      %dma_wait3A = arith.constant 0 : i32
      %dma_wait3A_44 = tpu.memref_slice %arg13[%add3A_16, %dma_wait3A] : memref<10240x128xf32, #tpu.memory_space<vmem_shared>> -> memref<128x128xf32, #tpu.memory_space<vmem_shared>>
      %dma_wait3A_45 = arith.constant 0 : i32
      %dma_wait3A_46 = tpu.memref_slice %arg13[%add3A_16, %dma_wait3A_45] : memref<10240x128xf32, #tpu.memory_space<vmem_shared>> -> memref<128x128xf32, #tpu.memory_space<vmem_shared>>
      tpu.wait_dma2 semaphore(%run_scoped3A : memref<!tpu.dma_semaphore, #tpu.memory_space<semaphore_mem>>) src(%arg7 : memref<128x128xf32, #tpu.memory_space<vmem>>) dst(%dma_wait3A_46 : memref<128x128xf32, #tpu.memory_space<vmem_shared>>)
      tpu.yield
    }) : () -> ()
    %mul3A_17 = arith.constant 640 : i32
    %mul3A_18 = arith.muli %arg1, %mul3A_17 : i32
    %add3A_19 = arith.constant 256 : i32
    %add3A_20 = arith.addi %mul3A_18, %add3A_19 : i32
    "tpu.region"() ({
      %run_scoped3A = tpu.sem_alloc : memref<!tpu.dma_semaphore, #tpu.memory_space<semaphore_mem>>
      %dma_start3A = arith.constant 0 : i32
      %dma_start3A_41 = tpu.memref_slice %arg13[%add3A_20, %dma_start3A] : memref<10240x128xf32, #tpu.memory_space<vmem_shared>> -> memref<128x128xf32, #tpu.memory_space<vmem_shared>>
      %dma_start3A_42 = arith.constant 0 : i32
      %dma_start3A_43 = tpu.memref_slice %arg13[%add3A_20, %dma_start3A_42] : memref<10240x128xf32, #tpu.memory_space<vmem_shared>> -> memref<128x128xf32, #tpu.memory_space<vmem_shared>>
      tpu.enqueue_dma source(%arg7 : memref<128x128xf32, #tpu.memory_space<vmem>>) target(%dma_start3A_43 : memref<128x128xf32, #tpu.memory_space<vmem_shared>>) target_semaphore(%run_scoped3A : memref<!tpu.dma_semaphore, #tpu.memory_space<semaphore_mem>>)
      %dma_wait3A = arith.constant 0 : i32
      %dma_wait3A_44 = tpu.memref_slice %arg13[%add3A_20, %dma_wait3A] : memref<10240x128xf32, #tpu.memory_space<vmem_shared>> -> memref<128x128xf32, #tpu.memory_space<vmem_shared>>
      %dma_wait3A_45 = arith.constant 0 : i32
      %dma_wait3A_46 = tpu.memref_slice %arg13[%add3A_20, %dma_wait3A_45] : memref<10240x128xf32, #tpu.memory_space<vmem_shared>> -> memref<128x128xf32, #tpu.memory_space<vmem_shared>>
      tpu.wait_dma2 semaphore(%run_scoped3A : memref<!tpu.dma_semaphore, #tpu.memory_space<semaphore_mem>>) src(%arg7 : memref<128x128xf32, #tpu.memory_space<vmem>>) dst(%dma_wait3A_46 : memref<128x128xf32, #tpu.memory_space<vmem_shared>>)
      tpu.yield
    }) : () -> ()
    %mul3A_21 = arith.constant 640 : i32
    %mul3A_22 = arith.muli %arg1, %mul3A_21 : i32
    %add3A_23 = arith.constant 384 : i32
    %add3A_24 = arith.addi %mul3A_22, %add3A_23 : i32
    "tpu.region"() ({
      %run_scoped3A = tpu.sem_alloc : memref<!tpu.dma_semaphore, #tpu.memory_space<semaphore_mem>>
      %dma_start3A = arith.constant 0 : i32
      %dma_start3A_41 = tpu.memref_slice %arg13[%add3A_24, %dma_start3A] : memref<10240x128xf32, #tpu.memory_space<vmem_shared>> -> memref<128x128xf32, #tpu.memory_space<vmem_shared>>
      %dma_start3A_42 = arith.constant 0 : i32
      %dma_start3A_43 = tpu.memref_slice %arg13[%add3A_24, %dma_start3A_42] : memref<10240x128xf32, #tpu.memory_space<vmem_shared>> -> memref<128x128xf32, #tpu.memory_space<vmem_shared>>
      tpu.enqueue_dma source(%arg7 : memref<128x128xf32, #tpu.memory_space<vmem>>) target(%dma_start3A_43 : memref<128x128xf32, #tpu.memory_space<vmem_shared>>) target_semaphore(%run_scoped3A : memref<!tpu.dma_semaphore, #tpu.memory_space<semaphore_mem>>)
      %dma_wait3A = arith.constant 0 : i32
      %dma_wait3A_44 = tpu.memref_slice %arg13[%add3A_24, %dma_wait3A] : memref<10240x128xf32, #tpu.memory_space<vmem_shared>> -> memref<128x128xf32, #tpu.memory_space<vmem_shared>>
      %dma_wait3A_45 = arith.constant 0 : i32
      %dma_wait3A_46 = tpu.memref_slice %arg13[%add3A_24, %dma_wait3A_45] : memref<10240x128xf32, #tpu.memory_space<vmem_shared>> -> memref<128x128xf32, #tpu.memory_space<vmem_shared>>
      tpu.wait_dma2 semaphore(%run_scoped3A : memref<!tpu.dma_semaphore, #tpu.memory_space<semaphore_mem>>) src(%arg7 : memref<128x128xf32, #tpu.memory_space<vmem>>) dst(%dma_wait3A_46 : memref<128x128xf32, #tpu.memory_space<vmem_shared>>)
      tpu.yield
    }) : () -> ()
    %mul3A_25 = arith.constant 640 : i32
    %mul3A_26 = arith.muli %arg1, %mul3A_25 : i32
    %add3A_27 = arith.constant 512 : i32
    %add3A_28 = arith.addi %mul3A_26, %add3A_27 : i32
    "tpu.region"() ({
      %run_scoped3A = tpu.sem_alloc : memref<!tpu.dma_semaphore, #tpu.memory_space<semaphore_mem>>
      %dma_start3A = arith.constant 0 : i32
      %dma_start3A_41 = tpu.memref_slice %arg13[%add3A_28, %dma_start3A] : memref<10240x128xf32, #tpu.memory_space<vmem_shared>> -> memref<128x128xf32, #tpu.memory_space<vmem_shared>>
      %dma_start3A_42 = arith.constant 0 : i32
      %dma_start3A_43 = tpu.memref_slice %arg13[%add3A_28, %dma_start3A_42] : memref<10240x128xf32, #tpu.memory_space<vmem_shared>> -> memref<128x128xf32, #tpu.memory_space<vmem_shared>>
      tpu.enqueue_dma source(%arg7 : memref<128x128xf32, #tpu.memory_space<vmem>>) target(%dma_start3A_43 : memref<128x128xf32, #tpu.memory_space<vmem_shared>>) target_semaphore(%run_scoped3A : memref<!tpu.dma_semaphore, #tpu.memory_space<semaphore_mem>>)
      %dma_wait3A = arith.constant 0 : i32
      %dma_wait3A_44 = tpu.memref_slice %arg13[%add3A_28, %dma_wait3A] : memref<10240x128xf32, #tpu.memory_space<vmem_shared>> -> memref<128x128xf32, #tpu.memory_space<vmem_shared>>
      %dma_wait3A_45 = arith.constant 0 : i32
      %dma_wait3A_46 = tpu.memref_slice %arg13[%add3A_28, %dma_wait3A_45] : memref<10240x128xf32, #tpu.memory_space<vmem_shared>> -> memref<128x128xf32, #tpu.memory_space<vmem_shared>>
      tpu.wait_dma2 semaphore(%run_scoped3A : memref<!tpu.dma_semaphore, #tpu.memory_space<semaphore_mem>>) src(%arg7 : memref<128x128xf32, #tpu.memory_space<vmem>>) dst(%dma_wait3A_46 : memref<128x128xf32, #tpu.memory_space<vmem_shared>>)
      tpu.yield
    }) : () -> ()
    %barrier3A = arith.constant 0 : index
    tpu.barrier barrier_id(%barrier3A)
    %scan3A_29 = arith.constant 0 : i32
    %scan3A_30 = arith.constant 0 : i32
    %scan3A_31 = arith.constant 5 : i32
    %scan3A_32 = arith.addi %scan3A_30, %scan3A_31 : i32
    %scan3A_33 = arith.constant 1 : i32
    %scan3A_34 = scf.for %scan3A_41 = %scan3A_30 to %scan3A_32 step %scan3A_33 iter_args(%scan3A_42 = %scan3A_29) -> (i32)  : i32 {
      %mul3A_43 = arith.constant 16 : i32
      %mul3A_44 = arith.muli %scan3A_41, %mul3A_43 : i32
      %add3A_45 = arith.addi %mul3A_2, %mul3A_44 : i32
      %add3A_46 = arith.constant 0 : i32
      %add3A_47 = arith.addi %add3A_45, %add3A_46 : i32
      %lt3A = arith.constant 2500 : i32
      %lt3A_48 = arith.cmpi slt, %add3A_47, %lt3A : i32
      %add3A_49 = arith.constant 1 : i32
      %add3A_50 = arith.addi %add3A_45, %add3A_49 : i32
      %lt3A_51 = arith.constant 2500 : i32
      %lt3A_52 = arith.cmpi slt, %add3A_50, %lt3A_51 : i32
      %add3A_53 = arith.constant 2 : i32
      %add3A_54 = arith.addi %add3A_45, %add3A_53 : i32
      %lt3A_55 = arith.constant 2500 : i32
      %lt3A_56 = arith.cmpi slt, %add3A_54, %lt3A_55 : i32
      %add3A_57 = arith.constant 3 : i32
      %add3A_58 = arith.addi %add3A_45, %add3A_57 : i32
      %lt3A_59 = arith.constant 2500 : i32
      %lt3A_60 = arith.cmpi slt, %add3A_58, %lt3A_59 : i32
      %add3A_61 = arith.constant 4 : i32
      %add3A_62 = arith.addi %add3A_45, %add3A_61 : i32
      %lt3A_63 = arith.constant 2500 : i32
      %lt3A_64 = arith.cmpi slt, %add3A_62, %lt3A_63 : i32
      %add3A_65 = arith.constant 5 : i32
      %add3A_66 = arith.addi %add3A_45, %add3A_65 : i32
      %lt3A_67 = arith.constant 2500 : i32
      %lt3A_68 = arith.cmpi slt, %add3A_66, %lt3A_67 : i32
      %add3A_69 = arith.constant 6 : i32
      %add3A_70 = arith.addi %add3A_45, %add3A_69 : i32
      %lt3A_71 = arith.constant 2500 : i32
      %lt3A_72 = arith.cmpi slt, %add3A_70, %lt3A_71 : i32
      %add3A_73 = arith.constant 7 : i32
      %add3A_74 = arith.addi %add3A_45, %add3A_73 : i32
      %lt3A_75 = arith.constant 2500 : i32
      %lt3A_76 = arith.cmpi slt, %add3A_74, %lt3A_75 : i32
      %add3A_77 = arith.constant 8 : i32
      %add3A_78 = arith.addi %add3A_45, %add3A_77 : i32
      %lt3A_79 = arith.constant 2500 : i32
      %lt3A_80 = arith.cmpi slt, %add3A_78, %lt3A_79 : i32
      %add3A_81 = arith.constant 9 : i32
      %add3A_82 = arith.addi %add3A_45, %add3A_81 : i32
      %lt3A_83 = arith.constant 2500 : i32
      %lt3A_84 = arith.cmpi slt, %add3A_82, %lt3A_83 : i32
      %add3A_85 = arith.constant 10 : i32
      %add3A_86 = arith.addi %add3A_45, %add3A_85 : i32
      %lt3A_87 = arith.constant 2500 : i32
      %lt3A_88 = arith.cmpi slt, %add3A_86, %lt3A_87 : i32
      %add3A_89 = arith.constant 11 : i32
      %add3A_90 = arith.addi %add3A_45, %add3A_89 : i32
      %lt3A_91 = arith.constant 2500 : i32
      %lt3A_92 = arith.cmpi slt, %add3A_90, %lt3A_91 : i32
      %add3A_93 = arith.constant 12 : i32
      %add3A_94 = arith.addi %add3A_45, %add3A_93 : i32
      %lt3A_95 = arith.constant 2500 : i32
      %lt3A_96 = arith.cmpi slt, %add3A_94, %lt3A_95 : i32
      %add3A_97 = arith.constant 13 : i32
      %add3A_98 = arith.addi %add3A_45, %add3A_97 : i32
      %lt3A_99 = arith.constant 2500 : i32
      %lt3A_100 = arith.cmpi slt, %add3A_98, %lt3A_99 : i32
      %add3A_101 = arith.constant 14 : i32
      %add3A_102 = arith.addi %add3A_45, %add3A_101 : i32
      %lt3A_103 = arith.constant 2500 : i32
      %lt3A_104 = arith.cmpi slt, %add3A_102, %lt3A_103 : i32
      %add3A_105 = arith.constant 15 : i32
      %add3A_106 = arith.addi %add3A_45, %add3A_105 : i32
      %lt3A_107 = arith.constant 2500 : i32
      %lt3A_108 = arith.cmpi slt, %add3A_106, %lt3A_107 : i32
      %add3A_109 = arith.constant 0 : i32
      %add3A_110 = arith.addi %add3A_45, %add3A_109 : i32
      %min3A = arith.constant 2499 : i32
      %min3A_111 = arith.minsi %add3A_110, %min3A : i32
      %mul3A_112 = arith.constant 128 : i32
      %mul3A_113 = arith.muli %min3A_111, %mul3A_112 : i32
      %add3A_114 = arith.constant 1 : i32
      %add3A_115 = arith.addi %add3A_45, %add3A_114 : i32
      %min3A_116 = arith.constant 2499 : i32
      %min3A_117 = arith.minsi %add3A_115, %min3A_116 : i32
      %mul3A_118 = arith.constant 128 : i32
      %mul3A_119 = arith.muli %min3A_117, %mul3A_118 : i32
      %add3A_120 = arith.constant 2 : i32
      %add3A_121 = arith.addi %add3A_45, %add3A_120 : i32
      %min3A_122 = arith.constant 2499 : i32
      %min3A_123 = arith.minsi %add3A_121, %min3A_122 : i32
      %mul3A_124 = arith.constant 128 : i32
      %mul3A_125 = arith.muli %min3A_123, %mul3A_124 : i32
      %add3A_126 = arith.constant 3 : i32
      %add3A_127 = arith.addi %add3A_45, %add3A_126 : i32
      %min3A_128 = arith.constant 2499 : i32
      %min3A_129 = arith.minsi %add3A_127, %min3A_128 : i32
      %mul3A_130 = arith.constant 128 : i32
      %mul3A_131 = arith.muli %min3A_129, %mul3A_130 : i32
      %add3A_132 = arith.constant 4 : i32
      %add3A_133 = arith.addi %add3A_45, %add3A_132 : i32
      %min3A_134 = arith.constant 2499 : i32
      %min3A_135 = arith.minsi %add3A_133, %min3A_134 : i32
      %mul3A_136 = arith.constant 128 : i32
      %mul3A_137 = arith.muli %min3A_135, %mul3A_136 : i32
      %add3A_138 = arith.constant 5 : i32
      %add3A_139 = arith.addi %add3A_45, %add3A_138 : i32
      %min3A_140 = arith.constant 2499 : i32
      %min3A_141 = arith.minsi %add3A_139, %min3A_140 : i32
      %mul3A_142 = arith.constant 128 : i32
      %mul3A_143 = arith.muli %min3A_141, %mul3A_142 : i32
      %add3A_144 = arith.constant 6 : i32
      %add3A_145 = arith.addi %add3A_45, %add3A_144 : i32
      %min3A_146 = arith.constant 2499 : i32
      %min3A_147 = arith.minsi %add3A_145, %min3A_146 : i32
      %mul3A_148 = arith.constant 128 : i32
      %mul3A_149 = arith.muli %min3A_147, %mul3A_148 : i32
      %add3A_150 = arith.constant 7 : i32
      %add3A_151 = arith.addi %add3A_45, %add3A_150 : i32
      %min3A_152 = arith.constant 2499 : i32
      %min3A_153 = arith.minsi %add3A_151, %min3A_152 : i32
      %mul3A_154 = arith.constant 128 : i32
      %mul3A_155 = arith.muli %min3A_153, %mul3A_154 : i32
      %add3A_156 = arith.constant 8 : i32
      %add3A_157 = arith.addi %add3A_45, %add3A_156 : i32
      %min3A_158 = arith.constant 2499 : i32
      %min3A_159 = arith.minsi %add3A_157, %min3A_158 : i32
      %mul3A_160 = arith.constant 128 : i32
      %mul3A_161 = arith.muli %min3A_159, %mul3A_160 : i32
      %add3A_162 = arith.constant 9 : i32
      %add3A_163 = arith.addi %add3A_45, %add3A_162 : i32
      %min3A_164 = arith.constant 2499 : i32
      %min3A_165 = arith.minsi %add3A_163, %min3A_164 : i32
      %mul3A_166 = arith.constant 128 : i32
      %mul3A_167 = arith.muli %min3A_165, %mul3A_166 : i32
      %add3A_168 = arith.constant 10 : i32
      %add3A_169 = arith.addi %add3A_45, %add3A_168 : i32
      %min3A_170 = arith.constant 2499 : i32
      %min3A_171 = arith.minsi %add3A_169, %min3A_170 : i32
      %mul3A_172 = arith.constant 128 : i32
      %mul3A_173 = arith.muli %min3A_171, %mul3A_172 : i32
      %add3A_174 = arith.constant 11 : i32
      %add3A_175 = arith.addi %add3A_45, %add3A_174 : i32
      %min3A_176 = arith.constant 2499 : i32
      %min3A_177 = arith.minsi %add3A_175, %min3A_176 : i32
      %mul3A_178 = arith.constant 128 : i32
      %mul3A_179 = arith.muli %min3A_177, %mul3A_178 : i32
      %add3A_180 = arith.constant 12 : i32
      %add3A_181 = arith.addi %add3A_45, %add3A_180 : i32
      %min3A_182 = arith.constant 2499 : i32
      %min3A_183 = arith.minsi %add3A_181, %min3A_182 : i32
      %mul3A_184 = arith.constant 128 : i32
      %mul3A_185 = arith.muli %min3A_183, %mul3A_184 : i32
      %add3A_186 = arith.constant 13 : i32
      %add3A_187 = arith.addi %add3A_45, %add3A_186 : i32
      %min3A_188 = arith.constant 2499 : i32
      %min3A_189 = arith.minsi %add3A_187, %min3A_188 : i32
      %mul3A_190 = arith.constant 128 : i32
      %mul3A_191 = arith.muli %min3A_189, %mul3A_190 : i32
      %add3A_192 = arith.constant 14 : i32
      %add3A_193 = arith.addi %add3A_45, %add3A_192 : i32
      %min3A_194 = arith.constant 2499 : i32
      %min3A_195 = arith.minsi %add3A_193, %min3A_194 : i32
      %mul3A_196 = arith.constant 128 : i32
      %mul3A_197 = arith.muli %min3A_195, %mul3A_196 : i32
      %add3A_198 = arith.constant 15 : i32
      %add3A_199 = arith.addi %add3A_45, %add3A_198 : i32
      %min3A_200 = arith.constant 2499 : i32
      %min3A_201 = arith.minsi %add3A_199, %min3A_200 : i32
      %mul3A_202 = arith.constant 128 : i32
      %mul3A_203 = arith.muli %min3A_201, %mul3A_202 : i32
      %convert_element_type3A = arith.extui %lt3A_48 : i1 to i32
      %cond3A = arith.constant 0 : i32
      %cond3A_204 = arith.cmpi ne, %convert_element_type3A, %cond3A : i32
      scf.if %cond3A_204 {
        %dma_start3A = arith.constant 0 : i32
        %dma_start3A_507 = arith.constant 0 : i32
        %dma_start3A_508 = tpu.memref_slice %arg5[%dma_start3A, %dma_start3A_507] : memref<32x128xi32, #tpu.memory_space<vmem>> -> memref<2x128xi32, #tpu.memory_space<vmem>>
        %dma_start3A_509 = arith.constant 0 : i32
        %dma_start3A_510 = tpu.memref_slice %arg3[%dma_start3A_509, %mul3A_113] : memref<2x320000xi32, #tpu.memory_space<hbm>> -> memref<2x128xi32, #tpu.memory_space<hbm>>
        %dma_start3A_511 = arith.constant 0 : i32
        %dma_start3A_512 = arith.constant 0 : i32
        %dma_start3A_513 = tpu.memref_slice %arg5[%dma_start3A_511, %dma_start3A_512] : memref<32x128xi32, #tpu.memory_space<vmem>> -> memref<2x128xi32, #tpu.memory_space<vmem>>
        %dma_start3A_514 = arith.constant 0 : i32
        %dma_start3A_515 = tpu.memref_slice %arg3[%dma_start3A_514, %mul3A_113] : memref<2x320000xi32, #tpu.memory_space<hbm>> -> memref<2x128xi32, #tpu.memory_space<hbm>>
        tpu.enqueue_dma source(%dma_start3A_515 : memref<2x128xi32, #tpu.memory_space<hbm>>) target(%dma_start3A_513 : memref<2x128xi32, #tpu.memory_space<vmem>>) target_semaphore(%arg6 : memref<!tpu.dma_semaphore, #tpu.memory_space<semaphore_mem>>)
      } else {
      }
      %convert_element_type3A_205 = arith.extui %lt3A_52 : i1 to i32
      %cond3A_206 = arith.constant 0 : i32
      %cond3A_207 = arith.cmpi ne, %convert_element_type3A_205, %cond3A_206 : i32
      scf.if %cond3A_207 {
        %dma_start3A = arith.constant 2 : i32
        %dma_start3A_507 = arith.constant 0 : i32
        %dma_start3A_508 = tpu.memref_slice %arg5[%dma_start3A, %dma_start3A_507] : memref<32x128xi32, #tpu.memory_space<vmem>> -> memref<2x128xi32, #tpu.memory_space<vmem>>
        %dma_start3A_509 = arith.constant 0 : i32
        %dma_start3A_510 = tpu.memref_slice %arg3[%dma_start3A_509, %mul3A_119] : memref<2x320000xi32, #tpu.memory_space<hbm>> -> memref<2x128xi32, #tpu.memory_space<hbm>>
        %dma_start3A_511 = arith.constant 2 : i32
        %dma_start3A_512 = arith.constant 0 : i32
        %dma_start3A_513 = tpu.memref_slice %arg5[%dma_start3A_511, %dma_start3A_512] : memref<32x128xi32, #tpu.memory_space<vmem>> -> memref<2x128xi32, #tpu.memory_space<vmem>>
        %dma_start3A_514 = arith.constant 0 : i32
        %dma_start3A_515 = tpu.memref_slice %arg3[%dma_start3A_514, %mul3A_119] : memref<2x320000xi32, #tpu.memory_space<hbm>> -> memref<2x128xi32, #tpu.memory_space<hbm>>
        tpu.enqueue_dma source(%dma_start3A_515 : memref<2x128xi32, #tpu.memory_space<hbm>>) target(%dma_start3A_513 : memref<2x128xi32, #tpu.memory_space<vmem>>) target_semaphore(%arg6 : memref<!tpu.dma_semaphore, #tpu.memory_space<semaphore_mem>>)
      } else {
      }
      %convert_element_type3A_208 = arith.extui %lt3A_56 : i1 to i32
      %cond3A_209 = arith.constant 0 : i32
      %cond3A_210 = arith.cmpi ne, %convert_element_type3A_208, %cond3A_209 : i32
      scf.if %cond3A_210 {
        %dma_start3A = arith.constant 4 : i32
        %dma_start3A_507 = arith.constant 0 : i32
        %dma_start3A_508 = tpu.memref_slice %arg5[%dma_start3A, %dma_start3A_507] : memref<32x128xi32, #tpu.memory_space<vmem>> -> memref<2x128xi32, #tpu.memory_space<vmem>>
        %dma_start3A_509 = arith.constant 0 : i32
        %dma_start3A_510 = tpu.memref_slice %arg3[%dma_start3A_509, %mul3A_125] : memref<2x320000xi32, #tpu.memory_space<hbm>> -> memref<2x128xi32, #tpu.memory_space<hbm>>
        %dma_start3A_511 = arith.constant 4 : i32
        %dma_start3A_512 = arith.constant 0 : i32
        %dma_start3A_513 = tpu.memref_slice %arg5[%dma_start3A_511, %dma_start3A_512] : memref<32x128xi32, #tpu.memory_space<vmem>> -> memref<2x128xi32, #tpu.memory_space<vmem>>
        %dma_start3A_514 = arith.constant 0 : i32
        %dma_start3A_515 = tpu.memref_slice %arg3[%dma_start3A_514, %mul3A_125] : memref<2x320000xi32, #tpu.memory_space<hbm>> -> memref<2x128xi32, #tpu.memory_space<hbm>>
        tpu.enqueue_dma source(%dma_start3A_515 : memref<2x128xi32, #tpu.memory_space<hbm>>) target(%dma_start3A_513 : memref<2x128xi32, #tpu.memory_space<vmem>>) target_semaphore(%arg6 : memref<!tpu.dma_semaphore, #tpu.memory_space<semaphore_mem>>)
      } else {
      }
      %convert_element_type3A_211 = arith.extui %lt3A_60 : i1 to i32
      %cond3A_212 = arith.constant 0 : i32
      %cond3A_213 = arith.cmpi ne, %convert_element_type3A_211, %cond3A_212 : i32
      scf.if %cond3A_213 {
        %dma_start3A = arith.constant 6 : i32
        %dma_start3A_507 = arith.constant 0 : i32
        %dma_start3A_508 = tpu.memref_slice %arg5[%dma_start3A, %dma_start3A_507] : memref<32x128xi32, #tpu.memory_space<vmem>> -> memref<2x128xi32, #tpu.memory_space<vmem>>
        %dma_start3A_509 = arith.constant 0 : i32
        %dma_start3A_510 = tpu.memref_slice %arg3[%dma_start3A_509, %mul3A_131] : memref<2x320000xi32, #tpu.memory_space<hbm>> -> memref<2x128xi32, #tpu.memory_space<hbm>>
        %dma_start3A_511 = arith.constant 6 : i32
        %dma_start3A_512 = arith.constant 0 : i32
        %dma_start3A_513 = tpu.memref_slice %arg5[%dma_start3A_511, %dma_start3A_512] : memref<32x128xi32, #tpu.memory_space<vmem>> -> memref<2x128xi32, #tpu.memory_space<vmem>>
        %dma_start3A_514 = arith.constant 0 : i32
        %dma_start3A_515 = tpu.memref_slice %arg3[%dma_start3A_514, %mul3A_131] : memref<2x320000xi32, #tpu.memory_space<hbm>> -> memref<2x128xi32, #tpu.memory_space<hbm>>
        tpu.enqueue_dma source(%dma_start3A_515 : memref<2x128xi32, #tpu.memory_space<hbm>>) target(%dma_start3A_513 : memref<2x128xi32, #tpu.memory_space<vmem>>) target_semaphore(%arg6 : memref<!tpu.dma_semaphore, #tpu.memory_space<semaphore_mem>>)
      } else {
      }
      %convert_element_type3A_214 = arith.extui %lt3A_64 : i1 to i32
      %cond3A_215 = arith.constant 0 : i32
      %cond3A_216 = arith.cmpi ne, %convert_element_type3A_214, %cond3A_215 : i32
      scf.if %cond3A_216 {
        %dma_start3A = arith.constant 8 : i32
        %dma_start3A_507 = arith.constant 0 : i32
        %dma_start3A_508 = tpu.memref_slice %arg5[%dma_start3A, %dma_start3A_507] : memref<32x128xi32, #tpu.memory_space<vmem>> -> memref<2x128xi32, #tpu.memory_space<vmem>>
        %dma_start3A_509 = arith.constant 0 : i32
        %dma_start3A_510 = tpu.memref_slice %arg3[%dma_start3A_509, %mul3A_137] : memref<2x320000xi32, #tpu.memory_space<hbm>> -> memref<2x128xi32, #tpu.memory_space<hbm>>
        %dma_start3A_511 = arith.constant 8 : i32
        %dma_start3A_512 = arith.constant 0 : i32
        %dma_start3A_513 = tpu.memref_slice %arg5[%dma_start3A_511, %dma_start3A_512] : memref<32x128xi32, #tpu.memory_space<vmem>> -> memref<2x128xi32, #tpu.memory_space<vmem>>
        %dma_start3A_514 = arith.constant 0 : i32
        %dma_start3A_515 = tpu.memref_slice %arg3[%dma_start3A_514, %mul3A_137] : memref<2x320000xi32, #tpu.memory_space<hbm>> -> memref<2x128xi32, #tpu.memory_space<hbm>>
        tpu.enqueue_dma source(%dma_start3A_515 : memref<2x128xi32, #tpu.memory_space<hbm>>) target(%dma_start3A_513 : memref<2x128xi32, #tpu.memory_space<vmem>>) target_semaphore(%arg6 : memref<!tpu.dma_semaphore, #tpu.memory_space<semaphore_mem>>)
      } else {
      }
      %convert_element_type3A_217 = arith.extui %lt3A_68 : i1 to i32
      %cond3A_218 = arith.constant 0 : i32
      %cond3A_219 = arith.cmpi ne, %convert_element_type3A_217, %cond3A_218 : i32
      scf.if %cond3A_219 {
        %dma_start3A = arith.constant 10 : i32
        %dma_start3A_507 = arith.constant 0 : i32
        %dma_start3A_508 = tpu.memref_slice %arg5[%dma_start3A, %dma_start3A_507] : memref<32x128xi32, #tpu.memory_space<vmem>> -> memref<2x128xi32, #tpu.memory_space<vmem>>
        %dma_start3A_509 = arith.constant 0 : i32
        %dma_start3A_510 = tpu.memref_slice %arg3[%dma_start3A_509, %mul3A_143] : memref<2x320000xi32, #tpu.memory_space<hbm>> -> memref<2x128xi32, #tpu.memory_space<hbm>>
        %dma_start3A_511 = arith.constant 10 : i32
        %dma_start3A_512 = arith.constant 0 : i32
        %dma_start3A_513 = tpu.memref_slice %arg5[%dma_start3A_511, %dma_start3A_512] : memref<32x128xi32, #tpu.memory_space<vmem>> -> memref<2x128xi32, #tpu.memory_space<vmem>>
        %dma_start3A_514 = arith.constant 0 : i32
        %dma_start3A_515 = tpu.memref_slice %arg3[%dma_start3A_514, %mul3A_143] : memref<2x320000xi32, #tpu.memory_space<hbm>> -> memref<2x128xi32, #tpu.memory_space<hbm>>
        tpu.enqueue_dma source(%dma_start3A_515 : memref<2x128xi32, #tpu.memory_space<hbm>>) target(%dma_start3A_513 : memref<2x128xi32, #tpu.memory_space<vmem>>) target_semaphore(%arg6 : memref<!tpu.dma_semaphore, #tpu.memory_space<semaphore_mem>>)
      } else {
      }
      %convert_element_type3A_220 = arith.extui %lt3A_72 : i1 to i32
      %cond3A_221 = arith.constant 0 : i32
      %cond3A_222 = arith.cmpi ne, %convert_element_type3A_220, %cond3A_221 : i32
      scf.if %cond3A_222 {
        %dma_start3A = arith.constant 12 : i32
        %dma_start3A_507 = arith.constant 0 : i32
        %dma_start3A_508 = tpu.memref_slice %arg5[%dma_start3A, %dma_start3A_507] : memref<32x128xi32, #tpu.memory_space<vmem>> -> memref<2x128xi32, #tpu.memory_space<vmem>>
        %dma_start3A_509 = arith.constant 0 : i32
        %dma_start3A_510 = tpu.memref_slice %arg3[%dma_start3A_509, %mul3A_149] : memref<2x320000xi32, #tpu.memory_space<hbm>> -> memref<2x128xi32, #tpu.memory_space<hbm>>
        %dma_start3A_511 = arith.constant 12 : i32
        %dma_start3A_512 = arith.constant 0 : i32
        %dma_start3A_513 = tpu.memref_slice %arg5[%dma_start3A_511, %dma_start3A_512] : memref<32x128xi32, #tpu.memory_space<vmem>> -> memref<2x128xi32, #tpu.memory_space<vmem>>
        %dma_start3A_514 = arith.constant 0 : i32
        %dma_start3A_515 = tpu.memref_slice %arg3[%dma_start3A_514, %mul3A_149] : memref<2x320000xi32, #tpu.memory_space<hbm>> -> memref<2x128xi32, #tpu.memory_space<hbm>>
        tpu.enqueue_dma source(%dma_start3A_515 : memref<2x128xi32, #tpu.memory_space<hbm>>) target(%dma_start3A_513 : memref<2x128xi32, #tpu.memory_space<vmem>>) target_semaphore(%arg6 : memref<!tpu.dma_semaphore, #tpu.memory_space<semaphore_mem>>)
      } else {
      }
      %convert_element_type3A_223 = arith.extui %lt3A_76 : i1 to i32
      %cond3A_224 = arith.constant 0 : i32
      %cond3A_225 = arith.cmpi ne, %convert_element_type3A_223, %cond3A_224 : i32
      scf.if %cond3A_225 {
        %dma_start3A = arith.constant 14 : i32
        %dma_start3A_507 = arith.constant 0 : i32
        %dma_start3A_508 = tpu.memref_slice %arg5[%dma_start3A, %dma_start3A_507] : memref<32x128xi32, #tpu.memory_space<vmem>> -> memref<2x128xi32, #tpu.memory_space<vmem>>
        %dma_start3A_509 = arith.constant 0 : i32
        %dma_start3A_510 = tpu.memref_slice %arg3[%dma_start3A_509, %mul3A_155] : memref<2x320000xi32, #tpu.memory_space<hbm>> -> memref<2x128xi32, #tpu.memory_space<hbm>>
        %dma_start3A_511 = arith.constant 14 : i32
        %dma_start3A_512 = arith.constant 0 : i32
        %dma_start3A_513 = tpu.memref_slice %arg5[%dma_start3A_511, %dma_start3A_512] : memref<32x128xi32, #tpu.memory_space<vmem>> -> memref<2x128xi32, #tpu.memory_space<vmem>>
        %dma_start3A_514 = arith.constant 0 : i32
        %dma_start3A_515 = tpu.memref_slice %arg3[%dma_start3A_514, %mul3A_155] : memref<2x320000xi32, #tpu.memory_space<hbm>> -> memref<2x128xi32, #tpu.memory_space<hbm>>
        tpu.enqueue_dma source(%dma_start3A_515 : memref<2x128xi32, #tpu.memory_space<hbm>>) target(%dma_start3A_513 : memref<2x128xi32, #tpu.memory_space<vmem>>) target_semaphore(%arg6 : memref<!tpu.dma_semaphore, #tpu.memory_space<semaphore_mem>>)
      } else {
      }
      %convert_element_type3A_226 = arith.extui %lt3A_80 : i1 to i32
      %cond3A_227 = arith.constant 0 : i32
      %cond3A_228 = arith.cmpi ne, %convert_element_type3A_226, %cond3A_227 : i32
      scf.if %cond3A_228 {
        %dma_start3A = arith.constant 16 : i32
        %dma_start3A_507 = arith.constant 0 : i32
        %dma_start3A_508 = tpu.memref_slice %arg5[%dma_start3A, %dma_start3A_507] : memref<32x128xi32, #tpu.memory_space<vmem>> -> memref<2x128xi32, #tpu.memory_space<vmem>>
        %dma_start3A_509 = arith.constant 0 : i32
        %dma_start3A_510 = tpu.memref_slice %arg3[%dma_start3A_509, %mul3A_161] : memref<2x320000xi32, #tpu.memory_space<hbm>> -> memref<2x128xi32, #tpu.memory_space<hbm>>
        %dma_start3A_511 = arith.constant 16 : i32
        %dma_start3A_512 = arith.constant 0 : i32
        %dma_start3A_513 = tpu.memref_slice %arg5[%dma_start3A_511, %dma_start3A_512] : memref<32x128xi32, #tpu.memory_space<vmem>> -> memref<2x128xi32, #tpu.memory_space<vmem>>
        %dma_start3A_514 = arith.constant 0 : i32
        %dma_start3A_515 = tpu.memref_slice %arg3[%dma_start3A_514, %mul3A_161] : memref<2x320000xi32, #tpu.memory_space<hbm>> -> memref<2x128xi32, #tpu.memory_space<hbm>>
        tpu.enqueue_dma source(%dma_start3A_515 : memref<2x128xi32, #tpu.memory_space<hbm>>) target(%dma_start3A_513 : memref<2x128xi32, #tpu.memory_space<vmem>>) target_semaphore(%arg6 : memref<!tpu.dma_semaphore, #tpu.memory_space<semaphore_mem>>)
      } else {
      }
      %convert_element_type3A_229 = arith.extui %lt3A_84 : i1 to i32
      %cond3A_230 = arith.constant 0 : i32
      %cond3A_231 = arith.cmpi ne, %convert_element_type3A_229, %cond3A_230 : i32
      scf.if %cond3A_231 {
        %dma_start3A = arith.constant 18 : i32
        %dma_start3A_507 = arith.constant 0 : i32
        %dma_start3A_508 = tpu.memref_slice %arg5[%dma_start3A, %dma_start3A_507] : memref<32x128xi32, #tpu.memory_space<vmem>> -> memref<2x128xi32, #tpu.memory_space<vmem>>
        %dma_start3A_509 = arith.constant 0 : i32
        %dma_start3A_510 = tpu.memref_slice %arg3[%dma_start3A_509, %mul3A_167] : memref<2x320000xi32, #tpu.memory_space<hbm>> -> memref<2x128xi32, #tpu.memory_space<hbm>>
        %dma_start3A_511 = arith.constant 18 : i32
        %dma_start3A_512 = arith.constant 0 : i32
        %dma_start3A_513 = tpu.memref_slice %arg5[%dma_start3A_511, %dma_start3A_512] : memref<32x128xi32, #tpu.memory_space<vmem>> -> memref<2x128xi32, #tpu.memory_space<vmem>>
        %dma_start3A_514 = arith.constant 0 : i32
        %dma_start3A_515 = tpu.memref_slice %arg3[%dma_start3A_514, %mul3A_167] : memref<2x320000xi32, #tpu.memory_space<hbm>> -> memref<2x128xi32, #tpu.memory_space<hbm>>
        tpu.enqueue_dma source(%dma_start3A_515 : memref<2x128xi32, #tpu.memory_space<hbm>>) target(%dma_start3A_513 : memref<2x128xi32, #tpu.memory_space<vmem>>) target_semaphore(%arg6 : memref<!tpu.dma_semaphore, #tpu.memory_space<semaphore_mem>>)
      } else {
      }
      %convert_element_type3A_232 = arith.extui %lt3A_88 : i1 to i32
      %cond3A_233 = arith.constant 0 : i32
      %cond3A_234 = arith.cmpi ne, %convert_element_type3A_232, %cond3A_233 : i32
      scf.if %cond3A_234 {
        %dma_start3A = arith.constant 20 : i32
        %dma_start3A_507 = arith.constant 0 : i32
        %dma_start3A_508 = tpu.memref_slice %arg5[%dma_start3A, %dma_start3A_507] : memref<32x128xi32, #tpu.memory_space<vmem>> -> memref<2x128xi32, #tpu.memory_space<vmem>>
        %dma_start3A_509 = arith.constant 0 : i32
        %dma_start3A_510 = tpu.memref_slice %arg3[%dma_start3A_509, %mul3A_173] : memref<2x320000xi32, #tpu.memory_space<hbm>> -> memref<2x128xi32, #tpu.memory_space<hbm>>
        %dma_start3A_511 = arith.constant 20 : i32
        %dma_start3A_512 = arith.constant 0 : i32
        %dma_start3A_513 = tpu.memref_slice %arg5[%dma_start3A_511, %dma_start3A_512] : memref<32x128xi32, #tpu.memory_space<vmem>> -> memref<2x128xi32, #tpu.memory_space<vmem>>
        %dma_start3A_514 = arith.constant 0 : i32
        %dma_start3A_515 = tpu.memref_slice %arg3[%dma_start3A_514, %mul3A_173] : memref<2x320000xi32, #tpu.memory_space<hbm>> -> memref<2x128xi32, #tpu.memory_space<hbm>>
        tpu.enqueue_dma source(%dma_start3A_515 : memref<2x128xi32, #tpu.memory_space<hbm>>) target(%dma_start3A_513 : memref<2x128xi32, #tpu.memory_space<vmem>>) target_semaphore(%arg6 : memref<!tpu.dma_semaphore, #tpu.memory_space<semaphore_mem>>)
      } else {
      }
      %convert_element_type3A_235 = arith.extui %lt3A_92 : i1 to i32
      %cond3A_236 = arith.constant 0 : i32
      %cond3A_237 = arith.cmpi ne, %convert_element_type3A_235, %cond3A_236 : i32
      scf.if %cond3A_237 {
        %dma_start3A = arith.constant 22 : i32
        %dma_start3A_507 = arith.constant 0 : i32
        %dma_start3A_508 = tpu.memref_slice %arg5[%dma_start3A, %dma_start3A_507] : memref<32x128xi32, #tpu.memory_space<vmem>> -> memref<2x128xi32, #tpu.memory_space<vmem>>
        %dma_start3A_509 = arith.constant 0 : i32
        %dma_start3A_510 = tpu.memref_slice %arg3[%dma_start3A_509, %mul3A_179] : memref<2x320000xi32, #tpu.memory_space<hbm>> -> memref<2x128xi32, #tpu.memory_space<hbm>>
        %dma_start3A_511 = arith.constant 22 : i32
        %dma_start3A_512 = arith.constant 0 : i32
        %dma_start3A_513 = tpu.memref_slice %arg5[%dma_start3A_511, %dma_start3A_512] : memref<32x128xi32, #tpu.memory_space<vmem>> -> memref<2x128xi32, #tpu.memory_space<vmem>>
        %dma_start3A_514 = arith.constant 0 : i32
        %dma_start3A_515 = tpu.memref_slice %arg3[%dma_start3A_514, %mul3A_179] : memref<2x320000xi32, #tpu.memory_space<hbm>> -> memref<2x128xi32, #tpu.memory_space<hbm>>
        tpu.enqueue_dma source(%dma_start3A_515 : memref<2x128xi32, #tpu.memory_space<hbm>>) target(%dma_start3A_513 : memref<2x128xi32, #tpu.memory_space<vmem>>) target_semaphore(%arg6 : memref<!tpu.dma_semaphore, #tpu.memory_space<semaphore_mem>>)
      } else {
      }
      %convert_element_type3A_238 = arith.extui %lt3A_96 : i1 to i32
      %cond3A_239 = arith.constant 0 : i32
      %cond3A_240 = arith.cmpi ne, %convert_element_type3A_238, %cond3A_239 : i32
      scf.if %cond3A_240 {
        %dma_start3A = arith.constant 24 : i32
        %dma_start3A_507 = arith.constant 0 : i32
        %dma_start3A_508 = tpu.memref_slice %arg5[%dma_start3A, %dma_start3A_507] : memref<32x128xi32, #tpu.memory_space<vmem>> -> memref<2x128xi32, #tpu.memory_space<vmem>>
        %dma_start3A_509 = arith.constant 0 : i32
        %dma_start3A_510 = tpu.memref_slice %arg3[%dma_start3A_509, %mul3A_185] : memref<2x320000xi32, #tpu.memory_space<hbm>> -> memref<2x128xi32, #tpu.memory_space<hbm>>
        %dma_start3A_511 = arith.constant 24 : i32
        %dma_start3A_512 = arith.constant 0 : i32
        %dma_start3A_513 = tpu.memref_slice %arg5[%dma_start3A_511, %dma_start3A_512] : memref<32x128xi32, #tpu.memory_space<vmem>> -> memref<2x128xi32, #tpu.memory_space<vmem>>
        %dma_start3A_514 = arith.constant 0 : i32
        %dma_start3A_515 = tpu.memref_slice %arg3[%dma_start3A_514, %mul3A_185] : memref<2x320000xi32, #tpu.memory_space<hbm>> -> memref<2x128xi32, #tpu.memory_space<hbm>>
        tpu.enqueue_dma source(%dma_start3A_515 : memref<2x128xi32, #tpu.memory_space<hbm>>) target(%dma_start3A_513 : memref<2x128xi32, #tpu.memory_space<vmem>>) target_semaphore(%arg6 : memref<!tpu.dma_semaphore, #tpu.memory_space<semaphore_mem>>)
      } else {
      }
      %convert_element_type3A_241 = arith.extui %lt3A_100 : i1 to i32
      %cond3A_242 = arith.constant 0 : i32
      %cond3A_243 = arith.cmpi ne, %convert_element_type3A_241, %cond3A_242 : i32
      scf.if %cond3A_243 {
        %dma_start3A = arith.constant 26 : i32
        %dma_start3A_507 = arith.constant 0 : i32
        %dma_start3A_508 = tpu.memref_slice %arg5[%dma_start3A, %dma_start3A_507] : memref<32x128xi32, #tpu.memory_space<vmem>> -> memref<2x128xi32, #tpu.memory_space<vmem>>
        %dma_start3A_509 = arith.constant 0 : i32
        %dma_start3A_510 = tpu.memref_slice %arg3[%dma_start3A_509, %mul3A_191] : memref<2x320000xi32, #tpu.memory_space<hbm>> -> memref<2x128xi32, #tpu.memory_space<hbm>>
        %dma_start3A_511 = arith.constant 26 : i32
        %dma_start3A_512 = arith.constant 0 : i32
        %dma_start3A_513 = tpu.memref_slice %arg5[%dma_start3A_511, %dma_start3A_512] : memref<32x128xi32, #tpu.memory_space<vmem>> -> memref<2x128xi32, #tpu.memory_space<vmem>>
        %dma_start3A_514 = arith.constant 0 : i32
        %dma_start3A_515 = tpu.memref_slice %arg3[%dma_start3A_514, %mul3A_191] : memref<2x320000xi32, #tpu.memory_space<hbm>> -> memref<2x128xi32, #tpu.memory_space<hbm>>
        tpu.enqueue_dma source(%dma_start3A_515 : memref<2x128xi32, #tpu.memory_space<hbm>>) target(%dma_start3A_513 : memref<2x128xi32, #tpu.memory_space<vmem>>) target_semaphore(%arg6 : memref<!tpu.dma_semaphore, #tpu.memory_space<semaphore_mem>>)
      } else {
      }
      %convert_element_type3A_244 = arith.extui %lt3A_104 : i1 to i32
      %cond3A_245 = arith.constant 0 : i32
      %cond3A_246 = arith.cmpi ne, %convert_element_type3A_244, %cond3A_245 : i32
      scf.if %cond3A_246 {
        %dma_start3A = arith.constant 28 : i32
        %dma_start3A_507 = arith.constant 0 : i32
        %dma_start3A_508 = tpu.memref_slice %arg5[%dma_start3A, %dma_start3A_507] : memref<32x128xi32, #tpu.memory_space<vmem>> -> memref<2x128xi32, #tpu.memory_space<vmem>>
        %dma_start3A_509 = arith.constant 0 : i32
        %dma_start3A_510 = tpu.memref_slice %arg3[%dma_start3A_509, %mul3A_197] : memref<2x320000xi32, #tpu.memory_space<hbm>> -> memref<2x128xi32, #tpu.memory_space<hbm>>
        %dma_start3A_511 = arith.constant 28 : i32
        %dma_start3A_512 = arith.constant 0 : i32
        %dma_start3A_513 = tpu.memref_slice %arg5[%dma_start3A_511, %dma_start3A_512] : memref<32x128xi32, #tpu.memory_space<vmem>> -> memref<2x128xi32, #tpu.memory_space<vmem>>
        %dma_start3A_514 = arith.constant 0 : i32
        %dma_start3A_515 = tpu.memref_slice %arg3[%dma_start3A_514, %mul3A_197] : memref<2x320000xi32, #tpu.memory_space<hbm>> -> memref<2x128xi32, #tpu.memory_space<hbm>>
        tpu.enqueue_dma source(%dma_start3A_515 : memref<2x128xi32, #tpu.memory_space<hbm>>) target(%dma_start3A_513 : memref<2x128xi32, #tpu.memory_space<vmem>>) target_semaphore(%arg6 : memref<!tpu.dma_semaphore, #tpu.memory_space<semaphore_mem>>)
      } else {
      }
      %convert_element_type3A_247 = arith.extui %lt3A_108 : i1 to i32
      %cond3A_248 = arith.constant 0 : i32
      %cond3A_249 = arith.cmpi ne, %convert_element_type3A_247, %cond3A_248 : i32
      scf.if %cond3A_249 {
        %dma_start3A = arith.constant 30 : i32
        %dma_start3A_507 = arith.constant 0 : i32
        %dma_start3A_508 = tpu.memref_slice %arg5[%dma_start3A, %dma_start3A_507] : memref<32x128xi32, #tpu.memory_space<vmem>> -> memref<2x128xi32, #tpu.memory_space<vmem>>
        %dma_start3A_509 = arith.constant 0 : i32
        %dma_start3A_510 = tpu.memref_slice %arg3[%dma_start3A_509, %mul3A_203] : memref<2x320000xi32, #tpu.memory_space<hbm>> -> memref<2x128xi32, #tpu.memory_space<hbm>>
        %dma_start3A_511 = arith.constant 30 : i32
        %dma_start3A_512 = arith.constant 0 : i32
        %dma_start3A_513 = tpu.memref_slice %arg5[%dma_start3A_511, %dma_start3A_512] : memref<32x128xi32, #tpu.memory_space<vmem>> -> memref<2x128xi32, #tpu.memory_space<vmem>>
        %dma_start3A_514 = arith.constant 0 : i32
        %dma_start3A_515 = tpu.memref_slice %arg3[%dma_start3A_514, %mul3A_203] : memref<2x320000xi32, #tpu.memory_space<hbm>> -> memref<2x128xi32, #tpu.memory_space<hbm>>
        tpu.enqueue_dma source(%dma_start3A_515 : memref<2x128xi32, #tpu.memory_space<hbm>>) target(%dma_start3A_513 : memref<2x128xi32, #tpu.memory_space<vmem>>) target_semaphore(%arg6 : memref<!tpu.dma_semaphore, #tpu.memory_space<semaphore_mem>>)
      } else {
      }
      %convert_element_type3A_250 = arith.extui %lt3A_48 : i1 to i32
      %cond3A_251 = arith.constant 0 : i32
      %cond3A_252 = arith.cmpi ne, %convert_element_type3A_250, %cond3A_251 : i32
      scf.if %cond3A_252 {
        %dma_wait3A = arith.constant 0 : i32
        %dma_wait3A_507 = arith.constant 0 : i32
        %dma_wait3A_508 = tpu.memref_slice %arg5[%dma_wait3A, %dma_wait3A_507] : memref<32x128xi32, #tpu.memory_space<vmem>> -> memref<2x128xi32, #tpu.memory_space<vmem>>
        %dma_wait3A_509 = arith.constant 0 : i32
        %dma_wait3A_510 = tpu.memref_slice %arg3[%dma_wait3A_509, %mul3A_113] : memref<2x320000xi32, #tpu.memory_space<hbm>> -> memref<2x128xi32, #tpu.memory_space<hbm>>
        %dma_wait3A_511 = arith.constant 0 : i32
        %dma_wait3A_512 = arith.constant 0 : i32
        %dma_wait3A_513 = tpu.memref_slice %arg5[%dma_wait3A_511, %dma_wait3A_512] : memref<32x128xi32, #tpu.memory_space<vmem>> -> memref<2x128xi32, #tpu.memory_space<vmem>>
        %dma_wait3A_514 = arith.constant 0 : i32
        %dma_wait3A_515 = tpu.memref_slice %arg3[%dma_wait3A_514, %mul3A_113] : memref<2x320000xi32, #tpu.memory_space<hbm>> -> memref<2x128xi32, #tpu.memory_space<hbm>>
        tpu.wait_dma2 semaphore(%arg6 : memref<!tpu.dma_semaphore, #tpu.memory_space<semaphore_mem>>) src(%dma_wait3A_515 : memref<2x128xi32, #tpu.memory_space<hbm>>) dst(%dma_wait3A_513 : memref<2x128xi32, #tpu.memory_space<vmem>>)
      } else {
      }
      %convert_element_type3A_253 = arith.extui %lt3A_52 : i1 to i32
      %cond3A_254 = arith.constant 0 : i32
      %cond3A_255 = arith.cmpi ne, %convert_element_type3A_253, %cond3A_254 : i32
      scf.if %cond3A_255 {
        %dma_wait3A = arith.constant 2 : i32
        %dma_wait3A_507 = arith.constant 0 : i32
        %dma_wait3A_508 = tpu.memref_slice %arg5[%dma_wait3A, %dma_wait3A_507] : memref<32x128xi32, #tpu.memory_space<vmem>> -> memref<2x128xi32, #tpu.memory_space<vmem>>
        %dma_wait3A_509 = arith.constant 0 : i32
        %dma_wait3A_510 = tpu.memref_slice %arg3[%dma_wait3A_509, %mul3A_119] : memref<2x320000xi32, #tpu.memory_space<hbm>> -> memref<2x128xi32, #tpu.memory_space<hbm>>
        %dma_wait3A_511 = arith.constant 2 : i32
        %dma_wait3A_512 = arith.constant 0 : i32
        %dma_wait3A_513 = tpu.memref_slice %arg5[%dma_wait3A_511, %dma_wait3A_512] : memref<32x128xi32, #tpu.memory_space<vmem>> -> memref<2x128xi32, #tpu.memory_space<vmem>>
        %dma_wait3A_514 = arith.constant 0 : i32
        %dma_wait3A_515 = tpu.memref_slice %arg3[%dma_wait3A_514, %mul3A_119] : memref<2x320000xi32, #tpu.memory_space<hbm>> -> memref<2x128xi32, #tpu.memory_space<hbm>>
        tpu.wait_dma2 semaphore(%arg6 : memref<!tpu.dma_semaphore, #tpu.memory_space<semaphore_mem>>) src(%dma_wait3A_515 : memref<2x128xi32, #tpu.memory_space<hbm>>) dst(%dma_wait3A_513 : memref<2x128xi32, #tpu.memory_space<vmem>>)
      } else {
      }
      %convert_element_type3A_256 = arith.extui %lt3A_56 : i1 to i32
      %cond3A_257 = arith.constant 0 : i32
      %cond3A_258 = arith.cmpi ne, %convert_element_type3A_256, %cond3A_257 : i32
      scf.if %cond3A_258 {
        %dma_wait3A = arith.constant 4 : i32
        %dma_wait3A_507 = arith.constant 0 : i32
        %dma_wait3A_508 = tpu.memref_slice %arg5[%dma_wait3A, %dma_wait3A_507] : memref<32x128xi32, #tpu.memory_space<vmem>> -> memref<2x128xi32, #tpu.memory_space<vmem>>
        %dma_wait3A_509 = arith.constant 0 : i32
        %dma_wait3A_510 = tpu.memref_slice %arg3[%dma_wait3A_509, %mul3A_125] : memref<2x320000xi32, #tpu.memory_space<hbm>> -> memref<2x128xi32, #tpu.memory_space<hbm>>
        %dma_wait3A_511 = arith.constant 4 : i32
        %dma_wait3A_512 = arith.constant 0 : i32
        %dma_wait3A_513 = tpu.memref_slice %arg5[%dma_wait3A_511, %dma_wait3A_512] : memref<32x128xi32, #tpu.memory_space<vmem>> -> memref<2x128xi32, #tpu.memory_space<vmem>>
        %dma_wait3A_514 = arith.constant 0 : i32
        %dma_wait3A_515 = tpu.memref_slice %arg3[%dma_wait3A_514, %mul3A_125] : memref<2x320000xi32, #tpu.memory_space<hbm>> -> memref<2x128xi32, #tpu.memory_space<hbm>>
        tpu.wait_dma2 semaphore(%arg6 : memref<!tpu.dma_semaphore, #tpu.memory_space<semaphore_mem>>) src(%dma_wait3A_515 : memref<2x128xi32, #tpu.memory_space<hbm>>) dst(%dma_wait3A_513 : memref<2x128xi32, #tpu.memory_space<vmem>>)
      } else {
      }
      %convert_element_type3A_259 = arith.extui %lt3A_60 : i1 to i32
      %cond3A_260 = arith.constant 0 : i32
      %cond3A_261 = arith.cmpi ne, %convert_element_type3A_259, %cond3A_260 : i32
      scf.if %cond3A_261 {
        %dma_wait3A = arith.constant 6 : i32
        %dma_wait3A_507 = arith.constant 0 : i32
        %dma_wait3A_508 = tpu.memref_slice %arg5[%dma_wait3A, %dma_wait3A_507] : memref<32x128xi32, #tpu.memory_space<vmem>> -> memref<2x128xi32, #tpu.memory_space<vmem>>
        %dma_wait3A_509 = arith.constant 0 : i32
        %dma_wait3A_510 = tpu.memref_slice %arg3[%dma_wait3A_509, %mul3A_131] : memref<2x320000xi32, #tpu.memory_space<hbm>> -> memref<2x128xi32, #tpu.memory_space<hbm>>
        %dma_wait3A_511 = arith.constant 6 : i32
        %dma_wait3A_512 = arith.constant 0 : i32
        %dma_wait3A_513 = tpu.memref_slice %arg5[%dma_wait3A_511, %dma_wait3A_512] : memref<32x128xi32, #tpu.memory_space<vmem>> -> memref<2x128xi32, #tpu.memory_space<vmem>>
        %dma_wait3A_514 = arith.constant 0 : i32
        %dma_wait3A_515 = tpu.memref_slice %arg3[%dma_wait3A_514, %mul3A_131] : memref<2x320000xi32, #tpu.memory_space<hbm>> -> memref<2x128xi32, #tpu.memory_space<hbm>>
        tpu.wait_dma2 semaphore(%arg6 : memref<!tpu.dma_semaphore, #tpu.memory_space<semaphore_mem>>) src(%dma_wait3A_515 : memref<2x128xi32, #tpu.memory_space<hbm>>) dst(%dma_wait3A_513 : memref<2x128xi32, #tpu.memory_space<vmem>>)
      } else {
      }
      %convert_element_type3A_262 = arith.extui %lt3A_64 : i1 to i32
      %cond3A_263 = arith.constant 0 : i32
      %cond3A_264 = arith.cmpi ne, %convert_element_type3A_262, %cond3A_263 : i32
      scf.if %cond3A_264 {
        %dma_wait3A = arith.constant 8 : i32
        %dma_wait3A_507 = arith.constant 0 : i32
        %dma_wait3A_508 = tpu.memref_slice %arg5[%dma_wait3A, %dma_wait3A_507] : memref<32x128xi32, #tpu.memory_space<vmem>> -> memref<2x128xi32, #tpu.memory_space<vmem>>
        %dma_wait3A_509 = arith.constant 0 : i32
        %dma_wait3A_510 = tpu.memref_slice %arg3[%dma_wait3A_509, %mul3A_137] : memref<2x320000xi32, #tpu.memory_space<hbm>> -> memref<2x128xi32, #tpu.memory_space<hbm>>
        %dma_wait3A_511 = arith.constant 8 : i32
        %dma_wait3A_512 = arith.constant 0 : i32
        %dma_wait3A_513 = tpu.memref_slice %arg5[%dma_wait3A_511, %dma_wait3A_512] : memref<32x128xi32, #tpu.memory_space<vmem>> -> memref<2x128xi32, #tpu.memory_space<vmem>>
        %dma_wait3A_514 = arith.constant 0 : i32
        %dma_wait3A_515 = tpu.memref_slice %arg3[%dma_wait3A_514, %mul3A_137] : memref<2x320000xi32, #tpu.memory_space<hbm>> -> memref<2x128xi32, #tpu.memory_space<hbm>>
        tpu.wait_dma2 semaphore(%arg6 : memref<!tpu.dma_semaphore, #tpu.memory_space<semaphore_mem>>) src(%dma_wait3A_515 : memref<2x128xi32, #tpu.memory_space<hbm>>) dst(%dma_wait3A_513 : memref<2x128xi32, #tpu.memory_space<vmem>>)
      } else {
      }
      %convert_element_type3A_265 = arith.extui %lt3A_68 : i1 to i32
      %cond3A_266 = arith.constant 0 : i32
      %cond3A_267 = arith.cmpi ne, %convert_element_type3A_265, %cond3A_266 : i32
      scf.if %cond3A_267 {
        %dma_wait3A = arith.constant 10 : i32
        %dma_wait3A_507 = arith.constant 0 : i32
        %dma_wait3A_508 = tpu.memref_slice %arg5[%dma_wait3A, %dma_wait3A_507] : memref<32x128xi32, #tpu.memory_space<vmem>> -> memref<2x128xi32, #tpu.memory_space<vmem>>
        %dma_wait3A_509 = arith.constant 0 : i32
        %dma_wait3A_510 = tpu.memref_slice %arg3[%dma_wait3A_509, %mul3A_143] : memref<2x320000xi32, #tpu.memory_space<hbm>> -> memref<2x128xi32, #tpu.memory_space<hbm>>
        %dma_wait3A_511 = arith.constant 10 : i32
        %dma_wait3A_512 = arith.constant 0 : i32
        %dma_wait3A_513 = tpu.memref_slice %arg5[%dma_wait3A_511, %dma_wait3A_512] : memref<32x128xi32, #tpu.memory_space<vmem>> -> memref<2x128xi32, #tpu.memory_space<vmem>>
        %dma_wait3A_514 = arith.constant 0 : i32
        %dma_wait3A_515 = tpu.memref_slice %arg3[%dma_wait3A_514, %mul3A_143] : memref<2x320000xi32, #tpu.memory_space<hbm>> -> memref<2x128xi32, #tpu.memory_space<hbm>>
        tpu.wait_dma2 semaphore(%arg6 : memref<!tpu.dma_semaphore, #tpu.memory_space<semaphore_mem>>) src(%dma_wait3A_515 : memref<2x128xi32, #tpu.memory_space<hbm>>) dst(%dma_wait3A_513 : memref<2x128xi32, #tpu.memory_space<vmem>>)
      } else {
      }
      %convert_element_type3A_268 = arith.extui %lt3A_72 : i1 to i32
      %cond3A_269 = arith.constant 0 : i32
      %cond3A_270 = arith.cmpi ne, %convert_element_type3A_268, %cond3A_269 : i32
      scf.if %cond3A_270 {
        %dma_wait3A = arith.constant 12 : i32
        %dma_wait3A_507 = arith.constant 0 : i32
        %dma_wait3A_508 = tpu.memref_slice %arg5[%dma_wait3A, %dma_wait3A_507] : memref<32x128xi32, #tpu.memory_space<vmem>> -> memref<2x128xi32, #tpu.memory_space<vmem>>
        %dma_wait3A_509 = arith.constant 0 : i32
        %dma_wait3A_510 = tpu.memref_slice %arg3[%dma_wait3A_509, %mul3A_149] : memref<2x320000xi32, #tpu.memory_space<hbm>> -> memref<2x128xi32, #tpu.memory_space<hbm>>
        %dma_wait3A_511 = arith.constant 12 : i32
        %dma_wait3A_512 = arith.constant 0 : i32
        %dma_wait3A_513 = tpu.memref_slice %arg5[%dma_wait3A_511, %dma_wait3A_512] : memref<32x128xi32, #tpu.memory_space<vmem>> -> memref<2x128xi32, #tpu.memory_space<vmem>>
        %dma_wait3A_514 = arith.constant 0 : i32
        %dma_wait3A_515 = tpu.memref_slice %arg3[%dma_wait3A_514, %mul3A_149] : memref<2x320000xi32, #tpu.memory_space<hbm>> -> memref<2x128xi32, #tpu.memory_space<hbm>>
        tpu.wait_dma2 semaphore(%arg6 : memref<!tpu.dma_semaphore, #tpu.memory_space<semaphore_mem>>) src(%dma_wait3A_515 : memref<2x128xi32, #tpu.memory_space<hbm>>) dst(%dma_wait3A_513 : memref<2x128xi32, #tpu.memory_space<vmem>>)
      } else {
      }
      %convert_element_type3A_271 = arith.extui %lt3A_76 : i1 to i32
      %cond3A_272 = arith.constant 0 : i32
      %cond3A_273 = arith.cmpi ne, %convert_element_type3A_271, %cond3A_272 : i32
      scf.if %cond3A_273 {
        %dma_wait3A = arith.constant 14 : i32
        %dma_wait3A_507 = arith.constant 0 : i32
        %dma_wait3A_508 = tpu.memref_slice %arg5[%dma_wait3A, %dma_wait3A_507] : memref<32x128xi32, #tpu.memory_space<vmem>> -> memref<2x128xi32, #tpu.memory_space<vmem>>
        %dma_wait3A_509 = arith.constant 0 : i32
        %dma_wait3A_510 = tpu.memref_slice %arg3[%dma_wait3A_509, %mul3A_155] : memref<2x320000xi32, #tpu.memory_space<hbm>> -> memref<2x128xi32, #tpu.memory_space<hbm>>
        %dma_wait3A_511 = arith.constant 14 : i32
        %dma_wait3A_512 = arith.constant 0 : i32
        %dma_wait3A_513 = tpu.memref_slice %arg5[%dma_wait3A_511, %dma_wait3A_512] : memref<32x128xi32, #tpu.memory_space<vmem>> -> memref<2x128xi32, #tpu.memory_space<vmem>>
        %dma_wait3A_514 = arith.constant 0 : i32
        %dma_wait3A_515 = tpu.memref_slice %arg3[%dma_wait3A_514, %mul3A_155] : memref<2x320000xi32, #tpu.memory_space<hbm>> -> memref<2x128xi32, #tpu.memory_space<hbm>>
        tpu.wait_dma2 semaphore(%arg6 : memref<!tpu.dma_semaphore, #tpu.memory_space<semaphore_mem>>) src(%dma_wait3A_515 : memref<2x128xi32, #tpu.memory_space<hbm>>) dst(%dma_wait3A_513 : memref<2x128xi32, #tpu.memory_space<vmem>>)
      } else {
      }
      %convert_element_type3A_274 = arith.extui %lt3A_80 : i1 to i32
      %cond3A_275 = arith.constant 0 : i32
      %cond3A_276 = arith.cmpi ne, %convert_element_type3A_274, %cond3A_275 : i32
      scf.if %cond3A_276 {
        %dma_wait3A = arith.constant 16 : i32
        %dma_wait3A_507 = arith.constant 0 : i32
        %dma_wait3A_508 = tpu.memref_slice %arg5[%dma_wait3A, %dma_wait3A_507] : memref<32x128xi32, #tpu.memory_space<vmem>> -> memref<2x128xi32, #tpu.memory_space<vmem>>
        %dma_wait3A_509 = arith.constant 0 : i32
        %dma_wait3A_510 = tpu.memref_slice %arg3[%dma_wait3A_509, %mul3A_161] : memref<2x320000xi32, #tpu.memory_space<hbm>> -> memref<2x128xi32, #tpu.memory_space<hbm>>
        %dma_wait3A_511 = arith.constant 16 : i32
        %dma_wait3A_512 = arith.constant 0 : i32
        %dma_wait3A_513 = tpu.memref_slice %arg5[%dma_wait3A_511, %dma_wait3A_512] : memref<32x128xi32, #tpu.memory_space<vmem>> -> memref<2x128xi32, #tpu.memory_space<vmem>>
        %dma_wait3A_514 = arith.constant 0 : i32
        %dma_wait3A_515 = tpu.memref_slice %arg3[%dma_wait3A_514, %mul3A_161] : memref<2x320000xi32, #tpu.memory_space<hbm>> -> memref<2x128xi32, #tpu.memory_space<hbm>>
        tpu.wait_dma2 semaphore(%arg6 : memref<!tpu.dma_semaphore, #tpu.memory_space<semaphore_mem>>) src(%dma_wait3A_515 : memref<2x128xi32, #tpu.memory_space<hbm>>) dst(%dma_wait3A_513 : memref<2x128xi32, #tpu.memory_space<vmem>>)
      } else {
      }
      %convert_element_type3A_277 = arith.extui %lt3A_84 : i1 to i32
      %cond3A_278 = arith.constant 0 : i32
      %cond3A_279 = arith.cmpi ne, %convert_element_type3A_277, %cond3A_278 : i32
      scf.if %cond3A_279 {
        %dma_wait3A = arith.constant 18 : i32
        %dma_wait3A_507 = arith.constant 0 : i32
        %dma_wait3A_508 = tpu.memref_slice %arg5[%dma_wait3A, %dma_wait3A_507] : memref<32x128xi32, #tpu.memory_space<vmem>> -> memref<2x128xi32, #tpu.memory_space<vmem>>
        %dma_wait3A_509 = arith.constant 0 : i32
        %dma_wait3A_510 = tpu.memref_slice %arg3[%dma_wait3A_509, %mul3A_167] : memref<2x320000xi32, #tpu.memory_space<hbm>> -> memref<2x128xi32, #tpu.memory_space<hbm>>
        %dma_wait3A_511 = arith.constant 18 : i32
        %dma_wait3A_512 = arith.constant 0 : i32
        %dma_wait3A_513 = tpu.memref_slice %arg5[%dma_wait3A_511, %dma_wait3A_512] : memref<32x128xi32, #tpu.memory_space<vmem>> -> memref<2x128xi32, #tpu.memory_space<vmem>>
        %dma_wait3A_514 = arith.constant 0 : i32
        %dma_wait3A_515 = tpu.memref_slice %arg3[%dma_wait3A_514, %mul3A_167] : memref<2x320000xi32, #tpu.memory_space<hbm>> -> memref<2x128xi32, #tpu.memory_space<hbm>>
        tpu.wait_dma2 semaphore(%arg6 : memref<!tpu.dma_semaphore, #tpu.memory_space<semaphore_mem>>) src(%dma_wait3A_515 : memref<2x128xi32, #tpu.memory_space<hbm>>) dst(%dma_wait3A_513 : memref<2x128xi32, #tpu.memory_space<vmem>>)
      } else {
      }
      %convert_element_type3A_280 = arith.extui %lt3A_88 : i1 to i32
      %cond3A_281 = arith.constant 0 : i32
      %cond3A_282 = arith.cmpi ne, %convert_element_type3A_280, %cond3A_281 : i32
      scf.if %cond3A_282 {
        %dma_wait3A = arith.constant 20 : i32
        %dma_wait3A_507 = arith.constant 0 : i32
        %dma_wait3A_508 = tpu.memref_slice %arg5[%dma_wait3A, %dma_wait3A_507] : memref<32x128xi32, #tpu.memory_space<vmem>> -> memref<2x128xi32, #tpu.memory_space<vmem>>
        %dma_wait3A_509 = arith.constant 0 : i32
        %dma_wait3A_510 = tpu.memref_slice %arg3[%dma_wait3A_509, %mul3A_173] : memref<2x320000xi32, #tpu.memory_space<hbm>> -> memref<2x128xi32, #tpu.memory_space<hbm>>
        %dma_wait3A_511 = arith.constant 20 : i32
        %dma_wait3A_512 = arith.constant 0 : i32
        %dma_wait3A_513 = tpu.memref_slice %arg5[%dma_wait3A_511, %dma_wait3A_512] : memref<32x128xi32, #tpu.memory_space<vmem>> -> memref<2x128xi32, #tpu.memory_space<vmem>>
        %dma_wait3A_514 = arith.constant 0 : i32
        %dma_wait3A_515 = tpu.memref_slice %arg3[%dma_wait3A_514, %mul3A_173] : memref<2x320000xi32, #tpu.memory_space<hbm>> -> memref<2x128xi32, #tpu.memory_space<hbm>>
        tpu.wait_dma2 semaphore(%arg6 : memref<!tpu.dma_semaphore, #tpu.memory_space<semaphore_mem>>) src(%dma_wait3A_515 : memref<2x128xi32, #tpu.memory_space<hbm>>) dst(%dma_wait3A_513 : memref<2x128xi32, #tpu.memory_space<vmem>>)
      } else {
      }
      %convert_element_type3A_283 = arith.extui %lt3A_92 : i1 to i32
      %cond3A_284 = arith.constant 0 : i32
      %cond3A_285 = arith.cmpi ne, %convert_element_type3A_283, %cond3A_284 : i32
      scf.if %cond3A_285 {
        %dma_wait3A = arith.constant 22 : i32
        %dma_wait3A_507 = arith.constant 0 : i32
        %dma_wait3A_508 = tpu.memref_slice %arg5[%dma_wait3A, %dma_wait3A_507] : memref<32x128xi32, #tpu.memory_space<vmem>> -> memref<2x128xi32, #tpu.memory_space<vmem>>
        %dma_wait3A_509 = arith.constant 0 : i32
        %dma_wait3A_510 = tpu.memref_slice %arg3[%dma_wait3A_509, %mul3A_179] : memref<2x320000xi32, #tpu.memory_space<hbm>> -> memref<2x128xi32, #tpu.memory_space<hbm>>
        %dma_wait3A_511 = arith.constant 22 : i32
        %dma_wait3A_512 = arith.constant 0 : i32
        %dma_wait3A_513 = tpu.memref_slice %arg5[%dma_wait3A_511, %dma_wait3A_512] : memref<32x128xi32, #tpu.memory_space<vmem>> -> memref<2x128xi32, #tpu.memory_space<vmem>>
        %dma_wait3A_514 = arith.constant 0 : i32
        %dma_wait3A_515 = tpu.memref_slice %arg3[%dma_wait3A_514, %mul3A_179] : memref<2x320000xi32, #tpu.memory_space<hbm>> -> memref<2x128xi32, #tpu.memory_space<hbm>>
        tpu.wait_dma2 semaphore(%arg6 : memref<!tpu.dma_semaphore, #tpu.memory_space<semaphore_mem>>) src(%dma_wait3A_515 : memref<2x128xi32, #tpu.memory_space<hbm>>) dst(%dma_wait3A_513 : memref<2x128xi32, #tpu.memory_space<vmem>>)
      } else {
      }
      %convert_element_type3A_286 = arith.extui %lt3A_96 : i1 to i32
      %cond3A_287 = arith.constant 0 : i32
      %cond3A_288 = arith.cmpi ne, %convert_element_type3A_286, %cond3A_287 : i32
      scf.if %cond3A_288 {
        %dma_wait3A = arith.constant 24 : i32
        %dma_wait3A_507 = arith.constant 0 : i32
        %dma_wait3A_508 = tpu.memref_slice %arg5[%dma_wait3A, %dma_wait3A_507] : memref<32x128xi32, #tpu.memory_space<vmem>> -> memref<2x128xi32, #tpu.memory_space<vmem>>
        %dma_wait3A_509 = arith.constant 0 : i32
        %dma_wait3A_510 = tpu.memref_slice %arg3[%dma_wait3A_509, %mul3A_185] : memref<2x320000xi32, #tpu.memory_space<hbm>> -> memref<2x128xi32, #tpu.memory_space<hbm>>
        %dma_wait3A_511 = arith.constant 24 : i32
        %dma_wait3A_512 = arith.constant 0 : i32
        %dma_wait3A_513 = tpu.memref_slice %arg5[%dma_wait3A_511, %dma_wait3A_512] : memref<32x128xi32, #tpu.memory_space<vmem>> -> memref<2x128xi32, #tpu.memory_space<vmem>>
        %dma_wait3A_514 = arith.constant 0 : i32
        %dma_wait3A_515 = tpu.memref_slice %arg3[%dma_wait3A_514, %mul3A_185] : memref<2x320000xi32, #tpu.memory_space<hbm>> -> memref<2x128xi32, #tpu.memory_space<hbm>>
        tpu.wait_dma2 semaphore(%arg6 : memref<!tpu.dma_semaphore, #tpu.memory_space<semaphore_mem>>) src(%dma_wait3A_515 : memref<2x128xi32, #tpu.memory_space<hbm>>) dst(%dma_wait3A_513 : memref<2x128xi32, #tpu.memory_space<vmem>>)
      } else {
      }
      %convert_element_type3A_289 = arith.extui %lt3A_100 : i1 to i32
      %cond3A_290 = arith.constant 0 : i32
      %cond3A_291 = arith.cmpi ne, %convert_element_type3A_289, %cond3A_290 : i32
      scf.if %cond3A_291 {
        %dma_wait3A = arith.constant 26 : i32
        %dma_wait3A_507 = arith.constant 0 : i32
        %dma_wait3A_508 = tpu.memref_slice %arg5[%dma_wait3A, %dma_wait3A_507] : memref<32x128xi32, #tpu.memory_space<vmem>> -> memref<2x128xi32, #tpu.memory_space<vmem>>
        %dma_wait3A_509 = arith.constant 0 : i32
        %dma_wait3A_510 = tpu.memref_slice %arg3[%dma_wait3A_509, %mul3A_191] : memref<2x320000xi32, #tpu.memory_space<hbm>> -> memref<2x128xi32, #tpu.memory_space<hbm>>
        %dma_wait3A_511 = arith.constant 26 : i32
        %dma_wait3A_512 = arith.constant 0 : i32
        %dma_wait3A_513 = tpu.memref_slice %arg5[%dma_wait3A_511, %dma_wait3A_512] : memref<32x128xi32, #tpu.memory_space<vmem>> -> memref<2x128xi32, #tpu.memory_space<vmem>>
        %dma_wait3A_514 = arith.constant 0 : i32
        %dma_wait3A_515 = tpu.memref_slice %arg3[%dma_wait3A_514, %mul3A_191] : memref<2x320000xi32, #tpu.memory_space<hbm>> -> memref<2x128xi32, #tpu.memory_space<hbm>>
        tpu.wait_dma2 semaphore(%arg6 : memref<!tpu.dma_semaphore, #tpu.memory_space<semaphore_mem>>) src(%dma_wait3A_515 : memref<2x128xi32, #tpu.memory_space<hbm>>) dst(%dma_wait3A_513 : memref<2x128xi32, #tpu.memory_space<vmem>>)
      } else {
      }
      %convert_element_type3A_292 = arith.extui %lt3A_104 : i1 to i32
      %cond3A_293 = arith.constant 0 : i32
      %cond3A_294 = arith.cmpi ne, %convert_element_type3A_292, %cond3A_293 : i32
      scf.if %cond3A_294 {
        %dma_wait3A = arith.constant 28 : i32
        %dma_wait3A_507 = arith.constant 0 : i32
        %dma_wait3A_508 = tpu.memref_slice %arg5[%dma_wait3A, %dma_wait3A_507] : memref<32x128xi32, #tpu.memory_space<vmem>> -> memref<2x128xi32, #tpu.memory_space<vmem>>
        %dma_wait3A_509 = arith.constant 0 : i32
        %dma_wait3A_510 = tpu.memref_slice %arg3[%dma_wait3A_509, %mul3A_197] : memref<2x320000xi32, #tpu.memory_space<hbm>> -> memref<2x128xi32, #tpu.memory_space<hbm>>
        %dma_wait3A_511 = arith.constant 28 : i32
        %dma_wait3A_512 = arith.constant 0 : i32
        %dma_wait3A_513 = tpu.memref_slice %arg5[%dma_wait3A_511, %dma_wait3A_512] : memref<32x128xi32, #tpu.memory_space<vmem>> -> memref<2x128xi32, #tpu.memory_space<vmem>>
        %dma_wait3A_514 = arith.constant 0 : i32
        %dma_wait3A_515 = tpu.memref_slice %arg3[%dma_wait3A_514, %mul3A_197] : memref<2x320000xi32, #tpu.memory_space<hbm>> -> memref<2x128xi32, #tpu.memory_space<hbm>>
        tpu.wait_dma2 semaphore(%arg6 : memref<!tpu.dma_semaphore, #tpu.memory_space<semaphore_mem>>) src(%dma_wait3A_515 : memref<2x128xi32, #tpu.memory_space<hbm>>) dst(%dma_wait3A_513 : memref<2x128xi32, #tpu.memory_space<vmem>>)
      } else {
      }
      %convert_element_type3A_295 = arith.extui %lt3A_108 : i1 to i32
      %cond3A_296 = arith.constant 0 : i32
      %cond3A_297 = arith.cmpi ne, %convert_element_type3A_295, %cond3A_296 : i32
      scf.if %cond3A_297 {
        %dma_wait3A = arith.constant 30 : i32
        %dma_wait3A_507 = arith.constant 0 : i32
        %dma_wait3A_508 = tpu.memref_slice %arg5[%dma_wait3A, %dma_wait3A_507] : memref<32x128xi32, #tpu.memory_space<vmem>> -> memref<2x128xi32, #tpu.memory_space<vmem>>
        %dma_wait3A_509 = arith.constant 0 : i32
        %dma_wait3A_510 = tpu.memref_slice %arg3[%dma_wait3A_509, %mul3A_203] : memref<2x320000xi32, #tpu.memory_space<hbm>> -> memref<2x128xi32, #tpu.memory_space<hbm>>
        %dma_wait3A_511 = arith.constant 30 : i32
        %dma_wait3A_512 = arith.constant 0 : i32
        %dma_wait3A_513 = tpu.memref_slice %arg5[%dma_wait3A_511, %dma_wait3A_512] : memref<32x128xi32, #tpu.memory_space<vmem>> -> memref<2x128xi32, #tpu.memory_space<vmem>>
        %dma_wait3A_514 = arith.constant 0 : i32
        %dma_wait3A_515 = tpu.memref_slice %arg3[%dma_wait3A_514, %mul3A_203] : memref<2x320000xi32, #tpu.memory_space<hbm>> -> memref<2x128xi32, #tpu.memory_space<hbm>>
        tpu.wait_dma2 semaphore(%arg6 : memref<!tpu.dma_semaphore, #tpu.memory_space<semaphore_mem>>) src(%dma_wait3A_515 : memref<2x128xi32, #tpu.memory_space<hbm>>) dst(%dma_wait3A_513 : memref<2x128xi32, #tpu.memory_space<vmem>>)
      } else {
      }
      %convert_element_type3A_298 = arith.extui %lt3A_48 : i1 to i32
      %cond3A_299 = arith.constant 0 : i32
      %cond3A_300 = arith.constant 0 : i32
      %cond3A_301 = arith.cmpi ne, %convert_element_type3A_298, %cond3A_300 : i32
      scf.if %cond3A_301 {
        %dma_start3A = arith.constant 0 : i32
        %dma_start3A_507 = tpu.memref_slice %arg5[%cond3A_299, %dma_start3A] : memref<32x128xi32, #tpu.memory_space<vmem>> -> memref<1x128xi32, #tpu.memory_space<vmem>>
        %dma_start3A_508 = tpu.memref_squeeze %dma_start3A_507 : memref<1x128xi32, #tpu.memory_space<vmem>> -> memref<128xi32, #tpu.memory_space<vmem>>
        %dma_start3A_509 = arith.constant 0 : i32
        %dma_start3A_510 = arith.constant 0 : i32
        %dma_start3A_511 = tpu.memref_slice %arg2[%dma_start3A_509, %dma_start3A_510] : memref<10240x128xf32, #tpu.memory_space<hbm>> -> memref<10240x128xf32, #tpu.memory_space<hbm>>
        tpu.enqueue_indirect_dma source(%dma_start3A_511 : memref<10240x128xf32, #tpu.memory_space<hbm>>) target(%arg7 : memref<128x128xf32, #tpu.memory_space<vmem>>) offsets(%dma_start3A_508 : memref<128xi32, #tpu.memory_space<vmem>>) semaphore(%arg9 : memref<!tpu.dma_semaphore, #tpu.memory_space<semaphore_mem>>)
      } else {
      }
      %convert_element_type3A_302 = arith.extui %lt3A_48 : i1 to i32
      %cond3A_303 = arith.constant 0 : i32
      %cond3A_304 = arith.constant 1 : i32
      %cond3A_305 = arith.constant 0 : i32
      %cond3A_306 = arith.cmpi ne, %convert_element_type3A_302, %cond3A_305 : i32
      scf.if %cond3A_306 {
        %dma_wait3A = arith.constant 0 : i32
        %dma_wait3A_507 = tpu.memref_slice %arg5[%cond3A_303, %dma_wait3A] : memref<32x128xi32, #tpu.memory_space<vmem>> -> memref<1x128xi32, #tpu.memory_space<vmem>>
        %dma_wait3A_508 = tpu.memref_squeeze %dma_wait3A_507 : memref<1x128xi32, #tpu.memory_space<vmem>> -> memref<128xi32, #tpu.memory_space<vmem>>
        %dma_wait3A_509 = arith.constant 0 : i32
        %dma_wait3A_510 = arith.constant 0 : i32
        %dma_wait3A_511 = tpu.memref_slice %arg2[%dma_wait3A_509, %dma_wait3A_510] : memref<10240x128xf32, #tpu.memory_space<hbm>> -> memref<10240x128xf32, #tpu.memory_space<hbm>>
        tpu.wait_indirect_dma semaphore(%arg9 : memref<!tpu.dma_semaphore, #tpu.memory_space<semaphore_mem>>) src(%dma_wait3A_511 : memref<10240x128xf32, #tpu.memory_space<hbm>>) dst(%arg7 : memref<128x128xf32, #tpu.memory_space<vmem>>)
        %dma_start3A = arith.constant 0 : i32
        %dma_start3A_512 = tpu.memref_slice %arg5[%cond3A_304, %dma_start3A] : memref<32x128xi32, #tpu.memory_space<vmem>> -> memref<1x128xi32, #tpu.memory_space<vmem>>
        %dma_start3A_513 = tpu.memref_squeeze %dma_start3A_512 : memref<1x128xi32, #tpu.memory_space<vmem>> -> memref<128xi32, #tpu.memory_space<vmem>>
        %dma_start3A_514 = arith.constant 0 : i32
        %dma_start3A_515 = arith.constant 0 : i32
        %dma_start3A_516 = tpu.memref_slice %arg13[%dma_start3A_514, %dma_start3A_515] : memref<10240x128xf32, #tpu.memory_space<vmem_shared>> -> memref<10240x128xf32, #tpu.memory_space<vmem_shared>>
        tpu.enqueue_indirect_dma source(%arg7 : memref<128x128xf32, #tpu.memory_space<vmem>>) target(%dma_start3A_516 : memref<10240x128xf32, #tpu.memory_space<vmem_shared>>) offsets(%dma_start3A_513 : memref<128xi32, #tpu.memory_space<vmem>>) semaphore(%arg11 : memref<!tpu.dma_semaphore, #tpu.memory_space<semaphore_mem>>) {add = true}
      } else {
      }
      %convert_element_type3A_307 = arith.extui %lt3A_52 : i1 to i32
      %cond3A_308 = arith.constant 2 : i32
      %cond3A_309 = arith.constant 0 : i32
      %cond3A_310 = arith.cmpi ne, %convert_element_type3A_307, %cond3A_309 : i32
      scf.if %cond3A_310 {
        %dma_start3A = arith.constant 0 : i32
        %dma_start3A_507 = tpu.memref_slice %arg5[%cond3A_308, %dma_start3A] : memref<32x128xi32, #tpu.memory_space<vmem>> -> memref<1x128xi32, #tpu.memory_space<vmem>>
        %dma_start3A_508 = tpu.memref_squeeze %dma_start3A_507 : memref<1x128xi32, #tpu.memory_space<vmem>> -> memref<128xi32, #tpu.memory_space<vmem>>
        %dma_start3A_509 = arith.constant 0 : i32
        %dma_start3A_510 = arith.constant 0 : i32
        %dma_start3A_511 = tpu.memref_slice %arg2[%dma_start3A_509, %dma_start3A_510] : memref<10240x128xf32, #tpu.memory_space<hbm>> -> memref<10240x128xf32, #tpu.memory_space<hbm>>
        tpu.enqueue_indirect_dma source(%dma_start3A_511 : memref<10240x128xf32, #tpu.memory_space<hbm>>) target(%arg8 : memref<128x128xf32, #tpu.memory_space<vmem>>) offsets(%dma_start3A_508 : memref<128xi32, #tpu.memory_space<vmem>>) semaphore(%arg10 : memref<!tpu.dma_semaphore, #tpu.memory_space<semaphore_mem>>)
      } else {
      }
      %convert_element_type3A_311 = arith.extui %lt3A_52 : i1 to i32
      %cond3A_312 = arith.constant 2 : i32
      %cond3A_313 = arith.constant 3 : i32
      %cond3A_314 = arith.constant 0 : i32
      %cond3A_315 = arith.cmpi ne, %convert_element_type3A_311, %cond3A_314 : i32
      scf.if %cond3A_315 {
        %dma_wait3A = arith.constant 0 : i32
        %dma_wait3A_507 = tpu.memref_slice %arg5[%cond3A_312, %dma_wait3A] : memref<32x128xi32, #tpu.memory_space<vmem>> -> memref<1x128xi32, #tpu.memory_space<vmem>>
        %dma_wait3A_508 = tpu.memref_squeeze %dma_wait3A_507 : memref<1x128xi32, #tpu.memory_space<vmem>> -> memref<128xi32, #tpu.memory_space<vmem>>
        %dma_wait3A_509 = arith.constant 0 : i32
        %dma_wait3A_510 = arith.constant 0 : i32
        %dma_wait3A_511 = tpu.memref_slice %arg2[%dma_wait3A_509, %dma_wait3A_510] : memref<10240x128xf32, #tpu.memory_space<hbm>> -> memref<10240x128xf32, #tpu.memory_space<hbm>>
        tpu.wait_indirect_dma semaphore(%arg10 : memref<!tpu.dma_semaphore, #tpu.memory_space<semaphore_mem>>) src(%dma_wait3A_511 : memref<10240x128xf32, #tpu.memory_space<hbm>>) dst(%arg8 : memref<128x128xf32, #tpu.memory_space<vmem>>)
        %dma_start3A = arith.constant 0 : i32
        %dma_start3A_512 = tpu.memref_slice %arg5[%cond3A_313, %dma_start3A] : memref<32x128xi32, #tpu.memory_space<vmem>> -> memref<1x128xi32, #tpu.memory_space<vmem>>
        %dma_start3A_513 = tpu.memref_squeeze %dma_start3A_512 : memref<1x128xi32, #tpu.memory_space<vmem>> -> memref<128xi32, #tpu.memory_space<vmem>>
        %dma_start3A_514 = arith.constant 0 : i32
        %dma_start3A_515 = arith.constant 0 : i32
        %dma_start3A_516 = tpu.memref_slice %arg13[%dma_start3A_514, %dma_start3A_515] : memref<10240x128xf32, #tpu.memory_space<vmem_shared>> -> memref<10240x128xf32, #tpu.memory_space<vmem_shared>>
        tpu.enqueue_indirect_dma source(%arg8 : memref<128x128xf32, #tpu.memory_space<vmem>>) target(%dma_start3A_516 : memref<10240x128xf32, #tpu.memory_space<vmem_shared>>) offsets(%dma_start3A_513 : memref<128xi32, #tpu.memory_space<vmem>>) semaphore(%arg12 : memref<!tpu.dma_semaphore, #tpu.memory_space<semaphore_mem>>) {add = true}
      } else {
      }
      %convert_element_type3A_316 = arith.extui %lt3A_48 : i1 to i32
      %cond3A_317 = arith.constant 1 : i32
      %cond3A_318 = arith.constant 0 : i32
      %cond3A_319 = arith.cmpi ne, %convert_element_type3A_316, %cond3A_318 : i32
      scf.if %cond3A_319 {
        %dma_wait3A = arith.constant 0 : i32
        %dma_wait3A_507 = tpu.memref_slice %arg5[%cond3A_317, %dma_wait3A] : memref<32x128xi32, #tpu.memory_space<vmem>> -> memref<1x128xi32, #tpu.memory_space<vmem>>
        %dma_wait3A_508 = tpu.memref_squeeze %dma_wait3A_507 : memref<1x128xi32, #tpu.memory_space<vmem>> -> memref<128xi32, #tpu.memory_space<vmem>>
        %dma_wait3A_509 = arith.constant 0 : i32
        %dma_wait3A_510 = arith.constant 0 : i32
        %dma_wait3A_511 = tpu.memref_slice %arg13[%dma_wait3A_509, %dma_wait3A_510] : memref<10240x128xf32, #tpu.memory_space<vmem_shared>> -> memref<10240x128xf32, #tpu.memory_space<vmem_shared>>
        tpu.wait_indirect_dma semaphore(%arg11 : memref<!tpu.dma_semaphore, #tpu.memory_space<semaphore_mem>>) src(%arg7 : memref<128x128xf32, #tpu.memory_space<vmem>>) dst(%dma_wait3A_511 : memref<10240x128xf32, #tpu.memory_space<vmem_shared>>)
      } else {
      }
      %convert_element_type3A_320 = arith.extui %lt3A_56 : i1 to i32
      %cond3A_321 = arith.constant 4 : i32
      %cond3A_322 = arith.constant 0 : i32
      %cond3A_323 = arith.cmpi ne, %convert_element_type3A_320, %cond3A_322 : i32
      scf.if %cond3A_323 {
        %dma_start3A = arith.constant 0 : i32
        %dma_start3A_507 = tpu.memref_slice %arg5[%cond3A_321, %dma_start3A] : memref<32x128xi32, #tpu.memory_space<vmem>> -> memref<1x128xi32, #tpu.memory_space<vmem>>
        %dma_start3A_508 = tpu.memref_squeeze %dma_start3A_507 : memref<1x128xi32, #tpu.memory_space<vmem>> -> memref<128xi32, #tpu.memory_space<vmem>>
        %dma_start3A_509 = arith.constant 0 : i32
        %dma_start3A_510 = arith.constant 0 : i32
        %dma_start3A_511 = tpu.memref_slice %arg2[%dma_start3A_509, %dma_start3A_510] : memref<10240x128xf32, #tpu.memory_space<hbm>> -> memref<10240x128xf32, #tpu.memory_space<hbm>>
        tpu.enqueue_indirect_dma source(%dma_start3A_511 : memref<10240x128xf32, #tpu.memory_space<hbm>>) target(%arg7 : memref<128x128xf32, #tpu.memory_space<vmem>>) offsets(%dma_start3A_508 : memref<128xi32, #tpu.memory_space<vmem>>) semaphore(%arg9 : memref<!tpu.dma_semaphore, #tpu.memory_space<semaphore_mem>>)
      } else {
      }
      %convert_element_type3A_324 = arith.extui %lt3A_56 : i1 to i32
      %cond3A_325 = arith.constant 4 : i32
      %cond3A_326 = arith.constant 5 : i32
      %cond3A_327 = arith.constant 0 : i32
      %cond3A_328 = arith.cmpi ne, %convert_element_type3A_324, %cond3A_327 : i32
      scf.if %cond3A_328 {
        %dma_wait3A = arith.constant 0 : i32
        %dma_wait3A_507 = tpu.memref_slice %arg5[%cond3A_325, %dma_wait3A] : memref<32x128xi32, #tpu.memory_space<vmem>> -> memref<1x128xi32, #tpu.memory_space<vmem>>
        %dma_wait3A_508 = tpu.memref_squeeze %dma_wait3A_507 : memref<1x128xi32, #tpu.memory_space<vmem>> -> memref<128xi32, #tpu.memory_space<vmem>>
        %dma_wait3A_509 = arith.constant 0 : i32
        %dma_wait3A_510 = arith.constant 0 : i32
        %dma_wait3A_511 = tpu.memref_slice %arg2[%dma_wait3A_509, %dma_wait3A_510] : memref<10240x128xf32, #tpu.memory_space<hbm>> -> memref<10240x128xf32, #tpu.memory_space<hbm>>
        tpu.wait_indirect_dma semaphore(%arg9 : memref<!tpu.dma_semaphore, #tpu.memory_space<semaphore_mem>>) src(%dma_wait3A_511 : memref<10240x128xf32, #tpu.memory_space<hbm>>) dst(%arg7 : memref<128x128xf32, #tpu.memory_space<vmem>>)
        %dma_start3A = arith.constant 0 : i32
        %dma_start3A_512 = tpu.memref_slice %arg5[%cond3A_326, %dma_start3A] : memref<32x128xi32, #tpu.memory_space<vmem>> -> memref<1x128xi32, #tpu.memory_space<vmem>>
        %dma_start3A_513 = tpu.memref_squeeze %dma_start3A_512 : memref<1x128xi32, #tpu.memory_space<vmem>> -> memref<128xi32, #tpu.memory_space<vmem>>
        %dma_start3A_514 = arith.constant 0 : i32
        %dma_start3A_515 = arith.constant 0 : i32
        %dma_start3A_516 = tpu.memref_slice %arg13[%dma_start3A_514, %dma_start3A_515] : memref<10240x128xf32, #tpu.memory_space<vmem_shared>> -> memref<10240x128xf32, #tpu.memory_space<vmem_shared>>
        tpu.enqueue_indirect_dma source(%arg7 : memref<128x128xf32, #tpu.memory_space<vmem>>) target(%dma_start3A_516 : memref<10240x128xf32, #tpu.memory_space<vmem_shared>>) offsets(%dma_start3A_513 : memref<128xi32, #tpu.memory_space<vmem>>) semaphore(%arg11 : memref<!tpu.dma_semaphore, #tpu.memory_space<semaphore_mem>>) {add = true}
      } else {
      }
      %convert_element_type3A_329 = arith.extui %lt3A_52 : i1 to i32
      %cond3A_330 = arith.constant 3 : i32
      %cond3A_331 = arith.constant 0 : i32
      %cond3A_332 = arith.cmpi ne, %convert_element_type3A_329, %cond3A_331 : i32
      scf.if %cond3A_332 {
        %dma_wait3A = arith.constant 0 : i32
        %dma_wait3A_507 = tpu.memref_slice %arg5[%cond3A_330, %dma_wait3A] : memref<32x128xi32, #tpu.memory_space<vmem>> -> memref<1x128xi32, #tpu.memory_space<vmem>>
        %dma_wait3A_508 = tpu.memref_squeeze %dma_wait3A_507 : memref<1x128xi32, #tpu.memory_space<vmem>> -> memref<128xi32, #tpu.memory_space<vmem>>
        %dma_wait3A_509 = arith.constant 0 : i32
        %dma_wait3A_510 = arith.constant 0 : i32
        %dma_wait3A_511 = tpu.memref_slice %arg13[%dma_wait3A_509, %dma_wait3A_510] : memref<10240x128xf32, #tpu.memory_space<vmem_shared>> -> memref<10240x128xf32, #tpu.memory_space<vmem_shared>>
        tpu.wait_indirect_dma semaphore(%arg12 : memref<!tpu.dma_semaphore, #tpu.memory_space<semaphore_mem>>) src(%arg8 : memref<128x128xf32, #tpu.memory_space<vmem>>) dst(%dma_wait3A_511 : memref<10240x128xf32, #tpu.memory_space<vmem_shared>>)
      } else {
      }
      %convert_element_type3A_333 = arith.extui %lt3A_60 : i1 to i32
      %cond3A_334 = arith.constant 6 : i32
      %cond3A_335 = arith.constant 0 : i32
      %cond3A_336 = arith.cmpi ne, %convert_element_type3A_333, %cond3A_335 : i32
      scf.if %cond3A_336 {
        %dma_start3A = arith.constant 0 : i32
        %dma_start3A_507 = tpu.memref_slice %arg5[%cond3A_334, %dma_start3A] : memref<32x128xi32, #tpu.memory_space<vmem>> -> memref<1x128xi32, #tpu.memory_space<vmem>>
        %dma_start3A_508 = tpu.memref_squeeze %dma_start3A_507 : memref<1x128xi32, #tpu.memory_space<vmem>> -> memref<128xi32, #tpu.memory_space<vmem>>
        %dma_start3A_509 = arith.constant 0 : i32
        %dma_start3A_510 = arith.constant 0 : i32
        %dma_start3A_511 = tpu.memref_slice %arg2[%dma_start3A_509, %dma_start3A_510] : memref<10240x128xf32, #tpu.memory_space<hbm>> -> memref<10240x128xf32, #tpu.memory_space<hbm>>
        tpu.enqueue_indirect_dma source(%dma_start3A_511 : memref<10240x128xf32, #tpu.memory_space<hbm>>) target(%arg8 : memref<128x128xf32, #tpu.memory_space<vmem>>) offsets(%dma_start3A_508 : memref<128xi32, #tpu.memory_space<vmem>>) semaphore(%arg10 : memref<!tpu.dma_semaphore, #tpu.memory_space<semaphore_mem>>)
      } else {
      }
      %convert_element_type3A_337 = arith.extui %lt3A_60 : i1 to i32
      %cond3A_338 = arith.constant 6 : i32
      %cond3A_339 = arith.constant 7 : i32
      %cond3A_340 = arith.constant 0 : i32
      %cond3A_341 = arith.cmpi ne, %convert_element_type3A_337, %cond3A_340 : i32
      scf.if %cond3A_341 {
        %dma_wait3A = arith.constant 0 : i32
        %dma_wait3A_507 = tpu.memref_slice %arg5[%cond3A_338, %dma_wait3A] : memref<32x128xi32, #tpu.memory_space<vmem>> -> memref<1x128xi32, #tpu.memory_space<vmem>>
        %dma_wait3A_508 = tpu.memref_squeeze %dma_wait3A_507 : memref<1x128xi32, #tpu.memory_space<vmem>> -> memref<128xi32, #tpu.memory_space<vmem>>
        %dma_wait3A_509 = arith.constant 0 : i32
        %dma_wait3A_510 = arith.constant 0 : i32
        %dma_wait3A_511 = tpu.memref_slice %arg2[%dma_wait3A_509, %dma_wait3A_510] : memref<10240x128xf32, #tpu.memory_space<hbm>> -> memref<10240x128xf32, #tpu.memory_space<hbm>>
        tpu.wait_indirect_dma semaphore(%arg10 : memref<!tpu.dma_semaphore, #tpu.memory_space<semaphore_mem>>) src(%dma_wait3A_511 : memref<10240x128xf32, #tpu.memory_space<hbm>>) dst(%arg8 : memref<128x128xf32, #tpu.memory_space<vmem>>)
        %dma_start3A = arith.constant 0 : i32
        %dma_start3A_512 = tpu.memref_slice %arg5[%cond3A_339, %dma_start3A] : memref<32x128xi32, #tpu.memory_space<vmem>> -> memref<1x128xi32, #tpu.memory_space<vmem>>
        %dma_start3A_513 = tpu.memref_squeeze %dma_start3A_512 : memref<1x128xi32, #tpu.memory_space<vmem>> -> memref<128xi32, #tpu.memory_space<vmem>>
        %dma_start3A_514 = arith.constant 0 : i32
        %dma_start3A_515 = arith.constant 0 : i32
        %dma_start3A_516 = tpu.memref_slice %arg13[%dma_start3A_514, %dma_start3A_515] : memref<10240x128xf32, #tpu.memory_space<vmem_shared>> -> memref<10240x128xf32, #tpu.memory_space<vmem_shared>>
        tpu.enqueue_indirect_dma source(%arg8 : memref<128x128xf32, #tpu.memory_space<vmem>>) target(%dma_start3A_516 : memref<10240x128xf32, #tpu.memory_space<vmem_shared>>) offsets(%dma_start3A_513 : memref<128xi32, #tpu.memory_space<vmem>>) semaphore(%arg12 : memref<!tpu.dma_semaphore, #tpu.memory_space<semaphore_mem>>) {add = true}
      } else {
      }
      %convert_element_type3A_342 = arith.extui %lt3A_56 : i1 to i32
      %cond3A_343 = arith.constant 5 : i32
      %cond3A_344 = arith.constant 0 : i32
      %cond3A_345 = arith.cmpi ne, %convert_element_type3A_342, %cond3A_344 : i32
      scf.if %cond3A_345 {
        %dma_wait3A = arith.constant 0 : i32
        %dma_wait3A_507 = tpu.memref_slice %arg5[%cond3A_343, %dma_wait3A] : memref<32x128xi32, #tpu.memory_space<vmem>> -> memref<1x128xi32, #tpu.memory_space<vmem>>
        %dma_wait3A_508 = tpu.memref_squeeze %dma_wait3A_507 : memref<1x128xi32, #tpu.memory_space<vmem>> -> memref<128xi32, #tpu.memory_space<vmem>>
        %dma_wait3A_509 = arith.constant 0 : i32
        %dma_wait3A_510 = arith.constant 0 : i32
        %dma_wait3A_511 = tpu.memref_slice %arg13[%dma_wait3A_509, %dma_wait3A_510] : memref<10240x128xf32, #tpu.memory_space<vmem_shared>> -> memref<10240x128xf32, #tpu.memory_space<vmem_shared>>
        tpu.wait_indirect_dma semaphore(%arg11 : memref<!tpu.dma_semaphore, #tpu.memory_space<semaphore_mem>>) src(%arg7 : memref<128x128xf32, #tpu.memory_space<vmem>>) dst(%dma_wait3A_511 : memref<10240x128xf32, #tpu.memory_space<vmem_shared>>)
      } else {
      }
      %convert_element_type3A_346 = arith.extui %lt3A_64 : i1 to i32
      %cond3A_347 = arith.constant 8 : i32
      %cond3A_348 = arith.constant 0 : i32
      %cond3A_349 = arith.cmpi ne, %convert_element_type3A_346, %cond3A_348 : i32
      scf.if %cond3A_349 {
        %dma_start3A = arith.constant 0 : i32
        %dma_start3A_507 = tpu.memref_slice %arg5[%cond3A_347, %dma_start3A] : memref<32x128xi32, #tpu.memory_space<vmem>> -> memref<1x128xi32, #tpu.memory_space<vmem>>
        %dma_start3A_508 = tpu.memref_squeeze %dma_start3A_507 : memref<1x128xi32, #tpu.memory_space<vmem>> -> memref<128xi32, #tpu.memory_space<vmem>>
        %dma_start3A_509 = arith.constant 0 : i32
        %dma_start3A_510 = arith.constant 0 : i32
        %dma_start3A_511 = tpu.memref_slice %arg2[%dma_start3A_509, %dma_start3A_510] : memref<10240x128xf32, #tpu.memory_space<hbm>> -> memref<10240x128xf32, #tpu.memory_space<hbm>>
        tpu.enqueue_indirect_dma source(%dma_start3A_511 : memref<10240x128xf32, #tpu.memory_space<hbm>>) target(%arg7 : memref<128x128xf32, #tpu.memory_space<vmem>>) offsets(%dma_start3A_508 : memref<128xi32, #tpu.memory_space<vmem>>) semaphore(%arg9 : memref<!tpu.dma_semaphore, #tpu.memory_space<semaphore_mem>>)
      } else {
      }
      %convert_element_type3A_350 = arith.extui %lt3A_64 : i1 to i32
      %cond3A_351 = arith.constant 8 : i32
      %cond3A_352 = arith.constant 9 : i32
      %cond3A_353 = arith.constant 0 : i32
      %cond3A_354 = arith.cmpi ne, %convert_element_type3A_350, %cond3A_353 : i32
      scf.if %cond3A_354 {
        %dma_wait3A = arith.constant 0 : i32
        %dma_wait3A_507 = tpu.memref_slice %arg5[%cond3A_351, %dma_wait3A] : memref<32x128xi32, #tpu.memory_space<vmem>> -> memref<1x128xi32, #tpu.memory_space<vmem>>
        %dma_wait3A_508 = tpu.memref_squeeze %dma_wait3A_507 : memref<1x128xi32, #tpu.memory_space<vmem>> -> memref<128xi32, #tpu.memory_space<vmem>>
        %dma_wait3A_509 = arith.constant 0 : i32
        %dma_wait3A_510 = arith.constant 0 : i32
        %dma_wait3A_511 = tpu.memref_slice %arg2[%dma_wait3A_509, %dma_wait3A_510] : memref<10240x128xf32, #tpu.memory_space<hbm>> -> memref<10240x128xf32, #tpu.memory_space<hbm>>
        tpu.wait_indirect_dma semaphore(%arg9 : memref<!tpu.dma_semaphore, #tpu.memory_space<semaphore_mem>>) src(%dma_wait3A_511 : memref<10240x128xf32, #tpu.memory_space<hbm>>) dst(%arg7 : memref<128x128xf32, #tpu.memory_space<vmem>>)
        %dma_start3A = arith.constant 0 : i32
        %dma_start3A_512 = tpu.memref_slice %arg5[%cond3A_352, %dma_start3A] : memref<32x128xi32, #tpu.memory_space<vmem>> -> memref<1x128xi32, #tpu.memory_space<vmem>>
        %dma_start3A_513 = tpu.memref_squeeze %dma_start3A_512 : memref<1x128xi32, #tpu.memory_space<vmem>> -> memref<128xi32, #tpu.memory_space<vmem>>
        %dma_start3A_514 = arith.constant 0 : i32
        %dma_start3A_515 = arith.constant 0 : i32
        %dma_start3A_516 = tpu.memref_slice %arg13[%dma_start3A_514, %dma_start3A_515] : memref<10240x128xf32, #tpu.memory_space<vmem_shared>> -> memref<10240x128xf32, #tpu.memory_space<vmem_shared>>
        tpu.enqueue_indirect_dma source(%arg7 : memref<128x128xf32, #tpu.memory_space<vmem>>) target(%dma_start3A_516 : memref<10240x128xf32, #tpu.memory_space<vmem_shared>>) offsets(%dma_start3A_513 : memref<128xi32, #tpu.memory_space<vmem>>) semaphore(%arg11 : memref<!tpu.dma_semaphore, #tpu.memory_space<semaphore_mem>>) {add = true}
      } else {
      }
      %convert_element_type3A_355 = arith.extui %lt3A_60 : i1 to i32
      %cond3A_356 = arith.constant 7 : i32
      %cond3A_357 = arith.constant 0 : i32
      %cond3A_358 = arith.cmpi ne, %convert_element_type3A_355, %cond3A_357 : i32
      scf.if %cond3A_358 {
        %dma_wait3A = arith.constant 0 : i32
        %dma_wait3A_507 = tpu.memref_slice %arg5[%cond3A_356, %dma_wait3A] : memref<32x128xi32, #tpu.memory_space<vmem>> -> memref<1x128xi32, #tpu.memory_space<vmem>>
        %dma_wait3A_508 = tpu.memref_squeeze %dma_wait3A_507 : memref<1x128xi32, #tpu.memory_space<vmem>> -> memref<128xi32, #tpu.memory_space<vmem>>
        %dma_wait3A_509 = arith.constant 0 : i32
        %dma_wait3A_510 = arith.constant 0 : i32
        %dma_wait3A_511 = tpu.memref_slice %arg13[%dma_wait3A_509, %dma_wait3A_510] : memref<10240x128xf32, #tpu.memory_space<vmem_shared>> -> memref<10240x128xf32, #tpu.memory_space<vmem_shared>>
        tpu.wait_indirect_dma semaphore(%arg12 : memref<!tpu.dma_semaphore, #tpu.memory_space<semaphore_mem>>) src(%arg8 : memref<128x128xf32, #tpu.memory_space<vmem>>) dst(%dma_wait3A_511 : memref<10240x128xf32, #tpu.memory_space<vmem_shared>>)
      } else {
      }
      %convert_element_type3A_359 = arith.extui %lt3A_68 : i1 to i32
      %cond3A_360 = arith.constant 10 : i32
      %cond3A_361 = arith.constant 0 : i32
      %cond3A_362 = arith.cmpi ne, %convert_element_type3A_359, %cond3A_361 : i32
      scf.if %cond3A_362 {
        %dma_start3A = arith.constant 0 : i32
        %dma_start3A_507 = tpu.memref_slice %arg5[%cond3A_360, %dma_start3A] : memref<32x128xi32, #tpu.memory_space<vmem>> -> memref<1x128xi32, #tpu.memory_space<vmem>>
        %dma_start3A_508 = tpu.memref_squeeze %dma_start3A_507 : memref<1x128xi32, #tpu.memory_space<vmem>> -> memref<128xi32, #tpu.memory_space<vmem>>
        %dma_start3A_509 = arith.constant 0 : i32
        %dma_start3A_510 = arith.constant 0 : i32
        %dma_start3A_511 = tpu.memref_slice %arg2[%dma_start3A_509, %dma_start3A_510] : memref<10240x128xf32, #tpu.memory_space<hbm>> -> memref<10240x128xf32, #tpu.memory_space<hbm>>
        tpu.enqueue_indirect_dma source(%dma_start3A_511 : memref<10240x128xf32, #tpu.memory_space<hbm>>) target(%arg8 : memref<128x128xf32, #tpu.memory_space<vmem>>) offsets(%dma_start3A_508 : memref<128xi32, #tpu.memory_space<vmem>>) semaphore(%arg10 : memref<!tpu.dma_semaphore, #tpu.memory_space<semaphore_mem>>)
      } else {
      }
      %convert_element_type3A_363 = arith.extui %lt3A_68 : i1 to i32
      %cond3A_364 = arith.constant 10 : i32
      %cond3A_365 = arith.constant 11 : i32
      %cond3A_366 = arith.constant 0 : i32
      %cond3A_367 = arith.cmpi ne, %convert_element_type3A_363, %cond3A_366 : i32
      scf.if %cond3A_367 {
        %dma_wait3A = arith.constant 0 : i32
        %dma_wait3A_507 = tpu.memref_slice %arg5[%cond3A_364, %dma_wait3A] : memref<32x128xi32, #tpu.memory_space<vmem>> -> memref<1x128xi32, #tpu.memory_space<vmem>>
        %dma_wait3A_508 = tpu.memref_squeeze %dma_wait3A_507 : memref<1x128xi32, #tpu.memory_space<vmem>> -> memref<128xi32, #tpu.memory_space<vmem>>
        %dma_wait3A_509 = arith.constant 0 : i32
        %dma_wait3A_510 = arith.constant 0 : i32
        %dma_wait3A_511 = tpu.memref_slice %arg2[%dma_wait3A_509, %dma_wait3A_510] : memref<10240x128xf32, #tpu.memory_space<hbm>> -> memref<10240x128xf32, #tpu.memory_space<hbm>>
        tpu.wait_indirect_dma semaphore(%arg10 : memref<!tpu.dma_semaphore, #tpu.memory_space<semaphore_mem>>) src(%dma_wait3A_511 : memref<10240x128xf32, #tpu.memory_space<hbm>>) dst(%arg8 : memref<128x128xf32, #tpu.memory_space<vmem>>)
        %dma_start3A = arith.constant 0 : i32
        %dma_start3A_512 = tpu.memref_slice %arg5[%cond3A_365, %dma_start3A] : memref<32x128xi32, #tpu.memory_space<vmem>> -> memref<1x128xi32, #tpu.memory_space<vmem>>
        %dma_start3A_513 = tpu.memref_squeeze %dma_start3A_512 : memref<1x128xi32, #tpu.memory_space<vmem>> -> memref<128xi32, #tpu.memory_space<vmem>>
        %dma_start3A_514 = arith.constant 0 : i32
        %dma_start3A_515 = arith.constant 0 : i32
        %dma_start3A_516 = tpu.memref_slice %arg13[%dma_start3A_514, %dma_start3A_515] : memref<10240x128xf32, #tpu.memory_space<vmem_shared>> -> memref<10240x128xf32, #tpu.memory_space<vmem_shared>>
        tpu.enqueue_indirect_dma source(%arg8 : memref<128x128xf32, #tpu.memory_space<vmem>>) target(%dma_start3A_516 : memref<10240x128xf32, #tpu.memory_space<vmem_shared>>) offsets(%dma_start3A_513 : memref<128xi32, #tpu.memory_space<vmem>>) semaphore(%arg12 : memref<!tpu.dma_semaphore, #tpu.memory_space<semaphore_mem>>) {add = true}
      } else {
      }
      %convert_element_type3A_368 = arith.extui %lt3A_64 : i1 to i32
      %cond3A_369 = arith.constant 9 : i32
      %cond3A_370 = arith.constant 0 : i32
      %cond3A_371 = arith.cmpi ne, %convert_element_type3A_368, %cond3A_370 : i32
      scf.if %cond3A_371 {
        %dma_wait3A = arith.constant 0 : i32
        %dma_wait3A_507 = tpu.memref_slice %arg5[%cond3A_369, %dma_wait3A] : memref<32x128xi32, #tpu.memory_space<vmem>> -> memref<1x128xi32, #tpu.memory_space<vmem>>
        %dma_wait3A_508 = tpu.memref_squeeze %dma_wait3A_507 : memref<1x128xi32, #tpu.memory_space<vmem>> -> memref<128xi32, #tpu.memory_space<vmem>>
        %dma_wait3A_509 = arith.constant 0 : i32
        %dma_wait3A_510 = arith.constant 0 : i32
        %dma_wait3A_511 = tpu.memref_slice %arg13[%dma_wait3A_509, %dma_wait3A_510] : memref<10240x128xf32, #tpu.memory_space<vmem_shared>> -> memref<10240x128xf32, #tpu.memory_space<vmem_shared>>
        tpu.wait_indirect_dma semaphore(%arg11 : memref<!tpu.dma_semaphore, #tpu.memory_space<semaphore_mem>>) src(%arg7 : memref<128x128xf32, #tpu.memory_space<vmem>>) dst(%dma_wait3A_511 : memref<10240x128xf32, #tpu.memory_space<vmem_shared>>)
      } else {
      }
      %convert_element_type3A_372 = arith.extui %lt3A_72 : i1 to i32
      %cond3A_373 = arith.constant 12 : i32
      %cond3A_374 = arith.constant 0 : i32
      %cond3A_375 = arith.cmpi ne, %convert_element_type3A_372, %cond3A_374 : i32
      scf.if %cond3A_375 {
        %dma_start3A = arith.constant 0 : i32
        %dma_start3A_507 = tpu.memref_slice %arg5[%cond3A_373, %dma_start3A] : memref<32x128xi32, #tpu.memory_space<vmem>> -> memref<1x128xi32, #tpu.memory_space<vmem>>
        %dma_start3A_508 = tpu.memref_squeeze %dma_start3A_507 : memref<1x128xi32, #tpu.memory_space<vmem>> -> memref<128xi32, #tpu.memory_space<vmem>>
        %dma_start3A_509 = arith.constant 0 : i32
        %dma_start3A_510 = arith.constant 0 : i32
        %dma_start3A_511 = tpu.memref_slice %arg2[%dma_start3A_509, %dma_start3A_510] : memref<10240x128xf32, #tpu.memory_space<hbm>> -> memref<10240x128xf32, #tpu.memory_space<hbm>>
        tpu.enqueue_indirect_dma source(%dma_start3A_511 : memref<10240x128xf32, #tpu.memory_space<hbm>>) target(%arg7 : memref<128x128xf32, #tpu.memory_space<vmem>>) offsets(%dma_start3A_508 : memref<128xi32, #tpu.memory_space<vmem>>) semaphore(%arg9 : memref<!tpu.dma_semaphore, #tpu.memory_space<semaphore_mem>>)
      } else {
      }
      %convert_element_type3A_376 = arith.extui %lt3A_72 : i1 to i32
      %cond3A_377 = arith.constant 12 : i32
      %cond3A_378 = arith.constant 13 : i32
      %cond3A_379 = arith.constant 0 : i32
      %cond3A_380 = arith.cmpi ne, %convert_element_type3A_376, %cond3A_379 : i32
      scf.if %cond3A_380 {
        %dma_wait3A = arith.constant 0 : i32
        %dma_wait3A_507 = tpu.memref_slice %arg5[%cond3A_377, %dma_wait3A] : memref<32x128xi32, #tpu.memory_space<vmem>> -> memref<1x128xi32, #tpu.memory_space<vmem>>
        %dma_wait3A_508 = tpu.memref_squeeze %dma_wait3A_507 : memref<1x128xi32, #tpu.memory_space<vmem>> -> memref<128xi32, #tpu.memory_space<vmem>>
        %dma_wait3A_509 = arith.constant 0 : i32
        %dma_wait3A_510 = arith.constant 0 : i32
        %dma_wait3A_511 = tpu.memref_slice %arg2[%dma_wait3A_509, %dma_wait3A_510] : memref<10240x128xf32, #tpu.memory_space<hbm>> -> memref<10240x128xf32, #tpu.memory_space<hbm>>
        tpu.wait_indirect_dma semaphore(%arg9 : memref<!tpu.dma_semaphore, #tpu.memory_space<semaphore_mem>>) src(%dma_wait3A_511 : memref<10240x128xf32, #tpu.memory_space<hbm>>) dst(%arg7 : memref<128x128xf32, #tpu.memory_space<vmem>>)
        %dma_start3A = arith.constant 0 : i32
        %dma_start3A_512 = tpu.memref_slice %arg5[%cond3A_378, %dma_start3A] : memref<32x128xi32, #tpu.memory_space<vmem>> -> memref<1x128xi32, #tpu.memory_space<vmem>>
        %dma_start3A_513 = tpu.memref_squeeze %dma_start3A_512 : memref<1x128xi32, #tpu.memory_space<vmem>> -> memref<128xi32, #tpu.memory_space<vmem>>
        %dma_start3A_514 = arith.constant 0 : i32
        %dma_start3A_515 = arith.constant 0 : i32
        %dma_start3A_516 = tpu.memref_slice %arg13[%dma_start3A_514, %dma_start3A_515] : memref<10240x128xf32, #tpu.memory_space<vmem_shared>> -> memref<10240x128xf32, #tpu.memory_space<vmem_shared>>
        tpu.enqueue_indirect_dma source(%arg7 : memref<128x128xf32, #tpu.memory_space<vmem>>) target(%dma_start3A_516 : memref<10240x128xf32, #tpu.memory_space<vmem_shared>>) offsets(%dma_start3A_513 : memref<128xi32, #tpu.memory_space<vmem>>) semaphore(%arg11 : memref<!tpu.dma_semaphore, #tpu.memory_space<semaphore_mem>>) {add = true}
      } else {
      }
      %convert_element_type3A_381 = arith.extui %lt3A_68 : i1 to i32
      %cond3A_382 = arith.constant 11 : i32
      %cond3A_383 = arith.constant 0 : i32
      %cond3A_384 = arith.cmpi ne, %convert_element_type3A_381, %cond3A_383 : i32
      scf.if %cond3A_384 {
        %dma_wait3A = arith.constant 0 : i32
        %dma_wait3A_507 = tpu.memref_slice %arg5[%cond3A_382, %dma_wait3A] : memref<32x128xi32, #tpu.memory_space<vmem>> -> memref<1x128xi32, #tpu.memory_space<vmem>>
        %dma_wait3A_508 = tpu.memref_squeeze %dma_wait3A_507 : memref<1x128xi32, #tpu.memory_space<vmem>> -> memref<128xi32, #tpu.memory_space<vmem>>
        %dma_wait3A_509 = arith.constant 0 : i32
        %dma_wait3A_510 = arith.constant 0 : i32
        %dma_wait3A_511 = tpu.memref_slice %arg13[%dma_wait3A_509, %dma_wait3A_510] : memref<10240x128xf32, #tpu.memory_space<vmem_shared>> -> memref<10240x128xf32, #tpu.memory_space<vmem_shared>>
        tpu.wait_indirect_dma semaphore(%arg12 : memref<!tpu.dma_semaphore, #tpu.memory_space<semaphore_mem>>) src(%arg8 : memref<128x128xf32, #tpu.memory_space<vmem>>) dst(%dma_wait3A_511 : memref<10240x128xf32, #tpu.memory_space<vmem_shared>>)
      } else {
      }
      %convert_element_type3A_385 = arith.extui %lt3A_76 : i1 to i32
      %cond3A_386 = arith.constant 14 : i32
      %cond3A_387 = arith.constant 0 : i32
      %cond3A_388 = arith.cmpi ne, %convert_element_type3A_385, %cond3A_387 : i32
      scf.if %cond3A_388 {
        %dma_start3A = arith.constant 0 : i32
        %dma_start3A_507 = tpu.memref_slice %arg5[%cond3A_386, %dma_start3A] : memref<32x128xi32, #tpu.memory_space<vmem>> -> memref<1x128xi32, #tpu.memory_space<vmem>>
        %dma_start3A_508 = tpu.memref_squeeze %dma_start3A_507 : memref<1x128xi32, #tpu.memory_space<vmem>> -> memref<128xi32, #tpu.memory_space<vmem>>
        %dma_start3A_509 = arith.constant 0 : i32
        %dma_start3A_510 = arith.constant 0 : i32
        %dma_start3A_511 = tpu.memref_slice %arg2[%dma_start3A_509, %dma_start3A_510] : memref<10240x128xf32, #tpu.memory_space<hbm>> -> memref<10240x128xf32, #tpu.memory_space<hbm>>
        tpu.enqueue_indirect_dma source(%dma_start3A_511 : memref<10240x128xf32, #tpu.memory_space<hbm>>) target(%arg8 : memref<128x128xf32, #tpu.memory_space<vmem>>) offsets(%dma_start3A_508 : memref<128xi32, #tpu.memory_space<vmem>>) semaphore(%arg10 : memref<!tpu.dma_semaphore, #tpu.memory_space<semaphore_mem>>)
      } else {
      }
      %convert_element_type3A_389 = arith.extui %lt3A_76 : i1 to i32
      %cond3A_390 = arith.constant 14 : i32
      %cond3A_391 = arith.constant 15 : i32
      %cond3A_392 = arith.constant 0 : i32
      %cond3A_393 = arith.cmpi ne, %convert_element_type3A_389, %cond3A_392 : i32
      scf.if %cond3A_393 {
        %dma_wait3A = arith.constant 0 : i32
        %dma_wait3A_507 = tpu.memref_slice %arg5[%cond3A_390, %dma_wait3A] : memref<32x128xi32, #tpu.memory_space<vmem>> -> memref<1x128xi32, #tpu.memory_space<vmem>>
        %dma_wait3A_508 = tpu.memref_squeeze %dma_wait3A_507 : memref<1x128xi32, #tpu.memory_space<vmem>> -> memref<128xi32, #tpu.memory_space<vmem>>
        %dma_wait3A_509 = arith.constant 0 : i32
        %dma_wait3A_510 = arith.constant 0 : i32
        %dma_wait3A_511 = tpu.memref_slice %arg2[%dma_wait3A_509, %dma_wait3A_510] : memref<10240x128xf32, #tpu.memory_space<hbm>> -> memref<10240x128xf32, #tpu.memory_space<hbm>>
        tpu.wait_indirect_dma semaphore(%arg10 : memref<!tpu.dma_semaphore, #tpu.memory_space<semaphore_mem>>) src(%dma_wait3A_511 : memref<10240x128xf32, #tpu.memory_space<hbm>>) dst(%arg8 : memref<128x128xf32, #tpu.memory_space<vmem>>)
        %dma_start3A = arith.constant 0 : i32
        %dma_start3A_512 = tpu.memref_slice %arg5[%cond3A_391, %dma_start3A] : memref<32x128xi32, #tpu.memory_space<vmem>> -> memref<1x128xi32, #tpu.memory_space<vmem>>
        %dma_start3A_513 = tpu.memref_squeeze %dma_start3A_512 : memref<1x128xi32, #tpu.memory_space<vmem>> -> memref<128xi32, #tpu.memory_space<vmem>>
        %dma_start3A_514 = arith.constant 0 : i32
        %dma_start3A_515 = arith.constant 0 : i32
        %dma_start3A_516 = tpu.memref_slice %arg13[%dma_start3A_514, %dma_start3A_515] : memref<10240x128xf32, #tpu.memory_space<vmem_shared>> -> memref<10240x128xf32, #tpu.memory_space<vmem_shared>>
        tpu.enqueue_indirect_dma source(%arg8 : memref<128x128xf32, #tpu.memory_space<vmem>>) target(%dma_start3A_516 : memref<10240x128xf32, #tpu.memory_space<vmem_shared>>) offsets(%dma_start3A_513 : memref<128xi32, #tpu.memory_space<vmem>>) semaphore(%arg12 : memref<!tpu.dma_semaphore, #tpu.memory_space<semaphore_mem>>) {add = true}
      } else {
      }
      %convert_element_type3A_394 = arith.extui %lt3A_72 : i1 to i32
      %cond3A_395 = arith.constant 13 : i32
      %cond3A_396 = arith.constant 0 : i32
      %cond3A_397 = arith.cmpi ne, %convert_element_type3A_394, %cond3A_396 : i32
      scf.if %cond3A_397 {
        %dma_wait3A = arith.constant 0 : i32
        %dma_wait3A_507 = tpu.memref_slice %arg5[%cond3A_395, %dma_wait3A] : memref<32x128xi32, #tpu.memory_space<vmem>> -> memref<1x128xi32, #tpu.memory_space<vmem>>
        %dma_wait3A_508 = tpu.memref_squeeze %dma_wait3A_507 : memref<1x128xi32, #tpu.memory_space<vmem>> -> memref<128xi32, #tpu.memory_space<vmem>>
        %dma_wait3A_509 = arith.constant 0 : i32
        %dma_wait3A_510 = arith.constant 0 : i32
        %dma_wait3A_511 = tpu.memref_slice %arg13[%dma_wait3A_509, %dma_wait3A_510] : memref<10240x128xf32, #tpu.memory_space<vmem_shared>> -> memref<10240x128xf32, #tpu.memory_space<vmem_shared>>
        tpu.wait_indirect_dma semaphore(%arg11 : memref<!tpu.dma_semaphore, #tpu.memory_space<semaphore_mem>>) src(%arg7 : memref<128x128xf32, #tpu.memory_space<vmem>>) dst(%dma_wait3A_511 : memref<10240x128xf32, #tpu.memory_space<vmem_shared>>)
      } else {
      }
      %convert_element_type3A_398 = arith.extui %lt3A_80 : i1 to i32
      %cond3A_399 = arith.constant 16 : i32
      %cond3A_400 = arith.constant 0 : i32
      %cond3A_401 = arith.cmpi ne, %convert_element_type3A_398, %cond3A_400 : i32
      scf.if %cond3A_401 {
        %dma_start3A = arith.constant 0 : i32
        %dma_start3A_507 = tpu.memref_slice %arg5[%cond3A_399, %dma_start3A] : memref<32x128xi32, #tpu.memory_space<vmem>> -> memref<1x128xi32, #tpu.memory_space<vmem>>
        %dma_start3A_508 = tpu.memref_squeeze %dma_start3A_507 : memref<1x128xi32, #tpu.memory_space<vmem>> -> memref<128xi32, #tpu.memory_space<vmem>>
        %dma_start3A_509 = arith.constant 0 : i32
        %dma_start3A_510 = arith.constant 0 : i32
        %dma_start3A_511 = tpu.memref_slice %arg2[%dma_start3A_509, %dma_start3A_510] : memref<10240x128xf32, #tpu.memory_space<hbm>> -> memref<10240x128xf32, #tpu.memory_space<hbm>>
        tpu.enqueue_indirect_dma source(%dma_start3A_511 : memref<10240x128xf32, #tpu.memory_space<hbm>>) target(%arg7 : memref<128x128xf32, #tpu.memory_space<vmem>>) offsets(%dma_start3A_508 : memref<128xi32, #tpu.memory_space<vmem>>) semaphore(%arg9 : memref<!tpu.dma_semaphore, #tpu.memory_space<semaphore_mem>>)
      } else {
      }
      %convert_element_type3A_402 = arith.extui %lt3A_80 : i1 to i32
      %cond3A_403 = arith.constant 16 : i32
      %cond3A_404 = arith.constant 17 : i32
      %cond3A_405 = arith.constant 0 : i32
      %cond3A_406 = arith.cmpi ne, %convert_element_type3A_402, %cond3A_405 : i32
      scf.if %cond3A_406 {
        %dma_wait3A = arith.constant 0 : i32
        %dma_wait3A_507 = tpu.memref_slice %arg5[%cond3A_403, %dma_wait3A] : memref<32x128xi32, #tpu.memory_space<vmem>> -> memref<1x128xi32, #tpu.memory_space<vmem>>
        %dma_wait3A_508 = tpu.memref_squeeze %dma_wait3A_507 : memref<1x128xi32, #tpu.memory_space<vmem>> -> memref<128xi32, #tpu.memory_space<vmem>>
        %dma_wait3A_509 = arith.constant 0 : i32
        %dma_wait3A_510 = arith.constant 0 : i32
        %dma_wait3A_511 = tpu.memref_slice %arg2[%dma_wait3A_509, %dma_wait3A_510] : memref<10240x128xf32, #tpu.memory_space<hbm>> -> memref<10240x128xf32, #tpu.memory_space<hbm>>
        tpu.wait_indirect_dma semaphore(%arg9 : memref<!tpu.dma_semaphore, #tpu.memory_space<semaphore_mem>>) src(%dma_wait3A_511 : memref<10240x128xf32, #tpu.memory_space<hbm>>) dst(%arg7 : memref<128x128xf32, #tpu.memory_space<vmem>>)
        %dma_start3A = arith.constant 0 : i32
        %dma_start3A_512 = tpu.memref_slice %arg5[%cond3A_404, %dma_start3A] : memref<32x128xi32, #tpu.memory_space<vmem>> -> memref<1x128xi32, #tpu.memory_space<vmem>>
        %dma_start3A_513 = tpu.memref_squeeze %dma_start3A_512 : memref<1x128xi32, #tpu.memory_space<vmem>> -> memref<128xi32, #tpu.memory_space<vmem>>
        %dma_start3A_514 = arith.constant 0 : i32
        %dma_start3A_515 = arith.constant 0 : i32
        %dma_start3A_516 = tpu.memref_slice %arg13[%dma_start3A_514, %dma_start3A_515] : memref<10240x128xf32, #tpu.memory_space<vmem_shared>> -> memref<10240x128xf32, #tpu.memory_space<vmem_shared>>
        tpu.enqueue_indirect_dma source(%arg7 : memref<128x128xf32, #tpu.memory_space<vmem>>) target(%dma_start3A_516 : memref<10240x128xf32, #tpu.memory_space<vmem_shared>>) offsets(%dma_start3A_513 : memref<128xi32, #tpu.memory_space<vmem>>) semaphore(%arg11 : memref<!tpu.dma_semaphore, #tpu.memory_space<semaphore_mem>>) {add = true}
      } else {
      }
      %convert_element_type3A_407 = arith.extui %lt3A_76 : i1 to i32
      %cond3A_408 = arith.constant 15 : i32
      %cond3A_409 = arith.constant 0 : i32
      %cond3A_410 = arith.cmpi ne, %convert_element_type3A_407, %cond3A_409 : i32
      scf.if %cond3A_410 {
        %dma_wait3A = arith.constant 0 : i32
        %dma_wait3A_507 = tpu.memref_slice %arg5[%cond3A_408, %dma_wait3A] : memref<32x128xi32, #tpu.memory_space<vmem>> -> memref<1x128xi32, #tpu.memory_space<vmem>>
        %dma_wait3A_508 = tpu.memref_squeeze %dma_wait3A_507 : memref<1x128xi32, #tpu.memory_space<vmem>> -> memref<128xi32, #tpu.memory_space<vmem>>
        %dma_wait3A_509 = arith.constant 0 : i32
        %dma_wait3A_510 = arith.constant 0 : i32
        %dma_wait3A_511 = tpu.memref_slice %arg13[%dma_wait3A_509, %dma_wait3A_510] : memref<10240x128xf32, #tpu.memory_space<vmem_shared>> -> memref<10240x128xf32, #tpu.memory_space<vmem_shared>>
        tpu.wait_indirect_dma semaphore(%arg12 : memref<!tpu.dma_semaphore, #tpu.memory_space<semaphore_mem>>) src(%arg8 : memref<128x128xf32, #tpu.memory_space<vmem>>) dst(%dma_wait3A_511 : memref<10240x128xf32, #tpu.memory_space<vmem_shared>>)
      } else {
      }
      %convert_element_type3A_411 = arith.extui %lt3A_84 : i1 to i32
      %cond3A_412 = arith.constant 18 : i32
      %cond3A_413 = arith.constant 0 : i32
      %cond3A_414 = arith.cmpi ne, %convert_element_type3A_411, %cond3A_413 : i32
      scf.if %cond3A_414 {
        %dma_start3A = arith.constant 0 : i32
        %dma_start3A_507 = tpu.memref_slice %arg5[%cond3A_412, %dma_start3A] : memref<32x128xi32, #tpu.memory_space<vmem>> -> memref<1x128xi32, #tpu.memory_space<vmem>>
        %dma_start3A_508 = tpu.memref_squeeze %dma_start3A_507 : memref<1x128xi32, #tpu.memory_space<vmem>> -> memref<128xi32, #tpu.memory_space<vmem>>
        %dma_start3A_509 = arith.constant 0 : i32
        %dma_start3A_510 = arith.constant 0 : i32
        %dma_start3A_511 = tpu.memref_slice %arg2[%dma_start3A_509, %dma_start3A_510] : memref<10240x128xf32, #tpu.memory_space<hbm>> -> memref<10240x128xf32, #tpu.memory_space<hbm>>
        tpu.enqueue_indirect_dma source(%dma_start3A_511 : memref<10240x128xf32, #tpu.memory_space<hbm>>) target(%arg8 : memref<128x128xf32, #tpu.memory_space<vmem>>) offsets(%dma_start3A_508 : memref<128xi32, #tpu.memory_space<vmem>>) semaphore(%arg10 : memref<!tpu.dma_semaphore, #tpu.memory_space<semaphore_mem>>)
      } else {
      }
      %convert_element_type3A_415 = arith.extui %lt3A_84 : i1 to i32
      %cond3A_416 = arith.constant 18 : i32
      %cond3A_417 = arith.constant 19 : i32
      %cond3A_418 = arith.constant 0 : i32
      %cond3A_419 = arith.cmpi ne, %convert_element_type3A_415, %cond3A_418 : i32
      scf.if %cond3A_419 {
        %dma_wait3A = arith.constant 0 : i32
        %dma_wait3A_507 = tpu.memref_slice %arg5[%cond3A_416, %dma_wait3A] : memref<32x128xi32, #tpu.memory_space<vmem>> -> memref<1x128xi32, #tpu.memory_space<vmem>>
        %dma_wait3A_508 = tpu.memref_squeeze %dma_wait3A_507 : memref<1x128xi32, #tpu.memory_space<vmem>> -> memref<128xi32, #tpu.memory_space<vmem>>
        %dma_wait3A_509 = arith.constant 0 : i32
        %dma_wait3A_510 = arith.constant 0 : i32
        %dma_wait3A_511 = tpu.memref_slice %arg2[%dma_wait3A_509, %dma_wait3A_510] : memref<10240x128xf32, #tpu.memory_space<hbm>> -> memref<10240x128xf32, #tpu.memory_space<hbm>>
        tpu.wait_indirect_dma semaphore(%arg10 : memref<!tpu.dma_semaphore, #tpu.memory_space<semaphore_mem>>) src(%dma_wait3A_511 : memref<10240x128xf32, #tpu.memory_space<hbm>>) dst(%arg8 : memref<128x128xf32, #tpu.memory_space<vmem>>)
        %dma_start3A = arith.constant 0 : i32
        %dma_start3A_512 = tpu.memref_slice %arg5[%cond3A_417, %dma_start3A] : memref<32x128xi32, #tpu.memory_space<vmem>> -> memref<1x128xi32, #tpu.memory_space<vmem>>
        %dma_start3A_513 = tpu.memref_squeeze %dma_start3A_512 : memref<1x128xi32, #tpu.memory_space<vmem>> -> memref<128xi32, #tpu.memory_space<vmem>>
        %dma_start3A_514 = arith.constant 0 : i32
        %dma_start3A_515 = arith.constant 0 : i32
        %dma_start3A_516 = tpu.memref_slice %arg13[%dma_start3A_514, %dma_start3A_515] : memref<10240x128xf32, #tpu.memory_space<vmem_shared>> -> memref<10240x128xf32, #tpu.memory_space<vmem_shared>>
        tpu.enqueue_indirect_dma source(%arg8 : memref<128x128xf32, #tpu.memory_space<vmem>>) target(%dma_start3A_516 : memref<10240x128xf32, #tpu.memory_space<vmem_shared>>) offsets(%dma_start3A_513 : memref<128xi32, #tpu.memory_space<vmem>>) semaphore(%arg12 : memref<!tpu.dma_semaphore, #tpu.memory_space<semaphore_mem>>) {add = true}
      } else {
      }
      %convert_element_type3A_420 = arith.extui %lt3A_80 : i1 to i32
      %cond3A_421 = arith.constant 17 : i32
      %cond3A_422 = arith.constant 0 : i32
      %cond3A_423 = arith.cmpi ne, %convert_element_type3A_420, %cond3A_422 : i32
      scf.if %cond3A_423 {
        %dma_wait3A = arith.constant 0 : i32
        %dma_wait3A_507 = tpu.memref_slice %arg5[%cond3A_421, %dma_wait3A] : memref<32x128xi32, #tpu.memory_space<vmem>> -> memref<1x128xi32, #tpu.memory_space<vmem>>
        %dma_wait3A_508 = tpu.memref_squeeze %dma_wait3A_507 : memref<1x128xi32, #tpu.memory_space<vmem>> -> memref<128xi32, #tpu.memory_space<vmem>>
        %dma_wait3A_509 = arith.constant 0 : i32
        %dma_wait3A_510 = arith.constant 0 : i32
        %dma_wait3A_511 = tpu.memref_slice %arg13[%dma_wait3A_509, %dma_wait3A_510] : memref<10240x128xf32, #tpu.memory_space<vmem_shared>> -> memref<10240x128xf32, #tpu.memory_space<vmem_shared>>
        tpu.wait_indirect_dma semaphore(%arg11 : memref<!tpu.dma_semaphore, #tpu.memory_space<semaphore_mem>>) src(%arg7 : memref<128x128xf32, #tpu.memory_space<vmem>>) dst(%dma_wait3A_511 : memref<10240x128xf32, #tpu.memory_space<vmem_shared>>)
      } else {
      }
      %convert_element_type3A_424 = arith.extui %lt3A_88 : i1 to i32
      %cond3A_425 = arith.constant 20 : i32
      %cond3A_426 = arith.constant 0 : i32
      %cond3A_427 = arith.cmpi ne, %convert_element_type3A_424, %cond3A_426 : i32
      scf.if %cond3A_427 {
        %dma_start3A = arith.constant 0 : i32
        %dma_start3A_507 = tpu.memref_slice %arg5[%cond3A_425, %dma_start3A] : memref<32x128xi32, #tpu.memory_space<vmem>> -> memref<1x128xi32, #tpu.memory_space<vmem>>
        %dma_start3A_508 = tpu.memref_squeeze %dma_start3A_507 : memref<1x128xi32, #tpu.memory_space<vmem>> -> memref<128xi32, #tpu.memory_space<vmem>>
        %dma_start3A_509 = arith.constant 0 : i32
        %dma_start3A_510 = arith.constant 0 : i32
        %dma_start3A_511 = tpu.memref_slice %arg2[%dma_start3A_509, %dma_start3A_510] : memref<10240x128xf32, #tpu.memory_space<hbm>> -> memref<10240x128xf32, #tpu.memory_space<hbm>>
        tpu.enqueue_indirect_dma source(%dma_start3A_511 : memref<10240x128xf32, #tpu.memory_space<hbm>>) target(%arg7 : memref<128x128xf32, #tpu.memory_space<vmem>>) offsets(%dma_start3A_508 : memref<128xi32, #tpu.memory_space<vmem>>) semaphore(%arg9 : memref<!tpu.dma_semaphore, #tpu.memory_space<semaphore_mem>>)
      } else {
      }
      %convert_element_type3A_428 = arith.extui %lt3A_88 : i1 to i32
      %cond3A_429 = arith.constant 20 : i32
      %cond3A_430 = arith.constant 21 : i32
      %cond3A_431 = arith.constant 0 : i32
      %cond3A_432 = arith.cmpi ne, %convert_element_type3A_428, %cond3A_431 : i32
      scf.if %cond3A_432 {
        %dma_wait3A = arith.constant 0 : i32
        %dma_wait3A_507 = tpu.memref_slice %arg5[%cond3A_429, %dma_wait3A] : memref<32x128xi32, #tpu.memory_space<vmem>> -> memref<1x128xi32, #tpu.memory_space<vmem>>
        %dma_wait3A_508 = tpu.memref_squeeze %dma_wait3A_507 : memref<1x128xi32, #tpu.memory_space<vmem>> -> memref<128xi32, #tpu.memory_space<vmem>>
        %dma_wait3A_509 = arith.constant 0 : i32
        %dma_wait3A_510 = arith.constant 0 : i32
        %dma_wait3A_511 = tpu.memref_slice %arg2[%dma_wait3A_509, %dma_wait3A_510] : memref<10240x128xf32, #tpu.memory_space<hbm>> -> memref<10240x128xf32, #tpu.memory_space<hbm>>
        tpu.wait_indirect_dma semaphore(%arg9 : memref<!tpu.dma_semaphore, #tpu.memory_space<semaphore_mem>>) src(%dma_wait3A_511 : memref<10240x128xf32, #tpu.memory_space<hbm>>) dst(%arg7 : memref<128x128xf32, #tpu.memory_space<vmem>>)
        %dma_start3A = arith.constant 0 : i32
        %dma_start3A_512 = tpu.memref_slice %arg5[%cond3A_430, %dma_start3A] : memref<32x128xi32, #tpu.memory_space<vmem>> -> memref<1x128xi32, #tpu.memory_space<vmem>>
        %dma_start3A_513 = tpu.memref_squeeze %dma_start3A_512 : memref<1x128xi32, #tpu.memory_space<vmem>> -> memref<128xi32, #tpu.memory_space<vmem>>
        %dma_start3A_514 = arith.constant 0 : i32
        %dma_start3A_515 = arith.constant 0 : i32
        %dma_start3A_516 = tpu.memref_slice %arg13[%dma_start3A_514, %dma_start3A_515] : memref<10240x128xf32, #tpu.memory_space<vmem_shared>> -> memref<10240x128xf32, #tpu.memory_space<vmem_shared>>
        tpu.enqueue_indirect_dma source(%arg7 : memref<128x128xf32, #tpu.memory_space<vmem>>) target(%dma_start3A_516 : memref<10240x128xf32, #tpu.memory_space<vmem_shared>>) offsets(%dma_start3A_513 : memref<128xi32, #tpu.memory_space<vmem>>) semaphore(%arg11 : memref<!tpu.dma_semaphore, #tpu.memory_space<semaphore_mem>>) {add = true}
      } else {
      }
      %convert_element_type3A_433 = arith.extui %lt3A_84 : i1 to i32
      %cond3A_434 = arith.constant 19 : i32
      %cond3A_435 = arith.constant 0 : i32
      %cond3A_436 = arith.cmpi ne, %convert_element_type3A_433, %cond3A_435 : i32
      scf.if %cond3A_436 {
        %dma_wait3A = arith.constant 0 : i32
        %dma_wait3A_507 = tpu.memref_slice %arg5[%cond3A_434, %dma_wait3A] : memref<32x128xi32, #tpu.memory_space<vmem>> -> memref<1x128xi32, #tpu.memory_space<vmem>>
        %dma_wait3A_508 = tpu.memref_squeeze %dma_wait3A_507 : memref<1x128xi32, #tpu.memory_space<vmem>> -> memref<128xi32, #tpu.memory_space<vmem>>
        %dma_wait3A_509 = arith.constant 0 : i32
        %dma_wait3A_510 = arith.constant 0 : i32
        %dma_wait3A_511 = tpu.memref_slice %arg13[%dma_wait3A_509, %dma_wait3A_510] : memref<10240x128xf32, #tpu.memory_space<vmem_shared>> -> memref<10240x128xf32, #tpu.memory_space<vmem_shared>>
        tpu.wait_indirect_dma semaphore(%arg12 : memref<!tpu.dma_semaphore, #tpu.memory_space<semaphore_mem>>) src(%arg8 : memref<128x128xf32, #tpu.memory_space<vmem>>) dst(%dma_wait3A_511 : memref<10240x128xf32, #tpu.memory_space<vmem_shared>>)
      } else {
      }
      %convert_element_type3A_437 = arith.extui %lt3A_92 : i1 to i32
      %cond3A_438 = arith.constant 22 : i32
      %cond3A_439 = arith.constant 0 : i32
      %cond3A_440 = arith.cmpi ne, %convert_element_type3A_437, %cond3A_439 : i32
      scf.if %cond3A_440 {
        %dma_start3A = arith.constant 0 : i32
        %dma_start3A_507 = tpu.memref_slice %arg5[%cond3A_438, %dma_start3A] : memref<32x128xi32, #tpu.memory_space<vmem>> -> memref<1x128xi32, #tpu.memory_space<vmem>>
        %dma_start3A_508 = tpu.memref_squeeze %dma_start3A_507 : memref<1x128xi32, #tpu.memory_space<vmem>> -> memref<128xi32, #tpu.memory_space<vmem>>
        %dma_start3A_509 = arith.constant 0 : i32
        %dma_start3A_510 = arith.constant 0 : i32
        %dma_start3A_511 = tpu.memref_slice %arg2[%dma_start3A_509, %dma_start3A_510] : memref<10240x128xf32, #tpu.memory_space<hbm>> -> memref<10240x128xf32, #tpu.memory_space<hbm>>
        tpu.enqueue_indirect_dma source(%dma_start3A_511 : memref<10240x128xf32, #tpu.memory_space<hbm>>) target(%arg8 : memref<128x128xf32, #tpu.memory_space<vmem>>) offsets(%dma_start3A_508 : memref<128xi32, #tpu.memory_space<vmem>>) semaphore(%arg10 : memref<!tpu.dma_semaphore, #tpu.memory_space<semaphore_mem>>)
      } else {
      }
      %convert_element_type3A_441 = arith.extui %lt3A_92 : i1 to i32
      %cond3A_442 = arith.constant 22 : i32
      %cond3A_443 = arith.constant 23 : i32
      %cond3A_444 = arith.constant 0 : i32
      %cond3A_445 = arith.cmpi ne, %convert_element_type3A_441, %cond3A_444 : i32
      scf.if %cond3A_445 {
        %dma_wait3A = arith.constant 0 : i32
        %dma_wait3A_507 = tpu.memref_slice %arg5[%cond3A_442, %dma_wait3A] : memref<32x128xi32, #tpu.memory_space<vmem>> -> memref<1x128xi32, #tpu.memory_space<vmem>>
        %dma_wait3A_508 = tpu.memref_squeeze %dma_wait3A_507 : memref<1x128xi32, #tpu.memory_space<vmem>> -> memref<128xi32, #tpu.memory_space<vmem>>
        %dma_wait3A_509 = arith.constant 0 : i32
        %dma_wait3A_510 = arith.constant 0 : i32
        %dma_wait3A_511 = tpu.memref_slice %arg2[%dma_wait3A_509, %dma_wait3A_510] : memref<10240x128xf32, #tpu.memory_space<hbm>> -> memref<10240x128xf32, #tpu.memory_space<hbm>>
        tpu.wait_indirect_dma semaphore(%arg10 : memref<!tpu.dma_semaphore, #tpu.memory_space<semaphore_mem>>) src(%dma_wait3A_511 : memref<10240x128xf32, #tpu.memory_space<hbm>>) dst(%arg8 : memref<128x128xf32, #tpu.memory_space<vmem>>)
        %dma_start3A = arith.constant 0 : i32
        %dma_start3A_512 = tpu.memref_slice %arg5[%cond3A_443, %dma_start3A] : memref<32x128xi32, #tpu.memory_space<vmem>> -> memref<1x128xi32, #tpu.memory_space<vmem>>
        %dma_start3A_513 = tpu.memref_squeeze %dma_start3A_512 : memref<1x128xi32, #tpu.memory_space<vmem>> -> memref<128xi32, #tpu.memory_space<vmem>>
        %dma_start3A_514 = arith.constant 0 : i32
        %dma_start3A_515 = arith.constant 0 : i32
        %dma_start3A_516 = tpu.memref_slice %arg13[%dma_start3A_514, %dma_start3A_515] : memref<10240x128xf32, #tpu.memory_space<vmem_shared>> -> memref<10240x128xf32, #tpu.memory_space<vmem_shared>>
        tpu.enqueue_indirect_dma source(%arg8 : memref<128x128xf32, #tpu.memory_space<vmem>>) target(%dma_start3A_516 : memref<10240x128xf32, #tpu.memory_space<vmem_shared>>) offsets(%dma_start3A_513 : memref<128xi32, #tpu.memory_space<vmem>>) semaphore(%arg12 : memref<!tpu.dma_semaphore, #tpu.memory_space<semaphore_mem>>) {add = true}
      } else {
      }
      %convert_element_type3A_446 = arith.extui %lt3A_88 : i1 to i32
      %cond3A_447 = arith.constant 21 : i32
      %cond3A_448 = arith.constant 0 : i32
      %cond3A_449 = arith.cmpi ne, %convert_element_type3A_446, %cond3A_448 : i32
      scf.if %cond3A_449 {
        %dma_wait3A = arith.constant 0 : i32
        %dma_wait3A_507 = tpu.memref_slice %arg5[%cond3A_447, %dma_wait3A] : memref<32x128xi32, #tpu.memory_space<vmem>> -> memref<1x128xi32, #tpu.memory_space<vmem>>
        %dma_wait3A_508 = tpu.memref_squeeze %dma_wait3A_507 : memref<1x128xi32, #tpu.memory_space<vmem>> -> memref<128xi32, #tpu.memory_space<vmem>>
        %dma_wait3A_509 = arith.constant 0 : i32
        %dma_wait3A_510 = arith.constant 0 : i32
        %dma_wait3A_511 = tpu.memref_slice %arg13[%dma_wait3A_509, %dma_wait3A_510] : memref<10240x128xf32, #tpu.memory_space<vmem_shared>> -> memref<10240x128xf32, #tpu.memory_space<vmem_shared>>
        tpu.wait_indirect_dma semaphore(%arg11 : memref<!tpu.dma_semaphore, #tpu.memory_space<semaphore_mem>>) src(%arg7 : memref<128x128xf32, #tpu.memory_space<vmem>>) dst(%dma_wait3A_511 : memref<10240x128xf32, #tpu.memory_space<vmem_shared>>)
      } else {
      }
      %convert_element_type3A_450 = arith.extui %lt3A_96 : i1 to i32
      %cond3A_451 = arith.constant 24 : i32
      %cond3A_452 = arith.constant 0 : i32
      %cond3A_453 = arith.cmpi ne, %convert_element_type3A_450, %cond3A_452 : i32
      scf.if %cond3A_453 {
        %dma_start3A = arith.constant 0 : i32
        %dma_start3A_507 = tpu.memref_slice %arg5[%cond3A_451, %dma_start3A] : memref<32x128xi32, #tpu.memory_space<vmem>> -> memref<1x128xi32, #tpu.memory_space<vmem>>
        %dma_start3A_508 = tpu.memref_squeeze %dma_start3A_507 : memref<1x128xi32, #tpu.memory_space<vmem>> -> memref<128xi32, #tpu.memory_space<vmem>>
        %dma_start3A_509 = arith.constant 0 : i32
        %dma_start3A_510 = arith.constant 0 : i32
        %dma_start3A_511 = tpu.memref_slice %arg2[%dma_start3A_509, %dma_start3A_510] : memref<10240x128xf32, #tpu.memory_space<hbm>> -> memref<10240x128xf32, #tpu.memory_space<hbm>>
        tpu.enqueue_indirect_dma source(%dma_start3A_511 : memref<10240x128xf32, #tpu.memory_space<hbm>>) target(%arg7 : memref<128x128xf32, #tpu.memory_space<vmem>>) offsets(%dma_start3A_508 : memref<128xi32, #tpu.memory_space<vmem>>) semaphore(%arg9 : memref<!tpu.dma_semaphore, #tpu.memory_space<semaphore_mem>>)
      } else {
      }
      %convert_element_type3A_454 = arith.extui %lt3A_96 : i1 to i32
      %cond3A_455 = arith.constant 24 : i32
      %cond3A_456 = arith.constant 25 : i32
      %cond3A_457 = arith.constant 0 : i32
      %cond3A_458 = arith.cmpi ne, %convert_element_type3A_454, %cond3A_457 : i32
      scf.if %cond3A_458 {
        %dma_wait3A = arith.constant 0 : i32
        %dma_wait3A_507 = tpu.memref_slice %arg5[%cond3A_455, %dma_wait3A] : memref<32x128xi32, #tpu.memory_space<vmem>> -> memref<1x128xi32, #tpu.memory_space<vmem>>
        %dma_wait3A_508 = tpu.memref_squeeze %dma_wait3A_507 : memref<1x128xi32, #tpu.memory_space<vmem>> -> memref<128xi32, #tpu.memory_space<vmem>>
        %dma_wait3A_509 = arith.constant 0 : i32
        %dma_wait3A_510 = arith.constant 0 : i32
        %dma_wait3A_511 = tpu.memref_slice %arg2[%dma_wait3A_509, %dma_wait3A_510] : memref<10240x128xf32, #tpu.memory_space<hbm>> -> memref<10240x128xf32, #tpu.memory_space<hbm>>
        tpu.wait_indirect_dma semaphore(%arg9 : memref<!tpu.dma_semaphore, #tpu.memory_space<semaphore_mem>>) src(%dma_wait3A_511 : memref<10240x128xf32, #tpu.memory_space<hbm>>) dst(%arg7 : memref<128x128xf32, #tpu.memory_space<vmem>>)
        %dma_start3A = arith.constant 0 : i32
        %dma_start3A_512 = tpu.memref_slice %arg5[%cond3A_456, %dma_start3A] : memref<32x128xi32, #tpu.memory_space<vmem>> -> memref<1x128xi32, #tpu.memory_space<vmem>>
        %dma_start3A_513 = tpu.memref_squeeze %dma_start3A_512 : memref<1x128xi32, #tpu.memory_space<vmem>> -> memref<128xi32, #tpu.memory_space<vmem>>
        %dma_start3A_514 = arith.constant 0 : i32
        %dma_start3A_515 = arith.constant 0 : i32
        %dma_start3A_516 = tpu.memref_slice %arg13[%dma_start3A_514, %dma_start3A_515] : memref<10240x128xf32, #tpu.memory_space<vmem_shared>> -> memref<10240x128xf32, #tpu.memory_space<vmem_shared>>
        tpu.enqueue_indirect_dma source(%arg7 : memref<128x128xf32, #tpu.memory_space<vmem>>) target(%dma_start3A_516 : memref<10240x128xf32, #tpu.memory_space<vmem_shared>>) offsets(%dma_start3A_513 : memref<128xi32, #tpu.memory_space<vmem>>) semaphore(%arg11 : memref<!tpu.dma_semaphore, #tpu.memory_space<semaphore_mem>>) {add = true}
      } else {
      }
      %convert_element_type3A_459 = arith.extui %lt3A_92 : i1 to i32
      %cond3A_460 = arith.constant 23 : i32
      %cond3A_461 = arith.constant 0 : i32
      %cond3A_462 = arith.cmpi ne, %convert_element_type3A_459, %cond3A_461 : i32
      scf.if %cond3A_462 {
        %dma_wait3A = arith.constant 0 : i32
        %dma_wait3A_507 = tpu.memref_slice %arg5[%cond3A_460, %dma_wait3A] : memref<32x128xi32, #tpu.memory_space<vmem>> -> memref<1x128xi32, #tpu.memory_space<vmem>>
        %dma_wait3A_508 = tpu.memref_squeeze %dma_wait3A_507 : memref<1x128xi32, #tpu.memory_space<vmem>> -> memref<128xi32, #tpu.memory_space<vmem>>
        %dma_wait3A_509 = arith.constant 0 : i32
        %dma_wait3A_510 = arith.constant 0 : i32
        %dma_wait3A_511 = tpu.memref_slice %arg13[%dma_wait3A_509, %dma_wait3A_510] : memref<10240x128xf32, #tpu.memory_space<vmem_shared>> -> memref<10240x128xf32, #tpu.memory_space<vmem_shared>>
        tpu.wait_indirect_dma semaphore(%arg12 : memref<!tpu.dma_semaphore, #tpu.memory_space<semaphore_mem>>) src(%arg8 : memref<128x128xf32, #tpu.memory_space<vmem>>) dst(%dma_wait3A_511 : memref<10240x128xf32, #tpu.memory_space<vmem_shared>>)
      } else {
      }
      %convert_element_type3A_463 = arith.extui %lt3A_100 : i1 to i32
      %cond3A_464 = arith.constant 26 : i32
      %cond3A_465 = arith.constant 0 : i32
      %cond3A_466 = arith.cmpi ne, %convert_element_type3A_463, %cond3A_465 : i32
      scf.if %cond3A_466 {
        %dma_start3A = arith.constant 0 : i32
        %dma_start3A_507 = tpu.memref_slice %arg5[%cond3A_464, %dma_start3A] : memref<32x128xi32, #tpu.memory_space<vmem>> -> memref<1x128xi32, #tpu.memory_space<vmem>>
        %dma_start3A_508 = tpu.memref_squeeze %dma_start3A_507 : memref<1x128xi32, #tpu.memory_space<vmem>> -> memref<128xi32, #tpu.memory_space<vmem>>
        %dma_start3A_509 = arith.constant 0 : i32
        %dma_start3A_510 = arith.constant 0 : i32
        %dma_start3A_511 = tpu.memref_slice %arg2[%dma_start3A_509, %dma_start3A_510] : memref<10240x128xf32, #tpu.memory_space<hbm>> -> memref<10240x128xf32, #tpu.memory_space<hbm>>
        tpu.enqueue_indirect_dma source(%dma_start3A_511 : memref<10240x128xf32, #tpu.memory_space<hbm>>) target(%arg8 : memref<128x128xf32, #tpu.memory_space<vmem>>) offsets(%dma_start3A_508 : memref<128xi32, #tpu.memory_space<vmem>>) semaphore(%arg10 : memref<!tpu.dma_semaphore, #tpu.memory_space<semaphore_mem>>)
      } else {
      }
      %convert_element_type3A_467 = arith.extui %lt3A_100 : i1 to i32
      %cond3A_468 = arith.constant 26 : i32
      %cond3A_469 = arith.constant 27 : i32
      %cond3A_470 = arith.constant 0 : i32
      %cond3A_471 = arith.cmpi ne, %convert_element_type3A_467, %cond3A_470 : i32
      scf.if %cond3A_471 {
        %dma_wait3A = arith.constant 0 : i32
        %dma_wait3A_507 = tpu.memref_slice %arg5[%cond3A_468, %dma_wait3A] : memref<32x128xi32, #tpu.memory_space<vmem>> -> memref<1x128xi32, #tpu.memory_space<vmem>>
        %dma_wait3A_508 = tpu.memref_squeeze %dma_wait3A_507 : memref<1x128xi32, #tpu.memory_space<vmem>> -> memref<128xi32, #tpu.memory_space<vmem>>
        %dma_wait3A_509 = arith.constant 0 : i32
        %dma_wait3A_510 = arith.constant 0 : i32
        %dma_wait3A_511 = tpu.memref_slice %arg2[%dma_wait3A_509, %dma_wait3A_510] : memref<10240x128xf32, #tpu.memory_space<hbm>> -> memref<10240x128xf32, #tpu.memory_space<hbm>>
        tpu.wait_indirect_dma semaphore(%arg10 : memref<!tpu.dma_semaphore, #tpu.memory_space<semaphore_mem>>) src(%dma_wait3A_511 : memref<10240x128xf32, #tpu.memory_space<hbm>>) dst(%arg8 : memref<128x128xf32, #tpu.memory_space<vmem>>)
        %dma_start3A = arith.constant 0 : i32
        %dma_start3A_512 = tpu.memref_slice %arg5[%cond3A_469, %dma_start3A] : memref<32x128xi32, #tpu.memory_space<vmem>> -> memref<1x128xi32, #tpu.memory_space<vmem>>
        %dma_start3A_513 = tpu.memref_squeeze %dma_start3A_512 : memref<1x128xi32, #tpu.memory_space<vmem>> -> memref<128xi32, #tpu.memory_space<vmem>>
        %dma_start3A_514 = arith.constant 0 : i32
        %dma_start3A_515 = arith.constant 0 : i32
        %dma_start3A_516 = tpu.memref_slice %arg13[%dma_start3A_514, %dma_start3A_515] : memref<10240x128xf32, #tpu.memory_space<vmem_shared>> -> memref<10240x128xf32, #tpu.memory_space<vmem_shared>>
        tpu.enqueue_indirect_dma source(%arg8 : memref<128x128xf32, #tpu.memory_space<vmem>>) target(%dma_start3A_516 : memref<10240x128xf32, #tpu.memory_space<vmem_shared>>) offsets(%dma_start3A_513 : memref<128xi32, #tpu.memory_space<vmem>>) semaphore(%arg12 : memref<!tpu.dma_semaphore, #tpu.memory_space<semaphore_mem>>) {add = true}
      } else {
      }
      %convert_element_type3A_472 = arith.extui %lt3A_96 : i1 to i32
      %cond3A_473 = arith.constant 25 : i32
      %cond3A_474 = arith.constant 0 : i32
      %cond3A_475 = arith.cmpi ne, %convert_element_type3A_472, %cond3A_474 : i32
      scf.if %cond3A_475 {
        %dma_wait3A = arith.constant 0 : i32
        %dma_wait3A_507 = tpu.memref_slice %arg5[%cond3A_473, %dma_wait3A] : memref<32x128xi32, #tpu.memory_space<vmem>> -> memref<1x128xi32, #tpu.memory_space<vmem>>
        %dma_wait3A_508 = tpu.memref_squeeze %dma_wait3A_507 : memref<1x128xi32, #tpu.memory_space<vmem>> -> memref<128xi32, #tpu.memory_space<vmem>>
        %dma_wait3A_509 = arith.constant 0 : i32
        %dma_wait3A_510 = arith.constant 0 : i32
        %dma_wait3A_511 = tpu.memref_slice %arg13[%dma_wait3A_509, %dma_wait3A_510] : memref<10240x128xf32, #tpu.memory_space<vmem_shared>> -> memref<10240x128xf32, #tpu.memory_space<vmem_shared>>
        tpu.wait_indirect_dma semaphore(%arg11 : memref<!tpu.dma_semaphore, #tpu.memory_space<semaphore_mem>>) src(%arg7 : memref<128x128xf32, #tpu.memory_space<vmem>>) dst(%dma_wait3A_511 : memref<10240x128xf32, #tpu.memory_space<vmem_shared>>)
      } else {
      }
      %convert_element_type3A_476 = arith.extui %lt3A_104 : i1 to i32
      %cond3A_477 = arith.constant 28 : i32
      %cond3A_478 = arith.constant 0 : i32
      %cond3A_479 = arith.cmpi ne, %convert_element_type3A_476, %cond3A_478 : i32
      scf.if %cond3A_479 {
        %dma_start3A = arith.constant 0 : i32
        %dma_start3A_507 = tpu.memref_slice %arg5[%cond3A_477, %dma_start3A] : memref<32x128xi32, #tpu.memory_space<vmem>> -> memref<1x128xi32, #tpu.memory_space<vmem>>
        %dma_start3A_508 = tpu.memref_squeeze %dma_start3A_507 : memref<1x128xi32, #tpu.memory_space<vmem>> -> memref<128xi32, #tpu.memory_space<vmem>>
        %dma_start3A_509 = arith.constant 0 : i32
        %dma_start3A_510 = arith.constant 0 : i32
        %dma_start3A_511 = tpu.memref_slice %arg2[%dma_start3A_509, %dma_start3A_510] : memref<10240x128xf32, #tpu.memory_space<hbm>> -> memref<10240x128xf32, #tpu.memory_space<hbm>>
        tpu.enqueue_indirect_dma source(%dma_start3A_511 : memref<10240x128xf32, #tpu.memory_space<hbm>>) target(%arg7 : memref<128x128xf32, #tpu.memory_space<vmem>>) offsets(%dma_start3A_508 : memref<128xi32, #tpu.memory_space<vmem>>) semaphore(%arg9 : memref<!tpu.dma_semaphore, #tpu.memory_space<semaphore_mem>>)
      } else {
      }
      %convert_element_type3A_480 = arith.extui %lt3A_104 : i1 to i32
      %cond3A_481 = arith.constant 28 : i32
      %cond3A_482 = arith.constant 29 : i32
      %cond3A_483 = arith.constant 0 : i32
      %cond3A_484 = arith.cmpi ne, %convert_element_type3A_480, %cond3A_483 : i32
      scf.if %cond3A_484 {
        %dma_wait3A = arith.constant 0 : i32
        %dma_wait3A_507 = tpu.memref_slice %arg5[%cond3A_481, %dma_wait3A] : memref<32x128xi32, #tpu.memory_space<vmem>> -> memref<1x128xi32, #tpu.memory_space<vmem>>
        %dma_wait3A_508 = tpu.memref_squeeze %dma_wait3A_507 : memref<1x128xi32, #tpu.memory_space<vmem>> -> memref<128xi32, #tpu.memory_space<vmem>>
        %dma_wait3A_509 = arith.constant 0 : i32
        %dma_wait3A_510 = arith.constant 0 : i32
        %dma_wait3A_511 = tpu.memref_slice %arg2[%dma_wait3A_509, %dma_wait3A_510] : memref<10240x128xf32, #tpu.memory_space<hbm>> -> memref<10240x128xf32, #tpu.memory_space<hbm>>
        tpu.wait_indirect_dma semaphore(%arg9 : memref<!tpu.dma_semaphore, #tpu.memory_space<semaphore_mem>>) src(%dma_wait3A_511 : memref<10240x128xf32, #tpu.memory_space<hbm>>) dst(%arg7 : memref<128x128xf32, #tpu.memory_space<vmem>>)
        %dma_start3A = arith.constant 0 : i32
        %dma_start3A_512 = tpu.memref_slice %arg5[%cond3A_482, %dma_start3A] : memref<32x128xi32, #tpu.memory_space<vmem>> -> memref<1x128xi32, #tpu.memory_space<vmem>>
        %dma_start3A_513 = tpu.memref_squeeze %dma_start3A_512 : memref<1x128xi32, #tpu.memory_space<vmem>> -> memref<128xi32, #tpu.memory_space<vmem>>
        %dma_start3A_514 = arith.constant 0 : i32
        %dma_start3A_515 = arith.constant 0 : i32
        %dma_start3A_516 = tpu.memref_slice %arg13[%dma_start3A_514, %dma_start3A_515] : memref<10240x128xf32, #tpu.memory_space<vmem_shared>> -> memref<10240x128xf32, #tpu.memory_space<vmem_shared>>
        tpu.enqueue_indirect_dma source(%arg7 : memref<128x128xf32, #tpu.memory_space<vmem>>) target(%dma_start3A_516 : memref<10240x128xf32, #tpu.memory_space<vmem_shared>>) offsets(%dma_start3A_513 : memref<128xi32, #tpu.memory_space<vmem>>) semaphore(%arg11 : memref<!tpu.dma_semaphore, #tpu.memory_space<semaphore_mem>>) {add = true}
      } else {
      }
      %convert_element_type3A_485 = arith.extui %lt3A_100 : i1 to i32
      %cond3A_486 = arith.constant 27 : i32
      %cond3A_487 = arith.constant 0 : i32
      %cond3A_488 = arith.cmpi ne, %convert_element_type3A_485, %cond3A_487 : i32
      scf.if %cond3A_488 {
        %dma_wait3A = arith.constant 0 : i32
        %dma_wait3A_507 = tpu.memref_slice %arg5[%cond3A_486, %dma_wait3A] : memref<32x128xi32, #tpu.memory_space<vmem>> -> memref<1x128xi32, #tpu.memory_space<vmem>>
        %dma_wait3A_508 = tpu.memref_squeeze %dma_wait3A_507 : memref<1x128xi32, #tpu.memory_space<vmem>> -> memref<128xi32, #tpu.memory_space<vmem>>
        %dma_wait3A_509 = arith.constant 0 : i32
        %dma_wait3A_510 = arith.constant 0 : i32
        %dma_wait3A_511 = tpu.memref_slice %arg13[%dma_wait3A_509, %dma_wait3A_510] : memref<10240x128xf32, #tpu.memory_space<vmem_shared>> -> memref<10240x128xf32, #tpu.memory_space<vmem_shared>>
        tpu.wait_indirect_dma semaphore(%arg12 : memref<!tpu.dma_semaphore, #tpu.memory_space<semaphore_mem>>) src(%arg8 : memref<128x128xf32, #tpu.memory_space<vmem>>) dst(%dma_wait3A_511 : memref<10240x128xf32, #tpu.memory_space<vmem_shared>>)
      } else {
      }
      %convert_element_type3A_489 = arith.extui %lt3A_108 : i1 to i32
      %cond3A_490 = arith.constant 30 : i32
      %cond3A_491 = arith.constant 0 : i32
      %cond3A_492 = arith.cmpi ne, %convert_element_type3A_489, %cond3A_491 : i32
      scf.if %cond3A_492 {
        %dma_start3A = arith.constant 0 : i32
        %dma_start3A_507 = tpu.memref_slice %arg5[%cond3A_490, %dma_start3A] : memref<32x128xi32, #tpu.memory_space<vmem>> -> memref<1x128xi32, #tpu.memory_space<vmem>>
        %dma_start3A_508 = tpu.memref_squeeze %dma_start3A_507 : memref<1x128xi32, #tpu.memory_space<vmem>> -> memref<128xi32, #tpu.memory_space<vmem>>
        %dma_start3A_509 = arith.constant 0 : i32
        %dma_start3A_510 = arith.constant 0 : i32
        %dma_start3A_511 = tpu.memref_slice %arg2[%dma_start3A_509, %dma_start3A_510] : memref<10240x128xf32, #tpu.memory_space<hbm>> -> memref<10240x128xf32, #tpu.memory_space<hbm>>
        tpu.enqueue_indirect_dma source(%dma_start3A_511 : memref<10240x128xf32, #tpu.memory_space<hbm>>) target(%arg8 : memref<128x128xf32, #tpu.memory_space<vmem>>) offsets(%dma_start3A_508 : memref<128xi32, #tpu.memory_space<vmem>>) semaphore(%arg10 : memref<!tpu.dma_semaphore, #tpu.memory_space<semaphore_mem>>)
      } else {
      }
      %convert_element_type3A_493 = arith.extui %lt3A_108 : i1 to i32
      %cond3A_494 = arith.constant 30 : i32
      %cond3A_495 = arith.constant 31 : i32
      %cond3A_496 = arith.constant 0 : i32
      %cond3A_497 = arith.cmpi ne, %convert_element_type3A_493, %cond3A_496 : i32
      scf.if %cond3A_497 {
        %dma_wait3A = arith.constant 0 : i32
        %dma_wait3A_507 = tpu.memref_slice %arg5[%cond3A_494, %dma_wait3A] : memref<32x128xi32, #tpu.memory_space<vmem>> -> memref<1x128xi32, #tpu.memory_space<vmem>>
        %dma_wait3A_508 = tpu.memref_squeeze %dma_wait3A_507 : memref<1x128xi32, #tpu.memory_space<vmem>> -> memref<128xi32, #tpu.memory_space<vmem>>
        %dma_wait3A_509 = arith.constant 0 : i32
        %dma_wait3A_510 = arith.constant 0 : i32
        %dma_wait3A_511 = tpu.memref_slice %arg2[%dma_wait3A_509, %dma_wait3A_510] : memref<10240x128xf32, #tpu.memory_space<hbm>> -> memref<10240x128xf32, #tpu.memory_space<hbm>>
        tpu.wait_indirect_dma semaphore(%arg10 : memref<!tpu.dma_semaphore, #tpu.memory_space<semaphore_mem>>) src(%dma_wait3A_511 : memref<10240x128xf32, #tpu.memory_space<hbm>>) dst(%arg8 : memref<128x128xf32, #tpu.memory_space<vmem>>)
        %dma_start3A = arith.constant 0 : i32
        %dma_start3A_512 = tpu.memref_slice %arg5[%cond3A_495, %dma_start3A] : memref<32x128xi32, #tpu.memory_space<vmem>> -> memref<1x128xi32, #tpu.memory_space<vmem>>
        %dma_start3A_513 = tpu.memref_squeeze %dma_start3A_512 : memref<1x128xi32, #tpu.memory_space<vmem>> -> memref<128xi32, #tpu.memory_space<vmem>>
        %dma_start3A_514 = arith.constant 0 : i32
        %dma_start3A_515 = arith.constant 0 : i32
        %dma_start3A_516 = tpu.memref_slice %arg13[%dma_start3A_514, %dma_start3A_515] : memref<10240x128xf32, #tpu.memory_space<vmem_shared>> -> memref<10240x128xf32, #tpu.memory_space<vmem_shared>>
        tpu.enqueue_indirect_dma source(%arg8 : memref<128x128xf32, #tpu.memory_space<vmem>>) target(%dma_start3A_516 : memref<10240x128xf32, #tpu.memory_space<vmem_shared>>) offsets(%dma_start3A_513 : memref<128xi32, #tpu.memory_space<vmem>>) semaphore(%arg12 : memref<!tpu.dma_semaphore, #tpu.memory_space<semaphore_mem>>) {add = true}
      } else {
      }
      %convert_element_type3A_498 = arith.extui %lt3A_104 : i1 to i32
      %cond3A_499 = arith.constant 29 : i32
      %cond3A_500 = arith.constant 0 : i32
      %cond3A_501 = arith.cmpi ne, %convert_element_type3A_498, %cond3A_500 : i32
      scf.if %cond3A_501 {
        %dma_wait3A = arith.constant 0 : i32
        %dma_wait3A_507 = tpu.memref_slice %arg5[%cond3A_499, %dma_wait3A] : memref<32x128xi32, #tpu.memory_space<vmem>> -> memref<1x128xi32, #tpu.memory_space<vmem>>
        %dma_wait3A_508 = tpu.memref_squeeze %dma_wait3A_507 : memref<1x128xi32, #tpu.memory_space<vmem>> -> memref<128xi32, #tpu.memory_space<vmem>>
        %dma_wait3A_509 = arith.constant 0 : i32
        %dma_wait3A_510 = arith.constant 0 : i32
        %dma_wait3A_511 = tpu.memref_slice %arg13[%dma_wait3A_509, %dma_wait3A_510] : memref<10240x128xf32, #tpu.memory_space<vmem_shared>> -> memref<10240x128xf32, #tpu.memory_space<vmem_shared>>
        tpu.wait_indirect_dma semaphore(%arg11 : memref<!tpu.dma_semaphore, #tpu.memory_space<semaphore_mem>>) src(%arg7 : memref<128x128xf32, #tpu.memory_space<vmem>>) dst(%dma_wait3A_511 : memref<10240x128xf32, #tpu.memory_space<vmem_shared>>)
      } else {
      }
      %convert_element_type3A_502 = arith.extui %lt3A_108 : i1 to i32
      %cond3A_503 = arith.constant 31 : i32
      %cond3A_504 = arith.constant 0 : i32
      %cond3A_505 = arith.cmpi ne, %convert_element_type3A_502, %cond3A_504 : i32
      scf.if %cond3A_505 {
        %dma_wait3A = arith.constant 0 : i32
        %dma_wait3A_507 = tpu.memref_slice %arg5[%cond3A_503, %dma_wait3A] : memref<32x128xi32, #tpu.memory_space<vmem>> -> memref<1x128xi32, #tpu.memory_space<vmem>>
        %dma_wait3A_508 = tpu.memref_squeeze %dma_wait3A_507 : memref<1x128xi32, #tpu.memory_space<vmem>> -> memref<128xi32, #tpu.memory_space<vmem>>
        %dma_wait3A_509 = arith.constant 0 : i32
        %dma_wait3A_510 = arith.constant 0 : i32
        %dma_wait3A_511 = tpu.memref_slice %arg13[%dma_wait3A_509, %dma_wait3A_510] : memref<10240x128xf32, #tpu.memory_space<vmem_shared>> -> memref<10240x128xf32, #tpu.memory_space<vmem_shared>>
        tpu.wait_indirect_dma semaphore(%arg12 : memref<!tpu.dma_semaphore, #tpu.memory_space<semaphore_mem>>) src(%arg8 : memref<128x128xf32, #tpu.memory_space<vmem>>) dst(%dma_wait3A_511 : memref<10240x128xf32, #tpu.memory_space<vmem_shared>>)
      } else {
      }
      %scan3A_506 = arith.constant 0 : i32
      scf.yield %scan3A_506 : i32
    }
    %scan3A_35 = arith.constant 5 : i32
    %barrier3A_36 = arith.constant 0 : index
    tpu.barrier barrier_id(%barrier3A_36)
    %mul3A_37 = arith.constant 640 : i32
    %mul3A_38 = arith.muli %arg1, %mul3A_37 : i32
    %mul3A_39 = arith.constant 640 : i32
    %mul3A_40 = arith.muli %arg1, %mul3A_39 : i32
    "tpu.region"() ({
      %run_scoped3A = tpu.sem_alloc : memref<!tpu.dma_semaphore, #tpu.memory_space<semaphore_mem>>
      %dma_start3A = arith.constant 0 : i32
      %dma_start3A_41 = tpu.memref_slice %arg4[%arg0, %mul3A_40, %dma_start3A] : memref<2x10240x128xf32, #tpu.memory_space<hbm>> -> memref<1x640x128xf32, #tpu.memory_space<hbm>>
      %dma_start3A_42 = tpu.memref_squeeze %dma_start3A_41 : memref<1x640x128xf32, #tpu.memory_space<hbm>> -> memref<640x128xf32, #tpu.memory_space<hbm>>
      %dma_start3A_43 = arith.constant 0 : i32
      %dma_start3A_44 = tpu.memref_slice %arg13[%mul3A_38, %dma_start3A_43] : memref<10240x128xf32, #tpu.memory_space<vmem_shared>> -> memref<640x128xf32, #tpu.memory_space<vmem_shared>>
      tpu.enqueue_dma source(%dma_start3A_44 : memref<640x128xf32, #tpu.memory_space<vmem_shared>>) target(%dma_start3A_42 : memref<640x128xf32, #tpu.memory_space<hbm>>) target_semaphore(%run_scoped3A : memref<!tpu.dma_semaphore, #tpu.memory_space<semaphore_mem>>)
      %dma_wait3A = arith.constant 0 : i32
      %dma_wait3A_45 = tpu.memref_slice %arg4[%arg0, %mul3A_40, %dma_wait3A] : memref<2x10240x128xf32, #tpu.memory_space<hbm>> -> memref<1x640x128xf32, #tpu.memory_space<hbm>>
      %dma_wait3A_46 = tpu.memref_squeeze %dma_wait3A_45 : memref<1x640x128xf32, #tpu.memory_space<hbm>> -> memref<640x128xf32, #tpu.memory_space<hbm>>
      %dma_wait3A_47 = arith.constant 0 : i32
      %dma_wait3A_48 = tpu.memref_slice %arg13[%mul3A_38, %dma_wait3A_47] : memref<10240x128xf32, #tpu.memory_space<vmem_shared>> -> memref<640x128xf32, #tpu.memory_space<vmem_shared>>
      tpu.wait_dma2 semaphore(%run_scoped3A : memref<!tpu.dma_semaphore, #tpu.memory_space<semaphore_mem>>) src(%dma_wait3A_48 : memref<640x128xf32, #tpu.memory_space<vmem_shared>>) dst(%dma_wait3A_46 : memref<640x128xf32, #tpu.memory_space<hbm>>)
      tpu.yield
    }) : () -> ()
    return
  }
}

#map = affine_map<(d0, d1) -> (0, 0)>
module attributes {stable_mosaic.version = 14 : i64} {
  func.func @_deg_body(%arg0: i32, %arg1: i32, %arg2: memref<2x320000xi32, #tpu.memory_space<hbm>>, %arg3: memref<2x10240xf32, #tpu.memory_space<hbm>>, %arg4: memref<16x128xi32, #tpu.memory_space<vmem>>, %arg5: memref<128xf32, #tpu.memory_space<vmem>>, %arg6: memref<640xf32, #tpu.memory_space<vmem>>, %arg7: memref<!tpu.dma_semaphore, #tpu.memory_space<semaphore_mem>>, %arg8: memref<!tpu.dma_semaphore, #tpu.memory_space<semaphore_mem>>, %arg9: memref<10240xf32, #tpu.memory_space<vmem_shared>>) attributes {dimension_semantics = [#tpu.dimension_semantics<core_parallel>, #tpu.dimension_semantics<subcore_parallel>], iteration_bounds = array<i64: 2, 16>, scalar_prefetch = 0 : i64, scratch_operands = 6 : i64, tpu.core_type = #tpu.core_type<sc_vector_subcore>, window_params = [{transform_indices = #map}, {transform_indices = #map}]} {
    %mul3A = arith.constant 2 : i32
    %mul3A_0 = arith.muli %arg1, %mul3A : i32
    %add3A = arith.addi %mul3A_0, %arg0 : i32
    %mul3A_1 = arith.constant 80 : i32
    %mul3A_2 = arith.muli %add3A, %mul3A_1 : i32
    %scan3A = arith.constant 0 : i32
    %scan3A_3 = arith.constant 0 : i32
    %scan3A_4 = arith.constant 40 : i32
    %scan3A_5 = arith.addi %scan3A_3, %scan3A_4 : i32
    %scan3A_6 = arith.constant 1 : i32
    %scan3A_7 = scf.for %scan3A_30 = %scan3A_3 to %scan3A_5 step %scan3A_6 iter_args(%scan3A_31 = %scan3A) -> (i32)  : i32 {
      %broadcast_in_dim3A = arith.constant 0.000000e+00 : f32
      %broadcast_in_dim3A_32 = vector.broadcast %broadcast_in_dim3A : f32 to vector<16xf32>
      %mul3A_33 = arith.constant 16 : i32
      %mul3A_34 = arith.muli %scan3A_30, %mul3A_33 : i32
      %swap3A = arith.index_cast %mul3A_34 : i32 to index
      %swap3A_35 = tpu.vector_load %arg6[%swap3A] {strides = array<i32>} : memref<640xf32, #tpu.memory_space<vmem>>, vector<16xf32>,
      %swap3A_36 = vector.shape_cast %swap3A_35 : vector<16xf32> to vector<16xf32>
      %swap3A_37 = vector.shape_cast %broadcast_in_dim3A_32 : vector<16xf32> to vector<16xf32>
      tpu.vector_store %arg6[%swap3A], %swap3A_37 {strides = array<i32>} : memref<640xf32, #tpu.memory_space<vmem>>, vector<16xf32>,
      %scan3A_38 = arith.constant 0 : i32
      scf.yield %scan3A_38 : i32
    }
    %scan3A_8 = arith.constant 40 : i32
    %scan3A_9 = arith.constant 0 : i32
    %scan3A_10 = arith.constant 0 : i32
    %scan3A_11 = arith.constant 8 : i32
    %scan3A_12 = arith.addi %scan3A_10, %scan3A_11 : i32
    %scan3A_13 = arith.constant 1 : i32
    %scan3A_14 = scf.for %scan3A_30 = %scan3A_10 to %scan3A_12 step %scan3A_13 iter_args(%scan3A_31 = %scan3A_9) -> (i32)  : i32 {
      %broadcast_in_dim3A = arith.constant 1.000000e+00 : f32
      %broadcast_in_dim3A_32 = vector.broadcast %broadcast_in_dim3A : f32 to vector<16xf32>
      %mul3A_33 = arith.constant 16 : i32
      %mul3A_34 = arith.muli %scan3A_30, %mul3A_33 : i32
      %swap3A = arith.index_cast %mul3A_34 : i32 to index
      %swap3A_35 = tpu.vector_load %arg5[%swap3A] {strides = array<i32>} : memref<128xf32, #tpu.memory_space<vmem>>, vector<16xf32>,
      %swap3A_36 = vector.shape_cast %swap3A_35 : vector<16xf32> to vector<16xf32>
      %swap3A_37 = vector.shape_cast %broadcast_in_dim3A_32 : vector<16xf32> to vector<16xf32>
      tpu.vector_store %arg5[%swap3A], %swap3A_37 {strides = array<i32>} : memref<128xf32, #tpu.memory_space<vmem>>, vector<16xf32>,
      %scan3A_38 = arith.constant 0 : i32
      scf.yield %scan3A_38 : i32
    }
    %scan3A_15 = arith.constant 8 : i32
    %mul3A_16 = arith.constant 640 : i32
    %mul3A_17 = arith.muli %arg1, %mul3A_16 : i32
    "tpu.region"() ({
      %run_scoped3A = tpu.sem_alloc : memref<!tpu.dma_semaphore, #tpu.memory_space<semaphore_mem>>
      %dma_start3A = tpu.memref_slice %arg9[%mul3A_17] : memref<10240xf32, #tpu.memory_space<vmem_shared>> -> memref<640xf32, #tpu.memory_space<vmem_shared>>
      %dma_start3A_30 = tpu.memref_slice %arg9[%mul3A_17] : memref<10240xf32, #tpu.memory_space<vmem_shared>> -> memref<640xf32, #tpu.memory_space<vmem_shared>>
      tpu.enqueue_dma source(%arg6 : memref<640xf32, #tpu.memory_space<vmem>>) target(%dma_start3A_30 : memref<640xf32, #tpu.memory_space<vmem_shared>>) target_semaphore(%run_scoped3A : memref<!tpu.dma_semaphore, #tpu.memory_space<semaphore_mem>>)
      %dma_wait3A = tpu.memref_slice %arg9[%mul3A_17] : memref<10240xf32, #tpu.memory_space<vmem_shared>> -> memref<640xf32, #tpu.memory_space<vmem_shared>>
      %dma_wait3A_31 = tpu.memref_slice %arg9[%mul3A_17] : memref<10240xf32, #tpu.memory_space<vmem_shared>> -> memref<640xf32, #tpu.memory_space<vmem_shared>>
      tpu.wait_dma2 semaphore(%run_scoped3A : memref<!tpu.dma_semaphore, #tpu.memory_space<semaphore_mem>>) src(%arg6 : memref<640xf32, #tpu.memory_space<vmem>>) dst(%dma_wait3A_31 : memref<640xf32, #tpu.memory_space<vmem_shared>>)
      tpu.yield
    }) : () -> ()
    %barrier3A = arith.constant 0 : index
    tpu.barrier barrier_id(%barrier3A)
    %scan3A_18 = arith.constant 0 : i32
    %scan3A_19 = arith.constant 0 : i32
    %scan3A_20 = arith.constant 5 : i32
    %scan3A_21 = arith.addi %scan3A_19, %scan3A_20 : i32
    %scan3A_22 = arith.constant 1 : i32
    %scan3A_23 = scf.for %scan3A_30 = %scan3A_19 to %scan3A_21 step %scan3A_22 iter_args(%scan3A_31 = %scan3A_18) -> (i32)  : i32 {
      %mul3A_32 = arith.constant 16 : i32
      %mul3A_33 = arith.muli %scan3A_30, %mul3A_32 : i32
      %add3A_34 = arith.addi %mul3A_2, %mul3A_33 : i32
      %add3A_35 = arith.constant 0 : i32
      %add3A_36 = arith.addi %add3A_34, %add3A_35 : i32
      %lt3A = arith.constant 2500 : i32
      %lt3A_37 = arith.cmpi slt, %add3A_36, %lt3A : i32
      %add3A_38 = arith.constant 1 : i32
      %add3A_39 = arith.addi %add3A_34, %add3A_38 : i32
      %lt3A_40 = arith.constant 2500 : i32
      %lt3A_41 = arith.cmpi slt, %add3A_39, %lt3A_40 : i32
      %add3A_42 = arith.constant 2 : i32
      %add3A_43 = arith.addi %add3A_34, %add3A_42 : i32
      %lt3A_44 = arith.constant 2500 : i32
      %lt3A_45 = arith.cmpi slt, %add3A_43, %lt3A_44 : i32
      %add3A_46 = arith.constant 3 : i32
      %add3A_47 = arith.addi %add3A_34, %add3A_46 : i32
      %lt3A_48 = arith.constant 2500 : i32
      %lt3A_49 = arith.cmpi slt, %add3A_47, %lt3A_48 : i32
      %add3A_50 = arith.constant 4 : i32
      %add3A_51 = arith.addi %add3A_34, %add3A_50 : i32
      %lt3A_52 = arith.constant 2500 : i32
      %lt3A_53 = arith.cmpi slt, %add3A_51, %lt3A_52 : i32
      %add3A_54 = arith.constant 5 : i32
      %add3A_55 = arith.addi %add3A_34, %add3A_54 : i32
      %lt3A_56 = arith.constant 2500 : i32
      %lt3A_57 = arith.cmpi slt, %add3A_55, %lt3A_56 : i32
      %add3A_58 = arith.constant 6 : i32
      %add3A_59 = arith.addi %add3A_34, %add3A_58 : i32
      %lt3A_60 = arith.constant 2500 : i32
      %lt3A_61 = arith.cmpi slt, %add3A_59, %lt3A_60 : i32
      %add3A_62 = arith.constant 7 : i32
      %add3A_63 = arith.addi %add3A_34, %add3A_62 : i32
      %lt3A_64 = arith.constant 2500 : i32
      %lt3A_65 = arith.cmpi slt, %add3A_63, %lt3A_64 : i32
      %add3A_66 = arith.constant 8 : i32
      %add3A_67 = arith.addi %add3A_34, %add3A_66 : i32
      %lt3A_68 = arith.constant 2500 : i32
      %lt3A_69 = arith.cmpi slt, %add3A_67, %lt3A_68 : i32
      %add3A_70 = arith.constant 9 : i32
      %add3A_71 = arith.addi %add3A_34, %add3A_70 : i32
      %lt3A_72 = arith.constant 2500 : i32
      %lt3A_73 = arith.cmpi slt, %add3A_71, %lt3A_72 : i32
      %add3A_74 = arith.constant 10 : i32
      %add3A_75 = arith.addi %add3A_34, %add3A_74 : i32
      %lt3A_76 = arith.constant 2500 : i32
      %lt3A_77 = arith.cmpi slt, %add3A_75, %lt3A_76 : i32
      %add3A_78 = arith.constant 11 : i32
      %add3A_79 = arith.addi %add3A_34, %add3A_78 : i32
      %lt3A_80 = arith.constant 2500 : i32
      %lt3A_81 = arith.cmpi slt, %add3A_79, %lt3A_80 : i32
      %add3A_82 = arith.constant 12 : i32
      %add3A_83 = arith.addi %add3A_34, %add3A_82 : i32
      %lt3A_84 = arith.constant 2500 : i32
      %lt3A_85 = arith.cmpi slt, %add3A_83, %lt3A_84 : i32
      %add3A_86 = arith.constant 13 : i32
      %add3A_87 = arith.addi %add3A_34, %add3A_86 : i32
      %lt3A_88 = arith.constant 2500 : i32
      %lt3A_89 = arith.cmpi slt, %add3A_87, %lt3A_88 : i32
      %add3A_90 = arith.constant 14 : i32
      %add3A_91 = arith.addi %add3A_34, %add3A_90 : i32
      %lt3A_92 = arith.constant 2500 : i32
      %lt3A_93 = arith.cmpi slt, %add3A_91, %lt3A_92 : i32
      %add3A_94 = arith.constant 15 : i32
      %add3A_95 = arith.addi %add3A_34, %add3A_94 : i32
      %lt3A_96 = arith.constant 2500 : i32
      %lt3A_97 = arith.cmpi slt, %add3A_95, %lt3A_96 : i32
      %add3A_98 = arith.constant 0 : i32
      %add3A_99 = arith.addi %add3A_34, %add3A_98 : i32
      %min3A = arith.constant 2499 : i32
      %min3A_100 = arith.minsi %add3A_99, %min3A : i32
      %mul3A_101 = arith.constant 128 : i32
      %mul3A_102 = arith.muli %min3A_100, %mul3A_101 : i32
      %add3A_103 = arith.constant 1 : i32
      %add3A_104 = arith.addi %add3A_34, %add3A_103 : i32
      %min3A_105 = arith.constant 2499 : i32
      %min3A_106 = arith.minsi %add3A_104, %min3A_105 : i32
      %mul3A_107 = arith.constant 128 : i32
      %mul3A_108 = arith.muli %min3A_106, %mul3A_107 : i32
      %add3A_109 = arith.constant 2 : i32
      %add3A_110 = arith.addi %add3A_34, %add3A_109 : i32
      %min3A_111 = arith.constant 2499 : i32
      %min3A_112 = arith.minsi %add3A_110, %min3A_111 : i32
      %mul3A_113 = arith.constant 128 : i32
      %mul3A_114 = arith.muli %min3A_112, %mul3A_113 : i32
      %add3A_115 = arith.constant 3 : i32
      %add3A_116 = arith.addi %add3A_34, %add3A_115 : i32
      %min3A_117 = arith.constant 2499 : i32
      %min3A_118 = arith.minsi %add3A_116, %min3A_117 : i32
      %mul3A_119 = arith.constant 128 : i32
      %mul3A_120 = arith.muli %min3A_118, %mul3A_119 : i32
      %add3A_121 = arith.constant 4 : i32
      %add3A_122 = arith.addi %add3A_34, %add3A_121 : i32
      %min3A_123 = arith.constant 2499 : i32
      %min3A_124 = arith.minsi %add3A_122, %min3A_123 : i32
      %mul3A_125 = arith.constant 128 : i32
      %mul3A_126 = arith.muli %min3A_124, %mul3A_125 : i32
      %add3A_127 = arith.constant 5 : i32
      %add3A_128 = arith.addi %add3A_34, %add3A_127 : i32
      %min3A_129 = arith.constant 2499 : i32
      %min3A_130 = arith.minsi %add3A_128, %min3A_129 : i32
      %mul3A_131 = arith.constant 128 : i32
      %mul3A_132 = arith.muli %min3A_130, %mul3A_131 : i32
      %add3A_133 = arith.constant 6 : i32
      %add3A_134 = arith.addi %add3A_34, %add3A_133 : i32
      %min3A_135 = arith.constant 2499 : i32
      %min3A_136 = arith.minsi %add3A_134, %min3A_135 : i32
      %mul3A_137 = arith.constant 128 : i32
      %mul3A_138 = arith.muli %min3A_136, %mul3A_137 : i32
      %add3A_139 = arith.constant 7 : i32
      %add3A_140 = arith.addi %add3A_34, %add3A_139 : i32
      %min3A_141 = arith.constant 2499 : i32
      %min3A_142 = arith.minsi %add3A_140, %min3A_141 : i32
      %mul3A_143 = arith.constant 128 : i32
      %mul3A_144 = arith.muli %min3A_142, %mul3A_143 : i32
      %add3A_145 = arith.constant 8 : i32
      %add3A_146 = arith.addi %add3A_34, %add3A_145 : i32
      %min3A_147 = arith.constant 2499 : i32
      %min3A_148 = arith.minsi %add3A_146, %min3A_147 : i32
      %mul3A_149 = arith.constant 128 : i32
      %mul3A_150 = arith.muli %min3A_148, %mul3A_149 : i32
      %add3A_151 = arith.constant 9 : i32
      %add3A_152 = arith.addi %add3A_34, %add3A_151 : i32
      %min3A_153 = arith.constant 2499 : i32
      %min3A_154 = arith.minsi %add3A_152, %min3A_153 : i32
      %mul3A_155 = arith.constant 128 : i32
      %mul3A_156 = arith.muli %min3A_154, %mul3A_155 : i32
      %add3A_157 = arith.constant 10 : i32
      %add3A_158 = arith.addi %add3A_34, %add3A_157 : i32
      %min3A_159 = arith.constant 2499 : i32
      %min3A_160 = arith.minsi %add3A_158, %min3A_159 : i32
      %mul3A_161 = arith.constant 128 : i32
      %mul3A_162 = arith.muli %min3A_160, %mul3A_161 : i32
      %add3A_163 = arith.constant 11 : i32
      %add3A_164 = arith.addi %add3A_34, %add3A_163 : i32
      %min3A_165 = arith.constant 2499 : i32
      %min3A_166 = arith.minsi %add3A_164, %min3A_165 : i32
      %mul3A_167 = arith.constant 128 : i32
      %mul3A_168 = arith.muli %min3A_166, %mul3A_167 : i32
      %add3A_169 = arith.constant 12 : i32
      %add3A_170 = arith.addi %add3A_34, %add3A_169 : i32
      %min3A_171 = arith.constant 2499 : i32
      %min3A_172 = arith.minsi %add3A_170, %min3A_171 : i32
      %mul3A_173 = arith.constant 128 : i32
      %mul3A_174 = arith.muli %min3A_172, %mul3A_173 : i32
      %add3A_175 = arith.constant 13 : i32
      %add3A_176 = arith.addi %add3A_34, %add3A_175 : i32
      %min3A_177 = arith.constant 2499 : i32
      %min3A_178 = arith.minsi %add3A_176, %min3A_177 : i32
      %mul3A_179 = arith.constant 128 : i32
      %mul3A_180 = arith.muli %min3A_178, %mul3A_179 : i32
      %add3A_181 = arith.constant 14 : i32
      %add3A_182 = arith.addi %add3A_34, %add3A_181 : i32
      %min3A_183 = arith.constant 2499 : i32
      %min3A_184 = arith.minsi %add3A_182, %min3A_183 : i32
      %mul3A_185 = arith.constant 128 : i32
      %mul3A_186 = arith.muli %min3A_184, %mul3A_185 : i32
      %add3A_187 = arith.constant 15 : i32
      %add3A_188 = arith.addi %add3A_34, %add3A_187 : i32
      %min3A_189 = arith.constant 2499 : i32
      %min3A_190 = arith.minsi %add3A_188, %min3A_189 : i32
      %mul3A_191 = arith.constant 128 : i32
      %mul3A_192 = arith.muli %min3A_190, %mul3A_191 : i32
      %convert_element_type3A = arith.extui %lt3A_37 : i1 to i32
      %cond3A = arith.constant 1 : i32
      %cond3A_193 = arith.constant 0 : i32
      %cond3A_194 = arith.constant 0 : i32
      %cond3A_195 = arith.cmpi ne, %convert_element_type3A, %cond3A_194 : i32
      scf.if %cond3A_195 {
        %dma_start3A = arith.constant 0 : i32
        %dma_start3A_480 = tpu.memref_slice %arg4[%cond3A_193, %dma_start3A] : memref<16x128xi32, #tpu.memory_space<vmem>> -> memref<1x128xi32, #tpu.memory_space<vmem>>
        %dma_start3A_481 = tpu.memref_squeeze %dma_start3A_480 : memref<1x128xi32, #tpu.memory_space<vmem>> -> memref<128xi32, #tpu.memory_space<vmem>>
        %dma_start3A_482 = tpu.memref_slice %arg2[%cond3A, %mul3A_102] : memref<2x320000xi32, #tpu.memory_space<hbm>> -> memref<1x128xi32, #tpu.memory_space<hbm>>
        %dma_start3A_483 = tpu.memref_squeeze %dma_start3A_482 : memref<1x128xi32, #tpu.memory_space<hbm>> -> memref<128xi32, #tpu.memory_space<hbm>>
        %dma_start3A_484 = arith.constant 0 : i32
        %dma_start3A_485 = tpu.memref_slice %arg4[%cond3A_193, %dma_start3A_484] : memref<16x128xi32, #tpu.memory_space<vmem>> -> memref<1x128xi32, #tpu.memory_space<vmem>>
        %dma_start3A_486 = tpu.memref_squeeze %dma_start3A_485 : memref<1x128xi32, #tpu.memory_space<vmem>> -> memref<128xi32, #tpu.memory_space<vmem>>
        %dma_start3A_487 = tpu.memref_slice %arg2[%cond3A, %mul3A_102] : memref<2x320000xi32, #tpu.memory_space<hbm>> -> memref<1x128xi32, #tpu.memory_space<hbm>>
        %dma_start3A_488 = tpu.memref_squeeze %dma_start3A_487 : memref<1x128xi32, #tpu.memory_space<hbm>> -> memref<128xi32, #tpu.memory_space<hbm>>
        tpu.enqueue_dma source(%dma_start3A_488 : memref<128xi32, #tpu.memory_space<hbm>>) target(%dma_start3A_486 : memref<128xi32, #tpu.memory_space<vmem>>) target_semaphore(%arg8 : memref<!tpu.dma_semaphore, #tpu.memory_space<semaphore_mem>>)
      } else {
      }
      %convert_element_type3A_196 = arith.extui %lt3A_41 : i1 to i32
      %cond3A_197 = arith.constant 1 : i32
      %cond3A_198 = arith.constant 1 : i32
      %cond3A_199 = arith.constant 0 : i32
      %cond3A_200 = arith.cmpi ne, %convert_element_type3A_196, %cond3A_199 : i32
      scf.if %cond3A_200 {
        %dma_start3A = arith.constant 0 : i32
        %dma_start3A_480 = tpu.memref_slice %arg4[%cond3A_198, %dma_start3A] : memref<16x128xi32, #tpu.memory_space<vmem>> -> memref<1x128xi32, #tpu.memory_space<vmem>>
        %dma_start3A_481 = tpu.memref_squeeze %dma_start3A_480 : memref<1x128xi32, #tpu.memory_space<vmem>> -> memref<128xi32, #tpu.memory_space<vmem>>
        %dma_start3A_482 = tpu.memref_slice %arg2[%cond3A_197, %mul3A_108] : memref<2x320000xi32, #tpu.memory_space<hbm>> -> memref<1x128xi32, #tpu.memory_space<hbm>>
        %dma_start3A_483 = tpu.memref_squeeze %dma_start3A_482 : memref<1x128xi32, #tpu.memory_space<hbm>> -> memref<128xi32, #tpu.memory_space<hbm>>
        %dma_start3A_484 = arith.constant 0 : i32
        %dma_start3A_485 = tpu.memref_slice %arg4[%cond3A_198, %dma_start3A_484] : memref<16x128xi32, #tpu.memory_space<vmem>> -> memref<1x128xi32, #tpu.memory_space<vmem>>
        %dma_start3A_486 = tpu.memref_squeeze %dma_start3A_485 : memref<1x128xi32, #tpu.memory_space<vmem>> -> memref<128xi32, #tpu.memory_space<vmem>>
        %dma_start3A_487 = tpu.memref_slice %arg2[%cond3A_197, %mul3A_108] : memref<2x320000xi32, #tpu.memory_space<hbm>> -> memref<1x128xi32, #tpu.memory_space<hbm>>
        %dma_start3A_488 = tpu.memref_squeeze %dma_start3A_487 : memref<1x128xi32, #tpu.memory_space<hbm>> -> memref<128xi32, #tpu.memory_space<hbm>>
        tpu.enqueue_dma source(%dma_start3A_488 : memref<128xi32, #tpu.memory_space<hbm>>) target(%dma_start3A_486 : memref<128xi32, #tpu.memory_space<vmem>>) target_semaphore(%arg8 : memref<!tpu.dma_semaphore, #tpu.memory_space<semaphore_mem>>)
      } else {
      }
      %convert_element_type3A_201 = arith.extui %lt3A_45 : i1 to i32
      %cond3A_202 = arith.constant 1 : i32
      %cond3A_203 = arith.constant 2 : i32
      %cond3A_204 = arith.constant 0 : i32
      %cond3A_205 = arith.cmpi ne, %convert_element_type3A_201, %cond3A_204 : i32
      scf.if %cond3A_205 {
        %dma_start3A = arith.constant 0 : i32
        %dma_start3A_480 = tpu.memref_slice %arg4[%cond3A_203, %dma_start3A] : memref<16x128xi32, #tpu.memory_space<vmem>> -> memref<1x128xi32, #tpu.memory_space<vmem>>
        %dma_start3A_481 = tpu.memref_squeeze %dma_start3A_480 : memref<1x128xi32, #tpu.memory_space<vmem>> -> memref<128xi32, #tpu.memory_space<vmem>>
        %dma_start3A_482 = tpu.memref_slice %arg2[%cond3A_202, %mul3A_114] : memref<2x320000xi32, #tpu.memory_space<hbm>> -> memref<1x128xi32, #tpu.memory_space<hbm>>
        %dma_start3A_483 = tpu.memref_squeeze %dma_start3A_482 : memref<1x128xi32, #tpu.memory_space<hbm>> -> memref<128xi32, #tpu.memory_space<hbm>>
        %dma_start3A_484 = arith.constant 0 : i32
        %dma_start3A_485 = tpu.memref_slice %arg4[%cond3A_203, %dma_start3A_484] : memref<16x128xi32, #tpu.memory_space<vmem>> -> memref<1x128xi32, #tpu.memory_space<vmem>>
        %dma_start3A_486 = tpu.memref_squeeze %dma_start3A_485 : memref<1x128xi32, #tpu.memory_space<vmem>> -> memref<128xi32, #tpu.memory_space<vmem>>
        %dma_start3A_487 = tpu.memref_slice %arg2[%cond3A_202, %mul3A_114] : memref<2x320000xi32, #tpu.memory_space<hbm>> -> memref<1x128xi32, #tpu.memory_space<hbm>>
        %dma_start3A_488 = tpu.memref_squeeze %dma_start3A_487 : memref<1x128xi32, #tpu.memory_space<hbm>> -> memref<128xi32, #tpu.memory_space<hbm>>
        tpu.enqueue_dma source(%dma_start3A_488 : memref<128xi32, #tpu.memory_space<hbm>>) target(%dma_start3A_486 : memref<128xi32, #tpu.memory_space<vmem>>) target_semaphore(%arg8 : memref<!tpu.dma_semaphore, #tpu.memory_space<semaphore_mem>>)
      } else {
      }
      %convert_element_type3A_206 = arith.extui %lt3A_49 : i1 to i32
      %cond3A_207 = arith.constant 1 : i32
      %cond3A_208 = arith.constant 3 : i32
      %cond3A_209 = arith.constant 0 : i32
      %cond3A_210 = arith.cmpi ne, %convert_element_type3A_206, %cond3A_209 : i32
      scf.if %cond3A_210 {
        %dma_start3A = arith.constant 0 : i32
        %dma_start3A_480 = tpu.memref_slice %arg4[%cond3A_208, %dma_start3A] : memref<16x128xi32, #tpu.memory_space<vmem>> -> memref<1x128xi32, #tpu.memory_space<vmem>>
        %dma_start3A_481 = tpu.memref_squeeze %dma_start3A_480 : memref<1x128xi32, #tpu.memory_space<vmem>> -> memref<128xi32, #tpu.memory_space<vmem>>
        %dma_start3A_482 = tpu.memref_slice %arg2[%cond3A_207, %mul3A_120] : memref<2x320000xi32, #tpu.memory_space<hbm>> -> memref<1x128xi32, #tpu.memory_space<hbm>>
        %dma_start3A_483 = tpu.memref_squeeze %dma_start3A_482 : memref<1x128xi32, #tpu.memory_space<hbm>> -> memref<128xi32, #tpu.memory_space<hbm>>
        %dma_start3A_484 = arith.constant 0 : i32
        %dma_start3A_485 = tpu.memref_slice %arg4[%cond3A_208, %dma_start3A_484] : memref<16x128xi32, #tpu.memory_space<vmem>> -> memref<1x128xi32, #tpu.memory_space<vmem>>
        %dma_start3A_486 = tpu.memref_squeeze %dma_start3A_485 : memref<1x128xi32, #tpu.memory_space<vmem>> -> memref<128xi32, #tpu.memory_space<vmem>>
        %dma_start3A_487 = tpu.memref_slice %arg2[%cond3A_207, %mul3A_120] : memref<2x320000xi32, #tpu.memory_space<hbm>> -> memref<1x128xi32, #tpu.memory_space<hbm>>
        %dma_start3A_488 = tpu.memref_squeeze %dma_start3A_487 : memref<1x128xi32, #tpu.memory_space<hbm>> -> memref<128xi32, #tpu.memory_space<hbm>>
        tpu.enqueue_dma source(%dma_start3A_488 : memref<128xi32, #tpu.memory_space<hbm>>) target(%dma_start3A_486 : memref<128xi32, #tpu.memory_space<vmem>>) target_semaphore(%arg8 : memref<!tpu.dma_semaphore, #tpu.memory_space<semaphore_mem>>)
      } else {
      }
      %convert_element_type3A_211 = arith.extui %lt3A_53 : i1 to i32
      %cond3A_212 = arith.constant 1 : i32
      %cond3A_213 = arith.constant 4 : i32
      %cond3A_214 = arith.constant 0 : i32
      %cond3A_215 = arith.cmpi ne, %convert_element_type3A_211, %cond3A_214 : i32
      scf.if %cond3A_215 {
        %dma_start3A = arith.constant 0 : i32
        %dma_start3A_480 = tpu.memref_slice %arg4[%cond3A_213, %dma_start3A] : memref<16x128xi32, #tpu.memory_space<vmem>> -> memref<1x128xi32, #tpu.memory_space<vmem>>
        %dma_start3A_481 = tpu.memref_squeeze %dma_start3A_480 : memref<1x128xi32, #tpu.memory_space<vmem>> -> memref<128xi32, #tpu.memory_space<vmem>>
        %dma_start3A_482 = tpu.memref_slice %arg2[%cond3A_212, %mul3A_126] : memref<2x320000xi32, #tpu.memory_space<hbm>> -> memref<1x128xi32, #tpu.memory_space<hbm>>
        %dma_start3A_483 = tpu.memref_squeeze %dma_start3A_482 : memref<1x128xi32, #tpu.memory_space<hbm>> -> memref<128xi32, #tpu.memory_space<hbm>>
        %dma_start3A_484 = arith.constant 0 : i32
        %dma_start3A_485 = tpu.memref_slice %arg4[%cond3A_213, %dma_start3A_484] : memref<16x128xi32, #tpu.memory_space<vmem>> -> memref<1x128xi32, #tpu.memory_space<vmem>>
        %dma_start3A_486 = tpu.memref_squeeze %dma_start3A_485 : memref<1x128xi32, #tpu.memory_space<vmem>> -> memref<128xi32, #tpu.memory_space<vmem>>
        %dma_start3A_487 = tpu.memref_slice %arg2[%cond3A_212, %mul3A_126] : memref<2x320000xi32, #tpu.memory_space<hbm>> -> memref<1x128xi32, #tpu.memory_space<hbm>>
        %dma_start3A_488 = tpu.memref_squeeze %dma_start3A_487 : memref<1x128xi32, #tpu.memory_space<hbm>> -> memref<128xi32, #tpu.memory_space<hbm>>
        tpu.enqueue_dma source(%dma_start3A_488 : memref<128xi32, #tpu.memory_space<hbm>>) target(%dma_start3A_486 : memref<128xi32, #tpu.memory_space<vmem>>) target_semaphore(%arg8 : memref<!tpu.dma_semaphore, #tpu.memory_space<semaphore_mem>>)
      } else {
      }
      %convert_element_type3A_216 = arith.extui %lt3A_57 : i1 to i32
      %cond3A_217 = arith.constant 1 : i32
      %cond3A_218 = arith.constant 5 : i32
      %cond3A_219 = arith.constant 0 : i32
      %cond3A_220 = arith.cmpi ne, %convert_element_type3A_216, %cond3A_219 : i32
      scf.if %cond3A_220 {
        %dma_start3A = arith.constant 0 : i32
        %dma_start3A_480 = tpu.memref_slice %arg4[%cond3A_218, %dma_start3A] : memref<16x128xi32, #tpu.memory_space<vmem>> -> memref<1x128xi32, #tpu.memory_space<vmem>>
        %dma_start3A_481 = tpu.memref_squeeze %dma_start3A_480 : memref<1x128xi32, #tpu.memory_space<vmem>> -> memref<128xi32, #tpu.memory_space<vmem>>
        %dma_start3A_482 = tpu.memref_slice %arg2[%cond3A_217, %mul3A_132] : memref<2x320000xi32, #tpu.memory_space<hbm>> -> memref<1x128xi32, #tpu.memory_space<hbm>>
        %dma_start3A_483 = tpu.memref_squeeze %dma_start3A_482 : memref<1x128xi32, #tpu.memory_space<hbm>> -> memref<128xi32, #tpu.memory_space<hbm>>
        %dma_start3A_484 = arith.constant 0 : i32
        %dma_start3A_485 = tpu.memref_slice %arg4[%cond3A_218, %dma_start3A_484] : memref<16x128xi32, #tpu.memory_space<vmem>> -> memref<1x128xi32, #tpu.memory_space<vmem>>
        %dma_start3A_486 = tpu.memref_squeeze %dma_start3A_485 : memref<1x128xi32, #tpu.memory_space<vmem>> -> memref<128xi32, #tpu.memory_space<vmem>>
        %dma_start3A_487 = tpu.memref_slice %arg2[%cond3A_217, %mul3A_132] : memref<2x320000xi32, #tpu.memory_space<hbm>> -> memref<1x128xi32, #tpu.memory_space<hbm>>
        %dma_start3A_488 = tpu.memref_squeeze %dma_start3A_487 : memref<1x128xi32, #tpu.memory_space<hbm>> -> memref<128xi32, #tpu.memory_space<hbm>>
        tpu.enqueue_dma source(%dma_start3A_488 : memref<128xi32, #tpu.memory_space<hbm>>) target(%dma_start3A_486 : memref<128xi32, #tpu.memory_space<vmem>>) target_semaphore(%arg8 : memref<!tpu.dma_semaphore, #tpu.memory_space<semaphore_mem>>)
      } else {
      }
      %convert_element_type3A_221 = arith.extui %lt3A_61 : i1 to i32
      %cond3A_222 = arith.constant 1 : i32
      %cond3A_223 = arith.constant 6 : i32
      %cond3A_224 = arith.constant 0 : i32
      %cond3A_225 = arith.cmpi ne, %convert_element_type3A_221, %cond3A_224 : i32
      scf.if %cond3A_225 {
        %dma_start3A = arith.constant 0 : i32
        %dma_start3A_480 = tpu.memref_slice %arg4[%cond3A_223, %dma_start3A] : memref<16x128xi32, #tpu.memory_space<vmem>> -> memref<1x128xi32, #tpu.memory_space<vmem>>
        %dma_start3A_481 = tpu.memref_squeeze %dma_start3A_480 : memref<1x128xi32, #tpu.memory_space<vmem>> -> memref<128xi32, #tpu.memory_space<vmem>>
        %dma_start3A_482 = tpu.memref_slice %arg2[%cond3A_222, %mul3A_138] : memref<2x320000xi32, #tpu.memory_space<hbm>> -> memref<1x128xi32, #tpu.memory_space<hbm>>
        %dma_start3A_483 = tpu.memref_squeeze %dma_start3A_482 : memref<1x128xi32, #tpu.memory_space<hbm>> -> memref<128xi32, #tpu.memory_space<hbm>>
        %dma_start3A_484 = arith.constant 0 : i32
        %dma_start3A_485 = tpu.memref_slice %arg4[%cond3A_223, %dma_start3A_484] : memref<16x128xi32, #tpu.memory_space<vmem>> -> memref<1x128xi32, #tpu.memory_space<vmem>>
        %dma_start3A_486 = tpu.memref_squeeze %dma_start3A_485 : memref<1x128xi32, #tpu.memory_space<vmem>> -> memref<128xi32, #tpu.memory_space<vmem>>
        %dma_start3A_487 = tpu.memref_slice %arg2[%cond3A_222, %mul3A_138] : memref<2x320000xi32, #tpu.memory_space<hbm>> -> memref<1x128xi32, #tpu.memory_space<hbm>>
        %dma_start3A_488 = tpu.memref_squeeze %dma_start3A_487 : memref<1x128xi32, #tpu.memory_space<hbm>> -> memref<128xi32, #tpu.memory_space<hbm>>
        tpu.enqueue_dma source(%dma_start3A_488 : memref<128xi32, #tpu.memory_space<hbm>>) target(%dma_start3A_486 : memref<128xi32, #tpu.memory_space<vmem>>) target_semaphore(%arg8 : memref<!tpu.dma_semaphore, #tpu.memory_space<semaphore_mem>>)
      } else {
      }
      %convert_element_type3A_226 = arith.extui %lt3A_65 : i1 to i32
      %cond3A_227 = arith.constant 1 : i32
      %cond3A_228 = arith.constant 7 : i32
      %cond3A_229 = arith.constant 0 : i32
      %cond3A_230 = arith.cmpi ne, %convert_element_type3A_226, %cond3A_229 : i32
      scf.if %cond3A_230 {
        %dma_start3A = arith.constant 0 : i32
        %dma_start3A_480 = tpu.memref_slice %arg4[%cond3A_228, %dma_start3A] : memref<16x128xi32, #tpu.memory_space<vmem>> -> memref<1x128xi32, #tpu.memory_space<vmem>>
        %dma_start3A_481 = tpu.memref_squeeze %dma_start3A_480 : memref<1x128xi32, #tpu.memory_space<vmem>> -> memref<128xi32, #tpu.memory_space<vmem>>
        %dma_start3A_482 = tpu.memref_slice %arg2[%cond3A_227, %mul3A_144] : memref<2x320000xi32, #tpu.memory_space<hbm>> -> memref<1x128xi32, #tpu.memory_space<hbm>>
        %dma_start3A_483 = tpu.memref_squeeze %dma_start3A_482 : memref<1x128xi32, #tpu.memory_space<hbm>> -> memref<128xi32, #tpu.memory_space<hbm>>
        %dma_start3A_484 = arith.constant 0 : i32
        %dma_start3A_485 = tpu.memref_slice %arg4[%cond3A_228, %dma_start3A_484] : memref<16x128xi32, #tpu.memory_space<vmem>> -> memref<1x128xi32, #tpu.memory_space<vmem>>
        %dma_start3A_486 = tpu.memref_squeeze %dma_start3A_485 : memref<1x128xi32, #tpu.memory_space<vmem>> -> memref<128xi32, #tpu.memory_space<vmem>>
        %dma_start3A_487 = tpu.memref_slice %arg2[%cond3A_227, %mul3A_144] : memref<2x320000xi32, #tpu.memory_space<hbm>> -> memref<1x128xi32, #tpu.memory_space<hbm>>
        %dma_start3A_488 = tpu.memref_squeeze %dma_start3A_487 : memref<1x128xi32, #tpu.memory_space<hbm>> -> memref<128xi32, #tpu.memory_space<hbm>>
        tpu.enqueue_dma source(%dma_start3A_488 : memref<128xi32, #tpu.memory_space<hbm>>) target(%dma_start3A_486 : memref<128xi32, #tpu.memory_space<vmem>>) target_semaphore(%arg8 : memref<!tpu.dma_semaphore, #tpu.memory_space<semaphore_mem>>)
      } else {
      }
      %convert_element_type3A_231 = arith.extui %lt3A_69 : i1 to i32
      %cond3A_232 = arith.constant 1 : i32
      %cond3A_233 = arith.constant 8 : i32
      %cond3A_234 = arith.constant 0 : i32
      %cond3A_235 = arith.cmpi ne, %convert_element_type3A_231, %cond3A_234 : i32
      scf.if %cond3A_235 {
        %dma_start3A = arith.constant 0 : i32
        %dma_start3A_480 = tpu.memref_slice %arg4[%cond3A_233, %dma_start3A] : memref<16x128xi32, #tpu.memory_space<vmem>> -> memref<1x128xi32, #tpu.memory_space<vmem>>
        %dma_start3A_481 = tpu.memref_squeeze %dma_start3A_480 : memref<1x128xi32, #tpu.memory_space<vmem>> -> memref<128xi32, #tpu.memory_space<vmem>>
        %dma_start3A_482 = tpu.memref_slice %arg2[%cond3A_232, %mul3A_150] : memref<2x320000xi32, #tpu.memory_space<hbm>> -> memref<1x128xi32, #tpu.memory_space<hbm>>
        %dma_start3A_483 = tpu.memref_squeeze %dma_start3A_482 : memref<1x128xi32, #tpu.memory_space<hbm>> -> memref<128xi32, #tpu.memory_space<hbm>>
        %dma_start3A_484 = arith.constant 0 : i32
        %dma_start3A_485 = tpu.memref_slice %arg4[%cond3A_233, %dma_start3A_484] : memref<16x128xi32, #tpu.memory_space<vmem>> -> memref<1x128xi32, #tpu.memory_space<vmem>>
        %dma_start3A_486 = tpu.memref_squeeze %dma_start3A_485 : memref<1x128xi32, #tpu.memory_space<vmem>> -> memref<128xi32, #tpu.memory_space<vmem>>
        %dma_start3A_487 = tpu.memref_slice %arg2[%cond3A_232, %mul3A_150] : memref<2x320000xi32, #tpu.memory_space<hbm>> -> memref<1x128xi32, #tpu.memory_space<hbm>>
        %dma_start3A_488 = tpu.memref_squeeze %dma_start3A_487 : memref<1x128xi32, #tpu.memory_space<hbm>> -> memref<128xi32, #tpu.memory_space<hbm>>
        tpu.enqueue_dma source(%dma_start3A_488 : memref<128xi32, #tpu.memory_space<hbm>>) target(%dma_start3A_486 : memref<128xi32, #tpu.memory_space<vmem>>) target_semaphore(%arg8 : memref<!tpu.dma_semaphore, #tpu.memory_space<semaphore_mem>>)
      } else {
      }
      %convert_element_type3A_236 = arith.extui %lt3A_73 : i1 to i32
      %cond3A_237 = arith.constant 1 : i32
      %cond3A_238 = arith.constant 9 : i32
      %cond3A_239 = arith.constant 0 : i32
      %cond3A_240 = arith.cmpi ne, %convert_element_type3A_236, %cond3A_239 : i32
      scf.if %cond3A_240 {
        %dma_start3A = arith.constant 0 : i32
        %dma_start3A_480 = tpu.memref_slice %arg4[%cond3A_238, %dma_start3A] : memref<16x128xi32, #tpu.memory_space<vmem>> -> memref<1x128xi32, #tpu.memory_space<vmem>>
        %dma_start3A_481 = tpu.memref_squeeze %dma_start3A_480 : memref<1x128xi32, #tpu.memory_space<vmem>> -> memref<128xi32, #tpu.memory_space<vmem>>
        %dma_start3A_482 = tpu.memref_slice %arg2[%cond3A_237, %mul3A_156] : memref<2x320000xi32, #tpu.memory_space<hbm>> -> memref<1x128xi32, #tpu.memory_space<hbm>>
        %dma_start3A_483 = tpu.memref_squeeze %dma_start3A_482 : memref<1x128xi32, #tpu.memory_space<hbm>> -> memref<128xi32, #tpu.memory_space<hbm>>
        %dma_start3A_484 = arith.constant 0 : i32
        %dma_start3A_485 = tpu.memref_slice %arg4[%cond3A_238, %dma_start3A_484] : memref<16x128xi32, #tpu.memory_space<vmem>> -> memref<1x128xi32, #tpu.memory_space<vmem>>
        %dma_start3A_486 = tpu.memref_squeeze %dma_start3A_485 : memref<1x128xi32, #tpu.memory_space<vmem>> -> memref<128xi32, #tpu.memory_space<vmem>>
        %dma_start3A_487 = tpu.memref_slice %arg2[%cond3A_237, %mul3A_156] : memref<2x320000xi32, #tpu.memory_space<hbm>> -> memref<1x128xi32, #tpu.memory_space<hbm>>
        %dma_start3A_488 = tpu.memref_squeeze %dma_start3A_487 : memref<1x128xi32, #tpu.memory_space<hbm>> -> memref<128xi32, #tpu.memory_space<hbm>>
        tpu.enqueue_dma source(%dma_start3A_488 : memref<128xi32, #tpu.memory_space<hbm>>) target(%dma_start3A_486 : memref<128xi32, #tpu.memory_space<vmem>>) target_semaphore(%arg8 : memref<!tpu.dma_semaphore, #tpu.memory_space<semaphore_mem>>)
      } else {
      }
      %convert_element_type3A_241 = arith.extui %lt3A_77 : i1 to i32
      %cond3A_242 = arith.constant 1 : i32
      %cond3A_243 = arith.constant 10 : i32
      %cond3A_244 = arith.constant 0 : i32
      %cond3A_245 = arith.cmpi ne, %convert_element_type3A_241, %cond3A_244 : i32
      scf.if %cond3A_245 {
        %dma_start3A = arith.constant 0 : i32
        %dma_start3A_480 = tpu.memref_slice %arg4[%cond3A_243, %dma_start3A] : memref<16x128xi32, #tpu.memory_space<vmem>> -> memref<1x128xi32, #tpu.memory_space<vmem>>
        %dma_start3A_481 = tpu.memref_squeeze %dma_start3A_480 : memref<1x128xi32, #tpu.memory_space<vmem>> -> memref<128xi32, #tpu.memory_space<vmem>>
        %dma_start3A_482 = tpu.memref_slice %arg2[%cond3A_242, %mul3A_162] : memref<2x320000xi32, #tpu.memory_space<hbm>> -> memref<1x128xi32, #tpu.memory_space<hbm>>
        %dma_start3A_483 = tpu.memref_squeeze %dma_start3A_482 : memref<1x128xi32, #tpu.memory_space<hbm>> -> memref<128xi32, #tpu.memory_space<hbm>>
        %dma_start3A_484 = arith.constant 0 : i32
        %dma_start3A_485 = tpu.memref_slice %arg4[%cond3A_243, %dma_start3A_484] : memref<16x128xi32, #tpu.memory_space<vmem>> -> memref<1x128xi32, #tpu.memory_space<vmem>>
        %dma_start3A_486 = tpu.memref_squeeze %dma_start3A_485 : memref<1x128xi32, #tpu.memory_space<vmem>> -> memref<128xi32, #tpu.memory_space<vmem>>
        %dma_start3A_487 = tpu.memref_slice %arg2[%cond3A_242, %mul3A_162] : memref<2x320000xi32, #tpu.memory_space<hbm>> -> memref<1x128xi32, #tpu.memory_space<hbm>>
        %dma_start3A_488 = tpu.memref_squeeze %dma_start3A_487 : memref<1x128xi32, #tpu.memory_space<hbm>> -> memref<128xi32, #tpu.memory_space<hbm>>
        tpu.enqueue_dma source(%dma_start3A_488 : memref<128xi32, #tpu.memory_space<hbm>>) target(%dma_start3A_486 : memref<128xi32, #tpu.memory_space<vmem>>) target_semaphore(%arg8 : memref<!tpu.dma_semaphore, #tpu.memory_space<semaphore_mem>>)
      } else {
      }
      %convert_element_type3A_246 = arith.extui %lt3A_81 : i1 to i32
      %cond3A_247 = arith.constant 1 : i32
      %cond3A_248 = arith.constant 11 : i32
      %cond3A_249 = arith.constant 0 : i32
      %cond3A_250 = arith.cmpi ne, %convert_element_type3A_246, %cond3A_249 : i32
      scf.if %cond3A_250 {
        %dma_start3A = arith.constant 0 : i32
        %dma_start3A_480 = tpu.memref_slice %arg4[%cond3A_248, %dma_start3A] : memref<16x128xi32, #tpu.memory_space<vmem>> -> memref<1x128xi32, #tpu.memory_space<vmem>>
        %dma_start3A_481 = tpu.memref_squeeze %dma_start3A_480 : memref<1x128xi32, #tpu.memory_space<vmem>> -> memref<128xi32, #tpu.memory_space<vmem>>
        %dma_start3A_482 = tpu.memref_slice %arg2[%cond3A_247, %mul3A_168] : memref<2x320000xi32, #tpu.memory_space<hbm>> -> memref<1x128xi32, #tpu.memory_space<hbm>>
        %dma_start3A_483 = tpu.memref_squeeze %dma_start3A_482 : memref<1x128xi32, #tpu.memory_space<hbm>> -> memref<128xi32, #tpu.memory_space<hbm>>
        %dma_start3A_484 = arith.constant 0 : i32
        %dma_start3A_485 = tpu.memref_slice %arg4[%cond3A_248, %dma_start3A_484] : memref<16x128xi32, #tpu.memory_space<vmem>> -> memref<1x128xi32, #tpu.memory_space<vmem>>
        %dma_start3A_486 = tpu.memref_squeeze %dma_start3A_485 : memref<1x128xi32, #tpu.memory_space<vmem>> -> memref<128xi32, #tpu.memory_space<vmem>>
        %dma_start3A_487 = tpu.memref_slice %arg2[%cond3A_247, %mul3A_168] : memref<2x320000xi32, #tpu.memory_space<hbm>> -> memref<1x128xi32, #tpu.memory_space<hbm>>
        %dma_start3A_488 = tpu.memref_squeeze %dma_start3A_487 : memref<1x128xi32, #tpu.memory_space<hbm>> -> memref<128xi32, #tpu.memory_space<hbm>>
        tpu.enqueue_dma source(%dma_start3A_488 : memref<128xi32, #tpu.memory_space<hbm>>) target(%dma_start3A_486 : memref<128xi32, #tpu.memory_space<vmem>>) target_semaphore(%arg8 : memref<!tpu.dma_semaphore, #tpu.memory_space<semaphore_mem>>)
      } else {
      }
      %convert_element_type3A_251 = arith.extui %lt3A_85 : i1 to i32
      %cond3A_252 = arith.constant 1 : i32
      %cond3A_253 = arith.constant 12 : i32
      %cond3A_254 = arith.constant 0 : i32
      %cond3A_255 = arith.cmpi ne, %convert_element_type3A_251, %cond3A_254 : i32
      scf.if %cond3A_255 {
        %dma_start3A = arith.constant 0 : i32
        %dma_start3A_480 = tpu.memref_slice %arg4[%cond3A_253, %dma_start3A] : memref<16x128xi32, #tpu.memory_space<vmem>> -> memref<1x128xi32, #tpu.memory_space<vmem>>
        %dma_start3A_481 = tpu.memref_squeeze %dma_start3A_480 : memref<1x128xi32, #tpu.memory_space<vmem>> -> memref<128xi32, #tpu.memory_space<vmem>>
        %dma_start3A_482 = tpu.memref_slice %arg2[%cond3A_252, %mul3A_174] : memref<2x320000xi32, #tpu.memory_space<hbm>> -> memref<1x128xi32, #tpu.memory_space<hbm>>
        %dma_start3A_483 = tpu.memref_squeeze %dma_start3A_482 : memref<1x128xi32, #tpu.memory_space<hbm>> -> memref<128xi32, #tpu.memory_space<hbm>>
        %dma_start3A_484 = arith.constant 0 : i32
        %dma_start3A_485 = tpu.memref_slice %arg4[%cond3A_253, %dma_start3A_484] : memref<16x128xi32, #tpu.memory_space<vmem>> -> memref<1x128xi32, #tpu.memory_space<vmem>>
        %dma_start3A_486 = tpu.memref_squeeze %dma_start3A_485 : memref<1x128xi32, #tpu.memory_space<vmem>> -> memref<128xi32, #tpu.memory_space<vmem>>
        %dma_start3A_487 = tpu.memref_slice %arg2[%cond3A_252, %mul3A_174] : memref<2x320000xi32, #tpu.memory_space<hbm>> -> memref<1x128xi32, #tpu.memory_space<hbm>>
        %dma_start3A_488 = tpu.memref_squeeze %dma_start3A_487 : memref<1x128xi32, #tpu.memory_space<hbm>> -> memref<128xi32, #tpu.memory_space<hbm>>
        tpu.enqueue_dma source(%dma_start3A_488 : memref<128xi32, #tpu.memory_space<hbm>>) target(%dma_start3A_486 : memref<128xi32, #tpu.memory_space<vmem>>) target_semaphore(%arg8 : memref<!tpu.dma_semaphore, #tpu.memory_space<semaphore_mem>>)
      } else {
      }
      %convert_element_type3A_256 = arith.extui %lt3A_89 : i1 to i32
      %cond3A_257 = arith.constant 1 : i32
      %cond3A_258 = arith.constant 13 : i32
      %cond3A_259 = arith.constant 0 : i32
      %cond3A_260 = arith.cmpi ne, %convert_element_type3A_256, %cond3A_259 : i32
      scf.if %cond3A_260 {
        %dma_start3A = arith.constant 0 : i32
        %dma_start3A_480 = tpu.memref_slice %arg4[%cond3A_258, %dma_start3A] : memref<16x128xi32, #tpu.memory_space<vmem>> -> memref<1x128xi32, #tpu.memory_space<vmem>>
        %dma_start3A_481 = tpu.memref_squeeze %dma_start3A_480 : memref<1x128xi32, #tpu.memory_space<vmem>> -> memref<128xi32, #tpu.memory_space<vmem>>
        %dma_start3A_482 = tpu.memref_slice %arg2[%cond3A_257, %mul3A_180] : memref<2x320000xi32, #tpu.memory_space<hbm>> -> memref<1x128xi32, #tpu.memory_space<hbm>>
        %dma_start3A_483 = tpu.memref_squeeze %dma_start3A_482 : memref<1x128xi32, #tpu.memory_space<hbm>> -> memref<128xi32, #tpu.memory_space<hbm>>
        %dma_start3A_484 = arith.constant 0 : i32
        %dma_start3A_485 = tpu.memref_slice %arg4[%cond3A_258, %dma_start3A_484] : memref<16x128xi32, #tpu.memory_space<vmem>> -> memref<1x128xi32, #tpu.memory_space<vmem>>
        %dma_start3A_486 = tpu.memref_squeeze %dma_start3A_485 : memref<1x128xi32, #tpu.memory_space<vmem>> -> memref<128xi32, #tpu.memory_space<vmem>>
        %dma_start3A_487 = tpu.memref_slice %arg2[%cond3A_257, %mul3A_180] : memref<2x320000xi32, #tpu.memory_space<hbm>> -> memref<1x128xi32, #tpu.memory_space<hbm>>
        %dma_start3A_488 = tpu.memref_squeeze %dma_start3A_487 : memref<1x128xi32, #tpu.memory_space<hbm>> -> memref<128xi32, #tpu.memory_space<hbm>>
        tpu.enqueue_dma source(%dma_start3A_488 : memref<128xi32, #tpu.memory_space<hbm>>) target(%dma_start3A_486 : memref<128xi32, #tpu.memory_space<vmem>>) target_semaphore(%arg8 : memref<!tpu.dma_semaphore, #tpu.memory_space<semaphore_mem>>)
      } else {
      }
      %convert_element_type3A_261 = arith.extui %lt3A_93 : i1 to i32
      %cond3A_262 = arith.constant 1 : i32
      %cond3A_263 = arith.constant 14 : i32
      %cond3A_264 = arith.constant 0 : i32
      %cond3A_265 = arith.cmpi ne, %convert_element_type3A_261, %cond3A_264 : i32
      scf.if %cond3A_265 {
        %dma_start3A = arith.constant 0 : i32
        %dma_start3A_480 = tpu.memref_slice %arg4[%cond3A_263, %dma_start3A] : memref<16x128xi32, #tpu.memory_space<vmem>> -> memref<1x128xi32, #tpu.memory_space<vmem>>
        %dma_start3A_481 = tpu.memref_squeeze %dma_start3A_480 : memref<1x128xi32, #tpu.memory_space<vmem>> -> memref<128xi32, #tpu.memory_space<vmem>>
        %dma_start3A_482 = tpu.memref_slice %arg2[%cond3A_262, %mul3A_186] : memref<2x320000xi32, #tpu.memory_space<hbm>> -> memref<1x128xi32, #tpu.memory_space<hbm>>
        %dma_start3A_483 = tpu.memref_squeeze %dma_start3A_482 : memref<1x128xi32, #tpu.memory_space<hbm>> -> memref<128xi32, #tpu.memory_space<hbm>>
        %dma_start3A_484 = arith.constant 0 : i32
        %dma_start3A_485 = tpu.memref_slice %arg4[%cond3A_263, %dma_start3A_484] : memref<16x128xi32, #tpu.memory_space<vmem>> -> memref<1x128xi32, #tpu.memory_space<vmem>>
        %dma_start3A_486 = tpu.memref_squeeze %dma_start3A_485 : memref<1x128xi32, #tpu.memory_space<vmem>> -> memref<128xi32, #tpu.memory_space<vmem>>
        %dma_start3A_487 = tpu.memref_slice %arg2[%cond3A_262, %mul3A_186] : memref<2x320000xi32, #tpu.memory_space<hbm>> -> memref<1x128xi32, #tpu.memory_space<hbm>>
        %dma_start3A_488 = tpu.memref_squeeze %dma_start3A_487 : memref<1x128xi32, #tpu.memory_space<hbm>> -> memref<128xi32, #tpu.memory_space<hbm>>
        tpu.enqueue_dma source(%dma_start3A_488 : memref<128xi32, #tpu.memory_space<hbm>>) target(%dma_start3A_486 : memref<128xi32, #tpu.memory_space<vmem>>) target_semaphore(%arg8 : memref<!tpu.dma_semaphore, #tpu.memory_space<semaphore_mem>>)
      } else {
      }
      %convert_element_type3A_266 = arith.extui %lt3A_97 : i1 to i32
      %cond3A_267 = arith.constant 1 : i32
      %cond3A_268 = arith.constant 15 : i32
      %cond3A_269 = arith.constant 0 : i32
      %cond3A_270 = arith.cmpi ne, %convert_element_type3A_266, %cond3A_269 : i32
      scf.if %cond3A_270 {
        %dma_start3A = arith.constant 0 : i32
        %dma_start3A_480 = tpu.memref_slice %arg4[%cond3A_268, %dma_start3A] : memref<16x128xi32, #tpu.memory_space<vmem>> -> memref<1x128xi32, #tpu.memory_space<vmem>>
        %dma_start3A_481 = tpu.memref_squeeze %dma_start3A_480 : memref<1x128xi32, #tpu.memory_space<vmem>> -> memref<128xi32, #tpu.memory_space<vmem>>
        %dma_start3A_482 = tpu.memref_slice %arg2[%cond3A_267, %mul3A_192] : memref<2x320000xi32, #tpu.memory_space<hbm>> -> memref<1x128xi32, #tpu.memory_space<hbm>>
        %dma_start3A_483 = tpu.memref_squeeze %dma_start3A_482 : memref<1x128xi32, #tpu.memory_space<hbm>> -> memref<128xi32, #tpu.memory_space<hbm>>
        %dma_start3A_484 = arith.constant 0 : i32
        %dma_start3A_485 = tpu.memref_slice %arg4[%cond3A_268, %dma_start3A_484] : memref<16x128xi32, #tpu.memory_space<vmem>> -> memref<1x128xi32, #tpu.memory_space<vmem>>
        %dma_start3A_486 = tpu.memref_squeeze %dma_start3A_485 : memref<1x128xi32, #tpu.memory_space<vmem>> -> memref<128xi32, #tpu.memory_space<vmem>>
        %dma_start3A_487 = tpu.memref_slice %arg2[%cond3A_267, %mul3A_192] : memref<2x320000xi32, #tpu.memory_space<hbm>> -> memref<1x128xi32, #tpu.memory_space<hbm>>
        %dma_start3A_488 = tpu.memref_squeeze %dma_start3A_487 : memref<1x128xi32, #tpu.memory_space<hbm>> -> memref<128xi32, #tpu.memory_space<hbm>>
        tpu.enqueue_dma source(%dma_start3A_488 : memref<128xi32, #tpu.memory_space<hbm>>) target(%dma_start3A_486 : memref<128xi32, #tpu.memory_space<vmem>>) target_semaphore(%arg8 : memref<!tpu.dma_semaphore, #tpu.memory_space<semaphore_mem>>)
      } else {
      }
      %convert_element_type3A_271 = arith.extui %lt3A_37 : i1 to i32
      %cond3A_272 = arith.constant 1 : i32
      %cond3A_273 = arith.constant 0 : i32
      %cond3A_274 = arith.constant 0 : i32
      %cond3A_275 = arith.cmpi ne, %convert_element_type3A_271, %cond3A_274 : i32
      scf.if %cond3A_275 {
        %dma_wait3A = arith.constant 0 : i32
        %dma_wait3A_480 = tpu.memref_slice %arg4[%cond3A_273, %dma_wait3A] : memref<16x128xi32, #tpu.memory_space<vmem>> -> memref<1x128xi32, #tpu.memory_space<vmem>>
        %dma_wait3A_481 = tpu.memref_squeeze %dma_wait3A_480 : memref<1x128xi32, #tpu.memory_space<vmem>> -> memref<128xi32, #tpu.memory_space<vmem>>
        %dma_wait3A_482 = tpu.memref_slice %arg2[%cond3A_272, %mul3A_102] : memref<2x320000xi32, #tpu.memory_space<hbm>> -> memref<1x128xi32, #tpu.memory_space<hbm>>
        %dma_wait3A_483 = tpu.memref_squeeze %dma_wait3A_482 : memref<1x128xi32, #tpu.memory_space<hbm>> -> memref<128xi32, #tpu.memory_space<hbm>>
        %dma_wait3A_484 = arith.constant 0 : i32
        %dma_wait3A_485 = tpu.memref_slice %arg4[%cond3A_273, %dma_wait3A_484] : memref<16x128xi32, #tpu.memory_space<vmem>> -> memref<1x128xi32, #tpu.memory_space<vmem>>
        %dma_wait3A_486 = tpu.memref_squeeze %dma_wait3A_485 : memref<1x128xi32, #tpu.memory_space<vmem>> -> memref<128xi32, #tpu.memory_space<vmem>>
        %dma_wait3A_487 = tpu.memref_slice %arg2[%cond3A_272, %mul3A_102] : memref<2x320000xi32, #tpu.memory_space<hbm>> -> memref<1x128xi32, #tpu.memory_space<hbm>>
        %dma_wait3A_488 = tpu.memref_squeeze %dma_wait3A_487 : memref<1x128xi32, #tpu.memory_space<hbm>> -> memref<128xi32, #tpu.memory_space<hbm>>
        tpu.wait_dma2 semaphore(%arg8 : memref<!tpu.dma_semaphore, #tpu.memory_space<semaphore_mem>>) src(%dma_wait3A_488 : memref<128xi32, #tpu.memory_space<hbm>>) dst(%dma_wait3A_486 : memref<128xi32, #tpu.memory_space<vmem>>)
      } else {
      }
      %convert_element_type3A_276 = arith.extui %lt3A_41 : i1 to i32
      %cond3A_277 = arith.constant 1 : i32
      %cond3A_278 = arith.constant 1 : i32
      %cond3A_279 = arith.constant 0 : i32
      %cond3A_280 = arith.cmpi ne, %convert_element_type3A_276, %cond3A_279 : i32
      scf.if %cond3A_280 {
        %dma_wait3A = arith.constant 0 : i32
        %dma_wait3A_480 = tpu.memref_slice %arg4[%cond3A_278, %dma_wait3A] : memref<16x128xi32, #tpu.memory_space<vmem>> -> memref<1x128xi32, #tpu.memory_space<vmem>>
        %dma_wait3A_481 = tpu.memref_squeeze %dma_wait3A_480 : memref<1x128xi32, #tpu.memory_space<vmem>> -> memref<128xi32, #tpu.memory_space<vmem>>
        %dma_wait3A_482 = tpu.memref_slice %arg2[%cond3A_277, %mul3A_108] : memref<2x320000xi32, #tpu.memory_space<hbm>> -> memref<1x128xi32, #tpu.memory_space<hbm>>
        %dma_wait3A_483 = tpu.memref_squeeze %dma_wait3A_482 : memref<1x128xi32, #tpu.memory_space<hbm>> -> memref<128xi32, #tpu.memory_space<hbm>>
        %dma_wait3A_484 = arith.constant 0 : i32
        %dma_wait3A_485 = tpu.memref_slice %arg4[%cond3A_278, %dma_wait3A_484] : memref<16x128xi32, #tpu.memory_space<vmem>> -> memref<1x128xi32, #tpu.memory_space<vmem>>
        %dma_wait3A_486 = tpu.memref_squeeze %dma_wait3A_485 : memref<1x128xi32, #tpu.memory_space<vmem>> -> memref<128xi32, #tpu.memory_space<vmem>>
        %dma_wait3A_487 = tpu.memref_slice %arg2[%cond3A_277, %mul3A_108] : memref<2x320000xi32, #tpu.memory_space<hbm>> -> memref<1x128xi32, #tpu.memory_space<hbm>>
        %dma_wait3A_488 = tpu.memref_squeeze %dma_wait3A_487 : memref<1x128xi32, #tpu.memory_space<hbm>> -> memref<128xi32, #tpu.memory_space<hbm>>
        tpu.wait_dma2 semaphore(%arg8 : memref<!tpu.dma_semaphore, #tpu.memory_space<semaphore_mem>>) src(%dma_wait3A_488 : memref<128xi32, #tpu.memory_space<hbm>>) dst(%dma_wait3A_486 : memref<128xi32, #tpu.memory_space<vmem>>)
      } else {
      }
      %convert_element_type3A_281 = arith.extui %lt3A_45 : i1 to i32
      %cond3A_282 = arith.constant 1 : i32
      %cond3A_283 = arith.constant 2 : i32
      %cond3A_284 = arith.constant 0 : i32
      %cond3A_285 = arith.cmpi ne, %convert_element_type3A_281, %cond3A_284 : i32
      scf.if %cond3A_285 {
        %dma_wait3A = arith.constant 0 : i32
        %dma_wait3A_480 = tpu.memref_slice %arg4[%cond3A_283, %dma_wait3A] : memref<16x128xi32, #tpu.memory_space<vmem>> -> memref<1x128xi32, #tpu.memory_space<vmem>>
        %dma_wait3A_481 = tpu.memref_squeeze %dma_wait3A_480 : memref<1x128xi32, #tpu.memory_space<vmem>> -> memref<128xi32, #tpu.memory_space<vmem>>
        %dma_wait3A_482 = tpu.memref_slice %arg2[%cond3A_282, %mul3A_114] : memref<2x320000xi32, #tpu.memory_space<hbm>> -> memref<1x128xi32, #tpu.memory_space<hbm>>
        %dma_wait3A_483 = tpu.memref_squeeze %dma_wait3A_482 : memref<1x128xi32, #tpu.memory_space<hbm>> -> memref<128xi32, #tpu.memory_space<hbm>>
        %dma_wait3A_484 = arith.constant 0 : i32
        %dma_wait3A_485 = tpu.memref_slice %arg4[%cond3A_283, %dma_wait3A_484] : memref<16x128xi32, #tpu.memory_space<vmem>> -> memref<1x128xi32, #tpu.memory_space<vmem>>
        %dma_wait3A_486 = tpu.memref_squeeze %dma_wait3A_485 : memref<1x128xi32, #tpu.memory_space<vmem>> -> memref<128xi32, #tpu.memory_space<vmem>>
        %dma_wait3A_487 = tpu.memref_slice %arg2[%cond3A_282, %mul3A_114] : memref<2x320000xi32, #tpu.memory_space<hbm>> -> memref<1x128xi32, #tpu.memory_space<hbm>>
        %dma_wait3A_488 = tpu.memref_squeeze %dma_wait3A_487 : memref<1x128xi32, #tpu.memory_space<hbm>> -> memref<128xi32, #tpu.memory_space<hbm>>
        tpu.wait_dma2 semaphore(%arg8 : memref<!tpu.dma_semaphore, #tpu.memory_space<semaphore_mem>>) src(%dma_wait3A_488 : memref<128xi32, #tpu.memory_space<hbm>>) dst(%dma_wait3A_486 : memref<128xi32, #tpu.memory_space<vmem>>)
      } else {
      }
      %convert_element_type3A_286 = arith.extui %lt3A_49 : i1 to i32
      %cond3A_287 = arith.constant 1 : i32
      %cond3A_288 = arith.constant 3 : i32
      %cond3A_289 = arith.constant 0 : i32
      %cond3A_290 = arith.cmpi ne, %convert_element_type3A_286, %cond3A_289 : i32
      scf.if %cond3A_290 {
        %dma_wait3A = arith.constant 0 : i32
        %dma_wait3A_480 = tpu.memref_slice %arg4[%cond3A_288, %dma_wait3A] : memref<16x128xi32, #tpu.memory_space<vmem>> -> memref<1x128xi32, #tpu.memory_space<vmem>>
        %dma_wait3A_481 = tpu.memref_squeeze %dma_wait3A_480 : memref<1x128xi32, #tpu.memory_space<vmem>> -> memref<128xi32, #tpu.memory_space<vmem>>
        %dma_wait3A_482 = tpu.memref_slice %arg2[%cond3A_287, %mul3A_120] : memref<2x320000xi32, #tpu.memory_space<hbm>> -> memref<1x128xi32, #tpu.memory_space<hbm>>
        %dma_wait3A_483 = tpu.memref_squeeze %dma_wait3A_482 : memref<1x128xi32, #tpu.memory_space<hbm>> -> memref<128xi32, #tpu.memory_space<hbm>>
        %dma_wait3A_484 = arith.constant 0 : i32
        %dma_wait3A_485 = tpu.memref_slice %arg4[%cond3A_288, %dma_wait3A_484] : memref<16x128xi32, #tpu.memory_space<vmem>> -> memref<1x128xi32, #tpu.memory_space<vmem>>
        %dma_wait3A_486 = tpu.memref_squeeze %dma_wait3A_485 : memref<1x128xi32, #tpu.memory_space<vmem>> -> memref<128xi32, #tpu.memory_space<vmem>>
        %dma_wait3A_487 = tpu.memref_slice %arg2[%cond3A_287, %mul3A_120] : memref<2x320000xi32, #tpu.memory_space<hbm>> -> memref<1x128xi32, #tpu.memory_space<hbm>>
        %dma_wait3A_488 = tpu.memref_squeeze %dma_wait3A_487 : memref<1x128xi32, #tpu.memory_space<hbm>> -> memref<128xi32, #tpu.memory_space<hbm>>
        tpu.wait_dma2 semaphore(%arg8 : memref<!tpu.dma_semaphore, #tpu.memory_space<semaphore_mem>>) src(%dma_wait3A_488 : memref<128xi32, #tpu.memory_space<hbm>>) dst(%dma_wait3A_486 : memref<128xi32, #tpu.memory_space<vmem>>)
      } else {
      }
      %convert_element_type3A_291 = arith.extui %lt3A_53 : i1 to i32
      %cond3A_292 = arith.constant 1 : i32
      %cond3A_293 = arith.constant 4 : i32
      %cond3A_294 = arith.constant 0 : i32
      %cond3A_295 = arith.cmpi ne, %convert_element_type3A_291, %cond3A_294 : i32
      scf.if %cond3A_295 {
        %dma_wait3A = arith.constant 0 : i32
        %dma_wait3A_480 = tpu.memref_slice %arg4[%cond3A_293, %dma_wait3A] : memref<16x128xi32, #tpu.memory_space<vmem>> -> memref<1x128xi32, #tpu.memory_space<vmem>>
        %dma_wait3A_481 = tpu.memref_squeeze %dma_wait3A_480 : memref<1x128xi32, #tpu.memory_space<vmem>> -> memref<128xi32, #tpu.memory_space<vmem>>
        %dma_wait3A_482 = tpu.memref_slice %arg2[%cond3A_292, %mul3A_126] : memref<2x320000xi32, #tpu.memory_space<hbm>> -> memref<1x128xi32, #tpu.memory_space<hbm>>
        %dma_wait3A_483 = tpu.memref_squeeze %dma_wait3A_482 : memref<1x128xi32, #tpu.memory_space<hbm>> -> memref<128xi32, #tpu.memory_space<hbm>>
        %dma_wait3A_484 = arith.constant 0 : i32
        %dma_wait3A_485 = tpu.memref_slice %arg4[%cond3A_293, %dma_wait3A_484] : memref<16x128xi32, #tpu.memory_space<vmem>> -> memref<1x128xi32, #tpu.memory_space<vmem>>
        %dma_wait3A_486 = tpu.memref_squeeze %dma_wait3A_485 : memref<1x128xi32, #tpu.memory_space<vmem>> -> memref<128xi32, #tpu.memory_space<vmem>>
        %dma_wait3A_487 = tpu.memref_slice %arg2[%cond3A_292, %mul3A_126] : memref<2x320000xi32, #tpu.memory_space<hbm>> -> memref<1x128xi32, #tpu.memory_space<hbm>>
        %dma_wait3A_488 = tpu.memref_squeeze %dma_wait3A_487 : memref<1x128xi32, #tpu.memory_space<hbm>> -> memref<128xi32, #tpu.memory_space<hbm>>
        tpu.wait_dma2 semaphore(%arg8 : memref<!tpu.dma_semaphore, #tpu.memory_space<semaphore_mem>>) src(%dma_wait3A_488 : memref<128xi32, #tpu.memory_space<hbm>>) dst(%dma_wait3A_486 : memref<128xi32, #tpu.memory_space<vmem>>)
      } else {
      }
      %convert_element_type3A_296 = arith.extui %lt3A_57 : i1 to i32
      %cond3A_297 = arith.constant 1 : i32
      %cond3A_298 = arith.constant 5 : i32
      %cond3A_299 = arith.constant 0 : i32
      %cond3A_300 = arith.cmpi ne, %convert_element_type3A_296, %cond3A_299 : i32
      scf.if %cond3A_300 {
        %dma_wait3A = arith.constant 0 : i32
        %dma_wait3A_480 = tpu.memref_slice %arg4[%cond3A_298, %dma_wait3A] : memref<16x128xi32, #tpu.memory_space<vmem>> -> memref<1x128xi32, #tpu.memory_space<vmem>>
        %dma_wait3A_481 = tpu.memref_squeeze %dma_wait3A_480 : memref<1x128xi32, #tpu.memory_space<vmem>> -> memref<128xi32, #tpu.memory_space<vmem>>
        %dma_wait3A_482 = tpu.memref_slice %arg2[%cond3A_297, %mul3A_132] : memref<2x320000xi32, #tpu.memory_space<hbm>> -> memref<1x128xi32, #tpu.memory_space<hbm>>
        %dma_wait3A_483 = tpu.memref_squeeze %dma_wait3A_482 : memref<1x128xi32, #tpu.memory_space<hbm>> -> memref<128xi32, #tpu.memory_space<hbm>>
        %dma_wait3A_484 = arith.constant 0 : i32
        %dma_wait3A_485 = tpu.memref_slice %arg4[%cond3A_298, %dma_wait3A_484] : memref<16x128xi32, #tpu.memory_space<vmem>> -> memref<1x128xi32, #tpu.memory_space<vmem>>
        %dma_wait3A_486 = tpu.memref_squeeze %dma_wait3A_485 : memref<1x128xi32, #tpu.memory_space<vmem>> -> memref<128xi32, #tpu.memory_space<vmem>>
        %dma_wait3A_487 = tpu.memref_slice %arg2[%cond3A_297, %mul3A_132] : memref<2x320000xi32, #tpu.memory_space<hbm>> -> memref<1x128xi32, #tpu.memory_space<hbm>>
        %dma_wait3A_488 = tpu.memref_squeeze %dma_wait3A_487 : memref<1x128xi32, #tpu.memory_space<hbm>> -> memref<128xi32, #tpu.memory_space<hbm>>
        tpu.wait_dma2 semaphore(%arg8 : memref<!tpu.dma_semaphore, #tpu.memory_space<semaphore_mem>>) src(%dma_wait3A_488 : memref<128xi32, #tpu.memory_space<hbm>>) dst(%dma_wait3A_486 : memref<128xi32, #tpu.memory_space<vmem>>)
      } else {
      }
      %convert_element_type3A_301 = arith.extui %lt3A_61 : i1 to i32
      %cond3A_302 = arith.constant 1 : i32
      %cond3A_303 = arith.constant 6 : i32
      %cond3A_304 = arith.constant 0 : i32
      %cond3A_305 = arith.cmpi ne, %convert_element_type3A_301, %cond3A_304 : i32
      scf.if %cond3A_305 {
        %dma_wait3A = arith.constant 0 : i32
        %dma_wait3A_480 = tpu.memref_slice %arg4[%cond3A_303, %dma_wait3A] : memref<16x128xi32, #tpu.memory_space<vmem>> -> memref<1x128xi32, #tpu.memory_space<vmem>>
        %dma_wait3A_481 = tpu.memref_squeeze %dma_wait3A_480 : memref<1x128xi32, #tpu.memory_space<vmem>> -> memref<128xi32, #tpu.memory_space<vmem>>
        %dma_wait3A_482 = tpu.memref_slice %arg2[%cond3A_302, %mul3A_138] : memref<2x320000xi32, #tpu.memory_space<hbm>> -> memref<1x128xi32, #tpu.memory_space<hbm>>
        %dma_wait3A_483 = tpu.memref_squeeze %dma_wait3A_482 : memref<1x128xi32, #tpu.memory_space<hbm>> -> memref<128xi32, #tpu.memory_space<hbm>>
        %dma_wait3A_484 = arith.constant 0 : i32
        %dma_wait3A_485 = tpu.memref_slice %arg4[%cond3A_303, %dma_wait3A_484] : memref<16x128xi32, #tpu.memory_space<vmem>> -> memref<1x128xi32, #tpu.memory_space<vmem>>
        %dma_wait3A_486 = tpu.memref_squeeze %dma_wait3A_485 : memref<1x128xi32, #tpu.memory_space<vmem>> -> memref<128xi32, #tpu.memory_space<vmem>>
        %dma_wait3A_487 = tpu.memref_slice %arg2[%cond3A_302, %mul3A_138] : memref<2x320000xi32, #tpu.memory_space<hbm>> -> memref<1x128xi32, #tpu.memory_space<hbm>>
        %dma_wait3A_488 = tpu.memref_squeeze %dma_wait3A_487 : memref<1x128xi32, #tpu.memory_space<hbm>> -> memref<128xi32, #tpu.memory_space<hbm>>
        tpu.wait_dma2 semaphore(%arg8 : memref<!tpu.dma_semaphore, #tpu.memory_space<semaphore_mem>>) src(%dma_wait3A_488 : memref<128xi32, #tpu.memory_space<hbm>>) dst(%dma_wait3A_486 : memref<128xi32, #tpu.memory_space<vmem>>)
      } else {
      }
      %convert_element_type3A_306 = arith.extui %lt3A_65 : i1 to i32
      %cond3A_307 = arith.constant 1 : i32
      %cond3A_308 = arith.constant 7 : i32
      %cond3A_309 = arith.constant 0 : i32
      %cond3A_310 = arith.cmpi ne, %convert_element_type3A_306, %cond3A_309 : i32
      scf.if %cond3A_310 {
        %dma_wait3A = arith.constant 0 : i32
        %dma_wait3A_480 = tpu.memref_slice %arg4[%cond3A_308, %dma_wait3A] : memref<16x128xi32, #tpu.memory_space<vmem>> -> memref<1x128xi32, #tpu.memory_space<vmem>>
        %dma_wait3A_481 = tpu.memref_squeeze %dma_wait3A_480 : memref<1x128xi32, #tpu.memory_space<vmem>> -> memref<128xi32, #tpu.memory_space<vmem>>
        %dma_wait3A_482 = tpu.memref_slice %arg2[%cond3A_307, %mul3A_144] : memref<2x320000xi32, #tpu.memory_space<hbm>> -> memref<1x128xi32, #tpu.memory_space<hbm>>
        %dma_wait3A_483 = tpu.memref_squeeze %dma_wait3A_482 : memref<1x128xi32, #tpu.memory_space<hbm>> -> memref<128xi32, #tpu.memory_space<hbm>>
        %dma_wait3A_484 = arith.constant 0 : i32
        %dma_wait3A_485 = tpu.memref_slice %arg4[%cond3A_308, %dma_wait3A_484] : memref<16x128xi32, #tpu.memory_space<vmem>> -> memref<1x128xi32, #tpu.memory_space<vmem>>
        %dma_wait3A_486 = tpu.memref_squeeze %dma_wait3A_485 : memref<1x128xi32, #tpu.memory_space<vmem>> -> memref<128xi32, #tpu.memory_space<vmem>>
        %dma_wait3A_487 = tpu.memref_slice %arg2[%cond3A_307, %mul3A_144] : memref<2x320000xi32, #tpu.memory_space<hbm>> -> memref<1x128xi32, #tpu.memory_space<hbm>>
        %dma_wait3A_488 = tpu.memref_squeeze %dma_wait3A_487 : memref<1x128xi32, #tpu.memory_space<hbm>> -> memref<128xi32, #tpu.memory_space<hbm>>
        tpu.wait_dma2 semaphore(%arg8 : memref<!tpu.dma_semaphore, #tpu.memory_space<semaphore_mem>>) src(%dma_wait3A_488 : memref<128xi32, #tpu.memory_space<hbm>>) dst(%dma_wait3A_486 : memref<128xi32, #tpu.memory_space<vmem>>)
      } else {
      }
      %convert_element_type3A_311 = arith.extui %lt3A_69 : i1 to i32
      %cond3A_312 = arith.constant 1 : i32
      %cond3A_313 = arith.constant 8 : i32
      %cond3A_314 = arith.constant 0 : i32
      %cond3A_315 = arith.cmpi ne, %convert_element_type3A_311, %cond3A_314 : i32
      scf.if %cond3A_315 {
        %dma_wait3A = arith.constant 0 : i32
        %dma_wait3A_480 = tpu.memref_slice %arg4[%cond3A_313, %dma_wait3A] : memref<16x128xi32, #tpu.memory_space<vmem>> -> memref<1x128xi32, #tpu.memory_space<vmem>>
        %dma_wait3A_481 = tpu.memref_squeeze %dma_wait3A_480 : memref<1x128xi32, #tpu.memory_space<vmem>> -> memref<128xi32, #tpu.memory_space<vmem>>
        %dma_wait3A_482 = tpu.memref_slice %arg2[%cond3A_312, %mul3A_150] : memref<2x320000xi32, #tpu.memory_space<hbm>> -> memref<1x128xi32, #tpu.memory_space<hbm>>
        %dma_wait3A_483 = tpu.memref_squeeze %dma_wait3A_482 : memref<1x128xi32, #tpu.memory_space<hbm>> -> memref<128xi32, #tpu.memory_space<hbm>>
        %dma_wait3A_484 = arith.constant 0 : i32
        %dma_wait3A_485 = tpu.memref_slice %arg4[%cond3A_313, %dma_wait3A_484] : memref<16x128xi32, #tpu.memory_space<vmem>> -> memref<1x128xi32, #tpu.memory_space<vmem>>
        %dma_wait3A_486 = tpu.memref_squeeze %dma_wait3A_485 : memref<1x128xi32, #tpu.memory_space<vmem>> -> memref<128xi32, #tpu.memory_space<vmem>>
        %dma_wait3A_487 = tpu.memref_slice %arg2[%cond3A_312, %mul3A_150] : memref<2x320000xi32, #tpu.memory_space<hbm>> -> memref<1x128xi32, #tpu.memory_space<hbm>>
        %dma_wait3A_488 = tpu.memref_squeeze %dma_wait3A_487 : memref<1x128xi32, #tpu.memory_space<hbm>> -> memref<128xi32, #tpu.memory_space<hbm>>
        tpu.wait_dma2 semaphore(%arg8 : memref<!tpu.dma_semaphore, #tpu.memory_space<semaphore_mem>>) src(%dma_wait3A_488 : memref<128xi32, #tpu.memory_space<hbm>>) dst(%dma_wait3A_486 : memref<128xi32, #tpu.memory_space<vmem>>)
      } else {
      }
      %convert_element_type3A_316 = arith.extui %lt3A_73 : i1 to i32
      %cond3A_317 = arith.constant 1 : i32
      %cond3A_318 = arith.constant 9 : i32
      %cond3A_319 = arith.constant 0 : i32
      %cond3A_320 = arith.cmpi ne, %convert_element_type3A_316, %cond3A_319 : i32
      scf.if %cond3A_320 {
        %dma_wait3A = arith.constant 0 : i32
        %dma_wait3A_480 = tpu.memref_slice %arg4[%cond3A_318, %dma_wait3A] : memref<16x128xi32, #tpu.memory_space<vmem>> -> memref<1x128xi32, #tpu.memory_space<vmem>>
        %dma_wait3A_481 = tpu.memref_squeeze %dma_wait3A_480 : memref<1x128xi32, #tpu.memory_space<vmem>> -> memref<128xi32, #tpu.memory_space<vmem>>
        %dma_wait3A_482 = tpu.memref_slice %arg2[%cond3A_317, %mul3A_156] : memref<2x320000xi32, #tpu.memory_space<hbm>> -> memref<1x128xi32, #tpu.memory_space<hbm>>
        %dma_wait3A_483 = tpu.memref_squeeze %dma_wait3A_482 : memref<1x128xi32, #tpu.memory_space<hbm>> -> memref<128xi32, #tpu.memory_space<hbm>>
        %dma_wait3A_484 = arith.constant 0 : i32
        %dma_wait3A_485 = tpu.memref_slice %arg4[%cond3A_318, %dma_wait3A_484] : memref<16x128xi32, #tpu.memory_space<vmem>> -> memref<1x128xi32, #tpu.memory_space<vmem>>
        %dma_wait3A_486 = tpu.memref_squeeze %dma_wait3A_485 : memref<1x128xi32, #tpu.memory_space<vmem>> -> memref<128xi32, #tpu.memory_space<vmem>>
        %dma_wait3A_487 = tpu.memref_slice %arg2[%cond3A_317, %mul3A_156] : memref<2x320000xi32, #tpu.memory_space<hbm>> -> memref<1x128xi32, #tpu.memory_space<hbm>>
        %dma_wait3A_488 = tpu.memref_squeeze %dma_wait3A_487 : memref<1x128xi32, #tpu.memory_space<hbm>> -> memref<128xi32, #tpu.memory_space<hbm>>
        tpu.wait_dma2 semaphore(%arg8 : memref<!tpu.dma_semaphore, #tpu.memory_space<semaphore_mem>>) src(%dma_wait3A_488 : memref<128xi32, #tpu.memory_space<hbm>>) dst(%dma_wait3A_486 : memref<128xi32, #tpu.memory_space<vmem>>)
      } else {
      }
      %convert_element_type3A_321 = arith.extui %lt3A_77 : i1 to i32
      %cond3A_322 = arith.constant 1 : i32
      %cond3A_323 = arith.constant 10 : i32
      %cond3A_324 = arith.constant 0 : i32
      %cond3A_325 = arith.cmpi ne, %convert_element_type3A_321, %cond3A_324 : i32
      scf.if %cond3A_325 {
        %dma_wait3A = arith.constant 0 : i32
        %dma_wait3A_480 = tpu.memref_slice %arg4[%cond3A_323, %dma_wait3A] : memref<16x128xi32, #tpu.memory_space<vmem>> -> memref<1x128xi32, #tpu.memory_space<vmem>>
        %dma_wait3A_481 = tpu.memref_squeeze %dma_wait3A_480 : memref<1x128xi32, #tpu.memory_space<vmem>> -> memref<128xi32, #tpu.memory_space<vmem>>
        %dma_wait3A_482 = tpu.memref_slice %arg2[%cond3A_322, %mul3A_162] : memref<2x320000xi32, #tpu.memory_space<hbm>> -> memref<1x128xi32, #tpu.memory_space<hbm>>
        %dma_wait3A_483 = tpu.memref_squeeze %dma_wait3A_482 : memref<1x128xi32, #tpu.memory_space<hbm>> -> memref<128xi32, #tpu.memory_space<hbm>>
        %dma_wait3A_484 = arith.constant 0 : i32
        %dma_wait3A_485 = tpu.memref_slice %arg4[%cond3A_323, %dma_wait3A_484] : memref<16x128xi32, #tpu.memory_space<vmem>> -> memref<1x128xi32, #tpu.memory_space<vmem>>
        %dma_wait3A_486 = tpu.memref_squeeze %dma_wait3A_485 : memref<1x128xi32, #tpu.memory_space<vmem>> -> memref<128xi32, #tpu.memory_space<vmem>>
        %dma_wait3A_487 = tpu.memref_slice %arg2[%cond3A_322, %mul3A_162] : memref<2x320000xi32, #tpu.memory_space<hbm>> -> memref<1x128xi32, #tpu.memory_space<hbm>>
        %dma_wait3A_488 = tpu.memref_squeeze %dma_wait3A_487 : memref<1x128xi32, #tpu.memory_space<hbm>> -> memref<128xi32, #tpu.memory_space<hbm>>
        tpu.wait_dma2 semaphore(%arg8 : memref<!tpu.dma_semaphore, #tpu.memory_space<semaphore_mem>>) src(%dma_wait3A_488 : memref<128xi32, #tpu.memory_space<hbm>>) dst(%dma_wait3A_486 : memref<128xi32, #tpu.memory_space<vmem>>)
      } else {
      }
      %convert_element_type3A_326 = arith.extui %lt3A_81 : i1 to i32
      %cond3A_327 = arith.constant 1 : i32
      %cond3A_328 = arith.constant 11 : i32
      %cond3A_329 = arith.constant 0 : i32
      %cond3A_330 = arith.cmpi ne, %convert_element_type3A_326, %cond3A_329 : i32
      scf.if %cond3A_330 {
        %dma_wait3A = arith.constant 0 : i32
        %dma_wait3A_480 = tpu.memref_slice %arg4[%cond3A_328, %dma_wait3A] : memref<16x128xi32, #tpu.memory_space<vmem>> -> memref<1x128xi32, #tpu.memory_space<vmem>>
        %dma_wait3A_481 = tpu.memref_squeeze %dma_wait3A_480 : memref<1x128xi32, #tpu.memory_space<vmem>> -> memref<128xi32, #tpu.memory_space<vmem>>
        %dma_wait3A_482 = tpu.memref_slice %arg2[%cond3A_327, %mul3A_168] : memref<2x320000xi32, #tpu.memory_space<hbm>> -> memref<1x128xi32, #tpu.memory_space<hbm>>
        %dma_wait3A_483 = tpu.memref_squeeze %dma_wait3A_482 : memref<1x128xi32, #tpu.memory_space<hbm>> -> memref<128xi32, #tpu.memory_space<hbm>>
        %dma_wait3A_484 = arith.constant 0 : i32
        %dma_wait3A_485 = tpu.memref_slice %arg4[%cond3A_328, %dma_wait3A_484] : memref<16x128xi32, #tpu.memory_space<vmem>> -> memref<1x128xi32, #tpu.memory_space<vmem>>
        %dma_wait3A_486 = tpu.memref_squeeze %dma_wait3A_485 : memref<1x128xi32, #tpu.memory_space<vmem>> -> memref<128xi32, #tpu.memory_space<vmem>>
        %dma_wait3A_487 = tpu.memref_slice %arg2[%cond3A_327, %mul3A_168] : memref<2x320000xi32, #tpu.memory_space<hbm>> -> memref<1x128xi32, #tpu.memory_space<hbm>>
        %dma_wait3A_488 = tpu.memref_squeeze %dma_wait3A_487 : memref<1x128xi32, #tpu.memory_space<hbm>> -> memref<128xi32, #tpu.memory_space<hbm>>
        tpu.wait_dma2 semaphore(%arg8 : memref<!tpu.dma_semaphore, #tpu.memory_space<semaphore_mem>>) src(%dma_wait3A_488 : memref<128xi32, #tpu.memory_space<hbm>>) dst(%dma_wait3A_486 : memref<128xi32, #tpu.memory_space<vmem>>)
      } else {
      }
      %convert_element_type3A_331 = arith.extui %lt3A_85 : i1 to i32
      %cond3A_332 = arith.constant 1 : i32
      %cond3A_333 = arith.constant 12 : i32
      %cond3A_334 = arith.constant 0 : i32
      %cond3A_335 = arith.cmpi ne, %convert_element_type3A_331, %cond3A_334 : i32
      scf.if %cond3A_335 {
        %dma_wait3A = arith.constant 0 : i32
        %dma_wait3A_480 = tpu.memref_slice %arg4[%cond3A_333, %dma_wait3A] : memref<16x128xi32, #tpu.memory_space<vmem>> -> memref<1x128xi32, #tpu.memory_space<vmem>>
        %dma_wait3A_481 = tpu.memref_squeeze %dma_wait3A_480 : memref<1x128xi32, #tpu.memory_space<vmem>> -> memref<128xi32, #tpu.memory_space<vmem>>
        %dma_wait3A_482 = tpu.memref_slice %arg2[%cond3A_332, %mul3A_174] : memref<2x320000xi32, #tpu.memory_space<hbm>> -> memref<1x128xi32, #tpu.memory_space<hbm>>
        %dma_wait3A_483 = tpu.memref_squeeze %dma_wait3A_482 : memref<1x128xi32, #tpu.memory_space<hbm>> -> memref<128xi32, #tpu.memory_space<hbm>>
        %dma_wait3A_484 = arith.constant 0 : i32
        %dma_wait3A_485 = tpu.memref_slice %arg4[%cond3A_333, %dma_wait3A_484] : memref<16x128xi32, #tpu.memory_space<vmem>> -> memref<1x128xi32, #tpu.memory_space<vmem>>
        %dma_wait3A_486 = tpu.memref_squeeze %dma_wait3A_485 : memref<1x128xi32, #tpu.memory_space<vmem>> -> memref<128xi32, #tpu.memory_space<vmem>>
        %dma_wait3A_487 = tpu.memref_slice %arg2[%cond3A_332, %mul3A_174] : memref<2x320000xi32, #tpu.memory_space<hbm>> -> memref<1x128xi32, #tpu.memory_space<hbm>>
        %dma_wait3A_488 = tpu.memref_squeeze %dma_wait3A_487 : memref<1x128xi32, #tpu.memory_space<hbm>> -> memref<128xi32, #tpu.memory_space<hbm>>
        tpu.wait_dma2 semaphore(%arg8 : memref<!tpu.dma_semaphore, #tpu.memory_space<semaphore_mem>>) src(%dma_wait3A_488 : memref<128xi32, #tpu.memory_space<hbm>>) dst(%dma_wait3A_486 : memref<128xi32, #tpu.memory_space<vmem>>)
      } else {
      }
      %convert_element_type3A_336 = arith.extui %lt3A_89 : i1 to i32
      %cond3A_337 = arith.constant 1 : i32
      %cond3A_338 = arith.constant 13 : i32
      %cond3A_339 = arith.constant 0 : i32
      %cond3A_340 = arith.cmpi ne, %convert_element_type3A_336, %cond3A_339 : i32
      scf.if %cond3A_340 {
        %dma_wait3A = arith.constant 0 : i32
        %dma_wait3A_480 = tpu.memref_slice %arg4[%cond3A_338, %dma_wait3A] : memref<16x128xi32, #tpu.memory_space<vmem>> -> memref<1x128xi32, #tpu.memory_space<vmem>>
        %dma_wait3A_481 = tpu.memref_squeeze %dma_wait3A_480 : memref<1x128xi32, #tpu.memory_space<vmem>> -> memref<128xi32, #tpu.memory_space<vmem>>
        %dma_wait3A_482 = tpu.memref_slice %arg2[%cond3A_337, %mul3A_180] : memref<2x320000xi32, #tpu.memory_space<hbm>> -> memref<1x128xi32, #tpu.memory_space<hbm>>
        %dma_wait3A_483 = tpu.memref_squeeze %dma_wait3A_482 : memref<1x128xi32, #tpu.memory_space<hbm>> -> memref<128xi32, #tpu.memory_space<hbm>>
        %dma_wait3A_484 = arith.constant 0 : i32
        %dma_wait3A_485 = tpu.memref_slice %arg4[%cond3A_338, %dma_wait3A_484] : memref<16x128xi32, #tpu.memory_space<vmem>> -> memref<1x128xi32, #tpu.memory_space<vmem>>
        %dma_wait3A_486 = tpu.memref_squeeze %dma_wait3A_485 : memref<1x128xi32, #tpu.memory_space<vmem>> -> memref<128xi32, #tpu.memory_space<vmem>>
        %dma_wait3A_487 = tpu.memref_slice %arg2[%cond3A_337, %mul3A_180] : memref<2x320000xi32, #tpu.memory_space<hbm>> -> memref<1x128xi32, #tpu.memory_space<hbm>>
        %dma_wait3A_488 = tpu.memref_squeeze %dma_wait3A_487 : memref<1x128xi32, #tpu.memory_space<hbm>> -> memref<128xi32, #tpu.memory_space<hbm>>
        tpu.wait_dma2 semaphore(%arg8 : memref<!tpu.dma_semaphore, #tpu.memory_space<semaphore_mem>>) src(%dma_wait3A_488 : memref<128xi32, #tpu.memory_space<hbm>>) dst(%dma_wait3A_486 : memref<128xi32, #tpu.memory_space<vmem>>)
      } else {
      }
      %convert_element_type3A_341 = arith.extui %lt3A_93 : i1 to i32
      %cond3A_342 = arith.constant 1 : i32
      %cond3A_343 = arith.constant 14 : i32
      %cond3A_344 = arith.constant 0 : i32
      %cond3A_345 = arith.cmpi ne, %convert_element_type3A_341, %cond3A_344 : i32
      scf.if %cond3A_345 {
        %dma_wait3A = arith.constant 0 : i32
        %dma_wait3A_480 = tpu.memref_slice %arg4[%cond3A_343, %dma_wait3A] : memref<16x128xi32, #tpu.memory_space<vmem>> -> memref<1x128xi32, #tpu.memory_space<vmem>>
        %dma_wait3A_481 = tpu.memref_squeeze %dma_wait3A_480 : memref<1x128xi32, #tpu.memory_space<vmem>> -> memref<128xi32, #tpu.memory_space<vmem>>
        %dma_wait3A_482 = tpu.memref_slice %arg2[%cond3A_342, %mul3A_186] : memref<2x320000xi32, #tpu.memory_space<hbm>> -> memref<1x128xi32, #tpu.memory_space<hbm>>
        %dma_wait3A_483 = tpu.memref_squeeze %dma_wait3A_482 : memref<1x128xi32, #tpu.memory_space<hbm>> -> memref<128xi32, #tpu.memory_space<hbm>>
        %dma_wait3A_484 = arith.constant 0 : i32
        %dma_wait3A_485 = tpu.memref_slice %arg4[%cond3A_343, %dma_wait3A_484] : memref<16x128xi32, #tpu.memory_space<vmem>> -> memref<1x128xi32, #tpu.memory_space<vmem>>
        %dma_wait3A_486 = tpu.memref_squeeze %dma_wait3A_485 : memref<1x128xi32, #tpu.memory_space<vmem>> -> memref<128xi32, #tpu.memory_space<vmem>>
        %dma_wait3A_487 = tpu.memref_slice %arg2[%cond3A_342, %mul3A_186] : memref<2x320000xi32, #tpu.memory_space<hbm>> -> memref<1x128xi32, #tpu.memory_space<hbm>>
        %dma_wait3A_488 = tpu.memref_squeeze %dma_wait3A_487 : memref<1x128xi32, #tpu.memory_space<hbm>> -> memref<128xi32, #tpu.memory_space<hbm>>
        tpu.wait_dma2 semaphore(%arg8 : memref<!tpu.dma_semaphore, #tpu.memory_space<semaphore_mem>>) src(%dma_wait3A_488 : memref<128xi32, #tpu.memory_space<hbm>>) dst(%dma_wait3A_486 : memref<128xi32, #tpu.memory_space<vmem>>)
      } else {
      }
      %convert_element_type3A_346 = arith.extui %lt3A_97 : i1 to i32
      %cond3A_347 = arith.constant 1 : i32
      %cond3A_348 = arith.constant 15 : i32
      %cond3A_349 = arith.constant 0 : i32
      %cond3A_350 = arith.cmpi ne, %convert_element_type3A_346, %cond3A_349 : i32
      scf.if %cond3A_350 {
        %dma_wait3A = arith.constant 0 : i32
        %dma_wait3A_480 = tpu.memref_slice %arg4[%cond3A_348, %dma_wait3A] : memref<16x128xi32, #tpu.memory_space<vmem>> -> memref<1x128xi32, #tpu.memory_space<vmem>>
        %dma_wait3A_481 = tpu.memref_squeeze %dma_wait3A_480 : memref<1x128xi32, #tpu.memory_space<vmem>> -> memref<128xi32, #tpu.memory_space<vmem>>
        %dma_wait3A_482 = tpu.memref_slice %arg2[%cond3A_347, %mul3A_192] : memref<2x320000xi32, #tpu.memory_space<hbm>> -> memref<1x128xi32, #tpu.memory_space<hbm>>
        %dma_wait3A_483 = tpu.memref_squeeze %dma_wait3A_482 : memref<1x128xi32, #tpu.memory_space<hbm>> -> memref<128xi32, #tpu.memory_space<hbm>>
        %dma_wait3A_484 = arith.constant 0 : i32
        %dma_wait3A_485 = tpu.memref_slice %arg4[%cond3A_348, %dma_wait3A_484] : memref<16x128xi32, #tpu.memory_space<vmem>> -> memref<1x128xi32, #tpu.memory_space<vmem>>
        %dma_wait3A_486 = tpu.memref_squeeze %dma_wait3A_485 : memref<1x128xi32, #tpu.memory_space<vmem>> -> memref<128xi32, #tpu.memory_space<vmem>>
        %dma_wait3A_487 = tpu.memref_slice %arg2[%cond3A_347, %mul3A_192] : memref<2x320000xi32, #tpu.memory_space<hbm>> -> memref<1x128xi32, #tpu.memory_space<hbm>>
        %dma_wait3A_488 = tpu.memref_squeeze %dma_wait3A_487 : memref<1x128xi32, #tpu.memory_space<hbm>> -> memref<128xi32, #tpu.memory_space<hbm>>
        tpu.wait_dma2 semaphore(%arg8 : memref<!tpu.dma_semaphore, #tpu.memory_space<semaphore_mem>>) src(%dma_wait3A_488 : memref<128xi32, #tpu.memory_space<hbm>>) dst(%dma_wait3A_486 : memref<128xi32, #tpu.memory_space<vmem>>)
      } else {
      }
      %convert_element_type3A_351 = arith.extui %lt3A_37 : i1 to i32
      %cond3A_352 = arith.constant 0 : i32
      %cond3A_353 = arith.constant 0 : i32
      %cond3A_354 = arith.cmpi ne, %convert_element_type3A_351, %cond3A_353 : i32
      scf.if %cond3A_354 {
        %dma_start3A = arith.constant 0 : i32
        %dma_start3A_480 = tpu.memref_slice %arg4[%cond3A_352, %dma_start3A] : memref<16x128xi32, #tpu.memory_space<vmem>> -> memref<1x128xi32, #tpu.memory_space<vmem>>
        %dma_start3A_481 = tpu.memref_squeeze %dma_start3A_480 : memref<1x128xi32, #tpu.memory_space<vmem>> -> memref<128xi32, #tpu.memory_space<vmem>>
        %dma_start3A_482 = arith.constant 0 : i32
        %dma_start3A_483 = tpu.memref_slice %arg9[%dma_start3A_482] : memref<10240xf32, #tpu.memory_space<vmem_shared>> -> memref<10240xf32, #tpu.memory_space<vmem_shared>>
        tpu.enqueue_indirect_dma source(%arg5 : memref<128xf32, #tpu.memory_space<vmem>>) target(%dma_start3A_483 : memref<10240xf32, #tpu.memory_space<vmem_shared>>) offsets(%dma_start3A_481 : memref<128xi32, #tpu.memory_space<vmem>>) semaphore(%arg7 : memref<!tpu.dma_semaphore, #tpu.memory_space<semaphore_mem>>) {add = true}
      } else {
      }
      %convert_element_type3A_355 = arith.extui %lt3A_41 : i1 to i32
      %cond3A_356 = arith.constant 1 : i32
      %cond3A_357 = arith.constant 0 : i32
      %cond3A_358 = arith.cmpi ne, %convert_element_type3A_355, %cond3A_357 : i32
      scf.if %cond3A_358 {
        %dma_start3A = arith.constant 0 : i32
        %dma_start3A_480 = tpu.memref_slice %arg4[%cond3A_356, %dma_start3A] : memref<16x128xi32, #tpu.memory_space<vmem>> -> memref<1x128xi32, #tpu.memory_space<vmem>>
        %dma_start3A_481 = tpu.memref_squeeze %dma_start3A_480 : memref<1x128xi32, #tpu.memory_space<vmem>> -> memref<128xi32, #tpu.memory_space<vmem>>
        %dma_start3A_482 = arith.constant 0 : i32
        %dma_start3A_483 = tpu.memref_slice %arg9[%dma_start3A_482] : memref<10240xf32, #tpu.memory_space<vmem_shared>> -> memref<10240xf32, #tpu.memory_space<vmem_shared>>
        tpu.enqueue_indirect_dma source(%arg5 : memref<128xf32, #tpu.memory_space<vmem>>) target(%dma_start3A_483 : memref<10240xf32, #tpu.memory_space<vmem_shared>>) offsets(%dma_start3A_481 : memref<128xi32, #tpu.memory_space<vmem>>) semaphore(%arg7 : memref<!tpu.dma_semaphore, #tpu.memory_space<semaphore_mem>>) {add = true}
      } else {
      }
      %convert_element_type3A_359 = arith.extui %lt3A_45 : i1 to i32
      %cond3A_360 = arith.constant 2 : i32
      %cond3A_361 = arith.constant 0 : i32
      %cond3A_362 = arith.cmpi ne, %convert_element_type3A_359, %cond3A_361 : i32
      scf.if %cond3A_362 {
        %dma_start3A = arith.constant 0 : i32
        %dma_start3A_480 = tpu.memref_slice %arg4[%cond3A_360, %dma_start3A] : memref<16x128xi32, #tpu.memory_space<vmem>> -> memref<1x128xi32, #tpu.memory_space<vmem>>
        %dma_start3A_481 = tpu.memref_squeeze %dma_start3A_480 : memref<1x128xi32, #tpu.memory_space<vmem>> -> memref<128xi32, #tpu.memory_space<vmem>>
        %dma_start3A_482 = arith.constant 0 : i32
        %dma_start3A_483 = tpu.memref_slice %arg9[%dma_start3A_482] : memref<10240xf32, #tpu.memory_space<vmem_shared>> -> memref<10240xf32, #tpu.memory_space<vmem_shared>>
        tpu.enqueue_indirect_dma source(%arg5 : memref<128xf32, #tpu.memory_space<vmem>>) target(%dma_start3A_483 : memref<10240xf32, #tpu.memory_space<vmem_shared>>) offsets(%dma_start3A_481 : memref<128xi32, #tpu.memory_space<vmem>>) semaphore(%arg7 : memref<!tpu.dma_semaphore, #tpu.memory_space<semaphore_mem>>) {add = true}
      } else {
      }
      %convert_element_type3A_363 = arith.extui %lt3A_49 : i1 to i32
      %cond3A_364 = arith.constant 3 : i32
      %cond3A_365 = arith.constant 0 : i32
      %cond3A_366 = arith.cmpi ne, %convert_element_type3A_363, %cond3A_365 : i32
      scf.if %cond3A_366 {
        %dma_start3A = arith.constant 0 : i32
        %dma_start3A_480 = tpu.memref_slice %arg4[%cond3A_364, %dma_start3A] : memref<16x128xi32, #tpu.memory_space<vmem>> -> memref<1x128xi32, #tpu.memory_space<vmem>>
        %dma_start3A_481 = tpu.memref_squeeze %dma_start3A_480 : memref<1x128xi32, #tpu.memory_space<vmem>> -> memref<128xi32, #tpu.memory_space<vmem>>
        %dma_start3A_482 = arith.constant 0 : i32
        %dma_start3A_483 = tpu.memref_slice %arg9[%dma_start3A_482] : memref<10240xf32, #tpu.memory_space<vmem_shared>> -> memref<10240xf32, #tpu.memory_space<vmem_shared>>
        tpu.enqueue_indirect_dma source(%arg5 : memref<128xf32, #tpu.memory_space<vmem>>) target(%dma_start3A_483 : memref<10240xf32, #tpu.memory_space<vmem_shared>>) offsets(%dma_start3A_481 : memref<128xi32, #tpu.memory_space<vmem>>) semaphore(%arg7 : memref<!tpu.dma_semaphore, #tpu.memory_space<semaphore_mem>>) {add = true}
      } else {
      }
      %convert_element_type3A_367 = arith.extui %lt3A_53 : i1 to i32
      %cond3A_368 = arith.constant 4 : i32
      %cond3A_369 = arith.constant 0 : i32
      %cond3A_370 = arith.cmpi ne, %convert_element_type3A_367, %cond3A_369 : i32
      scf.if %cond3A_370 {
        %dma_start3A = arith.constant 0 : i32
        %dma_start3A_480 = tpu.memref_slice %arg4[%cond3A_368, %dma_start3A] : memref<16x128xi32, #tpu.memory_space<vmem>> -> memref<1x128xi32, #tpu.memory_space<vmem>>
        %dma_start3A_481 = tpu.memref_squeeze %dma_start3A_480 : memref<1x128xi32, #tpu.memory_space<vmem>> -> memref<128xi32, #tpu.memory_space<vmem>>
        %dma_start3A_482 = arith.constant 0 : i32
        %dma_start3A_483 = tpu.memref_slice %arg9[%dma_start3A_482] : memref<10240xf32, #tpu.memory_space<vmem_shared>> -> memref<10240xf32, #tpu.memory_space<vmem_shared>>
        tpu.enqueue_indirect_dma source(%arg5 : memref<128xf32, #tpu.memory_space<vmem>>) target(%dma_start3A_483 : memref<10240xf32, #tpu.memory_space<vmem_shared>>) offsets(%dma_start3A_481 : memref<128xi32, #tpu.memory_space<vmem>>) semaphore(%arg7 : memref<!tpu.dma_semaphore, #tpu.memory_space<semaphore_mem>>) {add = true}
      } else {
      }
      %convert_element_type3A_371 = arith.extui %lt3A_57 : i1 to i32
      %cond3A_372 = arith.constant 5 : i32
      %cond3A_373 = arith.constant 0 : i32
      %cond3A_374 = arith.cmpi ne, %convert_element_type3A_371, %cond3A_373 : i32
      scf.if %cond3A_374 {
        %dma_start3A = arith.constant 0 : i32
        %dma_start3A_480 = tpu.memref_slice %arg4[%cond3A_372, %dma_start3A] : memref<16x128xi32, #tpu.memory_space<vmem>> -> memref<1x128xi32, #tpu.memory_space<vmem>>
        %dma_start3A_481 = tpu.memref_squeeze %dma_start3A_480 : memref<1x128xi32, #tpu.memory_space<vmem>> -> memref<128xi32, #tpu.memory_space<vmem>>
        %dma_start3A_482 = arith.constant 0 : i32
        %dma_start3A_483 = tpu.memref_slice %arg9[%dma_start3A_482] : memref<10240xf32, #tpu.memory_space<vmem_shared>> -> memref<10240xf32, #tpu.memory_space<vmem_shared>>
        tpu.enqueue_indirect_dma source(%arg5 : memref<128xf32, #tpu.memory_space<vmem>>) target(%dma_start3A_483 : memref<10240xf32, #tpu.memory_space<vmem_shared>>) offsets(%dma_start3A_481 : memref<128xi32, #tpu.memory_space<vmem>>) semaphore(%arg7 : memref<!tpu.dma_semaphore, #tpu.memory_space<semaphore_mem>>) {add = true}
      } else {
      }
      %convert_element_type3A_375 = arith.extui %lt3A_61 : i1 to i32
      %cond3A_376 = arith.constant 6 : i32
      %cond3A_377 = arith.constant 0 : i32
      %cond3A_378 = arith.cmpi ne, %convert_element_type3A_375, %cond3A_377 : i32
      scf.if %cond3A_378 {
        %dma_start3A = arith.constant 0 : i32
        %dma_start3A_480 = tpu.memref_slice %arg4[%cond3A_376, %dma_start3A] : memref<16x128xi32, #tpu.memory_space<vmem>> -> memref<1x128xi32, #tpu.memory_space<vmem>>
        %dma_start3A_481 = tpu.memref_squeeze %dma_start3A_480 : memref<1x128xi32, #tpu.memory_space<vmem>> -> memref<128xi32, #tpu.memory_space<vmem>>
        %dma_start3A_482 = arith.constant 0 : i32
        %dma_start3A_483 = tpu.memref_slice %arg9[%dma_start3A_482] : memref<10240xf32, #tpu.memory_space<vmem_shared>> -> memref<10240xf32, #tpu.memory_space<vmem_shared>>
        tpu.enqueue_indirect_dma source(%arg5 : memref<128xf32, #tpu.memory_space<vmem>>) target(%dma_start3A_483 : memref<10240xf32, #tpu.memory_space<vmem_shared>>) offsets(%dma_start3A_481 : memref<128xi32, #tpu.memory_space<vmem>>) semaphore(%arg7 : memref<!tpu.dma_semaphore, #tpu.memory_space<semaphore_mem>>) {add = true}
      } else {
      }
      %convert_element_type3A_379 = arith.extui %lt3A_65 : i1 to i32
      %cond3A_380 = arith.constant 7 : i32
      %cond3A_381 = arith.constant 0 : i32
      %cond3A_382 = arith.cmpi ne, %convert_element_type3A_379, %cond3A_381 : i32
      scf.if %cond3A_382 {
        %dma_start3A = arith.constant 0 : i32
        %dma_start3A_480 = tpu.memref_slice %arg4[%cond3A_380, %dma_start3A] : memref<16x128xi32, #tpu.memory_space<vmem>> -> memref<1x128xi32, #tpu.memory_space<vmem>>
        %dma_start3A_481 = tpu.memref_squeeze %dma_start3A_480 : memref<1x128xi32, #tpu.memory_space<vmem>> -> memref<128xi32, #tpu.memory_space<vmem>>
        %dma_start3A_482 = arith.constant 0 : i32
        %dma_start3A_483 = tpu.memref_slice %arg9[%dma_start3A_482] : memref<10240xf32, #tpu.memory_space<vmem_shared>> -> memref<10240xf32, #tpu.memory_space<vmem_shared>>
        tpu.enqueue_indirect_dma source(%arg5 : memref<128xf32, #tpu.memory_space<vmem>>) target(%dma_start3A_483 : memref<10240xf32, #tpu.memory_space<vmem_shared>>) offsets(%dma_start3A_481 : memref<128xi32, #tpu.memory_space<vmem>>) semaphore(%arg7 : memref<!tpu.dma_semaphore, #tpu.memory_space<semaphore_mem>>) {add = true}
      } else {
      }
      %convert_element_type3A_383 = arith.extui %lt3A_69 : i1 to i32
      %cond3A_384 = arith.constant 8 : i32
      %cond3A_385 = arith.constant 0 : i32
      %cond3A_386 = arith.cmpi ne, %convert_element_type3A_383, %cond3A_385 : i32
      scf.if %cond3A_386 {
        %dma_start3A = arith.constant 0 : i32
        %dma_start3A_480 = tpu.memref_slice %arg4[%cond3A_384, %dma_start3A] : memref<16x128xi32, #tpu.memory_space<vmem>> -> memref<1x128xi32, #tpu.memory_space<vmem>>
        %dma_start3A_481 = tpu.memref_squeeze %dma_start3A_480 : memref<1x128xi32, #tpu.memory_space<vmem>> -> memref<128xi32, #tpu.memory_space<vmem>>
        %dma_start3A_482 = arith.constant 0 : i32
        %dma_start3A_483 = tpu.memref_slice %arg9[%dma_start3A_482] : memref<10240xf32, #tpu.memory_space<vmem_shared>> -> memref<10240xf32, #tpu.memory_space<vmem_shared>>
        tpu.enqueue_indirect_dma source(%arg5 : memref<128xf32, #tpu.memory_space<vmem>>) target(%dma_start3A_483 : memref<10240xf32, #tpu.memory_space<vmem_shared>>) offsets(%dma_start3A_481 : memref<128xi32, #tpu.memory_space<vmem>>) semaphore(%arg7 : memref<!tpu.dma_semaphore, #tpu.memory_space<semaphore_mem>>) {add = true}
      } else {
      }
      %convert_element_type3A_387 = arith.extui %lt3A_73 : i1 to i32
      %cond3A_388 = arith.constant 9 : i32
      %cond3A_389 = arith.constant 0 : i32
      %cond3A_390 = arith.cmpi ne, %convert_element_type3A_387, %cond3A_389 : i32
      scf.if %cond3A_390 {
        %dma_start3A = arith.constant 0 : i32
        %dma_start3A_480 = tpu.memref_slice %arg4[%cond3A_388, %dma_start3A] : memref<16x128xi32, #tpu.memory_space<vmem>> -> memref<1x128xi32, #tpu.memory_space<vmem>>
        %dma_start3A_481 = tpu.memref_squeeze %dma_start3A_480 : memref<1x128xi32, #tpu.memory_space<vmem>> -> memref<128xi32, #tpu.memory_space<vmem>>
        %dma_start3A_482 = arith.constant 0 : i32
        %dma_start3A_483 = tpu.memref_slice %arg9[%dma_start3A_482] : memref<10240xf32, #tpu.memory_space<vmem_shared>> -> memref<10240xf32, #tpu.memory_space<vmem_shared>>
        tpu.enqueue_indirect_dma source(%arg5 : memref<128xf32, #tpu.memory_space<vmem>>) target(%dma_start3A_483 : memref<10240xf32, #tpu.memory_space<vmem_shared>>) offsets(%dma_start3A_481 : memref<128xi32, #tpu.memory_space<vmem>>) semaphore(%arg7 : memref<!tpu.dma_semaphore, #tpu.memory_space<semaphore_mem>>) {add = true}
      } else {
      }
      %convert_element_type3A_391 = arith.extui %lt3A_77 : i1 to i32
      %cond3A_392 = arith.constant 10 : i32
      %cond3A_393 = arith.constant 0 : i32
      %cond3A_394 = arith.cmpi ne, %convert_element_type3A_391, %cond3A_393 : i32
      scf.if %cond3A_394 {
        %dma_start3A = arith.constant 0 : i32
        %dma_start3A_480 = tpu.memref_slice %arg4[%cond3A_392, %dma_start3A] : memref<16x128xi32, #tpu.memory_space<vmem>> -> memref<1x128xi32, #tpu.memory_space<vmem>>
        %dma_start3A_481 = tpu.memref_squeeze %dma_start3A_480 : memref<1x128xi32, #tpu.memory_space<vmem>> -> memref<128xi32, #tpu.memory_space<vmem>>
        %dma_start3A_482 = arith.constant 0 : i32
        %dma_start3A_483 = tpu.memref_slice %arg9[%dma_start3A_482] : memref<10240xf32, #tpu.memory_space<vmem_shared>> -> memref<10240xf32, #tpu.memory_space<vmem_shared>>
        tpu.enqueue_indirect_dma source(%arg5 : memref<128xf32, #tpu.memory_space<vmem>>) target(%dma_start3A_483 : memref<10240xf32, #tpu.memory_space<vmem_shared>>) offsets(%dma_start3A_481 : memref<128xi32, #tpu.memory_space<vmem>>) semaphore(%arg7 : memref<!tpu.dma_semaphore, #tpu.memory_space<semaphore_mem>>) {add = true}
      } else {
      }
      %convert_element_type3A_395 = arith.extui %lt3A_81 : i1 to i32
      %cond3A_396 = arith.constant 11 : i32
      %cond3A_397 = arith.constant 0 : i32
      %cond3A_398 = arith.cmpi ne, %convert_element_type3A_395, %cond3A_397 : i32
      scf.if %cond3A_398 {
        %dma_start3A = arith.constant 0 : i32
        %dma_start3A_480 = tpu.memref_slice %arg4[%cond3A_396, %dma_start3A] : memref<16x128xi32, #tpu.memory_space<vmem>> -> memref<1x128xi32, #tpu.memory_space<vmem>>
        %dma_start3A_481 = tpu.memref_squeeze %dma_start3A_480 : memref<1x128xi32, #tpu.memory_space<vmem>> -> memref<128xi32, #tpu.memory_space<vmem>>
        %dma_start3A_482 = arith.constant 0 : i32
        %dma_start3A_483 = tpu.memref_slice %arg9[%dma_start3A_482] : memref<10240xf32, #tpu.memory_space<vmem_shared>> -> memref<10240xf32, #tpu.memory_space<vmem_shared>>
        tpu.enqueue_indirect_dma source(%arg5 : memref<128xf32, #tpu.memory_space<vmem>>) target(%dma_start3A_483 : memref<10240xf32, #tpu.memory_space<vmem_shared>>) offsets(%dma_start3A_481 : memref<128xi32, #tpu.memory_space<vmem>>) semaphore(%arg7 : memref<!tpu.dma_semaphore, #tpu.memory_space<semaphore_mem>>) {add = true}
      } else {
      }
      %convert_element_type3A_399 = arith.extui %lt3A_85 : i1 to i32
      %cond3A_400 = arith.constant 12 : i32
      %cond3A_401 = arith.constant 0 : i32
      %cond3A_402 = arith.cmpi ne, %convert_element_type3A_399, %cond3A_401 : i32
      scf.if %cond3A_402 {
        %dma_start3A = arith.constant 0 : i32
        %dma_start3A_480 = tpu.memref_slice %arg4[%cond3A_400, %dma_start3A] : memref<16x128xi32, #tpu.memory_space<vmem>> -> memref<1x128xi32, #tpu.memory_space<vmem>>
        %dma_start3A_481 = tpu.memref_squeeze %dma_start3A_480 : memref<1x128xi32, #tpu.memory_space<vmem>> -> memref<128xi32, #tpu.memory_space<vmem>>
        %dma_start3A_482 = arith.constant 0 : i32
        %dma_start3A_483 = tpu.memref_slice %arg9[%dma_start3A_482] : memref<10240xf32, #tpu.memory_space<vmem_shared>> -> memref<10240xf32, #tpu.memory_space<vmem_shared>>
        tpu.enqueue_indirect_dma source(%arg5 : memref<128xf32, #tpu.memory_space<vmem>>) target(%dma_start3A_483 : memref<10240xf32, #tpu.memory_space<vmem_shared>>) offsets(%dma_start3A_481 : memref<128xi32, #tpu.memory_space<vmem>>) semaphore(%arg7 : memref<!tpu.dma_semaphore, #tpu.memory_space<semaphore_mem>>) {add = true}
      } else {
      }
      %convert_element_type3A_403 = arith.extui %lt3A_89 : i1 to i32
      %cond3A_404 = arith.constant 13 : i32
      %cond3A_405 = arith.constant 0 : i32
      %cond3A_406 = arith.cmpi ne, %convert_element_type3A_403, %cond3A_405 : i32
      scf.if %cond3A_406 {
        %dma_start3A = arith.constant 0 : i32
        %dma_start3A_480 = tpu.memref_slice %arg4[%cond3A_404, %dma_start3A] : memref<16x128xi32, #tpu.memory_space<vmem>> -> memref<1x128xi32, #tpu.memory_space<vmem>>
        %dma_start3A_481 = tpu.memref_squeeze %dma_start3A_480 : memref<1x128xi32, #tpu.memory_space<vmem>> -> memref<128xi32, #tpu.memory_space<vmem>>
        %dma_start3A_482 = arith.constant 0 : i32
        %dma_start3A_483 = tpu.memref_slice %arg9[%dma_start3A_482] : memref<10240xf32, #tpu.memory_space<vmem_shared>> -> memref<10240xf32, #tpu.memory_space<vmem_shared>>
        tpu.enqueue_indirect_dma source(%arg5 : memref<128xf32, #tpu.memory_space<vmem>>) target(%dma_start3A_483 : memref<10240xf32, #tpu.memory_space<vmem_shared>>) offsets(%dma_start3A_481 : memref<128xi32, #tpu.memory_space<vmem>>) semaphore(%arg7 : memref<!tpu.dma_semaphore, #tpu.memory_space<semaphore_mem>>) {add = true}
      } else {
      }
      %convert_element_type3A_407 = arith.extui %lt3A_93 : i1 to i32
      %cond3A_408 = arith.constant 14 : i32
      %cond3A_409 = arith.constant 0 : i32
      %cond3A_410 = arith.cmpi ne, %convert_element_type3A_407, %cond3A_409 : i32
      scf.if %cond3A_410 {
        %dma_start3A = arith.constant 0 : i32
        %dma_start3A_480 = tpu.memref_slice %arg4[%cond3A_408, %dma_start3A] : memref<16x128xi32, #tpu.memory_space<vmem>> -> memref<1x128xi32, #tpu.memory_space<vmem>>
        %dma_start3A_481 = tpu.memref_squeeze %dma_start3A_480 : memref<1x128xi32, #tpu.memory_space<vmem>> -> memref<128xi32, #tpu.memory_space<vmem>>
        %dma_start3A_482 = arith.constant 0 : i32
        %dma_start3A_483 = tpu.memref_slice %arg9[%dma_start3A_482] : memref<10240xf32, #tpu.memory_space<vmem_shared>> -> memref<10240xf32, #tpu.memory_space<vmem_shared>>
        tpu.enqueue_indirect_dma source(%arg5 : memref<128xf32, #tpu.memory_space<vmem>>) target(%dma_start3A_483 : memref<10240xf32, #tpu.memory_space<vmem_shared>>) offsets(%dma_start3A_481 : memref<128xi32, #tpu.memory_space<vmem>>) semaphore(%arg7 : memref<!tpu.dma_semaphore, #tpu.memory_space<semaphore_mem>>) {add = true}
      } else {
      }
      %convert_element_type3A_411 = arith.extui %lt3A_97 : i1 to i32
      %cond3A_412 = arith.constant 15 : i32
      %cond3A_413 = arith.constant 0 : i32
      %cond3A_414 = arith.cmpi ne, %convert_element_type3A_411, %cond3A_413 : i32
      scf.if %cond3A_414 {
        %dma_start3A = arith.constant 0 : i32
        %dma_start3A_480 = tpu.memref_slice %arg4[%cond3A_412, %dma_start3A] : memref<16x128xi32, #tpu.memory_space<vmem>> -> memref<1x128xi32, #tpu.memory_space<vmem>>
        %dma_start3A_481 = tpu.memref_squeeze %dma_start3A_480 : memref<1x128xi32, #tpu.memory_space<vmem>> -> memref<128xi32, #tpu.memory_space<vmem>>
        %dma_start3A_482 = arith.constant 0 : i32
        %dma_start3A_483 = tpu.memref_slice %arg9[%dma_start3A_482] : memref<10240xf32, #tpu.memory_space<vmem_shared>> -> memref<10240xf32, #tpu.memory_space<vmem_shared>>
        tpu.enqueue_indirect_dma source(%arg5 : memref<128xf32, #tpu.memory_space<vmem>>) target(%dma_start3A_483 : memref<10240xf32, #tpu.memory_space<vmem_shared>>) offsets(%dma_start3A_481 : memref<128xi32, #tpu.memory_space<vmem>>) semaphore(%arg7 : memref<!tpu.dma_semaphore, #tpu.memory_space<semaphore_mem>>) {add = true}
      } else {
      }
      %convert_element_type3A_415 = arith.extui %lt3A_37 : i1 to i32
      %cond3A_416 = arith.constant 0 : i32
      %cond3A_417 = arith.constant 0 : i32
      %cond3A_418 = arith.cmpi ne, %convert_element_type3A_415, %cond3A_417 : i32
      scf.if %cond3A_418 {
        %dma_wait3A = arith.constant 0 : i32
        %dma_wait3A_480 = tpu.memref_slice %arg4[%cond3A_416, %dma_wait3A] : memref<16x128xi32, #tpu.memory_space<vmem>> -> memref<1x128xi32, #tpu.memory_space<vmem>>
        %dma_wait3A_481 = tpu.memref_squeeze %dma_wait3A_480 : memref<1x128xi32, #tpu.memory_space<vmem>> -> memref<128xi32, #tpu.memory_space<vmem>>
        %dma_wait3A_482 = arith.constant 0 : i32
        %dma_wait3A_483 = tpu.memref_slice %arg9[%dma_wait3A_482] : memref<10240xf32, #tpu.memory_space<vmem_shared>> -> memref<10240xf32, #tpu.memory_space<vmem_shared>>
        tpu.wait_indirect_dma semaphore(%arg7 : memref<!tpu.dma_semaphore, #tpu.memory_space<semaphore_mem>>) src(%arg5 : memref<128xf32, #tpu.memory_space<vmem>>) dst(%dma_wait3A_483 : memref<10240xf32, #tpu.memory_space<vmem_shared>>)
      } else {
      }
      %convert_element_type3A_419 = arith.extui %lt3A_41 : i1 to i32
      %cond3A_420 = arith.constant 1 : i32
      %cond3A_421 = arith.constant 0 : i32
      %cond3A_422 = arith.cmpi ne, %convert_element_type3A_419, %cond3A_421 : i32
      scf.if %cond3A_422 {
        %dma_wait3A = arith.constant 0 : i32
        %dma_wait3A_480 = tpu.memref_slice %arg4[%cond3A_420, %dma_wait3A] : memref<16x128xi32, #tpu.memory_space<vmem>> -> memref<1x128xi32, #tpu.memory_space<vmem>>
        %dma_wait3A_481 = tpu.memref_squeeze %dma_wait3A_480 : memref<1x128xi32, #tpu.memory_space<vmem>> -> memref<128xi32, #tpu.memory_space<vmem>>
        %dma_wait3A_482 = arith.constant 0 : i32
        %dma_wait3A_483 = tpu.memref_slice %arg9[%dma_wait3A_482] : memref<10240xf32, #tpu.memory_space<vmem_shared>> -> memref<10240xf32, #tpu.memory_space<vmem_shared>>
        tpu.wait_indirect_dma semaphore(%arg7 : memref<!tpu.dma_semaphore, #tpu.memory_space<semaphore_mem>>) src(%arg5 : memref<128xf32, #tpu.memory_space<vmem>>) dst(%dma_wait3A_483 : memref<10240xf32, #tpu.memory_space<vmem_shared>>)
      } else {
      }
      %convert_element_type3A_423 = arith.extui %lt3A_45 : i1 to i32
      %cond3A_424 = arith.constant 2 : i32
      %cond3A_425 = arith.constant 0 : i32
      %cond3A_426 = arith.cmpi ne, %convert_element_type3A_423, %cond3A_425 : i32
      scf.if %cond3A_426 {
        %dma_wait3A = arith.constant 0 : i32
        %dma_wait3A_480 = tpu.memref_slice %arg4[%cond3A_424, %dma_wait3A] : memref<16x128xi32, #tpu.memory_space<vmem>> -> memref<1x128xi32, #tpu.memory_space<vmem>>
        %dma_wait3A_481 = tpu.memref_squeeze %dma_wait3A_480 : memref<1x128xi32, #tpu.memory_space<vmem>> -> memref<128xi32, #tpu.memory_space<vmem>>
        %dma_wait3A_482 = arith.constant 0 : i32
        %dma_wait3A_483 = tpu.memref_slice %arg9[%dma_wait3A_482] : memref<10240xf32, #tpu.memory_space<vmem_shared>> -> memref<10240xf32, #tpu.memory_space<vmem_shared>>
        tpu.wait_indirect_dma semaphore(%arg7 : memref<!tpu.dma_semaphore, #tpu.memory_space<semaphore_mem>>) src(%arg5 : memref<128xf32, #tpu.memory_space<vmem>>) dst(%dma_wait3A_483 : memref<10240xf32, #tpu.memory_space<vmem_shared>>)
      } else {
      }
      %convert_element_type3A_427 = arith.extui %lt3A_49 : i1 to i32
      %cond3A_428 = arith.constant 3 : i32
      %cond3A_429 = arith.constant 0 : i32
      %cond3A_430 = arith.cmpi ne, %convert_element_type3A_427, %cond3A_429 : i32
      scf.if %cond3A_430 {
        %dma_wait3A = arith.constant 0 : i32
        %dma_wait3A_480 = tpu.memref_slice %arg4[%cond3A_428, %dma_wait3A] : memref<16x128xi32, #tpu.memory_space<vmem>> -> memref<1x128xi32, #tpu.memory_space<vmem>>
        %dma_wait3A_481 = tpu.memref_squeeze %dma_wait3A_480 : memref<1x128xi32, #tpu.memory_space<vmem>> -> memref<128xi32, #tpu.memory_space<vmem>>
        %dma_wait3A_482 = arith.constant 0 : i32
        %dma_wait3A_483 = tpu.memref_slice %arg9[%dma_wait3A_482] : memref<10240xf32, #tpu.memory_space<vmem_shared>> -> memref<10240xf32, #tpu.memory_space<vmem_shared>>
        tpu.wait_indirect_dma semaphore(%arg7 : memref<!tpu.dma_semaphore, #tpu.memory_space<semaphore_mem>>) src(%arg5 : memref<128xf32, #tpu.memory_space<vmem>>) dst(%dma_wait3A_483 : memref<10240xf32, #tpu.memory_space<vmem_shared>>)
      } else {
      }
      %convert_element_type3A_431 = arith.extui %lt3A_53 : i1 to i32
      %cond3A_432 = arith.constant 4 : i32
      %cond3A_433 = arith.constant 0 : i32
      %cond3A_434 = arith.cmpi ne, %convert_element_type3A_431, %cond3A_433 : i32
      scf.if %cond3A_434 {
        %dma_wait3A = arith.constant 0 : i32
        %dma_wait3A_480 = tpu.memref_slice %arg4[%cond3A_432, %dma_wait3A] : memref<16x128xi32, #tpu.memory_space<vmem>> -> memref<1x128xi32, #tpu.memory_space<vmem>>
        %dma_wait3A_481 = tpu.memref_squeeze %dma_wait3A_480 : memref<1x128xi32, #tpu.memory_space<vmem>> -> memref<128xi32, #tpu.memory_space<vmem>>
        %dma_wait3A_482 = arith.constant 0 : i32
        %dma_wait3A_483 = tpu.memref_slice %arg9[%dma_wait3A_482] : memref<10240xf32, #tpu.memory_space<vmem_shared>> -> memref<10240xf32, #tpu.memory_space<vmem_shared>>
        tpu.wait_indirect_dma semaphore(%arg7 : memref<!tpu.dma_semaphore, #tpu.memory_space<semaphore_mem>>) src(%arg5 : memref<128xf32, #tpu.memory_space<vmem>>) dst(%dma_wait3A_483 : memref<10240xf32, #tpu.memory_space<vmem_shared>>)
      } else {
      }
      %convert_element_type3A_435 = arith.extui %lt3A_57 : i1 to i32
      %cond3A_436 = arith.constant 5 : i32
      %cond3A_437 = arith.constant 0 : i32
      %cond3A_438 = arith.cmpi ne, %convert_element_type3A_435, %cond3A_437 : i32
      scf.if %cond3A_438 {
        %dma_wait3A = arith.constant 0 : i32
        %dma_wait3A_480 = tpu.memref_slice %arg4[%cond3A_436, %dma_wait3A] : memref<16x128xi32, #tpu.memory_space<vmem>> -> memref<1x128xi32, #tpu.memory_space<vmem>>
        %dma_wait3A_481 = tpu.memref_squeeze %dma_wait3A_480 : memref<1x128xi32, #tpu.memory_space<vmem>> -> memref<128xi32, #tpu.memory_space<vmem>>
        %dma_wait3A_482 = arith.constant 0 : i32
        %dma_wait3A_483 = tpu.memref_slice %arg9[%dma_wait3A_482] : memref<10240xf32, #tpu.memory_space<vmem_shared>> -> memref<10240xf32, #tpu.memory_space<vmem_shared>>
        tpu.wait_indirect_dma semaphore(%arg7 : memref<!tpu.dma_semaphore, #tpu.memory_space<semaphore_mem>>) src(%arg5 : memref<128xf32, #tpu.memory_space<vmem>>) dst(%dma_wait3A_483 : memref<10240xf32, #tpu.memory_space<vmem_shared>>)
      } else {
      }
      %convert_element_type3A_439 = arith.extui %lt3A_61 : i1 to i32
      %cond3A_440 = arith.constant 6 : i32
      %cond3A_441 = arith.constant 0 : i32
      %cond3A_442 = arith.cmpi ne, %convert_element_type3A_439, %cond3A_441 : i32
      scf.if %cond3A_442 {
        %dma_wait3A = arith.constant 0 : i32
        %dma_wait3A_480 = tpu.memref_slice %arg4[%cond3A_440, %dma_wait3A] : memref<16x128xi32, #tpu.memory_space<vmem>> -> memref<1x128xi32, #tpu.memory_space<vmem>>
        %dma_wait3A_481 = tpu.memref_squeeze %dma_wait3A_480 : memref<1x128xi32, #tpu.memory_space<vmem>> -> memref<128xi32, #tpu.memory_space<vmem>>
        %dma_wait3A_482 = arith.constant 0 : i32
        %dma_wait3A_483 = tpu.memref_slice %arg9[%dma_wait3A_482] : memref<10240xf32, #tpu.memory_space<vmem_shared>> -> memref<10240xf32, #tpu.memory_space<vmem_shared>>
        tpu.wait_indirect_dma semaphore(%arg7 : memref<!tpu.dma_semaphore, #tpu.memory_space<semaphore_mem>>) src(%arg5 : memref<128xf32, #tpu.memory_space<vmem>>) dst(%dma_wait3A_483 : memref<10240xf32, #tpu.memory_space<vmem_shared>>)
      } else {
      }
      %convert_element_type3A_443 = arith.extui %lt3A_65 : i1 to i32
      %cond3A_444 = arith.constant 7 : i32
      %cond3A_445 = arith.constant 0 : i32
      %cond3A_446 = arith.cmpi ne, %convert_element_type3A_443, %cond3A_445 : i32
      scf.if %cond3A_446 {
        %dma_wait3A = arith.constant 0 : i32
        %dma_wait3A_480 = tpu.memref_slice %arg4[%cond3A_444, %dma_wait3A] : memref<16x128xi32, #tpu.memory_space<vmem>> -> memref<1x128xi32, #tpu.memory_space<vmem>>
        %dma_wait3A_481 = tpu.memref_squeeze %dma_wait3A_480 : memref<1x128xi32, #tpu.memory_space<vmem>> -> memref<128xi32, #tpu.memory_space<vmem>>
        %dma_wait3A_482 = arith.constant 0 : i32
        %dma_wait3A_483 = tpu.memref_slice %arg9[%dma_wait3A_482] : memref<10240xf32, #tpu.memory_space<vmem_shared>> -> memref<10240xf32, #tpu.memory_space<vmem_shared>>
        tpu.wait_indirect_dma semaphore(%arg7 : memref<!tpu.dma_semaphore, #tpu.memory_space<semaphore_mem>>) src(%arg5 : memref<128xf32, #tpu.memory_space<vmem>>) dst(%dma_wait3A_483 : memref<10240xf32, #tpu.memory_space<vmem_shared>>)
      } else {
      }
      %convert_element_type3A_447 = arith.extui %lt3A_69 : i1 to i32
      %cond3A_448 = arith.constant 8 : i32
      %cond3A_449 = arith.constant 0 : i32
      %cond3A_450 = arith.cmpi ne, %convert_element_type3A_447, %cond3A_449 : i32
      scf.if %cond3A_450 {
        %dma_wait3A = arith.constant 0 : i32
        %dma_wait3A_480 = tpu.memref_slice %arg4[%cond3A_448, %dma_wait3A] : memref<16x128xi32, #tpu.memory_space<vmem>> -> memref<1x128xi32, #tpu.memory_space<vmem>>
        %dma_wait3A_481 = tpu.memref_squeeze %dma_wait3A_480 : memref<1x128xi32, #tpu.memory_space<vmem>> -> memref<128xi32, #tpu.memory_space<vmem>>
        %dma_wait3A_482 = arith.constant 0 : i32
        %dma_wait3A_483 = tpu.memref_slice %arg9[%dma_wait3A_482] : memref<10240xf32, #tpu.memory_space<vmem_shared>> -> memref<10240xf32, #tpu.memory_space<vmem_shared>>
        tpu.wait_indirect_dma semaphore(%arg7 : memref<!tpu.dma_semaphore, #tpu.memory_space<semaphore_mem>>) src(%arg5 : memref<128xf32, #tpu.memory_space<vmem>>) dst(%dma_wait3A_483 : memref<10240xf32, #tpu.memory_space<vmem_shared>>)
      } else {
      }
      %convert_element_type3A_451 = arith.extui %lt3A_73 : i1 to i32
      %cond3A_452 = arith.constant 9 : i32
      %cond3A_453 = arith.constant 0 : i32
      %cond3A_454 = arith.cmpi ne, %convert_element_type3A_451, %cond3A_453 : i32
      scf.if %cond3A_454 {
        %dma_wait3A = arith.constant 0 : i32
        %dma_wait3A_480 = tpu.memref_slice %arg4[%cond3A_452, %dma_wait3A] : memref<16x128xi32, #tpu.memory_space<vmem>> -> memref<1x128xi32, #tpu.memory_space<vmem>>
        %dma_wait3A_481 = tpu.memref_squeeze %dma_wait3A_480 : memref<1x128xi32, #tpu.memory_space<vmem>> -> memref<128xi32, #tpu.memory_space<vmem>>
        %dma_wait3A_482 = arith.constant 0 : i32
        %dma_wait3A_483 = tpu.memref_slice %arg9[%dma_wait3A_482] : memref<10240xf32, #tpu.memory_space<vmem_shared>> -> memref<10240xf32, #tpu.memory_space<vmem_shared>>
        tpu.wait_indirect_dma semaphore(%arg7 : memref<!tpu.dma_semaphore, #tpu.memory_space<semaphore_mem>>) src(%arg5 : memref<128xf32, #tpu.memory_space<vmem>>) dst(%dma_wait3A_483 : memref<10240xf32, #tpu.memory_space<vmem_shared>>)
      } else {
      }
      %convert_element_type3A_455 = arith.extui %lt3A_77 : i1 to i32
      %cond3A_456 = arith.constant 10 : i32
      %cond3A_457 = arith.constant 0 : i32
      %cond3A_458 = arith.cmpi ne, %convert_element_type3A_455, %cond3A_457 : i32
      scf.if %cond3A_458 {
        %dma_wait3A = arith.constant 0 : i32
        %dma_wait3A_480 = tpu.memref_slice %arg4[%cond3A_456, %dma_wait3A] : memref<16x128xi32, #tpu.memory_space<vmem>> -> memref<1x128xi32, #tpu.memory_space<vmem>>
        %dma_wait3A_481 = tpu.memref_squeeze %dma_wait3A_480 : memref<1x128xi32, #tpu.memory_space<vmem>> -> memref<128xi32, #tpu.memory_space<vmem>>
        %dma_wait3A_482 = arith.constant 0 : i32
        %dma_wait3A_483 = tpu.memref_slice %arg9[%dma_wait3A_482] : memref<10240xf32, #tpu.memory_space<vmem_shared>> -> memref<10240xf32, #tpu.memory_space<vmem_shared>>
        tpu.wait_indirect_dma semaphore(%arg7 : memref<!tpu.dma_semaphore, #tpu.memory_space<semaphore_mem>>) src(%arg5 : memref<128xf32, #tpu.memory_space<vmem>>) dst(%dma_wait3A_483 : memref<10240xf32, #tpu.memory_space<vmem_shared>>)
      } else {
      }
      %convert_element_type3A_459 = arith.extui %lt3A_81 : i1 to i32
      %cond3A_460 = arith.constant 11 : i32
      %cond3A_461 = arith.constant 0 : i32
      %cond3A_462 = arith.cmpi ne, %convert_element_type3A_459, %cond3A_461 : i32
      scf.if %cond3A_462 {
        %dma_wait3A = arith.constant 0 : i32
        %dma_wait3A_480 = tpu.memref_slice %arg4[%cond3A_460, %dma_wait3A] : memref<16x128xi32, #tpu.memory_space<vmem>> -> memref<1x128xi32, #tpu.memory_space<vmem>>
        %dma_wait3A_481 = tpu.memref_squeeze %dma_wait3A_480 : memref<1x128xi32, #tpu.memory_space<vmem>> -> memref<128xi32, #tpu.memory_space<vmem>>
        %dma_wait3A_482 = arith.constant 0 : i32
        %dma_wait3A_483 = tpu.memref_slice %arg9[%dma_wait3A_482] : memref<10240xf32, #tpu.memory_space<vmem_shared>> -> memref<10240xf32, #tpu.memory_space<vmem_shared>>
        tpu.wait_indirect_dma semaphore(%arg7 : memref<!tpu.dma_semaphore, #tpu.memory_space<semaphore_mem>>) src(%arg5 : memref<128xf32, #tpu.memory_space<vmem>>) dst(%dma_wait3A_483 : memref<10240xf32, #tpu.memory_space<vmem_shared>>)
      } else {
      }
      %convert_element_type3A_463 = arith.extui %lt3A_85 : i1 to i32
      %cond3A_464 = arith.constant 12 : i32
      %cond3A_465 = arith.constant 0 : i32
      %cond3A_466 = arith.cmpi ne, %convert_element_type3A_463, %cond3A_465 : i32
      scf.if %cond3A_466 {
        %dma_wait3A = arith.constant 0 : i32
        %dma_wait3A_480 = tpu.memref_slice %arg4[%cond3A_464, %dma_wait3A] : memref<16x128xi32, #tpu.memory_space<vmem>> -> memref<1x128xi32, #tpu.memory_space<vmem>>
        %dma_wait3A_481 = tpu.memref_squeeze %dma_wait3A_480 : memref<1x128xi32, #tpu.memory_space<vmem>> -> memref<128xi32, #tpu.memory_space<vmem>>
        %dma_wait3A_482 = arith.constant 0 : i32
        %dma_wait3A_483 = tpu.memref_slice %arg9[%dma_wait3A_482] : memref<10240xf32, #tpu.memory_space<vmem_shared>> -> memref<10240xf32, #tpu.memory_space<vmem_shared>>
        tpu.wait_indirect_dma semaphore(%arg7 : memref<!tpu.dma_semaphore, #tpu.memory_space<semaphore_mem>>) src(%arg5 : memref<128xf32, #tpu.memory_space<vmem>>) dst(%dma_wait3A_483 : memref<10240xf32, #tpu.memory_space<vmem_shared>>)
      } else {
      }
      %convert_element_type3A_467 = arith.extui %lt3A_89 : i1 to i32
      %cond3A_468 = arith.constant 13 : i32
      %cond3A_469 = arith.constant 0 : i32
      %cond3A_470 = arith.cmpi ne, %convert_element_type3A_467, %cond3A_469 : i32
      scf.if %cond3A_470 {
        %dma_wait3A = arith.constant 0 : i32
        %dma_wait3A_480 = tpu.memref_slice %arg4[%cond3A_468, %dma_wait3A] : memref<16x128xi32, #tpu.memory_space<vmem>> -> memref<1x128xi32, #tpu.memory_space<vmem>>
        %dma_wait3A_481 = tpu.memref_squeeze %dma_wait3A_480 : memref<1x128xi32, #tpu.memory_space<vmem>> -> memref<128xi32, #tpu.memory_space<vmem>>
        %dma_wait3A_482 = arith.constant 0 : i32
        %dma_wait3A_483 = tpu.memref_slice %arg9[%dma_wait3A_482] : memref<10240xf32, #tpu.memory_space<vmem_shared>> -> memref<10240xf32, #tpu.memory_space<vmem_shared>>
        tpu.wait_indirect_dma semaphore(%arg7 : memref<!tpu.dma_semaphore, #tpu.memory_space<semaphore_mem>>) src(%arg5 : memref<128xf32, #tpu.memory_space<vmem>>) dst(%dma_wait3A_483 : memref<10240xf32, #tpu.memory_space<vmem_shared>>)
      } else {
      }
      %convert_element_type3A_471 = arith.extui %lt3A_93 : i1 to i32
      %cond3A_472 = arith.constant 14 : i32
      %cond3A_473 = arith.constant 0 : i32
      %cond3A_474 = arith.cmpi ne, %convert_element_type3A_471, %cond3A_473 : i32
      scf.if %cond3A_474 {
        %dma_wait3A = arith.constant 0 : i32
        %dma_wait3A_480 = tpu.memref_slice %arg4[%cond3A_472, %dma_wait3A] : memref<16x128xi32, #tpu.memory_space<vmem>> -> memref<1x128xi32, #tpu.memory_space<vmem>>
        %dma_wait3A_481 = tpu.memref_squeeze %dma_wait3A_480 : memref<1x128xi32, #tpu.memory_space<vmem>> -> memref<128xi32, #tpu.memory_space<vmem>>
        %dma_wait3A_482 = arith.constant 0 : i32
        %dma_wait3A_483 = tpu.memref_slice %arg9[%dma_wait3A_482] : memref<10240xf32, #tpu.memory_space<vmem_shared>> -> memref<10240xf32, #tpu.memory_space<vmem_shared>>
        tpu.wait_indirect_dma semaphore(%arg7 : memref<!tpu.dma_semaphore, #tpu.memory_space<semaphore_mem>>) src(%arg5 : memref<128xf32, #tpu.memory_space<vmem>>) dst(%dma_wait3A_483 : memref<10240xf32, #tpu.memory_space<vmem_shared>>)
      } else {
      }
      %convert_element_type3A_475 = arith.extui %lt3A_97 : i1 to i32
      %cond3A_476 = arith.constant 15 : i32
      %cond3A_477 = arith.constant 0 : i32
      %cond3A_478 = arith.cmpi ne, %convert_element_type3A_475, %cond3A_477 : i32
      scf.if %cond3A_478 {
        %dma_wait3A = arith.constant 0 : i32
        %dma_wait3A_480 = tpu.memref_slice %arg4[%cond3A_476, %dma_wait3A] : memref<16x128xi32, #tpu.memory_space<vmem>> -> memref<1x128xi32, #tpu.memory_space<vmem>>
        %dma_wait3A_481 = tpu.memref_squeeze %dma_wait3A_480 : memref<1x128xi32, #tpu.memory_space<vmem>> -> memref<128xi32, #tpu.memory_space<vmem>>
        %dma_wait3A_482 = arith.constant 0 : i32
        %dma_wait3A_483 = tpu.memref_slice %arg9[%dma_wait3A_482] : memref<10240xf32, #tpu.memory_space<vmem_shared>> -> memref<10240xf32, #tpu.memory_space<vmem_shared>>
        tpu.wait_indirect_dma semaphore(%arg7 : memref<!tpu.dma_semaphore, #tpu.memory_space<semaphore_mem>>) src(%arg5 : memref<128xf32, #tpu.memory_space<vmem>>) dst(%dma_wait3A_483 : memref<10240xf32, #tpu.memory_space<vmem_shared>>)
      } else {
      }
      %scan3A_479 = arith.constant 0 : i32
      scf.yield %scan3A_479 : i32
    }
    %scan3A_24 = arith.constant 5 : i32
    %barrier3A_25 = arith.constant 0 : index
    tpu.barrier barrier_id(%barrier3A_25)
    %mul3A_26 = arith.constant 640 : i32
    %mul3A_27 = arith.muli %arg1, %mul3A_26 : i32
    %mul3A_28 = arith.constant 640 : i32
    %mul3A_29 = arith.muli %arg1, %mul3A_28 : i32
    "tpu.region"() ({
      %run_scoped3A = tpu.sem_alloc : memref<!tpu.dma_semaphore, #tpu.memory_space<semaphore_mem>>
      %dma_start3A = tpu.memref_slice %arg3[%arg0, %mul3A_29] : memref<2x10240xf32, #tpu.memory_space<hbm>> -> memref<1x640xf32, #tpu.memory_space<hbm>>
      %dma_start3A_30 = tpu.memref_squeeze %dma_start3A : memref<1x640xf32, #tpu.memory_space<hbm>> -> memref<640xf32, #tpu.memory_space<hbm>>
      %dma_start3A_31 = tpu.memref_slice %arg9[%mul3A_27] : memref<10240xf32, #tpu.memory_space<vmem_shared>> -> memref<640xf32, #tpu.memory_space<vmem_shared>>
      tpu.enqueue_dma source(%dma_start3A_31 : memref<640xf32, #tpu.memory_space<vmem_shared>>) target(%dma_start3A_30 : memref<640xf32, #tpu.memory_space<hbm>>) target_semaphore(%run_scoped3A : memref<!tpu.dma_semaphore, #tpu.memory_space<semaphore_mem>>)
      %dma_wait3A = tpu.memref_slice %arg3[%arg0, %mul3A_29] : memref<2x10240xf32, #tpu.memory_space<hbm>> -> memref<1x640xf32, #tpu.memory_space<hbm>>
      %dma_wait3A_32 = tpu.memref_squeeze %dma_wait3A : memref<1x640xf32, #tpu.memory_space<hbm>> -> memref<640xf32, #tpu.memory_space<hbm>>
      %dma_wait3A_33 = tpu.memref_slice %arg9[%mul3A_27] : memref<10240xf32, #tpu.memory_space<vmem_shared>> -> memref<640xf32, #tpu.memory_space<vmem_shared>>
      tpu.wait_dma2 semaphore(%run_scoped3A : memref<!tpu.dma_semaphore, #tpu.memory_space<semaphore_mem>>) src(%dma_wait3A_33 : memref<640xf32, #tpu.memory_space<vmem_shared>>) dst(%dma_wait3A_32 : memref<640xf32, #tpu.memory_space<hbm>>)
      tpu.yield
    }) : () -> ()
    return
  }
}

module attributes {stable_mosaic.version = 14 : i64} {
  func.func @_scale_body(%arg0: i32, %arg1: memref<2560x128xf32, #tpu.memory_space<vmem>>, %arg2: memref<2x2560xf32, #tpu.memory_space<vmem>>, %arg3: memref<2560x128xf32, #tpu.memory_space<vmem>>, %arg4: memref<2560x1xf32, #tpu.memory_space<vmem>>) attributes {dimension_semantics = [#tpu.dimension_semantics<arbitrary>], iteration_bounds = array<i64: 4>, scalar_prefetch = 0 : i64, scratch_operands = 0 : i64, tpu.core_type = #tpu.core_type<tc>, window_params = [{transform_indices = @transform_0, window_bounds = array<i64: 2560, 128>}, {transform_indices = @transform_1, window_bounds = array<i64: 2, 2560>}, {transform_indices = @transform_2, window_bounds = array<i64: 2560, 128>}, {transform_indices = @transform_3, window_bounds = array<i64: 2560, 1>}]} {
    %get3A = arith.constant 0 : index
    %get3A_0 = arith.constant 0 : index
    %get3A_1 = vector.load %arg2[%get3A, %get3A_0] : memref<2x2560xf32, #tpu.memory_space<vmem>>, vector<1x2560xf32>
    %get3A_2 = vector.shape_cast %get3A_1 : vector<1x2560xf32> to vector<2560xf32>
    %get3A_3 = arith.constant 1 : index
    %get3A_4 = arith.constant 0 : index
    %get3A_5 = vector.load %arg2[%get3A_3, %get3A_4] : memref<2x2560xf32, #tpu.memory_space<vmem>>, vector<1x2560xf32>
    %get3A_6 = vector.shape_cast %get3A_5 : vector<1x2560xf32> to vector<2560xf32>
    %add3A = arith.addf %get3A_2, %get3A_6 : vector<2560xf32>
    %add3A_7 = arith.constant 1.000000e+00 : f32
    %add3A_8 = vector.broadcast %add3A_7 : f32 to vector<2560xf32>
    %add3A_9 = arith.addf %add3A, %add3A_8 : vector<2560xf32>
    %rsqrt3A = math.rsqrt %add3A_9 : vector<2560xf32>
    %get3A_10 = arith.constant 0 : index
    %get3A_11 = arith.constant 0 : index
    %get3A_12 = vector.load %arg1[%get3A_10, %get3A_11] : memref<2560x128xf32, #tpu.memory_space<vmem>>, vector<2560x128xf32>
    %broadcast_in_dim3A = vector.shape_cast %rsqrt3A : vector<2560xf32> to vector<2560x1xf32>
    %mul3A = vector.broadcast %broadcast_in_dim3A : vector<2560x1xf32> to vector<2560x128xf32>
    %mul3A_13 = arith.mulf %get3A_12, %mul3A : vector<2560x128xf32>
    %swap3A = arith.constant 0 : index
    %swap3A_14 = arith.constant 0 : index
    %swap3A_15 = vector.load %arg3[%swap3A, %swap3A_14] : memref<2560x128xf32, #tpu.memory_space<vmem>>, vector<2560x128xf32>
    tpu.vector_store %arg3[%swap3A, %swap3A_14], %mul3A_13 {strides = array<i32>} : memref<2560x128xf32, #tpu.memory_space<vmem>>, vector<2560x128xf32>,
    %broadcast_in_dim3A_16 = vector.shape_cast %rsqrt3A : vector<2560xf32> to vector<2560x1xf32>
    %swap3A_17 = arith.constant 0 : index
    %swap3A_18 = arith.constant 0 : index
    %swap3A_19 = vector.load %arg4[%swap3A_17, %swap3A_18] : memref<2560x1xf32, #tpu.memory_space<vmem>>, vector<2560x1xf32>
    tpu.vector_store %arg4[%swap3A_17, %swap3A_18], %broadcast_in_dim3A_16 {strides = array<i32>} : memref<2560x1xf32, #tpu.memory_space<vmem>>, vector<2560x1xf32>,
    return
  }
  func.func @transform_0(%arg0: i32) -> (i32, i32) {
    %c0_i32 = arith.constant 0 : i32
    %c0_i32_0 = arith.constant 0 : i32
    return %arg0, %c0_i32 : i32, i32
  }
  func.func @transform_1(%arg0: i32) -> (i32, i32) {
    %c0_i32 = arith.constant 0 : i32
    %c0_i32_0 = arith.constant 0 : i32
    return %c0_i32, %arg0 : i32, i32
  }
  func.func @transform_2(%arg0: i32) -> (i32, i32) {
    %c0_i32 = arith.constant 0 : i32
    %c0_i32_0 = arith.constant 0 : i32
    return %arg0, %c0_i32 : i32, i32
  }
  func.func @transform_3(%arg0: i32) -> (i32, i32) {
    %c0_i32 = arith.constant 0 : i32
    %c0_i32_0 = arith.constant 0 : i32
    return %arg0, %c0_i32 : i32, i32
  }
}

module attributes {stable_mosaic.version = 14 : i64} {
  func.func @_final_body(%arg0: i32, %arg1: memref<10000x128xf32, #tpu.memory_space<vmem>>, %arg2: memref<1x10000x128xf32, #tpu.memory_space<vmem>>, %arg3: memref<1x10000x128xf32, #tpu.memory_space<vmem>>, %arg4: memref<10000x1xf32, #tpu.memory_space<vmem>>, %arg5: memref<1x128xf32, #tpu.memory_space<vmem>>, %arg6: memref<1x128xf32, #tpu.memory_space<vmem>>, %arg7: memref<10000x128xf32, #tpu.memory_space<vmem>>) attributes {dimension_semantics = [#tpu.dimension_semantics<arbitrary>], iteration_bounds = array<i64: 1>, scalar_prefetch = 0 : i64, scratch_operands = 0 : i64, tpu.core_type = #tpu.core_type<tc>, window_params = [{pipeline_mode = #tpu.pipeline_mode<synchronous>, transform_indices = @transform_0, window_bounds = array<i64: 10000, 128>}, {transform_indices = @transform_1, window_bounds = array<i64: 1, 10000, 128>}, {transform_indices = @transform_2, window_bounds = array<i64: 1, 10000, 128>}, {transform_indices = @transform_3, window_bounds = array<i64: 10000, 1>}, {pipeline_mode = #tpu.pipeline_mode<synchronous>, transform_indices = @transform_4, window_bounds = array<i64: 1, 128>}, {pipeline_mode = #tpu.pipeline_mode<synchronous>, transform_indices = @transform_5, window_bounds = array<i64: 1, 128>}, {pipeline_mode = #tpu.pipeline_mode<synchronous>, transform_indices = @transform_6, window_bounds = array<i64: 10000, 128>}]} {
    %get3A = arith.constant 0 : index
    %get3A_0 = arith.constant 0 : index
    %get3A_1 = vector.load %arg1[%get3A, %get3A_0] : memref<10000x128xf32, #tpu.memory_space<vmem>>, vector<10000x128xf32>
    %get3A_2 = arith.constant 0 : index
    %get3A_3 = arith.constant 0 : index
    %get3A_4 = vector.load %arg4[%get3A_2, %get3A_3] : memref<10000x1xf32, #tpu.memory_space<vmem>>, vector<10000x1xf32>
    %get3A_5 = arith.constant 0 : index
    %get3A_6 = arith.constant 0 : index
    %get3A_7 = arith.constant 0 : index
    %get3A_8 = vector.load %arg2[%get3A_5, %get3A_6, %get3A_7] : memref<1x10000x128xf32, #tpu.memory_space<vmem>>, vector<1x10000x128xf32>
    %get3A_9 = vector.shape_cast %get3A_8 : vector<1x10000x128xf32> to vector<10000x128xf32>
    %get3A_10 = arith.constant 0 : index
    %get3A_11 = arith.constant 0 : index
    %get3A_12 = arith.constant 0 : index
    %get3A_13 = vector.load %arg3[%get3A_10, %get3A_11, %get3A_12] : memref<1x10000x128xf32, #tpu.memory_space<vmem>>, vector<1x10000x128xf32>
    %get3A_14 = vector.shape_cast %get3A_13 : vector<1x10000x128xf32> to vector<10000x128xf32>
    %add3A = arith.addf %get3A_9, %get3A_14 : vector<10000x128xf32>
    %mul3A = vector.broadcast %get3A_4 : vector<10000x1xf32> to vector<10000x128xf32>
    %mul3A_15 = arith.mulf %mul3A, %add3A : vector<10000x128xf32>
    %add3A_16 = arith.addf %get3A_1, %mul3A_15 : vector<10000x128xf32>
    %reduce_sum3A = arith.constant dense<0.000000e+00> : vector<128xf32>
    %reduce_sum3A_17 = vector.multi_reduction <add>, %add3A_16, %reduce_sum3A [0] : vector<10000x128xf32> to vector<128xf32>
    %broadcast_in_dim3A = vector.shape_cast %reduce_sum3A_17 : vector<128xf32> to vector<1x128xf32>
    %div3A = arith.constant 1.000000e+04 : f32
    %div3A_18 = vector.broadcast %div3A : f32 to vector<1x128xf32>
    %div3A_19 = arith.divf %broadcast_in_dim3A, %div3A_18 : vector<1x128xf32>
    %sub3A = vector.broadcast %div3A_19 : vector<1x128xf32> to vector<10000x128xf32>
    %sub3A_20 = arith.subf %add3A_16, %sub3A : vector<10000x128xf32>
    %integer_pow3A = arith.mulf %sub3A_20, %sub3A_20 : vector<10000x128xf32>
    %reduce_sum3A_21 = arith.constant dense<0.000000e+00> : vector<128xf32>
    %reduce_sum3A_22 = vector.multi_reduction <add>, %integer_pow3A, %reduce_sum3A_21 [0] : vector<10000x128xf32> to vector<128xf32>
    %broadcast_in_dim3A_23 = vector.shape_cast %reduce_sum3A_22 : vector<128xf32> to vector<1x128xf32>
    %div3A_24 = arith.constant 1.000000e+04 : f32
    %div3A_25 = vector.broadcast %div3A_24 : f32 to vector<1x128xf32>
    %div3A_26 = arith.divf %broadcast_in_dim3A_23, %div3A_25 : vector<1x128xf32>
    %sub3A_27 = vector.broadcast %div3A_19 : vector<1x128xf32> to vector<10000x128xf32>
    %sub3A_28 = arith.subf %add3A_16, %sub3A_27 : vector<10000x128xf32>
    %add3A_29 = arith.constant 9.99999974E-6 : f32
    %add3A_30 = vector.broadcast %add3A_29 : f32 to vector<1x128xf32>
    %add3A_31 = arith.addf %div3A_26, %add3A_30 : vector<1x128xf32>
    %rsqrt3A = math.rsqrt %add3A_31 : vector<1x128xf32>
    %mul3A_32 = vector.broadcast %rsqrt3A : vector<1x128xf32> to vector<10000x128xf32>
    %mul3A_33 = arith.mulf %sub3A_28, %mul3A_32 : vector<10000x128xf32>
    %get3A_34 = arith.constant 0 : index
    %get3A_35 = arith.constant 0 : index
    %get3A_36 = vector.load %arg5[%get3A_34, %get3A_35] : memref<1x128xf32, #tpu.memory_space<vmem>>, vector<1x128xf32>
    %mul3A_37 = vector.broadcast %get3A_36 : vector<1x128xf32> to vector<10000x128xf32>
    %mul3A_38 = arith.mulf %mul3A_33, %mul3A_37 : vector<10000x128xf32>
    %get3A_39 = arith.constant 0 : index
    %get3A_40 = arith.constant 0 : index
    %get3A_41 = vector.load %arg6[%get3A_39, %get3A_40] : memref<1x128xf32, #tpu.memory_space<vmem>>, vector<1x128xf32>
    %add3A_42 = vector.broadcast %get3A_41 : vector<1x128xf32> to vector<10000x128xf32>
    %add3A_43 = arith.addf %mul3A_38, %add3A_42 : vector<10000x128xf32>
    %swap3A = arith.constant 0 : index
    %swap3A_44 = arith.constant 0 : index
    %swap3A_45 = vector.load %arg7[%swap3A, %swap3A_44] : memref<10000x128xf32, #tpu.memory_space<vmem>>, vector<10000x128xf32>
    tpu.vector_store %arg7[%swap3A, %swap3A_44], %add3A_43 {strides = array<i32>} : memref<10000x128xf32, #tpu.memory_space<vmem>>, vector<10000x128xf32>,
    return
  }
  func.func @transform_0(%arg0: i32) -> (i32, i32) {
    %c0_i32 = arith.constant 0 : i32
    %c0_i32_0 = arith.constant 0 : i32
    %c0_i32_1 = arith.constant 0 : i32
    return %c0_i32, %c0_i32_0 : i32, i32
  }
  func.func @transform_1(%arg0: i32) -> (i32, i32, i32) {
    %c0_i32 = arith.constant 0 : i32
    %c0_i32_0 = arith.constant 0 : i32
    %c0_i32_1 = arith.constant 0 : i32
    %c0_i32_2 = arith.constant 0 : i32
    return %c0_i32, %c0_i32_0, %c0_i32_1 : i32, i32, i32
  }
  func.func @transform_2(%arg0: i32) -> (i32, i32, i32) {
    %c1_i32 = arith.constant 1 : i32
    %c0_i32 = arith.constant 0 : i32
    %c0_i32_0 = arith.constant 0 : i32
    %c0_i32_1 = arith.constant 0 : i32
    return %c1_i32, %c0_i32, %c0_i32_0 : i32, i32, i32
  }
  func.func @transform_3(%arg0: i32) -> (i32, i32) {
    %c0_i32 = arith.constant 0 : i32
    %c0_i32_0 = arith.constant 0 : i32
    %c0_i32_1 = arith.constant 0 : i32
    return %c0_i32, %c0_i32_0 : i32, i32
  }
  func.func @transform_4(%arg0: i32) -> (i32, i32) {
    %c0_i32 = arith.constant 0 : i32
    %c0_i32_0 = arith.constant 0 : i32
    %c0_i32_1 = arith.constant 0 : i32
    return %c0_i32, %c0_i32_0 : i32, i32
  }
  func.func @transform_5(%arg0: i32) -> (i32, i32) {
    %c0_i32 = arith.constant 0 : i32
    %c0_i32_0 = arith.constant 0 : i32
    %c0_i32_1 = arith.constant 0 : i32
    return %c0_i32, %c0_i32_0 : i32, i32
  }
  func.func @transform_6(%arg0: i32) -> (i32, i32) {
    %c0_i32 = arith.constant 0 : i32
    %c0_i32_0 = arith.constant 0 : i32
    %c0_i32_1 = arith.constant 0 : i32
    return %c0_i32, %c0_i32_0 : i32, i32
  }
}

module attributes {stable_mosaic.version = 14 : i64} {
  func.func @_matmul_body(%arg0: i32, %arg1: memref<1280x128xf32, #tpu.memory_space<vmem>>, %arg2: memref<128x128xf32, #tpu.memory_space<vmem>>, %arg3: memref<1280x128xf32, #tpu.memory_space<vmem>>) attributes {dimension_semantics = [#tpu.dimension_semantics<arbitrary>], iteration_bounds = array<i64: 8>, scalar_prefetch = 0 : i64, scratch_operands = 0 : i64, tpu.core_type = #tpu.core_type<tc>, window_params = [{transform_indices = @transform_0, window_bounds = array<i64: 1280, 128>}, {pipeline_mode = #tpu.pipeline_mode<synchronous>, transform_indices = @transform_1, window_bounds = array<i64: 128, 128>}, {transform_indices = @transform_2, window_bounds = array<i64: 1280, 128>}]} {
    %get3A = arith.constant 0 : index
    %get3A_0 = arith.constant 0 : index
    %get3A_1 = vector.load %arg1[%get3A, %get3A_0] : memref<1280x128xf32, #tpu.memory_space<vmem>>, vector<1280x128xf32>
    %get3A_2 = arith.constant 0 : index
    %get3A_3 = arith.constant 0 : index
    %get3A_4 = vector.load %arg2[%get3A_2, %get3A_3] : memref<128x128xf32, #tpu.memory_space<vmem>>, vector<128x128xf32>
    %dot_general3A = arith.constant dense<0.000000e+00> : vector<1280x128xf32>
    %dot_general3A_5 = tpu.matmul %get3A_1, %get3A_4, %dot_general3A {dimension_numbers = #tpu.dot_dimension_numbers<[1], [0], [0], [1], [0, 0, 1, 1], [], []>, transpose_lhs_hint = false} : vector<1280x128xf32>, vector<128x128xf32>, vector<1280x128xf32> -> vector<1280x128xf32>
    %swap3A = arith.constant 0 : index
    %swap3A_6 = arith.constant 0 : index
    %swap3A_7 = vector.load %arg3[%swap3A, %swap3A_6] : memref<1280x128xf32, #tpu.memory_space<vmem>>, vector<1280x128xf32>
    tpu.vector_store %arg3[%swap3A, %swap3A_6], %dot_general3A_5 {strides = array<i32>} : memref<1280x128xf32, #tpu.memory_space<vmem>>, vector<1280x128xf32>,
    return
  }
  func.func @transform_0(%arg0: i32) -> (i32, i32) {
    %c0_i32 = arith.constant 0 : i32
    %c0_i32_0 = arith.constant 0 : i32
    return %arg0, %c0_i32 : i32, i32
  }
  func.func @transform_1(%arg0: i32) -> (i32, i32) {
    %c0_i32 = arith.constant 0 : i32
    %c0_i32_0 = arith.constant 0 : i32
    %c0_i32_1 = arith.constant 0 : i32
    return %c0_i32, %c0_i32_0 : i32, i32
  }
  func.func @transform_2(%arg0: i32) -> (i32, i32) {
    %c0_i32 = arith.constant 0 : i32
    %c0_i32_0 = arith.constant 0 : i32
    return %arg0, %c0_i32 : i32, i32
  }
}

module attributes {stable_mosaic.version = 14 : i64} {
  func.func @_base_body(%arg0: i32, %arg1: memref<10000x128xf32, #tpu.memory_space<vmem>>, %arg2: memref<10000x128xf32, #tpu.memory_space<vmem>>, %arg3: memref<10000x1xf32, #tpu.memory_space<vmem>>, %arg4: memref<1x128xf32, #tpu.memory_space<vmem>>, %arg5: memref<10000x128xf32, #tpu.memory_space<vmem>>) attributes {dimension_semantics = [#tpu.dimension_semantics<arbitrary>], iteration_bounds = array<i64: 1>, scalar_prefetch = 0 : i64, scratch_operands = 0 : i64, tpu.core_type = #tpu.core_type<tc>, window_params = [{pipeline_mode = #tpu.pipeline_mode<synchronous>, transform_indices = @transform_0, window_bounds = array<i64: 10000, 128>}, {transform_indices = @transform_1, window_bounds = array<i64: 10000, 128>}, {transform_indices = @transform_2, window_bounds = array<i64: 10000, 1>}, {pipeline_mode = #tpu.pipeline_mode<synchronous>, transform_indices = @transform_3, window_bounds = array<i64: 1, 128>}, {pipeline_mode = #tpu.pipeline_mode<synchronous>, transform_indices = @transform_4, window_bounds = array<i64: 10000, 128>}]} {
    %get3A = arith.constant 0 : index
    %get3A_0 = arith.constant 0 : index
    %get3A_1 = vector.load %arg1[%get3A, %get3A_0] : memref<10000x128xf32, #tpu.memory_space<vmem>>, vector<10000x128xf32>
    %get3A_2 = arith.constant 0 : index
    %get3A_3 = arith.constant 0 : index
    %get3A_4 = vector.load %arg3[%get3A_2, %get3A_3] : memref<10000x1xf32, #tpu.memory_space<vmem>>, vector<10000x1xf32>
    %get3A_5 = arith.constant 0 : index
    %get3A_6 = arith.constant 0 : index
    %get3A_7 = vector.load %arg2[%get3A_5, %get3A_6] : memref<10000x128xf32, #tpu.memory_space<vmem>>, vector<10000x128xf32>
    %mul3A = vector.broadcast %get3A_4 : vector<10000x1xf32> to vector<10000x128xf32>
    %mul3A_8 = arith.mulf %mul3A, %get3A_7 : vector<10000x128xf32>
    %add3A = arith.addf %get3A_1, %mul3A_8 : vector<10000x128xf32>
    %get3A_9 = arith.constant 0 : index
    %get3A_10 = arith.constant 0 : index
    %get3A_11 = vector.load %arg4[%get3A_9, %get3A_10] : memref<1x128xf32, #tpu.memory_space<vmem>>, vector<1x128xf32>
    %add3A_12 = vector.broadcast %get3A_11 : vector<1x128xf32> to vector<10000x128xf32>
    %add3A_13 = arith.addf %add3A, %add3A_12 : vector<10000x128xf32>
    %swap3A = arith.constant 0 : index
    %swap3A_14 = arith.constant 0 : index
    %swap3A_15 = vector.load %arg5[%swap3A, %swap3A_14] : memref<10000x128xf32, #tpu.memory_space<vmem>>, vector<10000x128xf32>
    tpu.vector_store %arg5[%swap3A, %swap3A_14], %add3A_13 {strides = array<i32>} : memref<10000x128xf32, #tpu.memory_space<vmem>>, vector<10000x128xf32>,
    return
  }
  func.func @transform_0(%arg0: i32) -> (i32, i32) {
    %c0_i32 = arith.constant 0 : i32
    %c0_i32_0 = arith.constant 0 : i32
    %c0_i32_1 = arith.constant 0 : i32
    return %c0_i32, %c0_i32_0 : i32, i32
  }
  func.func @transform_1(%arg0: i32) -> (i32, i32) {
    %c0_i32 = arith.constant 0 : i32
    %c0_i32_0 = arith.constant 0 : i32
    %c0_i32_1 = arith.constant 0 : i32
    return %c0_i32, %c0_i32_0 : i32, i32
  }
  func.func @transform_2(%arg0: i32) -> (i32, i32) {
    %c0_i32 = arith.constant 0 : i32
    %c0_i32_0 = arith.constant 0 : i32
    %c0_i32_1 = arith.constant 0 : i32
    return %c0_i32, %c0_i32_0 : i32, i32
  }
  func.func @transform_3(%arg0: i32) -> (i32, i32) {
    %c0_i32 = arith.constant 0 : i32
    %c0_i32_0 = arith.constant 0 : i32
    %c0_i32_1 = arith.constant 0 : i32
    return %c0_i32, %c0_i32_0 : i32, i32
  }
  func.func @transform_4(%arg0: i32) -> (i32, i32) {
    %c0_i32 = arith.constant 0 : i32
    %c0_i32_0 = arith.constant 0 : i32
    %c0_i32_1 = arith.constant 0 : i32
    return %c0_i32, %c0_i32_0 : i32, i32
  }
}

</mosaic_0001>

<sc_bundles>
// kernel: kernel.11.cloned.1.call-start
scs
__scs_entry_jumppad:
0x0: {  	(pc) =	sbr.rel $0x88, $3  }
0x1: {  	(tag) =	ssettag $0x0;
	lr =	simm.s32 $0x1  }
0x2: {  	[smem:$0x3F9B] =	sst lr;
	_ =	strace $0xD0000000  }
0x3: {  	_ = 	snop  }
0x4: {  	_ = 	snop  }
0x5: {  	_ = 	snop  }
0x6: {  	_ = 	snop  }
0x7: {  	_ = 	snop  }
__scs_overlays_trampoline_lowered:
0x8: {  	[smem:$0x3FAA] =	sst s0  }
0x9: {  	[smem:$0x3FAB] =	sst s1  }
0xa: {  	[smem:$0x3FAC] =	sst s2  }
0xb: {  	[smem:$0x3FAD] =	sst s3  }
0xc: {  	[smem:$0x3FAE] =	sst s4  }
0xd: {  	[smem:$0x3FAF] =	sst s5  }
0xe: {  	[smem:$0x3FB0] =	sst s6  }
0xf: {  	[smem:$0x3FB1] =	sst s7  }
0x10: {  	[smem:$0x3FB2] =	sst s8  }
0x11: {  	[smem:$0x3FB3] =	sst s9;
	s0 =	simm.s32 @!p0 $0x0  }
0x12: {  	s1 =	sld [smem:$0x3F99];
	s0 =	simm.s32 @p0 $0x1  }
0x13: {  	[smem:$0x3FB4] =	sst s0;
	s0 =	simm.s32 @!p1 $0x0  }
0x14: {  	s2 =	sld [smem:$0x3F98];
	s0 =	simm.s32 @p1 $0x1  }
0x15: {  	[smem:$0x3FB5] =	sst s0;
	s0 =	simm.s32 @!p2 $0x0  }
0x16: {  	s3 =	sld [smem:$0x3FDB];
	s0 =	simm.s32 @p2 $0x1  }
0x17: {  	s4 =	simm.s32 $0x1BF5;
	[smem:$0x3FB7] =	sst s0  }
0x18: {  	s0 =	sld [smem:$0x3F9A];
	_ =	swait.ge [sflag:s4], $0x0  }
0x19: {  	s7 =	sld [smem:$0x3F9B]  }
0x1a: {  	s8 =	sadd.s32 $0xFFFFE003, lr  }
0x1b: {  	s9 =	sadd.s32 $0xFFFFFEF7, lr;
	s5 =	simm.s32 $0xFFFFFFFF;
	p2 =	slt.u32 s8, $0xFFFFF086  }
0x1c: {  	p1 =	slt.u32 s9, $0xF7A;
	s5 =	simm.s32 @!p2 $0x0  }
0x1d: {  	s5 =	simm.s32 @p1 $0x1;
	p0 =	seq.s32 s7, s2  }
0x1e: {  	s7 =	smul.u32 @!p0 $0xF7A, s2;
	p2 =	seq.s32 @!p0 s5, $0x0  }
0x1f: {  	s9 =	smul.u32 $0xF7A, s1;
	s8 =	simm.s32 @!p0 $0x1BF5;
	p2 =	por !p2, p0  }
0x20: {  	[sflag:s8] =	ssyncset.s32 @!p0 $0xFFFFF086;
	s6 =	sadd.s32 @!p0 s3, s7;
	s7 =	simm.s32 @!p0 $0x108  }
0x21: {  	s3 =	sadd.s32 s3, s9;
	s6 =	sadd.s32 @!p0 $0x88, s6;
	s7 =	simm.s32 @p2 $0x1082  }
0x22: {  	[simem:s7], [sflag:s8] =	dma.local @!p0 [hbm:s6], $0xF7A  }
0x23: {  	s9 =	sor.u32 $0xD0000000, s2;
	s6 =	simm.s32 $0x108;
	_ =	swait.ge @!p0 [sflag:s8], $0x0  }
0x24: {  	s3 =	sadd.s32 $0x88, s3;
	s6 =	simm.s32 @!p1 $0x1082;
	[sflag:s4] =	ssyncset.s32 $0xFFFFF086  }
0x25: {  	[simem:s6], [sflag:s4] =	dma.local [hbm:s3], $0xF7A  }
0x26: {  	[smem:$0x3F9B] =	sst s1;
	(tag) =	ssettag s2;
	_ =	strace s9  }
0x27: {  	s1 =	sld [smem:$0x3FAB]  }
0x28: {  	s2 =	sld [smem:$0x3FAC]  }
0x29: {  	s4 =	sld [smem:$0x3FAE]  }
0x2a: {  	p0 =	seq.s32 s5, $0x0;
	s5 =	sld [smem:$0x3FAF]  }
0x2b: {  	s6 =	sld [smem:$0x3FB0]  }
0x2c: {  	s7 =	sld [smem:$0x3FB1]  }
0x2d: {  	s3 =	simm.s32 $0x108;
	s8 =	sld [smem:$0x3FB2]  }
0x2e: {  	s3 =	simm.s32 @!p0 $0x1082;
	s9 =	sld [smem:$0x3FB3]  }
0x2f: {  	lr =	sadd.s32 s0, s3;
	s0 =	sld [smem:$0x3FAA]  }
0x30: {  	s3 =	sld [smem:$0x3FAD]  }
0x31: {  	[smem:$0x3FB6] =	sst s10  }
0x32: {  	s10 =	sld [smem:$0x3FB4];
	_ =	sdelay $0x3  }
0x33: {  	p0 =	seq.s32 s10, $0x1;
	s10 =	sld [smem:$0x3FB6];
	_ =	sdelay $0x3  }
0x34: {  	[smem:$0x3FB6] =	sst s10  }
0x35: {  	s10 =	sld [smem:$0x3FB5];
	_ =	sdelay $0x3  }
0x36: {  	p1 =	seq.s32 s10, $0x1;
	s10 =	sld [smem:$0x3FB6];
	_ =	sdelay $0x3  }
0x37: {  	[smem:$0x3FB6] =	sst s10  }
0x38: {  	s10 =	sld [smem:$0x3FB7]  }
0x39: {  	_ = 	snop;
	(pc) =	sbr.ind lr, $3  }
0x3a: {  	_ = 	snop  }
0x3b: {  	_ = 	snop  }
0x3c: {  	p2 =	seq.s32 s10, $0x1;
	s10 =	sld [smem:$0x3FB6]  }
0x3d: {  	_ =	shalt  }
0x3e: {  	_ =	shalt  }
0x3f: {  	_ =	shalt  }
0x40: {  	_ =	shalt  }
0x41: {  	_ =	shalt  }
0x42: {  	_ =	shalt  }
0x43: {  	_ =	shalt  }
0x44: {  	_ =	shalt  }
0x45: {  	_ =	shalt  }
0x46: {  	_ =	shalt  }
0x47: {  	_ =	shalt  }
0x48: {  	_ =	shalt  }
0x49: {  	_ =	shalt  }
0x4a: {  	_ =	shalt  }
0x4b: {  	_ =	shalt  }
0x4c: {  	_ =	shalt  }
0x4d: {  	_ =	shalt  }
0x4e: {  	_ =	shalt  }
0x4f: {  	_ =	shalt  }
0x50: {  	_ =	shalt  }
0x51: {  	_ =	shalt  }
0x52: {  	_ =	shalt  }
0x53: {  	_ =	shalt  }
0x54: {  	_ =	shalt  }
0x55: {  	_ =	shalt  }
0x56: {  	_ =	shalt  }
0x57: {  	_ =	shalt  }
0x58: {  	_ =	shalt  }
0x59: {  	_ =	shalt  }
0x5a: {  	_ =	shalt  }
0x5b: {  	_ =	shalt  }
0x5c: {  	_ =	shalt  }
0x5d: {  	_ =	shalt  }
0x5e: {  	_ =	shalt  }
0x5f: {  	_ =	shalt  }
0x60: {  	_ =	shalt  }
0x61: {  	_ =	shalt  }
0x62: {  	_ =	shalt  }
0x63: {  	_ =	shalt  }
0x64: {  	_ =	shalt  }
0x65: {  	_ =	shalt  }
0x66: {  	_ =	shalt  }
0x67: {  	_ =	shalt  }
0x68: {  	_ =	shalt  }
0x69: {  	_ =	shalt  }
0x6a: {  	_ =	shalt  }
0x6b: {  	_ =	shalt  }
0x6c: {  	_ =	shalt  }
0x6d: {  	_ =	shalt  }
0x6e: {  	_ =	shalt  }
0x6f: {  	_ =	shalt  }
0x70: {  	_ =	shalt  }
0x71: {  	_ =	shalt  }
0x72: {  	_ =	shalt  }
0x73: {  	_ =	shalt  }
0x74: {  	_ =	shalt  }
0x75: {  	_ =	shalt  }
0x76: {  	_ =	shalt  }
0x77: {  	_ =	shalt  }
0x78: {  	_ =	shalt  }
0x79: {  	_ =	shalt  }
0x7a: {  	_ =	shalt  }
0x7b: {  	_ =	shalt  }
0x7c: {  	_ =	shalt  }
0x7d: {  	_ =	shalt  }
0x7e: {  	_ =	shalt  }
0x7f: {  	_ =	shalt  }
0x80: {  	_ =	shalt  }
0x81: {  	_ =	shalt  }
0x82: {  	_ =	shalt  }
0x83: {  	_ =	shalt  }
0x84: {  	_ =	shalt  }
0x85: {  	_ =	shalt  }
0x86: {  	_ =	shalt  }
0x87: {  	_ =	shalt  }
.Lfunc_end0:
.L_simem_size_0:
called_computation.1_lowered:
.L_overlay_start_0:
0x88: {  	s2 =	sld [smem:$0x3FD9]  }
0x89: {  	s3 =	sld [smem:$0x3FFE];
	_ =	sdelay $0x1  }
0x8a: {  	s1 =	srdreg.scid  }
0x8b: {  	s0 =	sand.u32 $0x1, s1  }
0x8c: {  	s17 =	sshll.u32 s0, $0xA;
	s2 =	sadd.s32 s3, s2  }
0x8d: {  	s2 =	sadd.s32 s2, s17  }
0x8e: {  	[smem:$0x3FC2] =	sst s2  }
0x8f: {  	_ = 	snop  }
0x90: {  	s2 =	sld [smem:$0x3FC8];
	(tm) =	ssettm $0x1  }
0x91: {  	s18 =	sld [smem:$0x3FFB];
	_ =	sdelay $0x3  }
0x92: {  	_ =	strace s18  }
0x93: {  	s3 =	sld [smem:$0x3FFC];
	_ =	sdelay $0x3  }
0x94: {  	_ =	strace s3  }
0x95: {  	s3 =	sld [smem:$0x3FFD];
	_ =	sdelay $0x3  }
0x96: {  	_ =	strace s3  }
0x97: {  	_ =	strace $0x8FFFFFFF  }
0x98: {  	s19 =	sld [smem:$0x3FDB];
	_ =	sdelay $0x1  }
0x99: {  	s4 =	simm.s32 $_scs_section_size  }
0x9a: {  	s5 =	simm.s32 $_size__tile_overlayer_lowered;
	s6 =	simm.s32 $_tile_overlayer_lowered  }
0x9b: {  	s22 =	simm.s32 $0x1BFF;
	s21 =	sshll.u32 s6, $0x1;
	s3 =	sadd.s32 s4, s19  }
0x9c: {  	s7 =	simm.s32 $0x0;
	s20 =	sshll.u32 s5, $0x1;
	s5 =	sadd.s32 s21, s3  }
0x9d: {  	[timem:s7], [sflag:s22] =	dma.local [hbm:s5], s20  }
0x9e: {  	_ =	swait.ge [sflag:s22], s20  }
0x9f: {  	s4 =	ssub.s32 $0x0, s20;
	[sflag:s22] =	ssyncset.done $0x0  }
0xa0: {  	[sflag:s22] =	ssyncadd.s32 s4;
	_ =	sdelay $0x1  }
0xa1: {  	s23 =	simm.s32 $0x1B8B  }
0xa2: {  	_ =	swait.ge [sflag:s23], $0x1  }
0xa3: {  	[sflag:s23] =	ssyncset.done $0x0  }
0xa4: {  	s25 =	simm.s32 $0x1B8E;
	s24 =	sld [smem:$0x3FFE];
	[sflag:s23] =	ssyncadd.s32 $0xFFFFFFFF  }
0xa5: {  	s26 =	simm.s32 $execute0_lowered;
	[smem:$0x3FD2] =	sst s25  }
0xa6: {  	s5 =	sshll.u32 s26, $0x1;
	_ =	strace $0x80000049;
	[dreg:$0x1] =	wrdreg $0xFFFFFFFF  }
0xa7: {  	s28 =	simm.s32 $_size_execute0_lowered;
	s3 =	sadd.s32 s3, s5;
	[dreg:$0x0] =	wrdreg $0x0  }
0xa8: {  	s5 =	sshll.u32 s28, $0x1;
	[dreg:$0x2] =	wrdreg s3  }
0xa9: {  	[dreg:$0x3] =	wrdreg s5  }
0xaa: {  	[dreg:$0x4] =	wrdreg $0xC0  }
0xab: {  	_ =	task [dreg:s7], $0x5FFFF  }
0xac: {  	[dreg:$0x1] =	wrdreg $0xFFFFFFFF  }
0xad: {  	[dreg:$0x0] =	wrdreg $0x60  }
0xae: {  	[dreg:$0x2] =	wrdreg s24  }
0xaf: {  	[dreg:$0x3] =	wrdreg s2  }
0xb0: {  	[dreg:$0x4] =	wrdreg $0x90000  }
0xb1: {  	[dreg:$0x5] =	wrdreg $0x9  }
0xb2: {  	_ =	task.clear_ibuf [dreg:s7], $0x6FFFF;
	_ =	strace $0x90000049  }
0xb3: {  	s29 =	simm.s32 $0x9;
	_ =	strace $0x8000004B  }
0xb4: {  	_ =	swait.ge [sflag:s29], $0x1  }
0xb5: {  	[sflag:s29] =	ssyncadd.s32 $0xFFFFFFFF  }
0xb6: {  	_ =	strace $0x9000004B  }
0xb7: {  	_ =	sfence  }
0xb8: {  	s30 =	sld [smem:$0x0];
	_ =	sdelay $0x2  }
0xb9: {  	s31 =	sshll.u32 s1, $0xD;
	s1 =	sshrl.u32 s1, $0x2  }
0xba: {  	s3 =	sand.u32 $0x4000, s31;
	s1 =	sadd.s32 s1, s30  }
0xbb: {  	s0 =	sor.u32 s3, s0;
	s1 =	sshll.u32 s1, $0x11  }
0xbc: {  	s0 =	sor.u32 s1, s0  }
0xbd: {  	s0 =	sadd.s32 $0x8F2B, s0  }
0xbe: {  	[sflag:s0] =	ssyncadd.remote.s32 $0x1  }
0xbf: {  	_ =	sfence.sel $0xFFFF  }
0xc0: {  	[dreg:$0x0] =	wrdreg $0xFFFFFFFF;
	(pc) =	sbr.abs _section_cstart, $3  }
0xc1: {  	[dreg:$0x1] =	wrdreg $0xFFFFFFFF  }
0xc2: {  	_ =	task.clear_ibuf [dreg:s7], $0x2FFFF;
	_ =	strace $0x9FFFFFFF  }
0xc3: {  	(tm) =	ssettm $0x7FFFFFFF  }
tec
execute0_lowered:
.L_overlay_start_1:
0x0: {  	(tag) =	ssettag $0x1  }
0x1: {  	s0 =	rddreg [dreg:$0x0];
	s1 =	srdreg.scid  }
0x2: {  	s2 =	rddreg [dreg:$0x1];
	s9 =	stileid.u32  }
0x3: {  	s3 =	rddreg [dreg:$0x2];
	s4 =	simm.s32 $0x0;
	s6 =	smul.u32 $0x14000, s9  }
0x4: {  	s15 =	simm.s32 $0x1000;
	s20 =	simm.s32 $0x1;
	s7 =	smul.u32 $0x50000, s9  }
0x5: {  	s21 =	simm.s32 $0x80;
	s29 =	simm.s32 $0x5;
	s23 =	smul.u32 $0x1400, s9  }
0x6: {  	s18 =	simm.s32 $0x100;
	s1 =	sand.u32 $0x1, s1;
	s9 =	smul.u32 $0xA0, s9  }
0x7: {  	s19 =	simm.s32 $0x200;
	[smem:$0x7FF] =	sst s4;
	s5 =	smul.u32 $0x140000, s1  }
0x8: {  	_ =	strace $0x8000004A;
	s22 =	ssub.s32 $0x2, s1;
	s25 =	smul.u32 $0xA00, s1  }
0x9: {  	s1 =	smul.u32 $0x50, s1;
	s7 =	sshrl.u32 s7, $0x2;
	s8 =	sshrl.u32 s22, $0x1  }
0xa: {  	s6 =	sadd.s32 s6, s5;
	s5 =	sadd.s32 $0x1C00, s0;
	s10 =	sadd.s32 s7, s3  }
0xb: {  	s7 =	sadd.s32 s23, s2;
	s23 =	sadd.s32 s1, s9;
	s1 =	simm.s32 $0x0  }
0xc: {  	s6 =	sshrl.u32 s6, $0x3;
	s24 =	sadd.s32 $0x4000, s10;
	[dreg:$0x4] =	wrdreg s10  }
0xd: {  	s11 =	sadd.s32 $0x8000, s10;
	s26 =	sadd.s32 $0xC000, s10;
	[dreg:$0x5] =	wrdreg s24  }
0xe: {  	s28 =	sadd.s32 $0x10000, s10;
	s31 =	sadd.s32 s25, s7;
	[dreg:$0x6] =	wrdreg s11  }
.Ltmp0:
0xf: {  	s0 =	sadd.s32 s6, s0;
	[dreg:$0x7] =	wrdreg s26;
	(pc) =	sbr.rel .LBB2_1-.Ltmp0, $4  }
0x10: {  	s6 =	ssub.s32 s22, s8;
	[dreg:$0x8] =	wrdreg s28;
	s0 =	sadd.s32 $0x29C00, s0  }
0x11: {  	s8 =	simm.s32 $0x6;
	s30 =	smax.u32 s6, $0x1;
	[dreg:$0x9] =	wrdreg s0  }
0x12: {  	s22 =	simm.s32 $0x2;
	[dreg:$0xa] =	wrdreg s30;
	s0 =	sadd.s32 $0x60, s31  }
0x13: {  	v0 =	vimm.f32 $0.0e+00;
	s24 =	simm.s32 $0x3;
	s26 =	simm.s32 $0x4;
	[dreg:$0xb] =	wrdreg s0  }
.LBB2_7:
0x14: {  	s0 =	stileid.u32;
	[bflag:$0x0] =	sbarrier.arrive $0xFFFF  }
0x15: {  	s8 =	simm.s32 $0x6;
	s0 =	sshll.u32 s0, $0x6;
	s10 =	rddreg [dreg:$0x4]  }
0x16: {  	s6 =	rddreg [dreg:$0x9];
	s0 =	sor.u32 $0x1C06, s0;
	s1 =	sshrl.u32 s10, $0x3  }
0x17: {  	[hbm:s6], [sflag:s0] =	dma.local [spmem:s1], $0x2800  }
0x18: {  	_ =	swait.ge [sflag:s8], $0x2800  }
0x19: {  	s30 =	rddreg [dreg:$0xc]  }
0x1a: {  	s31 =	rddreg [dreg:$0xa];
	s1 =	sadd.s32 $0x1, s30  }
0x1b: {  	p0 =	sne.s32 s1, s31  }
.Ltmp1:
0x1c: {  	_ = 	snop;
	(pc) =	sbr.rel @!p0 .LBB2_8-.Ltmp1, $3  }
0x1d: {  	_ =	sdelay $0x1  }
0x1e: {  	[sflag:s8] =	ssyncset.done $0x0  }
0x1f: {  	[sflag:s8] =	ssyncadd.s32 $0xFFFFD800  }
.LBB2_1:
0x20: {  	s0 =	sand.u32 $0xFE00, s4  }
0x21: {  	[dreg:$0xc] =	wrdreg s1;
	s31 =	sand.u32 $0x70, s4;
	s6 =	sshrl.u32 s0, $0x2  }
0x22: {  	s1 =	simm.s32 $0x0;
	s0 =	simm.s32 $0x40;
	s6 =	sor.u32 s31, s6  }
.LBB2_2:
0x23: {  	p0 =	sne.s32 s0, $0xFFC0  }
0x24: {  	[tilespmem:s6+$0x1000] =	vst v0;
	s1 =	sadd.s32 $0x10, s1;
	s6 =	smov.u32 s0;
	s0 =	sadd.s32 $0x40, s0  }
.Ltmp2:
0x25: {  	(pc) =	sbr.rel @p0 .LBB2_2-.Ltmp2, $4  }
0x26: {  	_ = 	snop  }
0x27: {  	s6 =	sand.u32 $0xFE00, s6  }
0x28: {  	s7 =	sand.u32 $0x70, s1;
	s6 =	sshrl.u32 s6, $0x2  }
0x29: {  	s6 =	sor.u32 s7, s6  }
0x2a: {  	[tilespmem:s6+$0x1000] =	vst v0  }
0x2b: {  	[spmem:s10] =	stream.linear.scatter [tilespmem:s15], [sflag:$0x6], $0x4000, $0x38;
	[tilespmem:$0x1D000] =	vst v63  }
0x2c: {  	_ =	swait.ge [sflag:s8], $0x4000  }
0x2d: {  	[sflag:s8] =	ssyncset.done $0x0  }
0x2e: {  	s0 =	rddreg [dreg:$0x5];
	[sflag:s8] =	ssyncadd.s32 $0xFFFFC000  }
0x2f: {  	[spmem:s0] =	stream.linear.scatter [tilespmem:s15], [sflag:$0x6], $0x4000, $0x38;
	[tilespmem:$0x1D000] =	vst v63  }
0x30: {  	_ =	swait.ge [sflag:s8], $0x4000  }
0x31: {  	[sflag:s8] =	ssyncset.done $0x0  }
0x32: {  	s28 =	rddreg [dreg:$0x6];
	[sflag:s8] =	ssyncadd.s32 $0xFFFFC000  }
0x33: {  	[spmem:s28] =	stream.linear.scatter [tilespmem:s15], [sflag:$0x6], $0x4000, $0x38;
	[tilespmem:$0x1D000] =	vst v63  }
0x34: {  	_ =	swait.ge [sflag:s8], $0x4000  }
0x35: {  	[sflag:s8] =	ssyncset.done $0x0  }
0x36: {  	s30 =	rddreg [dreg:$0x7];
	[sflag:s8] =	ssyncadd.s32 $0xFFFFC000  }
0x37: {  	[spmem:s30] =	stream.linear.scatter [tilespmem:s15], [sflag:$0x6], $0x4000, $0x38;
	[tilespmem:$0x1D000] =	vst v63  }
0x38: {  	_ =	swait.ge [sflag:s8], $0x4000  }
0x39: {  	[sflag:s8] =	ssyncset.done $0x0  }
0x3a: {  	s31 =	rddreg [dreg:$0x8];
	[sflag:s8] =	ssyncadd.s32 $0xFFFFC000  }
0x3b: {  	[spmem:s31] =	stream.linear.scatter [tilespmem:s15], [sflag:$0x6], $0x4000, $0x38;
	[tilespmem:$0x1D000] =	vst v63  }
.Ltmp3:
0x3c: {  	_ =	swait.ge [sflag:s8], $0x4000;
	(pc) =	sbr.rel .LBB2_4-.Ltmp3, $4  }
0x3d: {  	[sflag:s8] =	ssyncset.done $0x0  }
0x3e: {  	[sflag:s8] =	ssyncadd.s32 $0xFFFFC000  }
0x3f: {  	[bflag:$0x0] =	sbarrier.arrive $0xFFFF  }
0x40: {  	s1 =	simm.s32 $0x0;
	s13 =	rddreg [dreg:$0xb]  }
.LBB2_6:
0x41: {  	s1 =	sadd.s32 $0x10, s1  }
0x42: {  	p0 =	sne.s32 s1, $0x50  }
.Ltmp4:
0x43: {  	_ = 	snop;
	(pc) =	sbr.rel @!p0 .LBB2_7-.Ltmp4, $2  }
0x44: {  	_ =	sdelay $0x2  }
0x45: {  	s13 =	sadd.s32 $0x200, s13  }
.LBB2_4:
0x46: {  	s7 =	sadd.s32 s1, s23  }
0x47: {  	p0 =	sgt.u32 s7, $0x9C3  }
.Ltmp5:
0x48: {  	_ = 	snop;
	(pc) =	sbr.rel @p0 .LBB2_6-.Ltmp5, $1  }
0x49: {  	_ =	sdelay $0x3  }
0x4a: {  	s0 =	sadd.s32 $0xFFFFFFA0, s13  }
0x4b: {  	s17 =	sadd.s32 $0x4, s7;
	s6 =	sadd.s32 $0xFFFFFFC0, s13;
	s25 =	sadd.s32 $0xFFFFFFE0, s13  }
0x4c: {  	s28 =	sadd.s32 $0x5, s7;
	s14 =	simm.s32 $0x300;
	s31 =	sadd.s32 $0x6, s7  }
0x4d: {  	s10 =	sadd.s32 $0x7, s7;
	s11 =	sadd.s32 $0x8, s7;
	s12 =	sadd.s32 $0x9, s7  }
0x4e: {  	[tilespmem:s4], [sflag:$0x1] =	stream.linear.gather [hbm4b:s0+s4], $0x100, $0x38;
	[tilespmem:$0x1D000] =	vst v63  }
0x4f: {  	s16 =	sadd.s32 $0xA, s7;
	p0 =	slt.s32 s17, $0x9C3;
	s8 =	smov.u32 s17  }
0x50: {  	p1 =	sgt.u32 s17, $0x9C3;
	s9 =	smov.u32 s28;
	p2 =	sgt.u32 s28, $0x9C3  }
0x51: {  	p3 =	sgt.u32 s31, $0x9C3;
	p4 =	sgt.u32 s10, $0x9C3;
	p6 =	sgt.u32 s11, $0x9C3  }
0x52: {  	s8 =	simm.s32 @!p0 $0x9C3;
	p0 =	slt.s32 s28, $0x9C3;
	s30 =	simm.s32 @!p1 $0x400  }
0x53: {  	[tilespmem:s18], [sflag:$0x1] =	stream.linear.gather [hbm4b:s6+s4], $0x100, $0x38;
	[tilespmem:$0x1D000] =	vst v63  }
0x54: {  	s28 =	simm.s32 @!p2 $0x500;
	s0 =	sshll.u32 @!p1 s8, $0x5;
	s8 =	simm.s32 @!p1 $0x0  }
0x55: {  	s9 =	simm.s32 @!p0 $0x9C3;
	p0 =	slt.s32 s31, $0x9C3;
	s0 =	sadd.s32 @!p1 s2, s0  }
0x56: {  	[tilespmem:s19], [sflag:$0x1] =	stream.linear.gather [hbm4b:s25+s4], $0x100, $0x38;
	[tilespmem:$0x1D000] =	vst v63  }
0x57: {  	s6 =	sshll.u32 @!p2 s9, $0x5;
	s9 =	smov.u32 s31;
	s31 =	simm.s32 @!p4 $0x700  }
0x58: {  	[tilespmem:s14], [sflag:$0x1] =	stream.linear.gather [hbm4b:s13+s4], $0x100, $0x38;
	[tilespmem:$0x1D000] =	vst v63  }
0x59: {  	s6 =	sadd.s32 @!p2 s2, s6;
	s9 =	simm.s32 @!p0 $0x9C3;
	p0 =	slt.s32 s10, $0x9C3  }
0x5a: {  	[tilespmem:s30], [sflag:$0x1] =	stream.linear.gather @!p1 [hbm4b:s0+s8], $0x100, $0x38;
	[tilespmem:$0x1D000] =	vst v63  }
0x5b: {  	s25 =	simm.s32 @!p3 $0x600;
	s0 =	sshll.u32 @!p3 s9, $0x5;
	s9 =	smov.u32 s10  }
0x5c: {  	s8 =	simm.s32 @!p2 $0x0;
	s0 =	sadd.s32 @!p3 s2, s0;
	s9 =	simm.s32 @!p0 $0x9C3  }
0x5d: {  	[tilespmem:s28], [sflag:$0x1] =	stream.linear.gather @!p2 [hbm4b:s6+s8], $0x100, $0x38;
	[tilespmem:$0x1D000] =	vst v63  }
0x5e: {  	p0 =	slt.s32 s11, $0x9C3;
	s6 =	sshll.u32 @!p4 s9, $0x5;
	s9 =	smov.u32 s11  }
0x5f: {  	s8 =	simm.s32 @!p3 $0x0;
	s6 =	sadd.s32 @!p4 s2, s6;
	s9 =	simm.s32 @!p0 $0x9C3  }
0x60: {  	[tilespmem:s25], [sflag:$0x1] =	stream.linear.gather @!p3 [hbm4b:s0+s8], $0x100, $0x38;
	[tilespmem:$0x1D000] =	vst v63  }
0x61: {  	p0 =	sgt.u32 s12, $0x9C3;
	s8 =	simm.s32 @!p4 $0x0;
	s0 =	sshll.u32 @!p6 s9, $0x5  }
0x62: {  	[tilespmem:s31], [sflag:$0x1] =	stream.linear.gather @!p4 [hbm4b:s6+s8], $0x100, $0x38;
	[tilespmem:$0x1D000] =	vst v63  }
0x63: {  	s9 =	simm.s32 @!p6 $0x0;
	s0 =	sadd.s32 @!p6 s2, s0;
	s6 =	simm.s32 @!p6 $0x800  }
0x64: {  	[tilespmem:s6], [sflag:$0x1] =	stream.linear.gather @!p6 [hbm4b:s0+s9], $0x100, $0x38;
	[tilespmem:$0x1D000] =	vst v63  }
0x65: {  	p5 =	slt.s32 s12, $0x9C3;
	s10 =	smov.u32 s12;
	s0 =	simm.s32 @!p0 $0x0  }
0x66: {  	s10 =	simm.s32 @!p5 $0x9C3;
	p5 =	slt.s32 s16, $0x9C3;
	s0 =	simm.s32 @p0 $0x1  }
0x67: {  	s11 =	smov.u32 s16;
	[smem:$0x7F8] =	sst s0;
	s0 =	sshll.u32 @!p0 s10, $0x5  }
0x68: {  	s10 =	simm.s32 @!p0 $0x0;
	s8 =	sadd.s32 @!p0 s2, s0;
	s0 =	simm.s32 @!p0 $0x900  }
0x69: {  	[tilespmem:s0], [sflag:$0x1] =	stream.linear.gather @!p0 [hbm4b:s8+s10], $0x100, $0x38;
	[tilespmem:$0x1D000] =	vst v63  }
0x6a: {  	s17 =	sadd.s32 $0xB, s7;
	s11 =	simm.s32 @!p5 $0x9C3;
	p0 =	sgt.u32 s16, $0x9C3  }
0x6b: {  	p5 =	slt.s32 s17, $0x9C3;
	s9 =	sshll.u32 @!p0 s11, $0x5  }
0x6c: {  	s10 =	simm.s32 @!p0 $0x0;
	s12 =	simm.s32 @!p0 $0xA00;
	s9 =	sadd.s32 @!p0 s2, s9  }
0x6d: {  	[tilespmem:s12], [sflag:$0x1] =	stream.linear.gather @!p0 [hbm4b:s9+s10], $0x100, $0x38;
	[tilespmem:$0x1D000] =	vst v63  }
0x6e: {  	s16 =	sadd.s32 $0xC, s7;
	s8 =	simm.s32 @!p0 $0x0;
	s9 =	smov.u32 s17  }
0x6f: {  	s8 =	simm.s32 @p0 $0x1;
	p0 =	sgt.u32 s17, $0x9C3;
	s9 =	simm.s32 @!p5 $0x9C3  }
0x70: {  	[smem:$0x7F9] =	sst s8;
	s17 =	sadd.s32 $0xD, s7;
	s9 =	sshll.u32 @!p0 s9, $0x5  }
0x71: {  	s10 =	simm.s32 @!p0 $0x0;
	s11 =	simm.s32 @!p0 $0xB00;
	s9 =	sadd.s32 @!p0 s2, s9  }
0x72: {  	[tilespmem:s11], [sflag:$0x1] =	stream.linear.gather @!p0 [hbm4b:s9+s10], $0x100, $0x38;
	[tilespmem:$0x1D000] =	vst v63  }
0x73: {  	s8 =	simm.s32 @!p0 $0x0;
	p5 =	slt.s32 s16, $0x9C3;
	s9 =	smov.u32 s16  }
0x74: {  	s8 =	simm.s32 @p0 $0x1;
	p0 =	sgt.u32 s16, $0x9C3;
	s9 =	simm.s32 @!p5 $0x9C3  }
0x75: {  	[smem:$0x7FA] =	sst s8;
	s8 =	simm.s32 @!p0 $0x0;
	s9 =	sshll.u32 @!p0 s9, $0x5  }
0x76: {  	s16 =	simm.s32 @!p0 $0x0;
	s10 =	simm.s32 @!p0 $0xC00;
	s9 =	sadd.s32 @!p0 s2, s9  }
0x77: {  	[tilespmem:s10], [sflag:$0x1] =	stream.linear.gather @!p0 [hbm4b:s9+s16], $0x100, $0x38;
	[tilespmem:$0x1D000] =	vst v63  }
0x78: {  	p5 =	slt.s32 s17, $0x9C3;
	s8 =	simm.s32 @p0 $0x1;
	p0 =	sgt.u32 s17, $0x9C3  }
0x79: {  	[smem:$0x7FB] =	sst s8;
	s9 =	smov.u32 s17;
	s8 =	simm.s32 @!p0 $0x0  }
0x7a: {  	s9 =	simm.s32 @!p5 $0x9C3;
	s8 =	simm.s32 @p0 $0x1  }
0x7b: {  	s17 =	simm.s32 @!p0 $0x0;
	s9 =	sshll.u32 @!p0 s9, $0x5;
	[smem:$0x7FC] =	sst s8  }
0x7c: {  	s8 =	sadd.s32 $0xE, s7;
	s16 =	sadd.s32 @!p0 s2, s9;
	s9 =	simm.s32 @!p0 $0xD00  }
0x7d: {  	[tilespmem:s9], [sflag:$0x1] =	stream.linear.gather @!p0 [hbm4b:s16+s17], $0x100, $0x38;
	[tilespmem:$0x1D000] =	vst v63  }
0x7e: {  	p0 =	sgt.u32 s8, $0x9C3  }
0x7f: {  	s16 =	smov.u32 s8;
	p5 =	slt.s32 s8, $0x9C3;
	s8 =	simm.s32 @!p0 $0x0  }
0x80: {  	s16 =	simm.s32 @!p5 $0x9C3;
	s8 =	simm.s32 @p0 $0x1  }
0x81: {  	s7 =	sadd.s32 $0xF, s7;
	[smem:$0x7FD] =	sst s8;
	s8 =	sshll.u32 @!p0 s16, $0x5  }
0x82: {  	s17 =	simm.s32 @!p0 $0x0;
	s16 =	sadd.s32 @!p0 s2, s8;
	s8 =	simm.s32 @!p0 $0xE00  }
0x83: {  	[tilespmem:s8], [sflag:$0x1] =	stream.linear.gather @!p0 [hbm4b:s16+s17], $0x100, $0x38;
	[tilespmem:$0x1D000] =	vst v63  }
0x84: {  	p5 =	slt.s32 s7, $0x9C3;
	s16 =	smov.u32 s7  }
0x85: {  	s16 =	simm.s32 @!p5 $0x9C3;
	p5 =	sgt.u32 s7, $0x9C3  }
0x86: {  	s7 =	sshll.u32 @!p5 s16, $0x5  }
0x87: {  	s17 =	simm.s32 @!p5 $0x0;
	s16 =	sadd.s32 @!p5 s2, s7;
	s7 =	simm.s32 @!p5 $0xF00  }
0x88: {  	[tilespmem:s7], [sflag:$0x1] =	stream.linear.gather @!p5 [hbm4b:s16+s17], $0x100, $0x38;
	[tilespmem:$0x1D000] =	vst v63  }
0x89: {  	_ =	swait.ge [sflag:s20], $0x100  }
0x8a: {  	[sflag:s20] =	ssyncset.done $0x0  }
0x8b: {  	[sflag:s20] =	ssyncadd.s32 $0xFFFFFF00  }
0x8c: {  	_ =	swait.ge [sflag:s20], $0x100  }
0x8d: {  	[sflag:s20] =	ssyncset.done $0x0  }
0x8e: {  	[sflag:s20] =	ssyncadd.s32 $0xFFFFFF00  }
0x8f: {  	_ =	swait.ge [sflag:s20], $0x100  }
0x90: {  	[sflag:s20] =	ssyncset.done $0x0  }
0x91: {  	[sflag:s20] =	ssyncadd.s32 $0xFFFFFF00  }
0x92: {  	_ =	swait.ge [sflag:s20], $0x100  }
0x93: {  	[sflag:s20] =	ssyncset.done $0x0  }
0x94: {  	s16 =	simm.s32 @!p1 $0x1;
	[sflag:s20] =	ssyncadd.s32 $0xFFFFFF00  }
0x95: {  	_ =	swait.ge @!p1 [sflag:s16], $0x100  }
0x96: {  	[sflag:s16] =	ssyncset.done @!p1 $0x0  }
0x97: {  	[sflag:s16] =	ssyncadd.s32 @!p1 $0xFFFFFF00;
	s16 =	simm.s32 @!p2 $0x1  }
0x98: {  	_ =	swait.ge @!p2 [sflag:s16], $0x100  }
0x99: {  	[sflag:s16] =	ssyncset.done @!p2 $0x0  }
0x9a: {  	[sflag:s16] =	ssyncadd.s32 @!p2 $0xFFFFFF00;
	s16 =	simm.s32 @!p3 $0x1  }
0x9b: {  	_ =	swait.ge @!p3 [sflag:s16], $0x100  }
0x9c: {  	[sflag:s16] =	ssyncset.done @!p3 $0x0  }
0x9d: {  	[sflag:s16] =	ssyncadd.s32 @!p3 $0xFFFFFF00;
	s16 =	simm.s32 @!p4 $0x1  }
0x9e: {  	_ =	swait.ge @!p4 [sflag:s16], $0x100  }
0x9f: {  	[sflag:s16] =	ssyncset.done @!p4 $0x0  }
0xa0: {  	[sflag:s16] =	ssyncadd.s32 @!p4 $0xFFFFFF00;
	s16 =	simm.s32 @!p6 $0x1  }
0xa1: {  	_ =	swait.ge @!p6 [sflag:s16], $0x100  }
0xa2: {  	s17 =	sld [smem:$0x7F8];
	_ =	sdelay $0x2  }
0xa3: {  	[sflag:s16] =	ssyncset.done @!p6 $0x0;
	p0 =	seq.s32 s17, $0x1  }
0xa4: {  	[sflag:s16] =	ssyncadd.s32 @!p6 $0xFFFFFF00;
	s16 =	simm.s32 @!p0 $0x1  }
0xa5: {  	_ =	swait.ge @!p0 [sflag:s16], $0x100  }
0xa6: {  	s17 =	sld [smem:$0x7F9];
	_ =	sdelay $0x1  }
0xa7: {  	[sflag:s16] =	ssyncset.done @!p0 $0x0  }
0xa8: {  	[sflag:s16] =	ssyncadd.s32 @!p0 $0xFFFFFF00;
	p0 =	seq.s32 s17, $0x1  }
0xa9: {  	s16 =	simm.s32 @!p0 $0x1  }
0xaa: {  	_ =	swait.ge @!p0 [sflag:s16], $0x100  }
0xab: {  	s17 =	sld [smem:$0x7FA];
	_ =	sdelay $0x1  }
0xac: {  	[sflag:s16] =	ssyncset.done @!p0 $0x0  }
0xad: {  	[sflag:s16] =	ssyncadd.s32 @!p0 $0xFFFFFF00;
	p0 =	seq.s32 s17, $0x1  }
0xae: {  	s16 =	simm.s32 @!p0 $0x1  }
0xaf: {  	_ =	swait.ge @!p0 [sflag:s16], $0x100  }
0xb0: {  	s17 =	sld [smem:$0x7FB];
	_ =	sdelay $0x1  }
0xb1: {  	[sflag:s16] =	ssyncset.done @!p0 $0x0  }
0xb2: {  	[sflag:s16] =	ssyncadd.s32 @!p0 $0xFFFFFF00;
	p0 =	seq.s32 s17, $0x1  }
0xb3: {  	s16 =	simm.s32 @!p0 $0x1  }
0xb4: {  	_ =	swait.ge @!p0 [sflag:s16], $0x100  }
0xb5: {  	s17 =	sld [smem:$0x7FC];
	_ =	sdelay $0x1  }
0xb6: {  	[sflag:s16] =	ssyncset.done @!p0 $0x0  }
0xb7: {  	[sflag:s16] =	ssyncadd.s32 @!p0 $0xFFFFFF00;
	p0 =	seq.s32 s17, $0x1  }
0xb8: {  	s16 =	simm.s32 @!p0 $0x1  }
0xb9: {  	_ =	swait.ge @!p0 [sflag:s16], $0x100  }
0xba: {  	s17 =	sld [smem:$0x7FD];
	_ =	sdelay $0x1  }
0xbb: {  	[sflag:s16] =	ssyncset.done @!p0 $0x0  }
0xbc: {  	[sflag:s16] =	ssyncadd.s32 @!p0 $0xFFFFFF00;
	p0 =	seq.s32 s17, $0x1  }
0xbd: {  	s16 =	simm.s32 @!p0 $0x1  }
0xbe: {  	_ =	swait.ge @!p0 [sflag:s16], $0x100  }
0xbf: {  	[sflag:s16] =	ssyncset.done @!p0 $0x0  }
0xc0: {  	[sflag:s16] =	ssyncadd.s32 @!p0 $0xFFFFFF00;
	s16 =	simm.s32 @!p5 $0x1  }
0xc1: {  	_ =	swait.ge @!p5 [sflag:s16], $0x100  }
0xc2: {  	[sflag:s16] =	ssyncset.done @!p5 $0x0  }
0xc3: {  	[sflag:s16] =	ssyncadd.s32 @!p5 $0xFFFFFF00  }
0xc4: {  	[tilespmem:s15], [sflag:$0x2] =	stream.indirect.gather [hbm4b:s5+s21], $0x80, s4, s21, $0xb8;
	[tilespmem:$0x1D000] =	vst v63  }
0xc5: {  	_ =	swait.ge [sflag:s22], $0x4000  }
0xc6: {  	[sflag:s22] =	ssyncset.done $0x0  }
0xc7: {  	[sflag:s22] =	ssyncadd.s32 $0xFFFFC000  }
0xc8: {  	[spmem:s3] =	stream.indirect.scatter.add.f32 [tilespmem:s15], [sflag:$0x4], $0x80, s21, s21, $0xb8;
	[tilespmem:$0x1D000] =	vst v63  }
0xc9: {  	s16 =	simm.s32 $0x5000  }
0xca: {  	[tilespmem:s16], [sflag:$0x3] =	stream.indirect.gather [hbm4b:s5+s21], $0x80, s18, s21, $0xb8;
	[tilespmem:$0x1D000] =	vst v63  }
0xcb: {  	_ =	swait.ge [sflag:s24], $0x4000  }
0xcc: {  	[sflag:s24] =	ssyncset.done $0x0  }
0xcd: {  	s17 =	simm.s32 $0x180;
	[sflag:s24] =	ssyncadd.s32 $0xFFFFC000  }
0xce: {  	[spmem:s3] =	stream.indirect.scatter.add.f32 [tilespmem:s16], [sflag:$0x5], $0x80, s17, s21, $0xb8;
	[tilespmem:$0x1D000] =	vst v63  }
0xcf: {  	_ =	swait.ge [sflag:s26], $0x4000  }
0xd0: {  	[sflag:s26] =	ssyncset.done $0x0  }
0xd1: {  	[sflag:s26] =	ssyncadd.s32 $0xFFFFC000  }
0xd2: {  	[tilespmem:s15], [sflag:$0x2] =	stream.indirect.gather [hbm4b:s5+s21], $0x80, s19, s21, $0xb8;
	[tilespmem:$0x1D000] =	vst v63  }
0xd3: {  	_ =	swait.ge [sflag:s22], $0x4000  }
0xd4: {  	[sflag:s22] =	ssyncset.done $0x0  }
0xd5: {  	s17 =	simm.s32 $0x280;
	[sflag:s22] =	ssyncadd.s32 $0xFFFFC000  }
0xd6: {  	[spmem:s3] =	stream.indirect.scatter.add.f32 [tilespmem:s15], [sflag:$0x4], $0x80, s17, s21, $0xb8;
	[tilespmem:$0x1D000] =	vst v63  }
0xd7: {  	_ =	swait.ge [sflag:s29], $0x4000  }
0xd8: {  	[sflag:s29] =	ssyncset.done $0x0  }
0xd9: {  	[sflag:s29] =	ssyncadd.s32 $0xFFFFC000  }
0xda: {  	[tilespmem:s16], [sflag:$0x3] =	stream.indirect.gather [hbm4b:s5+s21], $0x80, s14, s21, $0xb8;
	[tilespmem:$0x1D000] =	vst v63  }
0xdb: {  	_ =	swait.ge [sflag:s24], $0x4000  }
0xdc: {  	[sflag:s24] =	ssyncset.done $0x0  }
0xdd: {  	s17 =	simm.s32 $0x380;
	[sflag:s24] =	ssyncadd.s32 $0xFFFFC000  }
0xde: {  	[spmem:s3] =	stream.indirect.scatter.add.f32 [tilespmem:s16], [sflag:$0x5], $0x80, s17, s21, $0xb8;
	[tilespmem:$0x1D000] =	vst v63  }
0xdf: {  	_ =	swait.ge [sflag:s26], $0x4000  }
0xe0: {  	[sflag:s26] =	ssyncset.done $0x0  }
0xe1: {  	s16 =	simm.s32 @!p1 $0x80;
	s17 =	simm.s32 @!p1 $0x1000;
	[sflag:s26] =	ssyncadd.s32 $0xFFFFC000  }
0xe2: {  	[tilespmem:s17], [sflag:$0x2] =	stream.indirect.gather @!p1 [hbm4b:s5+s16], $0x80, s30, s16, $0xb8;
	[tilespmem:$0x1D000] =	vst v63  }
0xe3: {  	s30 =	simm.s32 @!p1 $0x2  }
0xe4: {  	_ =	swait.ge @!p1 [sflag:s30], $0x4000  }
0xe5: {  	[sflag:s30] =	ssyncset.done @!p1 $0x0  }
0xe6: {  	[sflag:s30] =	ssyncadd.s32 @!p1 $0xFFFFC000;
	s30 =	simm.s32 @!p1 $0x480  }
0xe7: {  	[spmem:s3] =	stream.indirect.scatter.add.f32 @!p1 [tilespmem:s17], [sflag:$0x4], $0x80, s30, s16, $0xb8;
	[tilespmem:$0x1D000] =	vst v63  }
0xe8: {  	_ =	swait.ge [sflag:s29], $0x4000  }
0xe9: {  	[sflag:s29] =	ssyncset.done $0x0  }
0xea: {  	s16 =	simm.s32 @!p2 $0x80;
	s17 =	simm.s32 @!p2 $0x5000;
	[sflag:s29] =	ssyncadd.s32 $0xFFFFC000  }
0xeb: {  	[tilespmem:s17], [sflag:$0x3] =	stream.indirect.gather @!p2 [hbm4b:s5+s16], $0x80, s28, s16, $0xb8;
	[tilespmem:$0x1D000] =	vst v63  }
0xec: {  	s28 =	simm.s32 @!p2 $0x3  }
0xed: {  	_ =	swait.ge @!p2 [sflag:s28], $0x4000  }
0xee: {  	[sflag:s28] =	ssyncset.done @!p2 $0x0  }
0xef: {  	[sflag:s28] =	ssyncadd.s32 @!p2 $0xFFFFC000;
	s28 =	simm.s32 @!p2 $0x580  }
0xf0: {  	[spmem:s3] =	stream.indirect.scatter.add.f32 @!p2 [tilespmem:s17], [sflag:$0x5], $0x80, s28, s16, $0xb8;
	[tilespmem:$0x1D000] =	vst v63  }
0xf1: {  	s16 =	simm.s32 @!p1 $0x4  }
0xf2: {  	_ =	swait.ge @!p1 [sflag:s16], $0x4000  }
0xf3: {  	[sflag:s16] =	ssyncset.done @!p1 $0x0  }
0xf4: {  	s17 =	simm.s32 @!p3 $0x1000;
	[sflag:s16] =	ssyncadd.s32 @!p1 $0xFFFFC000;
	s16 =	simm.s32 @!p3 $0x80  }
0xf5: {  	[tilespmem:s17], [sflag:$0x2] =	stream.indirect.gather @!p3 [hbm4b:s5+s16], $0x80, s25, s16, $0xb8;
	[tilespmem:$0x1D000] =	vst v63  }
0xf6: {  	s25 =	simm.s32 @!p3 $0x2  }
0xf7: {  	_ =	swait.ge @!p3 [sflag:s25], $0x4000  }
0xf8: {  	[sflag:s25] =	ssyncset.done @!p3 $0x0  }
0xf9: {  	[sflag:s25] =	ssyncadd.s32 @!p3 $0xFFFFC000;
	s25 =	simm.s32 @!p3 $0x680  }
0xfa: {  	[spmem:s3] =	stream.indirect.scatter.add.f32 @!p3 [tilespmem:s17], [sflag:$0x4], $0x80, s25, s16, $0xb8;
	[tilespmem:$0x1D000] =	vst v63  }
0xfb: {  	s16 =	simm.s32 @!p2 $0x5  }
0xfc: {  	_ =	swait.ge @!p2 [sflag:s16], $0x4000  }
0xfd: {  	s17 =	simm.s32 @!p4 $0x5000;
	[sflag:s16] =	ssyncset.done @!p2 $0x0  }
0xfe: {  	s25 =	simm.s32 @!p4 $0x3;
	[sflag:s16] =	ssyncadd.s32 @!p2 $0xFFFFC000;
	s16 =	simm.s32 @!p4 $0x80  }
0xff: {  	[tilespmem:s17], [sflag:$0x3] =	stream.indirect.gather @!p4 [hbm4b:s5+s16], $0x80, s31, s16, $0xb8;
	[tilespmem:$0x1D000] =	vst v63  }
0x100: {  	_ =	swait.ge @!p4 [sflag:s25], $0x4000  }
0x101: {  	[sflag:s25] =	ssyncset.done @!p4 $0x0  }
0x102: {  	[sflag:s25] =	ssyncadd.s32 @!p4 $0xFFFFC000;
	s25 =	simm.s32 @!p4 $0x780  }
0x103: {  	[spmem:s3] =	stream.indirect.scatter.add.f32 @!p4 [tilespmem:s17], [sflag:$0x5], $0x80, s25, s16, $0xb8;
	[tilespmem:$0x1D000] =	vst v63  }
0x104: {  	s16 =	simm.s32 @!p3 $0x4  }
0x105: {  	_ =	swait.ge @!p3 [sflag:s16], $0x4000  }
0x106: {  	[sflag:s16] =	ssyncset.done @!p3 $0x0  }
0x107: {  	s17 =	simm.s32 @!p6 $0x1000;
	[sflag:s16] =	ssyncadd.s32 @!p3 $0xFFFFC000;
	s16 =	simm.s32 @!p6 $0x80  }
0x108: {  	[tilespmem:s17], [sflag:$0x2] =	stream.indirect.gather @!p6 [hbm4b:s5+s16], $0x80, s6, s16, $0xb8;
	[tilespmem:$0x1D000] =	vst v63  }
0x109: {  	s6 =	simm.s32 @!p6 $0x2  }
0x10a: {  	_ =	swait.ge @!p6 [sflag:s6], $0x4000  }
0x10b: {  	[sflag:s6] =	ssyncset.done @!p6 $0x0  }
0x10c: {  	[sflag:s6] =	ssyncadd.s32 @!p6 $0xFFFFC000;
	s6 =	simm.s32 @!p6 $0x880  }
0x10d: {  	[spmem:s3] =	stream.indirect.scatter.add.f32 @!p6 [tilespmem:s17], [sflag:$0x4], $0x80, s6, s16, $0xb8;
	[tilespmem:$0x1D000] =	vst v63  }
0x10e: {  	s6 =	simm.s32 @!p4 $0x5  }
0x10f: {  	_ =	swait.ge @!p4 [sflag:s6], $0x4000  }
0x110: {  	s16 =	sld [smem:$0x7F8];
	_ =	sdelay $0x2  }
0x111: {  	[sflag:s6] =	ssyncset.done @!p4 $0x0;
	p1 =	seq.s32 s16, $0x1  }
0x112: {  	[sflag:s6] =	ssyncadd.s32 @!p4 $0xFFFFC000;
	s6 =	simm.s32 @!p1 $0x80;
	s16 =	simm.s32 @!p1 $0x5000  }
0x113: {  	[tilespmem:s16], [sflag:$0x3] =	stream.indirect.gather @!p1 [hbm4b:s5+s6], $0x80, s0, s6, $0xb8;
	[tilespmem:$0x1D000] =	vst v63  }
0x114: {  	s0 =	simm.s32 @!p1 $0x3  }
0x115: {  	_ =	swait.ge @!p1 [sflag:s0], $0x4000  }
0x116: {  	[sflag:s0] =	ssyncset.done @!p1 $0x0  }
0x117: {  	[sflag:s0] =	ssyncadd.s32 @!p1 $0xFFFFC000;
	s0 =	simm.s32 @!p1 $0x980  }
0x118: {  	[spmem:s3] =	stream.indirect.scatter.add.f32 @!p1 [tilespmem:s16], [sflag:$0x5], $0x80, s0, s6, $0xb8;
	[tilespmem:$0x1D000] =	vst v63  }
0x119: {  	s0 =	simm.s32 @!p6 $0x4  }
0x11a: {  	_ =	swait.ge @!p6 [sflag:s0], $0x4000  }
0x11b: {  	s17 =	sld [smem:$0x7F9];
	_ =	sdelay $0x2  }
0x11c: {  	[sflag:s0] =	ssyncset.done @!p6 $0x0;
	p0 =	seq.s32 s17, $0x1  }
0x11d: {  	[sflag:s0] =	ssyncadd.s32 @!p6 $0xFFFFC000;
	s0 =	simm.s32 @!p0 $0x80;
	s6 =	simm.s32 @!p0 $0x1000  }
0x11e: {  	[tilespmem:s6], [sflag:$0x2] =	stream.indirect.gather @!p0 [hbm4b:s5+s0], $0x80, s12, s0, $0xb8;
	[tilespmem:$0x1D000] =	vst v63  }
0x11f: {  	s12 =	simm.s32 @!p0 $0x2  }
0x120: {  	_ =	swait.ge @!p0 [sflag:s12], $0x4000  }
0x121: {  	[sflag:s12] =	ssyncset.done @!p0 $0x0  }
0x122: {  	[sflag:s12] =	ssyncadd.s32 @!p0 $0xFFFFC000;
	s12 =	simm.s32 @!p0 $0xA80  }
0x123: {  	[spmem:s3] =	stream.indirect.scatter.add.f32 @!p0 [tilespmem:s6], [sflag:$0x4], $0x80, s12, s0, $0xb8;
	[tilespmem:$0x1D000] =	vst v63  }
0x124: {  	s0 =	simm.s32 @!p1 $0x5  }
0x125: {  	_ =	swait.ge @!p1 [sflag:s0], $0x4000  }
0x126: {  	s25 =	sld [smem:$0x7FA];
	_ =	sdelay $0x1  }
0x127: {  	[sflag:s0] =	ssyncset.done @!p1 $0x0  }
0x128: {  	[sflag:s0] =	ssyncadd.s32 @!p1 $0xFFFFC000;
	p1 =	seq.s32 s25, $0x1  }
0x129: {  	s0 =	simm.s32 @!p1 $0x80;
	s6 =	simm.s32 @!p1 $0x5000  }
0x12a: {  	[tilespmem:s6], [sflag:$0x3] =	stream.indirect.gather @!p1 [hbm4b:s5+s0], $0x80, s11, s0, $0xb8;
	[tilespmem:$0x1D000] =	vst v63  }
0x12b: {  	s11 =	simm.s32 @!p1 $0x3  }
0x12c: {  	_ =	swait.ge @!p1 [sflag:s11], $0x4000  }
0x12d: {  	[sflag:s11] =	ssyncset.done @!p1 $0x0  }
0x12e: {  	[sflag:s11] =	ssyncadd.s32 @!p1 $0xFFFFC000;
	s11 =	simm.s32 @!p1 $0xB80  }
0x12f: {  	[spmem:s3] =	stream.indirect.scatter.add.f32 @!p1 [tilespmem:s6], [sflag:$0x5], $0x80, s11, s0, $0xb8;
	[tilespmem:$0x1D000] =	vst v63  }
0x130: {  	s0 =	simm.s32 @!p0 $0x4  }
0x131: {  	_ =	swait.ge @!p0 [sflag:s0], $0x4000  }
0x132: {  	s28 =	sld [smem:$0x7FB];
	_ =	sdelay $0x1  }
0x133: {  	[sflag:s0] =	ssyncset.done @!p0 $0x0  }
0x134: {  	[sflag:s0] =	ssyncadd.s32 @!p0 $0xFFFFC000;
	p0 =	seq.s32 s28, $0x1  }
0x135: {  	s0 =	simm.s32 @!p0 $0x80;
	s6 =	simm.s32 @!p0 $0x1000  }
0x136: {  	[tilespmem:s6], [sflag:$0x2] =	stream.indirect.gather @!p0 [hbm4b:s5+s0], $0x80, s10, s0, $0xb8;
	[tilespmem:$0x1D000] =	vst v63  }
0x137: {  	s10 =	simm.s32 @!p0 $0x2  }
0x138: {  	_ =	swait.ge @!p0 [sflag:s10], $0x4000  }
0x139: {  	[sflag:s10] =	ssyncset.done @!p0 $0x0  }
0x13a: {  	[sflag:s10] =	ssyncadd.s32 @!p0 $0xFFFFC000;
	s10 =	simm.s32 @!p0 $0xC80  }
0x13b: {  	[spmem:s3] =	stream.indirect.scatter.add.f32 @!p0 [tilespmem:s6], [sflag:$0x4], $0x80, s10, s0, $0xb8;
	[tilespmem:$0x1D000] =	vst v63  }
0x13c: {  	s0 =	simm.s32 @!p1 $0x5  }
0x13d: {  	_ =	swait.ge @!p1 [sflag:s0], $0x4000  }
0x13e: {  	s30 =	sld [smem:$0x7FC];
	_ =	sdelay $0x1  }
0x13f: {  	[sflag:s0] =	ssyncset.done @!p1 $0x0  }
0x140: {  	[sflag:s0] =	ssyncadd.s32 @!p1 $0xFFFFC000;
	p1 =	seq.s32 s30, $0x1  }
0x141: {  	s0 =	simm.s32 @!p1 $0x80;
	s6 =	simm.s32 @!p1 $0x5000  }
0x142: {  	[tilespmem:s6], [sflag:$0x3] =	stream.indirect.gather @!p1 [hbm4b:s5+s0], $0x80, s9, s0, $0xb8;
	[tilespmem:$0x1D000] =	vst v63  }
0x143: {  	s9 =	simm.s32 @!p1 $0x3  }
0x144: {  	_ =	swait.ge @!p1 [sflag:s9], $0x4000  }
0x145: {  	[sflag:s9] =	ssyncset.done @!p1 $0x0  }
0x146: {  	[sflag:s9] =	ssyncadd.s32 @!p1 $0xFFFFC000;
	s9 =	simm.s32 @!p1 $0xD80  }
0x147: {  	[spmem:s3] =	stream.indirect.scatter.add.f32 @!p1 [tilespmem:s6], [sflag:$0x5], $0x80, s9, s0, $0xb8;
	[tilespmem:$0x1D000] =	vst v63  }
0x148: {  	s0 =	simm.s32 @!p0 $0x4  }
0x149: {  	_ =	swait.ge @!p0 [sflag:s0], $0x4000  }
0x14a: {  	s31 =	sld [smem:$0x7FD];
	_ =	sdelay $0x1  }
0x14b: {  	[sflag:s0] =	ssyncset.done @!p0 $0x0  }
0x14c: {  	[sflag:s0] =	ssyncadd.s32 @!p0 $0xFFFFC000;
	p0 =	seq.s32 s31, $0x1  }
0x14d: {  	s0 =	simm.s32 @!p0 $0x80;
	s6 =	simm.s32 @!p0 $0x1000  }
0x14e: {  	[tilespmem:s6], [sflag:$0x2] =	stream.indirect.gather @!p0 [hbm4b:s5+s0], $0x80, s8, s0, $0xb8;
	[tilespmem:$0x1D000] =	vst v63  }
0x14f: {  	s8 =	simm.s32 @!p0 $0x2  }
0x150: {  	_ =	swait.ge @!p0 [sflag:s8], $0x4000  }
0x151: {  	[sflag:s8] =	ssyncset.done @!p0 $0x0  }
0x152: {  	[sflag:s8] =	ssyncadd.s32 @!p0 $0xFFFFC000;
	s8 =	simm.s32 @!p0 $0xE80  }
0x153: {  	[spmem:s3] =	stream.indirect.scatter.add.f32 @!p0 [tilespmem:s6], [sflag:$0x4], $0x80, s8, s0, $0xb8;
	[tilespmem:$0x1D000] =	vst v63  }
0x154: {  	s0 =	simm.s32 @!p1 $0x5  }
0x155: {  	_ =	swait.ge @!p1 [sflag:s0], $0x4000  }
0x156: {  	[sflag:s0] =	ssyncset.done @!p1 $0x0  }
0x157: {  	s6 =	simm.s32 @!p5 $0x5000;
	[sflag:s0] =	ssyncadd.s32 @!p1 $0xFFFFC000;
	s0 =	simm.s32 @!p5 $0x80  }
0x158: {  	[tilespmem:s6], [sflag:$0x3] =	stream.indirect.gather @!p5 [hbm4b:s5+s0], $0x80, s7, s0, $0xb8;
	[tilespmem:$0x1D000] =	vst v63  }
0x159: {  	s7 =	simm.s32 @!p5 $0x3  }
0x15a: {  	_ =	swait.ge @!p5 [sflag:s7], $0x4000  }
0x15b: {  	[sflag:s7] =	ssyncset.done @!p5 $0x0  }
0x15c: {  	[sflag:s7] =	ssyncadd.s32 @!p5 $0xFFFFC000;
	s7 =	simm.s32 @!p5 $0xF80  }
0x15d: {  	[spmem:s3] =	stream.indirect.scatter.add.f32 @!p5 [tilespmem:s6], [sflag:$0x5], $0x80, s7, s0, $0xb8;
	[tilespmem:$0x1D000] =	vst v63  }
0x15e: {  	s0 =	simm.s32 @!p0 $0x4  }
0x15f: {  	_ =	swait.ge @!p0 [sflag:s0], $0x4000  }
.Ltmp6:
0x160: {  	[sflag:s0] =	ssyncset.done @!p0 $0x0;
	(pc) =	sbr.rel .LBB2_6-.Ltmp6, $4  }
0x161: {  	[sflag:s0] =	ssyncadd.s32 @!p0 $0xFFFFC000;
	s0 =	simm.s32 @!p5 $0x5  }
0x162: {  	_ =	swait.ge @!p5 [sflag:s0], $0x4000  }
0x163: {  	[sflag:s0] =	ssyncset.done @!p5 $0x0  }
0x164: {  	[sflag:s0] =	ssyncadd.s32 @!p5 $0xFFFFC000  }
.LBB2_8:
0x165: {  	_ =	sfence.sel $0x180000  }
0x166: {  	[bflag:$0x0] =	sbarrier.arrive $0xFFFF  }
0x167: {  	_ =	strace $0x9000004A  }
0x168: {  	s0 =	stileid.u32;
	[bflag:$0x2] =	sbarrier.arrive $0xFFFF  }
0x169: {  	p0 =	sne.s32 s0, $0x0;
	s0 =	rddreg [dreg:$0x3]  }
0x16a: {  	s0 =	sadd.s32 @!p0 $0x100000, s0  }
0x16b: {  	[sflag:s0] =	ssyncadd.tile.s32 @!p0 $0x1;
	_ =	shalt  }
.Lfunc_end2:
_tile_overlayer_lowered:
.L_overlay_start_2:
0x16c: {  	(tag) =	ssettag $0x2  }
0x16d: {  	s0 =	rddreg [dreg:$0x0];
	s2 =	stileid.u32  }
0x16e: {  	s1 =	rddreg [dreg:$0x1];
	p0 =	sne.s32 s2, $0x0  }
0x16f: {  	s3 =	rddreg [dreg:$0x2];
	[bflag:$0x3] =	sbarrier.arrive $0xFFFF;
	s2 =	simm.s32 @!p0 $0x1C06  }
0x170: {  	[timem:s3], [sflag:s2] =	dma.local @!p0 [hbm:s0], s1  }
0x171: {  	s0 =	simm.s32 @!p0 $0x6  }
0x172: {  	_ =	swait.ge @!p0 [sflag:s0], s1  }
0x173: {  	s1 =	ssub.s32 @!p0 $0x0, s1;
	[sflag:s0] =	ssyncset.done @!p0 $0x0  }
0x174: {  	[sflag:s0] =	ssyncadd.s32 @!p0 s1  }
0x175: {  	[bflag:$0x3] =	sbarrier.arrive $0xFFFF  }
0x176: {  	_ =	shalt  }

// kernel: kernel.8.cloned.1.call-start
scs
__scs_entry_jumppad:
0x0: {  	(pc) =	sbr.rel $0x88, $3  }
0x1: {  	(tag) =	ssettag $0x0;
	lr =	simm.s32 $0x1  }
0x2: {  	[smem:$0x3F9B] =	sst lr;
	_ =	strace $0xD0000000  }
0x3: {  	_ = 	snop  }
0x4: {  	_ = 	snop  }
0x5: {  	_ = 	snop  }
0x6: {  	_ = 	snop  }
0x7: {  	_ = 	snop  }
__scs_overlays_trampoline_lowered:
0x8: {  	[smem:$0x3FAA] =	sst s0  }
0x9: {  	[smem:$0x3FAB] =	sst s1  }
0xa: {  	[smem:$0x3FAC] =	sst s2  }
0xb: {  	[smem:$0x3FAD] =	sst s3  }
0xc: {  	[smem:$0x3FAE] =	sst s4  }
0xd: {  	[smem:$0x3FAF] =	sst s5  }
0xe: {  	[smem:$0x3FB0] =	sst s6  }
0xf: {  	[smem:$0x3FB1] =	sst s7  }
0x10: {  	[smem:$0x3FB2] =	sst s8  }
0x11: {  	[smem:$0x3FB3] =	sst s9;
	s0 =	simm.s32 @!p0 $0x0  }
0x12: {  	s1 =	sld [smem:$0x3F99];
	s0 =	simm.s32 @p0 $0x1  }
0x13: {  	[smem:$0x3FB4] =	sst s0;
	s0 =	simm.s32 @!p1 $0x0  }
0x14: {  	s2 =	sld [smem:$0x3F98];
	s0 =	simm.s32 @p1 $0x1  }
0x15: {  	[smem:$0x3FB5] =	sst s0;
	s0 =	simm.s32 @!p2 $0x0  }
0x16: {  	s3 =	sld [smem:$0x3FDB];
	s0 =	simm.s32 @p2 $0x1  }
0x17: {  	s4 =	simm.s32 $0x1BF5;
	[smem:$0x3FB7] =	sst s0  }
0x18: {  	s0 =	sld [smem:$0x3F9A];
	_ =	swait.ge [sflag:s4], $0x0  }
0x19: {  	s7 =	sld [smem:$0x3F9B]  }
0x1a: {  	s8 =	sadd.s32 $0xFFFFE003, lr  }
0x1b: {  	s9 =	sadd.s32 $0xFFFFFEF7, lr;
	s5 =	simm.s32 $0xFFFFFFFF;
	p2 =	slt.u32 s8, $0xFFFFF086  }
0x1c: {  	p1 =	slt.u32 s9, $0xF7A;
	s5 =	simm.s32 @!p2 $0x0  }
0x1d: {  	s5 =	simm.s32 @p1 $0x1;
	p0 =	seq.s32 s7, s2  }
0x1e: {  	s7 =	smul.u32 @!p0 $0xF7A, s2;
	p2 =	seq.s32 @!p0 s5, $0x0  }
0x1f: {  	s9 =	smul.u32 $0xF7A, s1;
	s8 =	simm.s32 @!p0 $0x1BF5;
	p2 =	por !p2, p0  }
0x20: {  	[sflag:s8] =	ssyncset.s32 @!p0 $0xFFFFF086;
	s6 =	sadd.s32 @!p0 s3, s7;
	s7 =	simm.s32 @!p0 $0x108  }
0x21: {  	s3 =	sadd.s32 s3, s9;
	s6 =	sadd.s32 @!p0 $0x88, s6;
	s7 =	simm.s32 @p2 $0x1082  }
0x22: {  	[simem:s7], [sflag:s8] =	dma.local @!p0 [hbm:s6], $0xF7A  }
0x23: {  	s9 =	sor.u32 $0xD0000000, s2;
	s6 =	simm.s32 $0x108;
	_ =	swait.ge @!p0 [sflag:s8], $0x0  }
0x24: {  	s3 =	sadd.s32 $0x88, s3;
	s6 =	simm.s32 @!p1 $0x1082;
	[sflag:s4] =	ssyncset.s32 $0xFFFFF086  }
0x25: {  	[simem:s6], [sflag:s4] =	dma.local [hbm:s3], $0xF7A  }
0x26: {  	[smem:$0x3F9B] =	sst s1;
	(tag) =	ssettag s2;
	_ =	strace s9  }
0x27: {  	s1 =	sld [smem:$0x3FAB]  }
0x28: {  	s2 =	sld [smem:$0x3FAC]  }
0x29: {  	s4 =	sld [smem:$0x3FAE]  }
0x2a: {  	p0 =	seq.s32 s5, $0x0;
	s5 =	sld [smem:$0x3FAF]  }
0x2b: {  	s6 =	sld [smem:$0x3FB0]  }
0x2c: {  	s7 =	sld [smem:$0x3FB1]  }
0x2d: {  	s3 =	simm.s32 $0x108;
	s8 =	sld [smem:$0x3FB2]  }
0x2e: {  	s3 =	simm.s32 @!p0 $0x1082;
	s9 =	sld [smem:$0x3FB3]  }
0x2f: {  	lr =	sadd.s32 s0, s3;
	s0 =	sld [smem:$0x3FAA]  }
0x30: {  	s3 =	sld [smem:$0x3FAD]  }
0x31: {  	[smem:$0x3FB6] =	sst s10  }
0x32: {  	s10 =	sld [smem:$0x3FB4];
	_ =	sdelay $0x3  }
0x33: {  	p0 =	seq.s32 s10, $0x1;
	s10 =	sld [smem:$0x3FB6];
	_ =	sdelay $0x3  }
0x34: {  	[smem:$0x3FB6] =	sst s10  }
0x35: {  	s10 =	sld [smem:$0x3FB5];
	_ =	sdelay $0x3  }
0x36: {  	p1 =	seq.s32 s10, $0x1;
	s10 =	sld [smem:$0x3FB6];
	_ =	sdelay $0x3  }
0x37: {  	[smem:$0x3FB6] =	sst s10  }
0x38: {  	s10 =	sld [smem:$0x3FB7]  }
0x39: {  	_ = 	snop;
	(pc) =	sbr.ind lr, $3  }
0x3a: {  	_ = 	snop  }
0x3b: {  	_ = 	snop  }
0x3c: {  	p2 =	seq.s32 s10, $0x1;
	s10 =	sld [smem:$0x3FB6]  }
0x3d: {  	_ =	shalt  }
0x3e: {  	_ =	shalt  }
0x3f: {  	_ =	shalt  }
0x40: {  	_ =	shalt  }
0x41: {  	_ =	shalt  }
0x42: {  	_ =	shalt  }
0x43: {  	_ =	shalt  }
0x44: {  	_ =	shalt  }
0x45: {  	_ =	shalt  }
0x46: {  	_ =	shalt  }
0x47: {  	_ =	shalt  }
0x48: {  	_ =	shalt  }
0x49: {  	_ =	shalt  }
0x4a: {  	_ =	shalt  }
0x4b: {  	_ =	shalt  }
0x4c: {  	_ =	shalt  }
0x4d: {  	_ =	shalt  }
0x4e: {  	_ =	shalt  }
0x4f: {  	_ =	shalt  }
0x50: {  	_ =	shalt  }
0x51: {  	_ =	shalt  }
0x52: {  	_ =	shalt  }
0x53: {  	_ =	shalt  }
0x54: {  	_ =	shalt  }
0x55: {  	_ =	shalt  }
0x56: {  	_ =	shalt  }
0x57: {  	_ =	shalt  }
0x58: {  	_ =	shalt  }
0x59: {  	_ =	shalt  }
0x5a: {  	_ =	shalt  }
0x5b: {  	_ =	shalt  }
0x5c: {  	_ =	shalt  }
0x5d: {  	_ =	shalt  }
0x5e: {  	_ =	shalt  }
0x5f: {  	_ =	shalt  }
0x60: {  	_ =	shalt  }
0x61: {  	_ =	shalt  }
0x62: {  	_ =	shalt  }
0x63: {  	_ =	shalt  }
0x64: {  	_ =	shalt  }
0x65: {  	_ =	shalt  }
0x66: {  	_ =	shalt  }
0x67: {  	_ =	shalt  }
0x68: {  	_ =	shalt  }
0x69: {  	_ =	shalt  }
0x6a: {  	_ =	shalt  }
0x6b: {  	_ =	shalt  }
0x6c: {  	_ =	shalt  }
0x6d: {  	_ =	shalt  }
0x6e: {  	_ =	shalt  }
0x6f: {  	_ =	shalt  }
0x70: {  	_ =	shalt  }
0x71: {  	_ =	shalt  }
0x72: {  	_ =	shalt  }
0x73: {  	_ =	shalt  }
0x74: {  	_ =	shalt  }
0x75: {  	_ =	shalt  }
0x76: {  	_ =	shalt  }
0x77: {  	_ =	shalt  }
0x78: {  	_ =	shalt  }
0x79: {  	_ =	shalt  }
0x7a: {  	_ =	shalt  }
0x7b: {  	_ =	shalt  }
0x7c: {  	_ =	shalt  }
0x7d: {  	_ =	shalt  }
0x7e: {  	_ =	shalt  }
0x7f: {  	_ =	shalt  }
0x80: {  	_ =	shalt  }
0x81: {  	_ =	shalt  }
0x82: {  	_ =	shalt  }
0x83: {  	_ =	shalt  }
0x84: {  	_ =	shalt  }
0x85: {  	_ =	shalt  }
0x86: {  	_ =	shalt  }
0x87: {  	_ =	shalt  }
.Lfunc_end0:
.L_simem_size_0:
called_computation_lowered:
.L_overlay_start_0:
0x88: {  	s2 =	sld [smem:$0x3FD9]  }
0x89: {  	s3 =	sld [smem:$0x3FFE];
	_ =	sdelay $0x1  }
0x8a: {  	s1 =	srdreg.scid  }
0x8b: {  	s0 =	sand.u32 $0x1, s1  }
0x8c: {  	s18 =	sshll.u32 s0, $0xA;
	s2 =	sadd.s32 s3, s2  }
0x8d: {  	s2 =	sadd.s32 s2, s18  }
0x8e: {  	[smem:$0x3FC2] =	sst s2  }
0x8f: {  	_ = 	snop  }
0x90: {  	s2 =	sld [smem:$0x3FC8]  }
0x91: {  	s19 =	sld [smem:$0x3FD0];
	(tm) =	ssettm $0x1  }
0x92: {  	s4 =	sld [smem:$0x3FFB];
	_ =	sdelay $0x3  }
0x93: {  	_ =	strace s4  }
0x94: {  	s4 =	sld [smem:$0x3FFC];
	_ =	sdelay $0x3  }
0x95: {  	_ =	strace s4  }
0x96: {  	s4 =	sld [smem:$0x3FFD];
	_ =	sdelay $0x3  }
0x97: {  	_ =	strace s4  }
0x98: {  	_ =	strace $0x8FFFFFFF  }
0x99: {  	s20 =	sld [smem:$0x3FDB];
	_ =	sdelay $0x1  }
0x9a: {  	s5 =	simm.s32 $_scs_section_size  }
0x9b: {  	s6 =	simm.s32 $_size__tile_overlayer_lowered;
	s7 =	simm.s32 $_tile_overlayer_lowered  }
0x9c: {  	s23 =	simm.s32 $0x1BFF;
	s22 =	sshll.u32 s7, $0x1;
	s4 =	sadd.s32 s5, s20  }
0x9d: {  	s8 =	simm.s32 $0x0;
	s21 =	sshll.u32 s6, $0x1;
	s6 =	sadd.s32 s22, s4  }
0x9e: {  	[timem:s8], [sflag:s23] =	dma.local [hbm:s6], s21  }
0x9f: {  	_ =	swait.ge [sflag:s23], s21  }
0xa0: {  	s5 =	ssub.s32 $0x0, s21;
	[sflag:s23] =	ssyncset.done $0x0  }
0xa1: {  	[sflag:s23] =	ssyncadd.s32 s5;
	_ =	sdelay $0x1  }
0xa2: {  	s24 =	simm.s32 $0x1B8B  }
0xa3: {  	_ =	swait.ge [sflag:s24], $0x1  }
0xa4: {  	[sflag:s24] =	ssyncset.done $0x0  }
0xa5: {  	s25 =	simm.s32 $0x1B8E;
	[sflag:s24] =	ssyncadd.s32 $0xFFFFFFFF  }
0xa6: {  	s26 =	simm.s32 $execute0_lowered;
	[smem:$0x3FD2] =	sst s25  }
0xa7: {  	s5 =	sshll.u32 s26, $0x1;
	_ =	strace $0x80000046;
	[dreg:$0x1] =	wrdreg $0xFFFFFFFF  }
0xa8: {  	s28 =	simm.s32 $_size_execute0_lowered;
	s4 =	sadd.s32 s4, s5;
	[dreg:$0x0] =	wrdreg $0x0  }
0xa9: {  	s5 =	sshll.u32 s28, $0x1;
	[dreg:$0x2] =	wrdreg s4  }
0xaa: {  	[dreg:$0x3] =	wrdreg s5  }
0xab: {  	[dreg:$0x4] =	wrdreg $0xC0  }
0xac: {  	_ =	task [dreg:s8], $0x5FFFF  }
0xad: {  	[dreg:$0x1] =	wrdreg $0xFFFFFFFF  }
0xae: {  	[dreg:$0x0] =	wrdreg $0x60  }
0xaf: {  	[dreg:$0x2] =	wrdreg s2  }
0xb0: {  	[dreg:$0x3] =	wrdreg s19  }
0xb1: {  	[dreg:$0x4] =	wrdreg $0xB000  }
0xb2: {  	[dreg:$0x5] =	wrdreg $0x9  }
0xb3: {  	_ =	task.clear_ibuf [dreg:s8], $0x6FFFF;
	_ =	strace $0x90000046  }
0xb4: {  	s29 =	simm.s32 $0x9;
	_ =	strace $0x80000048  }
0xb5: {  	_ =	swait.ge [sflag:s29], $0x1  }
0xb6: {  	[sflag:s29] =	ssyncadd.s32 $0xFFFFFFFF  }
0xb7: {  	_ =	strace $0x90000048  }
0xb8: {  	_ =	sfence  }
0xb9: {  	s30 =	sld [smem:$0x0];
	_ =	sdelay $0x2  }
0xba: {  	s31 =	sshll.u32 s1, $0xD;
	s1 =	sshrl.u32 s1, $0x2  }
0xbb: {  	s3 =	sand.u32 $0x4000, s31;
	s1 =	sadd.s32 s1, s30  }
0xbc: {  	s0 =	sor.u32 s3, s0;
	s1 =	sshll.u32 s1, $0x11  }
0xbd: {  	s0 =	sor.u32 s1, s0  }
0xbe: {  	s0 =	sadd.s32 $0x8F2B, s0  }
0xbf: {  	[sflag:s0] =	ssyncadd.remote.s32 $0x1  }
0xc0: {  	_ =	sfence.sel $0xFFFF  }
0xc1: {  	[dreg:$0x0] =	wrdreg $0xFFFFFFFF;
	(pc) =	sbr.abs _section_cstart, $3  }
0xc2: {  	[dreg:$0x1] =	wrdreg $0xFFFFFFFF  }
0xc3: {  	_ =	task.clear_ibuf [dreg:s8], $0x2FFFF;
	_ =	strace $0x9FFFFFFF  }
0xc4: {  	(tm) =	ssettm $0x7FFFFFFF  }
0xc5: {  	_ =	shalt  }
tec
execute0_lowered:
.L_overlay_start_1:
0x0: {  	(tag) =	ssettag $0x1  }
0x1: {  	s0 =	rddreg [dreg:$0x0]  }
0x2: {  	s6 =	rddreg [dreg:$0x1]  }
0x3: {  	s2 =	rddreg [dreg:$0x2];
	s3 =	simm.s32 $0x0  }
0x4: {  	s4 =	srdreg.scid;
	s1 =	stileid.u32;
	s13 =	simm.s32 $0x100  }
0x5: {  	s14 =	simm.s32 $0x180;
	s15 =	simm.s32 $0x2;
	s28 =	smul.u32 $0xA00, s1  }
0x6: {  	s16 =	simm.s32 $0x800;
	s17 =	simm.s32 $0x1;
	s9 =	smul.u32 $0x500, s1  }
0x7: {  	s20 =	simm.s32 $0x0;
	[smem:$0x7FF] =	sst s3;
	s10 =	smul.u32 $0x1400, s1  }
0x8: {  	s7 =	sand.u32 $0x1, s4;
	s29 =	smul.u32 $0xA0, s1;
	_ =	strace $0x80000047  }
0x9: {  	s5 =	ssub.s32 $0x2, s7;
	s11 =	sshll.u32 s7, $0x7;
	s12 =	smul.u32 $0xA00, s7  }
0xa: {  	s30 =	smul.u32 $0x50, s7;
	s8 =	sshrl.u32 s5, $0x1;
	s4 =	sshrl.u32 s28, $0x2  }
.Ltmp0:
0xb: {  	s9 =	sor.u32 s11, s9;
	s11 =	simm.s32 $0x3;
	(pc) =	sbr.rel .LBB2_1-.Ltmp0, $4  }
0xc: {  	s8 =	ssub.s32 s5, s8;
	s5 =	sadd.s32 $0x10, s0;
	s0 =	sadd.s32 s10, s0  }
0xd: {  	s4 =	sadd.s32 s4, s2;
	s9 =	sshrl.u32 s9, $0x3;
	s0 =	sadd.s32 s12, s0  }
0xe: {  	s31 =	sadd.s32 s6, s9;
	s7 =	smax.u32 s8, $0x1;
	s9 =	sadd.s32 s30, s29  }
0xf: {  	v0 =	vimm.f32 $0.0e+00;
	v1 =	vimm.f32 $1.000000000e+00;
	s12 =	simm.s32 $0x80;
	[dreg:$0x4] =	wrdreg s31;
	s8 =	sadd.s32 $0x70, s0  }
.LBB2_5:
0x10: {  	s0 =	stileid.u32;
	[bflag:$0x0] =	sbarrier.arrive $0xFFFF  }
0x11: {  	s1 =	sshrl.u32 s4, $0x3;
	s10 =	simm.s32 $0x20;
	s20 =	sadd.s32 $0x1, s20  }
0x12: {  	s18 =	simm.s32 $0x10;
	s0 =	sshll.u32 s0, $0x6;
	p0 =	sne.s32 s20, s7  }
.Ltmp1:
0x13: {  	s6 =	rddreg [dreg:$0x4];
	s0 =	sor.u32 $0x1C03, s0;
	(pc) =	sbr.rel @!p0 .LBB2_6-.Ltmp1, $4  }
0x14: {  	[hbm:s6@s10], [sflag:s0] =	dma.strided [spmem:s1@s18], $0x50, s17, $0x10   }
0x15: {  	_ =	swait.ge [sflag:s11], $0x50  }
0x16: {  	[sflag:s11] =	ssyncset.done $0x0  }
0x17: {  	[sflag:s11] =	ssyncadd.s32 $0xFFFFFFB0  }
.LBB2_1:
0x18: {  	[tilespmem:$0x880] =	vst v0  }
0x19: {  	[tilespmem:$0x890] =	vst v0  }
0x1a: {  	[tilespmem:$0x8A0] =	vst v0  }
0x1b: {  	[tilespmem:$0x8B0] =	vst v0  }
0x1c: {  	[tilespmem:$0x8C0] =	vst v0  }
0x1d: {  	[tilespmem:$0x8D0] =	vst v0  }
0x1e: {  	[tilespmem:$0x8E0] =	vst v0  }
0x1f: {  	[tilespmem:$0x8F0] =	vst v0  }
0x20: {  	[tilespmem:$0x900] =	vst v0  }
0x21: {  	[tilespmem:$0x910] =	vst v0  }
0x22: {  	[tilespmem:$0x920] =	vst v0  }
0x23: {  	[tilespmem:$0x930] =	vst v0  }
0x24: {  	[tilespmem:$0x940] =	vst v0  }
0x25: {  	[tilespmem:$0x950] =	vst v0  }
0x26: {  	[tilespmem:$0x960] =	vst v0  }
0x27: {  	[tilespmem:$0x970] =	vst v0  }
0x28: {  	[tilespmem:$0x980] =	vst v0  }
0x29: {  	[tilespmem:$0x990] =	vst v0  }
0x2a: {  	[tilespmem:$0x9A0] =	vst v0  }
0x2b: {  	[tilespmem:$0x9B0] =	vst v0  }
0x2c: {  	[tilespmem:$0x9C0] =	vst v0  }
0x2d: {  	[tilespmem:$0x9D0] =	vst v0  }
0x2e: {  	[tilespmem:$0x9E0] =	vst v0  }
0x2f: {  	[tilespmem:$0x9F0] =	vst v0  }
0x30: {  	[tilespmem:$0xA00] =	vst v0  }
0x31: {  	[tilespmem:$0xA10] =	vst v0  }
0x32: {  	[tilespmem:$0xA20] =	vst v0  }
0x33: {  	[tilespmem:$0xA30] =	vst v0  }
0x34: {  	[tilespmem:$0xA40] =	vst v0  }
0x35: {  	[tilespmem:$0xA50] =	vst v0  }
0x36: {  	[tilespmem:$0xA60] =	vst v0  }
0x37: {  	[tilespmem:$0xA70] =	vst v0  }
0x38: {  	[tilespmem:$0xA80] =	vst v0  }
0x39: {  	[tilespmem:$0xA90] =	vst v0  }
0x3a: {  	[tilespmem:$0xAA0] =	vst v0  }
0x3b: {  	[tilespmem:$0xAB0] =	vst v0  }
0x3c: {  	[tilespmem:$0xAC0] =	vst v0  }
0x3d: {  	[tilespmem:$0xAD0] =	vst v0  }
0x3e: {  	[tilespmem:$0xAE0] =	vst v0  }
0x3f: {  	[tilespmem:$0xAF0] =	vst v0  }
0x40: {  	[tilespmem:$0x800] =	vst v1  }
0x41: {  	[tilespmem:$0x810] =	vst v1  }
0x42: {  	[tilespmem:$0x820] =	vst v1  }
0x43: {  	[tilespmem:$0x830] =	vst v1  }
0x44: {  	[tilespmem:$0x840] =	vst v1  }
0x45: {  	[tilespmem:$0x850] =	vst v1  }
0x46: {  	[tilespmem:$0x860] =	vst v1  }
0x47: {  	[tilespmem:$0x870] =	vst v1;
	s0 =	simm.s32 $0x880  }
0x48: {  	[spmem:s4] =	stream.linear.scatter [tilespmem:s0], [sflag:$0x3], $0x280, $0x38;
	[tilespmem:$0xD80] =	vst v63  }
.Ltmp2:
0x49: {  	_ =	swait.ge [sflag:s11], $0x280;
	(pc) =	sbr.rel .LBB2_2-.Ltmp2, $4  }
0x4a: {  	[sflag:s11] =	ssyncset.done $0x0  }
0x4b: {  	[sflag:s11] =	ssyncadd.s32 $0xFFFFFD80  }
0x4c: {  	[bflag:$0x0] =	sbarrier.arrive $0xFFFF  }
0x4d: {  	s21 =	smov.u32 s8;
	s22 =	simm.s32 $0x0  }
.LBB2_4:
0x4e: {  	s22 =	sadd.s32 $0x10, s22  }
0x4f: {  	p0 =	sne.s32 s22, $0x50  }
.Ltmp3:
0x50: {  	_ = 	snop;
	(pc) =	sbr.rel @!p0 .LBB2_5-.Ltmp3, $2  }
0x51: {  	_ =	sdelay $0x2  }
0x52: {  	s21 =	sadd.s32 $0x200, s21  }
.LBB2_2:
0x53: {  	s10 =	sadd.s32 s22, s9  }
0x54: {  	p0 =	sgt.u32 s10, $0x9C3  }
.Ltmp4:
0x55: {  	_ = 	snop;
	(pc) =	sbr.rel @p0 .LBB2_4-.Ltmp4, $1  }
0x56: {  	_ =	sdelay $0x3  }
0x57: {  	s0 =	sadd.s32 $0xFFFFFFA0, s21;
	s25 =	sadd.s32 $0x4, s10  }
0x58: {  	s18 =	sadd.s32 $0xFFFFFFC0, s21;
	s26 =	sadd.s32 $0xFFFFFFE0, s21;
	s28 =	sadd.s32 $0x5, s10  }
0x59: {  	[tilespmem:s3], [sflag:$0x2] =	stream.linear.gather [hbm4b:s0+s3], $0x80, $0x38;
	[tilespmem:$0xD80] =	vst v63  }
0x5a: {  	s29 =	sadd.s32 $0x6, s10;
	s30 =	sadd.s32 $0x7, s10;
	p1 =	sgt.u32 s25, $0x9C3  }
0x5b: {  	p0 =	slt.s32 s25, $0x9C3;
	s19 =	smov.u32 s25;
	s0 =	simm.s32 @!p1 $0x0  }
0x5c: {  	[tilespmem:s12], [sflag:$0x2] =	stream.linear.gather [hbm4b:s18+s3], $0x80, $0x38;
	[tilespmem:$0xD80] =	vst v63  }
0x5d: {  	s24 =	smov.u32 s28;
	s19 =	simm.s32 @!p0 $0x9C3;
	s0 =	simm.s32 @p1 $0x1  }
0x5e: {  	[tilespmem:s13], [sflag:$0x2] =	stream.linear.gather [hbm4b:s26+s3], $0x80, $0x38;
	[tilespmem:$0xD80] =	vst v63  }
0x5f: {  	p0 =	slt.s32 s28, $0x9C3;
	[smem:$0x7F8] =	sst s0;
	s0 =	sshll.u32 @!p1 s19, $0x5  }
0x60: {  	[tilespmem:s14], [sflag:$0x2] =	stream.linear.gather [hbm4b:s21+s3], $0x80, $0x38;
	[tilespmem:$0xD80] =	vst v63  }
0x61: {  	s23 =	simm.s32 @!p1 $0x200;
	s19 =	simm.s32 @!p1 $0x0;
	s0 =	sadd.s32 @!p1 s0, s5  }
0x62: {  	[tilespmem:s23], [sflag:$0x2] =	stream.linear.gather @!p1 [hbm4b:s0+s19], $0x80, $0x38;
	[tilespmem:$0xD80] =	vst v63  }
0x63: {  	s31 =	sadd.s32 $0x8, s10;
	s24 =	simm.s32 @!p0 $0x9C3;
	p1 =	sgt.u32 s28, $0x9C3  }
0x64: {  	s25 =	smov.u32 s29;
	s1 =	simm.s32 @!p1 $0x0;
	s18 =	sshll.u32 @!p1 s24, $0x5  }
0x65: {  	s19 =	simm.s32 @!p1 $0x0;
	s24 =	simm.s32 @!p1 $0x280;
	s18 =	sadd.s32 @!p1 s18, s5  }
0x66: {  	[tilespmem:s24], [sflag:$0x2] =	stream.linear.gather @!p1 [hbm4b:s18+s19], $0x80, $0x38;
	[tilespmem:$0xD80] =	vst v63  }
0x67: {  	p0 =	slt.s32 s29, $0x9C3;
	s1 =	simm.s32 @p1 $0x1;
	p1 =	sgt.u32 s29, $0x9C3  }
0x68: {  	s6 =	sadd.s32 $0xA, s10;
	s25 =	simm.s32 @!p0 $0x9C3;
	s0 =	simm.s32 @!p1 $0x0  }
0x69: {  	p0 =	slt.s32 s30, $0x9C3;
	s26 =	smov.u32 s30;
	s0 =	simm.s32 @p1 $0x1  }
0x6a: {  	s26 =	simm.s32 @!p0 $0x9C3;
	[smem:$0x7FA] =	sst s0;
	s0 =	sshll.u32 @!p1 s25, $0x5  }
0x6b: {  	s19 =	simm.s32 @!p1 $0x0;
	s25 =	simm.s32 @!p1 $0x300;
	s0 =	sadd.s32 @!p1 s0, s5  }
0x6c: {  	[tilespmem:s25], [sflag:$0x2] =	stream.linear.gather @!p1 [hbm4b:s0+s19], $0x80, $0x38;
	[tilespmem:$0xD80] =	vst v63  }
0x6d: {  	p0 =	slt.s32 s31, $0x9C3;
	s28 =	smov.u32 s31;
	p1 =	sgt.u32 s30, $0x9C3  }
0x6e: {  	[smem:$0x7F9] =	sst s1;
	s1 =	simm.s32 @!p1 $0x0;
	s18 =	sshll.u32 @!p1 s26, $0x5  }
0x6f: {  	s19 =	simm.s32 @!p1 $0x0;
	s26 =	simm.s32 @!p1 $0x380;
	s18 =	sadd.s32 @!p1 s18, s5  }
0x70: {  	[tilespmem:s26], [sflag:$0x2] =	stream.linear.gather @!p1 [hbm4b:s18+s19], $0x80, $0x38;
	[tilespmem:$0xD80] =	vst v63  }
0x71: {  	s28 =	simm.s32 @!p0 $0x9C3;
	s1 =	simm.s32 @p1 $0x1;
	p1 =	sgt.u32 s31, $0x9C3  }
0x72: {  	[smem:$0x7FB] =	sst s1;
	s1 =	sadd.s32 $0x9, s10;
	s0 =	simm.s32 @!p1 $0x0  }
0x73: {  	s30 =	smov.u32 s6;
	p0 =	slt.s32 s1, $0x9C3;
	s0 =	simm.s32 @p1 $0x1  }
0x74: {  	s19 =	simm.s32 @!p1 $0x0;
	[smem:$0x7FC] =	sst s0;
	s0 =	sshll.u32 @!p1 s28, $0x5  }
0x75: {  	s29 =	smov.u32 s1;
	s28 =	simm.s32 @!p1 $0x400;
	s0 =	sadd.s32 @!p1 s0, s5  }
0x76: {  	[tilespmem:s28], [sflag:$0x2] =	stream.linear.gather @!p1 [hbm4b:s0+s19], $0x80, $0x38;
	[tilespmem:$0xD80] =	vst v63  }
0x77: {  	s29 =	simm.s32 @!p0 $0x9C3;
	p0 =	slt.s32 s6, $0x9C3;
	p1 =	sgt.u32 s1, $0x9C3  }
0x78: {  	p6 =	sgt.u32 s6, $0x9C3;
	s30 =	simm.s32 @!p0 $0x9C3;
	s18 =	sshll.u32 @!p1 s29, $0x5  }
0x79: {  	s19 =	simm.s32 @!p1 $0x0;
	s29 =	simm.s32 @!p1 $0x480;
	s18 =	sadd.s32 @!p1 s18, s5  }
0x7a: {  	[tilespmem:s29], [sflag:$0x2] =	stream.linear.gather @!p1 [hbm4b:s18+s19], $0x80, $0x38;
	[tilespmem:$0xD80] =	vst v63  }
0x7b: {  	s31 =	sadd.s32 $0xB, s10;
	s18 =	sshll.u32 @!p6 s30, $0x5  }
0x7c: {  	s19 =	simm.s32 @!p6 $0x0;
	s30 =	simm.s32 @!p6 $0x500;
	s18 =	sadd.s32 @!p6 s18, s5  }
0x7d: {  	[tilespmem:s30], [sflag:$0x2] =	stream.linear.gather @!p6 [hbm4b:s18+s19], $0x80, $0x38;
	[tilespmem:$0xD80] =	vst v63  }
0x7e: {  	p0 =	slt.s32 s31, $0x9C3;
	s1 =	simm.s32 @!p1 $0x0;
	s18 =	smov.u32 s31  }
0x7f: {  	p5 =	sgt.u32 s31, $0x9C3;
	s1 =	simm.s32 @p1 $0x1;
	s18 =	simm.s32 @!p0 $0x9C3  }
0x80: {  	[smem:$0x7FD] =	sst s1;
	s1 =	sadd.s32 $0xC, s10;
	s18 =	sshll.u32 @!p5 s18, $0x5  }
0x81: {  	s19 =	simm.s32 @!p5 $0x0;
	s31 =	simm.s32 @!p5 $0x580;
	s18 =	sadd.s32 @!p5 s18, s5  }
0x82: {  	[tilespmem:s31], [sflag:$0x2] =	stream.linear.gather @!p5 [hbm4b:s18+s19], $0x80, $0x38;
	[tilespmem:$0xD80] =	vst v63  }
0x83: {  	p0 =	slt.s32 s1, $0x9C3;
	s18 =	smov.u32 s1  }
0x84: {  	p4 =	sgt.u32 s1, $0x9C3;
	s18 =	simm.s32 @!p0 $0x9C3  }
0x85: {  	s6 =	sadd.s32 $0xD, s10;
	s0 =	sshll.u32 @!p4 s18, $0x5  }
0x86: {  	s1 =	simm.s32 @!p4 $0x0;
	s18 =	sadd.s32 @!p4 s0, s5;
	s0 =	simm.s32 @!p4 $0x600  }
0x87: {  	[tilespmem:s0], [sflag:$0x2] =	stream.linear.gather @!p4 [hbm4b:s18+s1], $0x80, $0x38;
	[tilespmem:$0xD80] =	vst v63  }
0x88: {  	p0 =	slt.s32 s6, $0x9C3;
	s1 =	smov.u32 s6  }
0x89: {  	p3 =	sgt.u32 s6, $0x9C3;
	s1 =	simm.s32 @!p0 $0x9C3  }
0x8a: {  	s19 =	sadd.s32 $0xE, s10;
	s1 =	sshll.u32 @!p3 s1, $0x5  }
0x8b: {  	s6 =	simm.s32 @!p3 $0x0;
	s18 =	simm.s32 @!p3 $0x680;
	s1 =	sadd.s32 @!p3 s1, s5  }
0x8c: {  	[tilespmem:s18], [sflag:$0x2] =	stream.linear.gather @!p3 [hbm4b:s1+s6], $0x80, $0x38;
	[tilespmem:$0xD80] =	vst v63  }
0x8d: {  	p0 =	slt.s32 s19, $0x9C3;
	s1 =	smov.u32 s19  }
0x8e: {  	p2 =	sgt.u32 s19, $0x9C3;
	s1 =	simm.s32 @!p0 $0x9C3  }
0x8f: {  	s6 =	sadd.s32 $0xF, s10;
	s1 =	sshll.u32 @!p2 s1, $0x5  }
0x90: {  	s19 =	simm.s32 @!p2 $0x0;
	s10 =	simm.s32 @!p2 $0x700;
	s1 =	sadd.s32 @!p2 s1, s5  }
0x91: {  	[tilespmem:s10], [sflag:$0x2] =	stream.linear.gather @!p2 [hbm4b:s1+s19], $0x80, $0x38;
	[tilespmem:$0xD80] =	vst v63  }
0x92: {  	p0 =	slt.s32 s6, $0x9C3;
	s1 =	smov.u32 s6  }
0x93: {  	p1 =	sgt.u32 s6, $0x9C3;
	s1 =	simm.s32 @!p0 $0x9C3  }
0x94: {  	s1 =	sshll.u32 @!p1 s1, $0x5  }
0x95: {  	s6 =	simm.s32 @!p1 $0x0;
	s19 =	simm.s32 @!p1 $0x780;
	s1 =	sadd.s32 @!p1 s1, s5  }
0x96: {  	[tilespmem:s19], [sflag:$0x2] =	stream.linear.gather @!p1 [hbm4b:s1+s6], $0x80, $0x38;
	[tilespmem:$0xD80] =	vst v63  }
0x97: {  	_ =	swait.ge [sflag:s15], $0x80  }
0x98: {  	[sflag:s15] =	ssyncset.done $0x0  }
0x99: {  	[sflag:s15] =	ssyncadd.s32 $0xFFFFFF80  }
0x9a: {  	_ =	swait.ge [sflag:s15], $0x80  }
0x9b: {  	[sflag:s15] =	ssyncset.done $0x0  }
0x9c: {  	[sflag:s15] =	ssyncadd.s32 $0xFFFFFF80  }
0x9d: {  	_ =	swait.ge [sflag:s15], $0x80  }
0x9e: {  	[sflag:s15] =	ssyncset.done $0x0  }
0x9f: {  	[sflag:s15] =	ssyncadd.s32 $0xFFFFFF80  }
0xa0: {  	_ =	swait.ge [sflag:s15], $0x80  }
0xa1: {  	s6 =	sld [smem:$0x7F8];
	_ =	sdelay $0x2  }
0xa2: {  	[sflag:s15] =	ssyncset.done $0x0;
	p0 =	seq.s32 s6, $0x1  }
0xa3: {  	[sflag:s15] =	ssyncadd.s32 $0xFFFFFF80;
	s1 =	simm.s32 @!p0 $0x2  }
0xa4: {  	_ =	swait.ge @!p0 [sflag:s1], $0x80  }
0xa5: {  	s6 =	sld [smem:$0x7F9];
	_ =	sdelay $0x1  }
0xa6: {  	[sflag:s1] =	ssyncset.done @!p0 $0x0  }
0xa7: {  	[sflag:s1] =	ssyncadd.s32 @!p0 $0xFFFFFF80;
	p0 =	seq.s32 s6, $0x1  }
0xa8: {  	s1 =	simm.s32 @!p0 $0x2  }
0xa9: {  	_ =	swait.ge @!p0 [sflag:s1], $0x80  }
0xaa: {  	s6 =	sld [smem:$0x7FA];
	_ =	sdelay $0x1  }
0xab: {  	[sflag:s1] =	ssyncset.done @!p0 $0x0  }
0xac: {  	[sflag:s1] =	ssyncadd.s32 @!p0 $0xFFFFFF80;
	p0 =	seq.s32 s6, $0x1  }
0xad: {  	s1 =	simm.s32 @!p0 $0x2  }
0xae: {  	_ =	swait.ge @!p0 [sflag:s1], $0x80  }
0xaf: {  	s6 =	sld [smem:$0x7FB];
	_ =	sdelay $0x1  }
0xb0: {  	[sflag:s1] =	ssyncset.done @!p0 $0x0  }
0xb1: {  	[sflag:s1] =	ssyncadd.s32 @!p0 $0xFFFFFF80;
	p0 =	seq.s32 s6, $0x1  }
0xb2: {  	s1 =	simm.s32 @!p0 $0x2  }
0xb3: {  	_ =	swait.ge @!p0 [sflag:s1], $0x80  }
0xb4: {  	s6 =	sld [smem:$0x7FC];
	_ =	sdelay $0x1  }
0xb5: {  	[sflag:s1] =	ssyncset.done @!p0 $0x0  }
0xb6: {  	[sflag:s1] =	ssyncadd.s32 @!p0 $0xFFFFFF80;
	p0 =	seq.s32 s6, $0x1  }
0xb7: {  	s1 =	simm.s32 @!p0 $0x2  }
0xb8: {  	_ =	swait.ge @!p0 [sflag:s1], $0x80  }
0xb9: {  	s6 =	sld [smem:$0x7FD];
	_ =	sdelay $0x1  }
0xba: {  	[sflag:s1] =	ssyncset.done @!p0 $0x0  }
0xbb: {  	[sflag:s1] =	ssyncadd.s32 @!p0 $0xFFFFFF80;
	p0 =	seq.s32 s6, $0x1  }
0xbc: {  	s1 =	simm.s32 @!p0 $0x2  }
0xbd: {  	_ =	swait.ge @!p0 [sflag:s1], $0x80  }
0xbe: {  	[sflag:s1] =	ssyncset.done @!p0 $0x0  }
0xbf: {  	[sflag:s1] =	ssyncadd.s32 @!p0 $0xFFFFFF80;
	s1 =	simm.s32 @!p6 $0x2  }
0xc0: {  	_ =	swait.ge @!p6 [sflag:s1], $0x80  }
0xc1: {  	[sflag:s1] =	ssyncset.done @!p6 $0x0  }
0xc2: {  	[sflag:s1] =	ssyncadd.s32 @!p6 $0xFFFFFF80;
	s1 =	simm.s32 @!p5 $0x2  }
0xc3: {  	_ =	swait.ge @!p5 [sflag:s1], $0x80  }
0xc4: {  	[sflag:s1] =	ssyncset.done @!p5 $0x0  }
0xc5: {  	[sflag:s1] =	ssyncadd.s32 @!p5 $0xFFFFFF80;
	s1 =	simm.s32 @!p4 $0x2  }
0xc6: {  	_ =	swait.ge @!p4 [sflag:s1], $0x80  }
0xc7: {  	[sflag:s1] =	ssyncset.done @!p4 $0x0  }
0xc8: {  	[sflag:s1] =	ssyncadd.s32 @!p4 $0xFFFFFF80;
	s1 =	simm.s32 @!p3 $0x2  }
0xc9: {  	_ =	swait.ge @!p3 [sflag:s1], $0x80  }
0xca: {  	[sflag:s1] =	ssyncset.done @!p3 $0x0  }
0xcb: {  	[sflag:s1] =	ssyncadd.s32 @!p3 $0xFFFFFF80;
	s1 =	simm.s32 @!p2 $0x2  }
0xcc: {  	_ =	swait.ge @!p2 [sflag:s1], $0x80  }
0xcd: {  	[sflag:s1] =	ssyncset.done @!p2 $0x0  }
0xce: {  	[sflag:s1] =	ssyncadd.s32 @!p2 $0xFFFFFF80;
	s1 =	simm.s32 @!p1 $0x2  }
0xcf: {  	_ =	swait.ge @!p1 [sflag:s1], $0x80  }
0xd0: {  	[sflag:s1] =	ssyncset.done @!p1 $0x0  }
0xd1: {  	[sflag:s1] =	ssyncadd.s32 @!p1 $0xFFFFFF80  }
0xd2: {  	[spmem:s2] =	stream.indirect.scatter.add.f32 [tilespmem:s16], [sflag:$0x1], $0x1, s3, s12, $0xb8;
	[tilespmem:$0xD80] =	vst v63  }
0xd3: {  	s6 =	sld [smem:$0x7F8]  }
0xd4: {  	[spmem:s2] =	stream.indirect.scatter.add.f32 [tilespmem:s16], [sflag:$0x1], $0x1, s12, s12, $0xb8;
	[tilespmem:$0xD80] =	vst v63  }
0xd5: {  	_ = 	snop  }
0xd6: {  	[spmem:s2] =	stream.indirect.scatter.add.f32 [tilespmem:s16], [sflag:$0x1], $0x1, s13, s12, $0xb8;
	[tilespmem:$0xD80] =	vst v63  }
0xd7: {  	p0 =	seq.s32 s6, $0x1  }
0xd8: {  	[spmem:s2] =	stream.indirect.scatter.add.f32 [tilespmem:s16], [sflag:$0x1], $0x1, s14, s12, $0xb8;
	[tilespmem:$0xD80] =	vst v63  }
0xd9: {  	s1 =	simm.s32 @!p0 $0x80;
	s6 =	simm.s32 @!p0 $0x800  }
0xda: {  	[spmem:s2] =	stream.indirect.scatter.add.f32 @!p0 [tilespmem:s6], [sflag:$0x1], $0x1, s23, s1, $0xb8;
	[tilespmem:$0xD80] =	vst v63  }
0xdb: {  	s23 =	sld [smem:$0x7F9];
	_ =	sdelay $0x2  }
0xdc: {  	p0 =	seq.s32 s23, $0x1  }
0xdd: {  	s1 =	simm.s32 @!p0 $0x80;
	s6 =	simm.s32 @!p0 $0x800  }
0xde: {  	[spmem:s2] =	stream.indirect.scatter.add.f32 @!p0 [tilespmem:s6], [sflag:$0x1], $0x1, s24, s1, $0xb8;
	[tilespmem:$0xD80] =	vst v63  }
0xdf: {  	s24 =	sld [smem:$0x7FA];
	_ =	sdelay $0x2  }
0xe0: {  	p0 =	seq.s32 s24, $0x1  }
0xe1: {  	s1 =	simm.s32 @!p0 $0x80;
	s6 =	simm.s32 @!p0 $0x800  }
0xe2: {  	[spmem:s2] =	stream.indirect.scatter.add.f32 @!p0 [tilespmem:s6], [sflag:$0x1], $0x1, s25, s1, $0xb8;
	[tilespmem:$0xD80] =	vst v63  }
0xe3: {  	s6 =	sld [smem:$0x7FB];
	_ =	sdelay $0x2  }
0xe4: {  	s23 =	sld [smem:$0x7FC];
	p0 =	seq.s32 s6, $0x1  }
0xe5: {  	s1 =	simm.s32 @!p0 $0x80;
	s6 =	simm.s32 @!p0 $0x800  }
0xe6: {  	[spmem:s2] =	stream.indirect.scatter.add.f32 @!p0 [tilespmem:s6], [sflag:$0x1], $0x1, s26, s1, $0xb8;
	[tilespmem:$0xD80] =	vst v63  }
0xe7: {  	s24 =	sld [smem:$0x7FD];
	p0 =	seq.s32 s23, $0x1  }
0xe8: {  	s1 =	simm.s32 @!p0 $0x80;
	s6 =	simm.s32 @!p0 $0x800  }
0xe9: {  	[spmem:s2] =	stream.indirect.scatter.add.f32 @!p0 [tilespmem:s6], [sflag:$0x1], $0x1, s28, s1, $0xb8;
	[tilespmem:$0xD80] =	vst v63  }
0xea: {  	p0 =	seq.s32 s24, $0x1  }
0xeb: {  	s1 =	simm.s32 @!p0 $0x80;
	s6 =	simm.s32 @!p0 $0x800  }
0xec: {  	[spmem:s2] =	stream.indirect.scatter.add.f32 @!p0 [tilespmem:s6], [sflag:$0x1], $0x1, s29, s1, $0xb8;
	[tilespmem:$0xD80] =	vst v63  }
0xed: {  	s1 =	simm.s32 @!p6 $0x80;
	s6 =	simm.s32 @!p6 $0x800  }
0xee: {  	[spmem:s2] =	stream.indirect.scatter.add.f32 @!p6 [tilespmem:s6], [sflag:$0x1], $0x1, s30, s1, $0xb8;
	[tilespmem:$0xD80] =	vst v63  }
0xef: {  	s1 =	simm.s32 @!p5 $0x80;
	s6 =	simm.s32 @!p5 $0x800  }
0xf0: {  	[spmem:s2] =	stream.indirect.scatter.add.f32 @!p5 [tilespmem:s6], [sflag:$0x1], $0x1, s31, s1, $0xb8;
	[tilespmem:$0xD80] =	vst v63  }
0xf1: {  	s1 =	simm.s32 @!p4 $0x80;
	s6 =	simm.s32 @!p4 $0x800  }
0xf2: {  	[spmem:s2] =	stream.indirect.scatter.add.f32 @!p4 [tilespmem:s6], [sflag:$0x1], $0x1, s0, s1, $0xb8;
	[tilespmem:$0xD80] =	vst v63  }
0xf3: {  	s0 =	simm.s32 @!p3 $0x80;
	s1 =	simm.s32 @!p3 $0x800  }
0xf4: {  	[spmem:s2] =	stream.indirect.scatter.add.f32 @!p3 [tilespmem:s1], [sflag:$0x1], $0x1, s18, s0, $0xb8;
	[tilespmem:$0xD80] =	vst v63  }
0xf5: {  	s0 =	simm.s32 @!p2 $0x80;
	s1 =	simm.s32 @!p2 $0x800  }
0xf6: {  	[spmem:s2] =	stream.indirect.scatter.add.f32 @!p2 [tilespmem:s1], [sflag:$0x1], $0x1, s10, s0, $0xb8;
	[tilespmem:$0xD80] =	vst v63  }
0xf7: {  	s0 =	simm.s32 @!p1 $0x80;
	s1 =	simm.s32 @!p1 $0x800  }
0xf8: {  	[spmem:s2] =	stream.indirect.scatter.add.f32 @!p1 [tilespmem:s1], [sflag:$0x1], $0x1, s19, s0, $0xb8;
	[tilespmem:$0xD80] =	vst v63  }
0xf9: {  	_ =	swait.ge [sflag:s17], $0x80  }
0xfa: {  	[sflag:s17] =	ssyncset.done $0x0  }
0xfb: {  	[sflag:s17] =	ssyncadd.s32 $0xFFFFFF80  }
0xfc: {  	_ =	swait.ge [sflag:s17], $0x80  }
0xfd: {  	[sflag:s17] =	ssyncset.done $0x0  }
0xfe: {  	[sflag:s17] =	ssyncadd.s32 $0xFFFFFF80  }
0xff: {  	_ =	swait.ge [sflag:s17], $0x80  }
0x100: {  	[sflag:s17] =	ssyncset.done $0x0  }
0x101: {  	[sflag:s17] =	ssyncadd.s32 $0xFFFFFF80  }
0x102: {  	_ =	swait.ge [sflag:s17], $0x80  }
0x103: {  	s25 =	sld [smem:$0x7F8];
	_ =	sdelay $0x2  }
0x104: {  	[sflag:s17] =	ssyncset.done $0x0;
	p0 =	seq.s32 s25, $0x1  }
0x105: {  	[sflag:s17] =	ssyncadd.s32 $0xFFFFFF80;
	s0 =	simm.s32 @!p0 $0x1  }
0x106: {  	_ =	swait.ge @!p0 [sflag:s0], $0x80  }
0x107: {  	s26 =	sld [smem:$0x7F9];
	_ =	sdelay $0x1  }
0x108: {  	[sflag:s0] =	ssyncset.done @!p0 $0x0  }
0x109: {  	[sflag:s0] =	ssyncadd.s32 @!p0 $0xFFFFFF80;
	p0 =	seq.s32 s26, $0x1  }
0x10a: {  	s0 =	simm.s32 @!p0 $0x1  }
0x10b: {  	_ =	swait.ge @!p0 [sflag:s0], $0x80  }
0x10c: {  	s28 =	sld [smem:$0x7FA];
	_ =	sdelay $0x1  }
0x10d: {  	[sflag:s0] =	ssyncset.done @!p0 $0x0  }
0x10e: {  	[sflag:s0] =	ssyncadd.s32 @!p0 $0xFFFFFF80;
	p0 =	seq.s32 s28, $0x1  }
0x10f: {  	s0 =	simm.s32 @!p0 $0x1  }
0x110: {  	_ =	swait.ge @!p0 [sflag:s0], $0x80  }
0x111: {  	s29 =	sld [smem:$0x7FB];
	_ =	sdelay $0x1  }
0x112: {  	[sflag:s0] =	ssyncset.done @!p0 $0x0  }
0x113: {  	[sflag:s0] =	ssyncadd.s32 @!p0 $0xFFFFFF80;
	p0 =	seq.s32 s29, $0x1  }
0x114: {  	s0 =	simm.s32 @!p0 $0x1  }
0x115: {  	_ =	swait.ge @!p0 [sflag:s0], $0x80  }
0x116: {  	s30 =	sld [smem:$0x7FC];
	_ =	sdelay $0x1  }
0x117: {  	[sflag:s0] =	ssyncset.done @!p0 $0x0  }
0x118: {  	[sflag:s0] =	ssyncadd.s32 @!p0 $0xFFFFFF80;
	p0 =	seq.s32 s30, $0x1  }
0x119: {  	s0 =	simm.s32 @!p0 $0x1  }
0x11a: {  	_ =	swait.ge @!p0 [sflag:s0], $0x80  }
0x11b: {  	s31 =	sld [smem:$0x7FD];
	_ =	sdelay $0x1  }
0x11c: {  	[sflag:s0] =	ssyncset.done @!p0 $0x0  }
0x11d: {  	[sflag:s0] =	ssyncadd.s32 @!p0 $0xFFFFFF80;
	p0 =	seq.s32 s31, $0x1  }
0x11e: {  	s0 =	simm.s32 @!p0 $0x1  }
0x11f: {  	_ =	swait.ge @!p0 [sflag:s0], $0x80  }
0x120: {  	[sflag:s0] =	ssyncset.done @!p0 $0x0  }
0x121: {  	[sflag:s0] =	ssyncadd.s32 @!p0 $0xFFFFFF80;
	s0 =	simm.s32 @!p6 $0x1  }
0x122: {  	_ =	swait.ge @!p6 [sflag:s0], $0x80  }
0x123: {  	[sflag:s0] =	ssyncset.done @!p6 $0x0  }
0x124: {  	[sflag:s0] =	ssyncadd.s32 @!p6 $0xFFFFFF80;
	s0 =	simm.s32 @!p5 $0x1  }
0x125: {  	_ =	swait.ge @!p5 [sflag:s0], $0x80  }
0x126: {  	[sflag:s0] =	ssyncset.done @!p5 $0x0  }
0x127: {  	[sflag:s0] =	ssyncadd.s32 @!p5 $0xFFFFFF80;
	s0 =	simm.s32 @!p4 $0x1  }
0x128: {  	_ =	swait.ge @!p4 [sflag:s0], $0x80  }
0x129: {  	[sflag:s0] =	ssyncset.done @!p4 $0x0  }
0x12a: {  	[sflag:s0] =	ssyncadd.s32 @!p4 $0xFFFFFF80;
	s0 =	simm.s32 @!p3 $0x1  }
0x12b: {  	_ =	swait.ge @!p3 [sflag:s0], $0x80  }
0x12c: {  	[sflag:s0] =	ssyncset.done @!p3 $0x0  }
0x12d: {  	[sflag:s0] =	ssyncadd.s32 @!p3 $0xFFFFFF80;
	s0 =	simm.s32 @!p2 $0x1  }
0x12e: {  	_ =	swait.ge @!p2 [sflag:s0], $0x80  }
.Ltmp5:
0x12f: {  	[sflag:s0] =	ssyncset.done @!p2 $0x0;
	(pc) =	sbr.rel .LBB2_4-.Ltmp5, $4  }
0x130: {  	[sflag:s0] =	ssyncadd.s32 @!p2 $0xFFFFFF80;
	s0 =	simm.s32 @!p1 $0x1  }
0x131: {  	_ =	swait.ge @!p1 [sflag:s0], $0x80  }
0x132: {  	[sflag:s0] =	ssyncset.done @!p1 $0x0  }
0x133: {  	[sflag:s0] =	ssyncadd.s32 @!p1 $0xFFFFFF80  }
.LBB2_6:
0x134: {  	_ =	sfence.sel $0x180000  }
0x135: {  	[bflag:$0x0] =	sbarrier.arrive $0xFFFF  }
0x136: {  	_ =	strace $0x90000047  }
0x137: {  	s0 =	stileid.u32;
	[bflag:$0x2] =	sbarrier.arrive $0xFFFF  }
0x138: {  	p0 =	sne.s32 s0, $0x0;
	s0 =	rddreg [dreg:$0x3]  }
0x139: {  	s0 =	sadd.s32 @!p0 $0x100000, s0  }
0x13a: {  	[sflag:s0] =	ssyncadd.tile.s32 @!p0 $0x1;
	_ =	shalt  }
.Lfunc_end2:
_tile_overlayer_lowered:
.L_overlay_start_2:
0x13b: {  	(tag) =	ssettag $0x2  }
0x13c: {  	s0 =	rddreg [dreg:$0x0];
	s2 =	stileid.u32  }
0x13d: {  	s1 =	rddreg [dreg:$0x1];
	p0 =	sne.s32 s2, $0x0  }
0x13e: {  	s3 =	rddreg [dreg:$0x2];
	[bflag:$0x3] =	sbarrier.arrive $0xFFFF;
	s2 =	simm.s32 @!p0 $0x1C03  }
0x13f: {  	[timem:s3], [sflag:s2] =	dma.local @!p0 [hbm:s0], s1  }
0x140: {  	s0 =	simm.s32 @!p0 $0x3  }
0x141: {  	_ =	swait.ge @!p0 [sflag:s0], s1  }
0x142: {  	s1 =	ssub.s32 @!p0 $0x0, s1;
	[sflag:s0] =	ssyncset.done @!p0 $0x0  }
0x143: {  	[sflag:s0] =	ssyncadd.s32 @!p0 s1  }
0x144: {  	[bflag:$0x3] =	sbarrier.arrive $0xFFFF  }
0x145: {  	_ =	shalt  }

</sc_bundles>
